<compile_context>
chip_gen: v7x
topology: tpu7x:2x2x1
jax: 0.10.2.dev20260603
libtpu: 0.0.44.dev20260713+nightly
codegen_flags: <defaults>
</compile_context>

<pallas_src>
import jax
import jax.numpy as jnp
from jax import lax
from jax.experimental import pallas as pl
from jax.experimental.pallas import tpu as pltpu
from jax.experimental.pallas import tpu_sc as plsc

N = 10000
E = 160000
D = 128
ED = 16
H = 4
C = 64
T = 8
GINE = 64
OUT = 128

NC = 2
NS = 16
NW = NC * NS
EK = 128
NCHUNK = E // EK
MAXCH = -(-NCHUNK // NW)
NP = 10240
RPT = NP // NS
ZCHUNKS = ((0, 128), (128, 128), (256, 128), (384, 128), (512, 128))

_BN = 1000
_BE = 2000

def _mesh():
    return plsc.VectorSubcoreMesh(
        core_axis_name="c", subcore_axis_name="s", num_cores=NC, num_subcores=NS)


def _tca_body(x_ref, wg_ref, asdw_ref, h0_ref, h1_ref, asd_ref):
    h = jnp.dot(x_ref[...], wg_ref[...], preferred_element_type=jnp.float32)
    h0_ref[...] = h[:, :128]
    h1_ref[...] = h[:, 128:]
    asd_ref[...] = jnp.dot(h, asdw_ref[...], preferred_element_type=jnp.float32)


def _tca(x, W_gat, Asd):
    return pl.pallas_call(
        _tca_body,
        grid=(N // _BN,),
        in_specs=[
            pl.BlockSpec((_BN, D), lambda i: (i, 0)),
            pl.BlockSpec((D, H * C), lambda i: (0, 0)),
            pl.BlockSpec((H * C, 8), lambda i: (0, 0)),
        ],
        out_specs=[
            pl.BlockSpec((_BN, 128), lambda i: (i, 0)),
            pl.BlockSpec((_BN, 128), lambda i: (i, 0)),
            pl.BlockSpec((_BN, 8), lambda i: (i, 0)),
        ],
        out_shape=[
            jax.ShapeDtypeStruct((N, 128), jnp.float32),
            jax.ShapeDtypeStruct((N, 128), jnp.float32),
            jax.ShapeDtypeStruct((N, 8), jnp.float32),
        ],
    )(x, W_gat, Asd)


def _tcb_body(ea_ref, et_ref, elw_ref, tE_ref, aep_ref, tG_ref, epp_ref, ae8_ref):
    ea = ea_ref[...]
    et = et_ref[...]
    oh = (lax.broadcasted_iota(jnp.int32, (_BE, T), 1) == et).astype(jnp.float32)
    epp_ref[...] = (
        jnp.dot(ea, elw_ref[...], preferred_element_type=jnp.float32)
        + jnp.dot(oh, tE_ref[...], preferred_element_type=jnp.float32))
    ae8_ref[...] = (
        jnp.dot(ea, aep_ref[...], preferred_element_type=jnp.float32)
        + jnp.dot(oh, tG_ref[...], preferred_element_type=jnp.float32))


def _tcb(edge_attr, et2d, edge_lin_w, tE, AEP8, tG8):
    return pl.pallas_call(
        _tcb_body,
        grid=(E // _BE,),
        in_specs=[
            pl.BlockSpec((_BE, ED), lambda i: (i, 0)),
            pl.BlockSpec((_BE, 1), lambda i: (i, 0)),
            pl.BlockSpec((ED, D), lambda i: (0, 0)),
            pl.BlockSpec((T, D), lambda i: (0, 0)),
            pl.BlockSpec((ED, 8), lambda i: (0, 0)),
            pl.BlockSpec((T, 8), lambda i: (0, 0)),
        ],
        out_specs=[
            pl.BlockSpec((_BE, D), lambda i: (i, 0)),
            pl.BlockSpec((_BE, 8), lambda i: (i, 0)),
        ],
        out_shape=[
            jax.ShapeDtypeStruct((E, D), jnp.float32),
            jax.ShapeDtypeStruct((E, 8), jnp.float32),
        ],
    )(edge_attr, et2d, edge_lin_w, tE, AEP8, tG8)


def _zero_vmem_rows(ref, nrows, ncols):
    z16 = jnp.zeros((16,), jnp.float32)

    def body(r, _):
        for cb in range(ncols // 16):
            ref[r, pl.ds(cb * 16, 16)] = z16
        return 0

    lax.fori_loop(0, nrows, body, 0, unroll=False)


def _zero_my_shared_rows(zbuf, shared, base):
    for off, cnt in ZCHUNKS:
        pltpu.sync_copy(zbuf.at[pl.ds(0, cnt)], shared.at[pl.ds(base + off, cnt)])


def _dump_my_shared_rows(shared, out, cid, base):
    for off, cnt in ZCHUNKS:
        pltpu.sync_copy(shared.at[pl.ds(base + off, cnt)],
                        out.at[cid, pl.ds(base + off, cnt)])


def _scale_rows_by_heads(h_v, ex4_v, h_lo):

    def body(e, _):
        ef = jnp.full((16,), e * 4, jnp.int32)
        b0 = plsc.load_gather(ex4_v, [ef + h_lo])
        b1 = plsc.load_gather(ex4_v, [ef + (h_lo + 1)])
        for cb in range(8):
            b = b0 if cb < 4 else b1
            sl = pl.ds(cb * 16, 16)
            h_v[e, sl] = h_v[e, sl] * b
        return 0

    lax.fori_loop(0, EK, body, 0, unroll=False)


def _compute_ex(asrc_v, adst_v, ae_v, ex4_v, ex8_v, iota16):
    for j16 in range(8):
        rows = iota16 + (j16 * 16)
        for j in range(H):
            colj = jnp.full((16,), j, jnp.int32)
            a_s = plsc.load_gather(asrc_v, [rows, colj])
            a_d = plsc.load_gather(adst_v, [rows, colj + 4])
            a_e = plsc.load_gather(ae_v, [rows, colj])
            lg = a_s + a_d + a_e
            lg = jnp.maximum(lg, lg * 0.2)
            exv = jnp.exp(lg)
            plsc.store_scatter(ex4_v, [rows * 4 + j], exv)
            if ex8_v is not None:
                plsc.store_scatter(ex8_v, [rows, colj], exv)


def _sc_body(h0, h1, xH, asd, ae8, eppH, srcH, dstH,
             gat01_out, gat23_out, gine_out, denom_out,
             src_i, dst_i, ae_v, asrc_v, adst_v, ex4_v, ex8_v, h_v, epp_v,
             denom_sh, acc_sh):
    cid = lax.axis_index("c")
    sid = lax.axis_index("s")
    wid = sid * NC + cid
    base = sid * RPT

    iota16 = lax.iota(jnp.int32, 16)
    _zero_vmem_rows(h_v, 128, 128)

    def zex(g, _):
        rows = iota16 // 8 + 2 * g
        cols = jnp.bitwise_and(iota16, 7)
        plsc.store_scatter(ex8_v, [rows, cols], jnp.zeros((16,), jnp.float32))
        return 0

    lax.fori_loop(0, EK // 2, zex, 0, unroll=False)
    _zero_my_shared_rows(h_v, acc_sh, base)
    _zero_my_shared_rows(ex8_v, denom_sh, base)
    plsc.subcore_barrier()

    def chunk_a(i, _):
        c = wid + i * NW

        @pl.when(c < NCHUNK)
        def _():
            e0 = c * EK
            pltpu.sync_copy(srcH.at[pl.ds(e0, EK)], src_i)
            pltpu.sync_copy(dstH.at[pl.ds(e0, EK)], dst_i)
            pltpu.sync_copy(ae8.at[pl.ds(e0, EK)], ae_v)
            pltpu.sync_copy(asd.at[src_i], asrc_v)
            pltpu.sync_copy(asd.at[dst_i], adst_v)
            pltpu.sync_copy(h0.at[src_i], h_v)
            _compute_ex(asrc_v, adst_v, ae_v, ex4_v, ex8_v, iota16)
            _scale_rows_by_heads(h_v, ex4_v, 0)
            pltpu.sync_copy(ex8_v, denom_sh.at[dst_i], add=True)
            pltpu.sync_copy(h_v, acc_sh.at[dst_i], add=True)

        return 0

    lax.fori_loop(0, MAXCH, chunk_a, 0, unroll=False)
    plsc.subcore_barrier()
    _dump_my_shared_rows(acc_sh, gat01_out, cid, base)
    _dump_my_shared_rows(denom_sh, denom_out, cid, base)
    _zero_vmem_rows(h_v, 128, 128)
    _zero_my_shared_rows(h_v, acc_sh, base)
    plsc.subcore_barrier()

    def chunk_b(i, _):
        c = wid + i * NW

        @pl.when(c < NCHUNK)
        def _():
            e0 = c * EK
            pltpu.sync_copy(srcH.at[pl.ds(e0, EK)], src_i)
            pltpu.sync_copy(dstH.at[pl.ds(e0, EK)], dst_i)
            pltpu.sync_copy(ae8.at[pl.ds(e0, EK)], ae_v)
            pltpu.sync_copy(asd.at[src_i], asrc_v)
            pltpu.sync_copy(asd.at[dst_i], adst_v)
            pltpu.sync_copy(h1.at[src_i], h_v)
            _compute_ex(asrc_v, adst_v, ae_v, ex4_v, None, iota16)
            _scale_rows_by_heads(h_v, ex4_v, 2)
            pltpu.sync_copy(h_v, acc_sh.at[dst_i], add=True)

        return 0

    lax.fori_loop(0, MAXCH, chunk_b, 0, unroll=False)
    plsc.subcore_barrier()
    _dump_my_shared_rows(acc_sh, gat23_out, cid, base)
    _zero_vmem_rows(h_v, 128, 128)
    _zero_my_shared_rows(h_v, acc_sh, base)
    plsc.subcore_barrier()

    def chunk_c(i, _):
        c = wid + i * NW

        @pl.when(c < NCHUNK)
        def _():
            e0 = c * EK
            pltpu.sync_copy(srcH.at[pl.ds(e0, EK)], src_i)
            pltpu.sync_copy(dstH.at[pl.ds(e0, EK)], dst_i)
            pltpu.sync_copy(eppH.at[pl.ds(e0, EK)], epp_v)
            pltpu.sync_copy(xH.at[src_i], h_v)

            def body(e, _):
                for cb in range(8):
                    sl = pl.ds(cb * 16, 16)
                    v = h_v[e, sl] + epp_v[e, sl]
                    h_v[e, sl] = jnp.maximum(v, 0.0)
                return 0

            lax.fori_loop(0, EK, body, 0, unroll=False)
            pltpu.sync_copy(h_v, acc_sh.at[dst_i], add=True)

        return 0

    lax.fori_loop(0, MAXCH, chunk_c, 0, unroll=False)
    plsc.subcore_barrier()
    _dump_my_shared_rows(acc_sh, gine_out, cid, base)


def _sc(h0, h1, x, asd, ae8, epp, src, dst):
    return pl.kernel(
        _sc_body,
        out_type=[
            jax.ShapeDtypeStruct((NC, NP, 128), jnp.float32),
            jax.ShapeDtypeStruct((NC, NP, 128), jnp.float32),
            jax.ShapeDtypeStruct((NC, NP, 128), jnp.float32),
            jax.ShapeDtypeStruct((NC, NP, 8), jnp.float32),
        ],
        mesh=_mesh(),
        compiler_params=pltpu.CompilerParams(
            use_tc_tiling_on_sc=False, needs_layout_passes=False),
        scratch_types=[
            pltpu.VMEM((EK,), jnp.int32),
            pltpu.VMEM((EK,), jnp.int32),
            pltpu.VMEM((EK, 8), jnp.float32),
            pltpu.VMEM((EK, 8), jnp.float32),
            pltpu.VMEM((EK, 8), jnp.float32),
            pltpu.VMEM((EK * 4,), jnp.float32),
            pltpu.VMEM((EK, 8), jnp.float32),
            pltpu.VMEM((EK, 128), jnp.float32),
            pltpu.VMEM((EK, 128), jnp.float32),
            pltpu.VMEM_SHARED((NP, 8), jnp.float32),
            pltpu.VMEM_SHARED((NP, 128), jnp.float32),
        ],
    )(h0, h1, x, asd, ae8, epp, src, dst)


def _tcc_body(x_ref, g0_ref, g1_ref, d_ref, gi_ref, e2_ref, w1_ref, b1_ref,
              w2_ref, b2_ref, cwa0_ref, cwa1_ref, cwb_ref, zb_ref, lg_ref,
              lb_ref, out_ref):
    num0 = g0_ref[0] + g0_ref[1]
    num1 = g1_ref[0] + g1_ref[1]
    den = d_ref[0, :, :4] + d_ref[1, :, :4]
    dinv = 1.0 / (den + 1e-16)
    e2 = e2_ref[...]
    s01 = jnp.dot(dinv[:, :2], e2, preferred_element_type=jnp.float32)
    s23 = jnp.dot(dinv[:, 2:], e2, preferred_element_type=jnp.float32)
    z = (jnp.dot(num0 * s01, cwa0_ref[...], preferred_element_type=jnp.float32)
         + jnp.dot(num1 * s23, cwa1_ref[...], preferred_element_type=jnp.float32))
    hg = x_ref[...] + gi_ref[0] + gi_ref[1]
    t = jnp.maximum(
        jnp.dot(hg, w1_ref[...], preferred_element_type=jnp.float32)
        + b1_ref[...], 0.0)
    g = jnp.dot(t, w2_ref[...], preferred_element_type=jnp.float32) + b2_ref[...]
    z = z + jnp.dot(g, cwb_ref[...], preferred_element_type=jnp.float32) + zb_ref[...]
    mu = jnp.mean(z, axis=-1, keepdims=True)
    zc = z - mu
    var = jnp.mean(zc * zc, axis=-1, keepdims=True)
    zn = zc * lax.rsqrt(var + 1e-5) * lg_ref[...] + lb_ref[...]
    out_ref[...] = jnp.maximum(zn, 0.0)


def _tcc(x, gat0_p, gat1_p, denom_p, gine_p, E2, mlp_w1, mlp_b1, mlp_w2,
         mlp_b2, cwa0, cwa1, cwb, zb, ln_gamma, ln_beta):
    full = lambda *shape: pl.BlockSpec(shape, lambda i: (0,) * len(shape))
    return pl.pallas_call(
        _tcc_body,
        grid=(N // _BN,),
        in_specs=[
            pl.BlockSpec((_BN, D), lambda i: (i, 0)),
            pl.BlockSpec((NC, _BN, 128), lambda i: (0, i, 0)),
            pl.BlockSpec((NC, _BN, 128), lambda i: (0, i, 0)),
            pl.BlockSpec((NC, _BN, 8), lambda i: (0, i, 0)),
            pl.BlockSpec((NC, _BN, 128), lambda i: (0, i, 0)),
            full(2, 128),
            full(D, GINE),
            full(1, GINE),
            full(GINE, GINE),
            full(1, GINE),
            full(128, OUT),
            full(128, OUT),
            full(GINE, OUT),
            full(1, OUT),
            full(1, OUT),
            full(1, OUT),
        ],
        out_specs=pl.BlockSpec((_BN, OUT), lambda i: (i, 0)),
        out_shape=jax.ShapeDtypeStruct((N, OUT), jnp.float32),
    )(x, gat0_p, gat1_p, denom_p, gine_p, E2, mlp_w1, mlp_b1, mlp_w2, mlp_b2,
      cwa0, cwa1, cwb, zb, ln_gamma, ln_beta)


def kernel(x, edge_index, edge_attr, edge_types, type_emb_gat, W_gat,
           W_edge_gat, att_src, att_dst, att_edge, bias_gat, type_emb_gine,
           edge_lin_w, edge_lin_b, mlp_w1, mlp_b1, mlp_w2, mlp_b2, comb_w,
           comb_b, ln_gamma, ln_beta):
    src = edge_index[0].astype(jnp.int32)
    dst = edge_index[1].astype(jnp.int32)
    et2d = edge_types.astype(jnp.int32).reshape(E, 1)

    ar = jnp.arange(H)
    Asrc = jnp.zeros((H, C, H), jnp.float32).at[ar, :, ar].set(att_src)
    Adst = jnp.zeros((H, C, H), jnp.float32).at[ar, :, ar].set(att_dst)
    Asd = jnp.concatenate(
        [Asrc.reshape(H * C, H), Adst.reshape(H * C, H)], axis=1)
    AEP = jnp.einsum("ehc,hc->eh", W_edge_gat.reshape(ED, H, C), att_edge)
    AEP8 = jnp.pad(AEP, ((0, 0), (0, 4)))
    tG8 = jnp.dot(type_emb_gat, AEP8)
    tE = jnp.dot(type_emb_gine, edge_lin_w) + edge_lin_b[None]
    E2 = jnp.repeat(jnp.eye(2, dtype=jnp.float32), 64, axis=1)
    cwa0 = comb_w[:128]
    cwa1 = comb_w[128:256]
    cwb = comb_w[256:]
    zb = (comb_b + jnp.dot(bias_gat, comb_w[:256]))[None]

    h0, h1, asd = _tca(x, W_gat, Asd)
    epp, ae8 = _tcb(edge_attr, et2d, edge_lin_w, tE, AEP8, tG8)
    gat0_p, gat1_p, gine_p, denom_p = _sc(h0, h1, x, asd, ae8, epp, src, dst)
    return _tcc(x, gat0_p, gat1_p, denom_p, gine_p, E2, mlp_w1,
                mlp_b1.reshape(1, GINE), mlp_w2, mlp_b2.reshape(1, GINE),
                cwa0, cwa1, cwb, zb, ln_gamma.reshape(1, OUT),
                ln_beta.reshape(1, OUT))

# --- scband reference (transcript-rebuilt; emitter-appended) ---
"""Pipeline reference for scband-hybrid-gnnlayer-17506286698856 (READ-ONLY COPY).

The authoritative reference and input builder live on the scoring server;
editing this copy changes nothing except your own understanding.
"""

import jax, jax.numpy as jnp
import numpy as np

N = 10000
E = 160000
D = 128
ED = 16
H = 4
C = 64
T = 8
GINE = 64
OUT = 128


def _forward(x, edge_attr, type_emb_gat, W_gat, W_edge_gat, att_src, att_dst, att_edge, bias_gat,
             type_emb_gine, edge_lin_w, edge_lin_b, mlp_w1, mlp_b1, mlp_w2, mlp_b2,
             comb_w, comb_b, ln_gamma, ln_beta, edge_index, edge_types):
    src = edge_index[0]
    dst = edge_index[1]
    n = x.shape[0]
    # --- GAT branch (edge-featured multi-head attention, concat heads) ---
    h = (x @ W_gat).reshape(n, H, C)
    e_gat = edge_attr + type_emb_gat[edge_types]
    he = (e_gat @ W_edge_gat).reshape(-1, H, C)
    a_src = jnp.sum(h * att_src[None, :, :], axis=-1)
    a_dst = jnp.sum(h * att_dst[None, :, :], axis=-1)
    a_edge = jnp.sum(he * att_edge[None, :, :], axis=-1)
    logits = jax.nn.leaky_relu(a_src[src] + a_dst[dst] + a_edge, 0.2)
    m = jax.ops.segment_max(logits, dst, num_segments=n)
    m = jnp.where(jnp.isfinite(m), m, 0.0)
    ex = jnp.exp(logits - m[dst])
    denom = jax.ops.segment_sum(ex, dst, num_segments=n)
    alpha = ex / (denom[dst] + 1e-16)
    msg = h[src] * alpha[:, :, None]
    gat_out = jax.ops.segment_sum(msg, dst, num_segments=n).reshape(n, H * C) + bias_gat
    # --- GINE branch (eps = 0) ---
    e_gine = edge_attr + type_emb_gine[edge_types]
    ep = e_gine @ edge_lin_w + edge_lin_b
    gmsg = jax.nn.relu(x[src] + ep)
    agg = jax.ops.segment_sum(gmsg, dst, num_segments=n)
    h_gine = x + agg
    gine_out = jax.nn.relu(h_gine @ mlp_w1 + mlp_b1) @ mlp_w2 + mlp_b2
    # --- combination: Linear -> LayerNorm -> ReLU ---
    combined = jnp.concatenate([gat_out, gine_out], axis=-1)
    z = combined @ comb_w + comb_b
    mu = jnp.mean(z, axis=-1, keepdims=True)
    var = jnp.var(z, axis=-1, keepdims=True)
    z = (z - mu) / jnp.sqrt(var + 1e-5) * ln_gamma + ln_beta
    return jax.nn.relu(z)


def setup_inputs(seed: int = 0) -> dict:
    key = jax.random.key(seed)
    ks = jax.random.split(key, 24)
    x = jax.random.normal(ks[0], (N, D), jnp.float32)
    edge_index = jax.random.randint(ks[1], (2, E), 0, N)
    edge_attr = jax.random.normal(ks[2], (E, ED), jnp.float32)
    edge_types = jax.random.randint(ks[3], (E,), 0, T)
    s_d = 1.0 / np.sqrt(D)
    s_e = 1.0 / np.sqrt(ED)
    s_c = 1.0 / np.sqrt(C)
    s_comb = 1.0 / np.sqrt(H * C + GINE)
    type_emb_gat = jax.random.normal(ks[4], (T, ED), jnp.float32) * 0.1
    W_gat = jax.random.normal(ks[5], (D, H * C), jnp.float32) * s_d
    W_edge_gat = jax.random.normal(ks[6], (ED, H * C), jnp.float32) * s_e
    att_src = jax.random.normal(ks[7], (H, C), jnp.float32) * s_c
    att_dst = jax.random.normal(ks[8], (H, C), jnp.float32) * s_c
    att_edge = jax.random.normal(ks[9], (H, C), jnp.float32) * s_c
    bias_gat = jnp.zeros((H * C,), jnp.float32)
    type_emb_gine = jax.random.normal(ks[10], (T, ED), jnp.float32) * 0.1
    edge_lin_w = jax.random.normal(ks[11], (ED, D), jnp.float32) * s_e
    edge_lin_b = jnp.zeros((D,), jnp.float32)
    mlp_w1 = jax.random.normal(ks[12], (D, GINE), jnp.float32) * s_d
    mlp_b1 = jnp.zeros((GINE,), jnp.float32)
    mlp_w2 = jax.random.normal(ks[13], (GINE, GINE), jnp.float32) * s_c
    mlp_b2 = jnp.zeros((GINE,), jnp.float32)
    comb_w = jax.random.normal(ks[14], (H * C + GINE, OUT), jnp.float32) * s_comb
    comb_b = jnp.zeros((OUT,), jnp.float32)
    ln_gamma = jnp.ones((OUT,), jnp.float32)
    ln_beta = jnp.zeros((OUT,), jnp.float32)
    return {
        "x": x, "edge_index": edge_index, "edge_attr": edge_attr, "edge_types": edge_types,
        "type_emb_gat": type_emb_gat, "W_gat": W_gat, "W_edge_gat": W_edge_gat,
        "att_src": att_src, "att_dst": att_dst, "att_edge": att_edge, "bias_gat": bias_gat,
        "type_emb_gine": type_emb_gine, "edge_lin_w": edge_lin_w, "edge_lin_b": edge_lin_b,
        "mlp_w1": mlp_w1, "mlp_b1": mlp_b1, "mlp_w2": mlp_w2, "mlp_b2": mlp_b2,
        "comb_w": comb_w, "comb_b": comb_b, "ln_gamma": ln_gamma, "ln_beta": ln_beta,
    }


def reference(x, edge_index, edge_attr, edge_types, type_emb_gat, W_gat, W_edge_gat, att_src, att_dst,
              att_edge, bias_gat, type_emb_gine, edge_lin_w, edge_lin_b, mlp_w1, mlp_b1, mlp_w2, mlp_b2,
              comb_w, comb_b, ln_gamma, ln_beta):
    return _forward(x, edge_attr, type_emb_gat, W_gat, W_edge_gat, att_src, att_dst, att_edge, bias_gat,
                    type_emb_gine, edge_lin_w, edge_lin_b, mlp_w1, mlp_b1, mlp_w2, mlp_b2,
                    comb_w, comb_b, ln_gamma, ln_beta, edge_index, edge_types)

if __name__ == "__main__":
    import jax
    _d = setup_inputs()
    print(jax.jit(kernel)(*tuple(_d.values())))

</pallas_src>

<mosaic_0001>
#map = affine_map<(d0, d1) -> (0, 0)>
#map1 = affine_map<(d0, d1) -> (0)>
#map2 = affine_map<(d0, d1) -> (0, 0, 0)>
module attributes {stable_mosaic.version = 14 : i64} {
  func.func @_sc_body(%arg0: i32, %arg1: i32, %arg2: memref<10000x128xf32, #tpu.memory_space<hbm>>, %arg3: memref<10000x128xf32, #tpu.memory_space<hbm>>, %arg4: memref<10000x128xf32, #tpu.memory_space<hbm>>, %arg5: memref<10000x8xf32, #tpu.memory_space<hbm>>, %arg6: memref<160000x8xf32, #tpu.memory_space<hbm>>, %arg7: memref<160000x128xf32, #tpu.memory_space<hbm>>, %arg8: memref<160000xi32, #tpu.memory_space<hbm>>, %arg9: memref<160000xi32, #tpu.memory_space<hbm>>, %arg10: memref<2x10240x128xf32, #tpu.memory_space<hbm>>, %arg11: memref<2x10240x128xf32, #tpu.memory_space<hbm>>, %arg12: memref<2x10240x128xf32, #tpu.memory_space<hbm>>, %arg13: memref<2x10240x8xf32, #tpu.memory_space<hbm>>, %arg14: memref<128xi32, #tpu.memory_space<vmem>>, %arg15: memref<128xi32, #tpu.memory_space<vmem>>, %arg16: memref<128x8xf32, #tpu.memory_space<vmem>>, %arg17: memref<128x8xf32, #tpu.memory_space<vmem>>, %arg18: memref<128x8xf32, #tpu.memory_space<vmem>>, %arg19: memref<512xf32, #tpu.memory_space<vmem>>, %arg20: memref<128x8xf32, #tpu.memory_space<vmem>>, %arg21: memref<128x128xf32, #tpu.memory_space<vmem>>, %arg22: memref<128x128xf32, #tpu.memory_space<vmem>>, %arg23: memref<10240x8xf32, #tpu.memory_space<vmem_shared>>, %arg24: memref<10240x128xf32, #tpu.memory_space<vmem_shared>>) attributes {dimension_semantics = [#tpu.dimension_semantics<core_parallel>, #tpu.dimension_semantics<subcore_parallel>], iteration_bounds = array<i64: 2, 16>, scalar_prefetch = 0 : i64, scratch_operands = 11 : i64, tpu.core_type = #tpu.core_type<sc_vector_subcore>, window_params = [{transform_indices = #map}, {transform_indices = #map}, {transform_indices = #map}, {transform_indices = #map}, {transform_indices = #map}, {transform_indices = #map}, {transform_indices = #map1}, {transform_indices = #map1}, {transform_indices = #map2}, {transform_indices = #map2}, {transform_indices = #map2}, {transform_indices = #map2}]} {
    %mul3A = arith.constant 2 : i32
    %mul3A_0 = arith.muli %arg1, %mul3A : i32
    %add3A = arith.addi %mul3A_0, %arg0 : i32
    %mul3A_1 = arith.constant 640 : i32
    %mul3A_2 = arith.muli %arg1, %mul3A_1 : i32
    %iota3A = tpu.iota {dimensions = array<i32: 0>} : vector<16xi32>
    %broadcast_in_dim3A = arith.constant 0.000000e+00 : f32
    %broadcast_in_dim3A_3 = vector.broadcast %broadcast_in_dim3A : f32 to vector<16xf32>
    %scan3A = arith.constant 0 : i32
    %scan3A_4 = arith.constant 0 : i32
    %scan3A_5 = arith.constant 128 : i32
    %scan3A_6 = arith.addi %scan3A_4, %scan3A_5 : i32
    %scan3A_7 = arith.constant 1 : i32
    %scan3A_8 = scf.for %scan3A_181 = %scan3A_4 to %scan3A_6 step %scan3A_7 iter_args(%scan3A_182 = %scan3A) -> (i32)  : i32 {
      %swap3A = arith.index_cast %scan3A_181 : i32 to index
      %swap3A_183 = arith.constant 0 : index
      %swap3A_184 = tpu.vector_load %arg21[%swap3A, %swap3A_183] {strides = array<i32>} : memref<128x128xf32, #tpu.memory_space<vmem>>, vector<16xf32>,
      tpu.vector_store %arg21[%swap3A, %swap3A_183], %broadcast_in_dim3A_3 {strides = array<i32>} : memref<128x128xf32, #tpu.memory_space<vmem>>, vector<16xf32>,
      %swap3A_185 = arith.index_cast %scan3A_181 : i32 to index
      %swap3A_186 = arith.constant 16 : index
      %swap3A_187 = tpu.vector_load %arg21[%swap3A_185, %swap3A_186] {strides = array<i32>} : memref<128x128xf32, #tpu.memory_space<vmem>>, vector<16xf32>,
      tpu.vector_store %arg21[%swap3A_185, %swap3A_186], %broadcast_in_dim3A_3 {strides = array<i32>} : memref<128x128xf32, #tpu.memory_space<vmem>>, vector<16xf32>,
      %swap3A_188 = arith.index_cast %scan3A_181 : i32 to index
      %swap3A_189 = arith.constant 32 : index
      %swap3A_190 = tpu.vector_load %arg21[%swap3A_188, %swap3A_189] {strides = array<i32>} : memref<128x128xf32, #tpu.memory_space<vmem>>, vector<16xf32>,
      tpu.vector_store %arg21[%swap3A_188, %swap3A_189], %broadcast_in_dim3A_3 {strides = array<i32>} : memref<128x128xf32, #tpu.memory_space<vmem>>, vector<16xf32>,
      %swap3A_191 = arith.index_cast %scan3A_181 : i32 to index
      %swap3A_192 = arith.constant 48 : index
      %swap3A_193 = tpu.vector_load %arg21[%swap3A_191, %swap3A_192] {strides = array<i32>} : memref<128x128xf32, #tpu.memory_space<vmem>>, vector<16xf32>,
      tpu.vector_store %arg21[%swap3A_191, %swap3A_192], %broadcast_in_dim3A_3 {strides = array<i32>} : memref<128x128xf32, #tpu.memory_space<vmem>>, vector<16xf32>,
      %swap3A_194 = arith.index_cast %scan3A_181 : i32 to index
      %swap3A_195 = arith.constant 64 : index
      %swap3A_196 = tpu.vector_load %arg21[%swap3A_194, %swap3A_195] {strides = array<i32>} : memref<128x128xf32, #tpu.memory_space<vmem>>, vector<16xf32>,
      tpu.vector_store %arg21[%swap3A_194, %swap3A_195], %broadcast_in_dim3A_3 {strides = array<i32>} : memref<128x128xf32, #tpu.memory_space<vmem>>, vector<16xf32>,
      %swap3A_197 = arith.index_cast %scan3A_181 : i32 to index
      %swap3A_198 = arith.constant 80 : index
      %swap3A_199 = tpu.vector_load %arg21[%swap3A_197, %swap3A_198] {strides = array<i32>} : memref<128x128xf32, #tpu.memory_space<vmem>>, vector<16xf32>,
      tpu.vector_store %arg21[%swap3A_197, %swap3A_198], %broadcast_in_dim3A_3 {strides = array<i32>} : memref<128x128xf32, #tpu.memory_space<vmem>>, vector<16xf32>,
      %swap3A_200 = arith.index_cast %scan3A_181 : i32 to index
      %swap3A_201 = arith.constant 96 : index
      %swap3A_202 = tpu.vector_load %arg21[%swap3A_200, %swap3A_201] {strides = array<i32>} : memref<128x128xf32, #tpu.memory_space<vmem>>, vector<16xf32>,
      tpu.vector_store %arg21[%swap3A_200, %swap3A_201], %broadcast_in_dim3A_3 {strides = array<i32>} : memref<128x128xf32, #tpu.memory_space<vmem>>, vector<16xf32>,
      %swap3A_203 = arith.index_cast %scan3A_181 : i32 to index
      %swap3A_204 = arith.constant 112 : index
      %swap3A_205 = tpu.vector_load %arg21[%swap3A_203, %swap3A_204] {strides = array<i32>} : memref<128x128xf32, #tpu.memory_space<vmem>>, vector<16xf32>,
      tpu.vector_store %arg21[%swap3A_203, %swap3A_204], %broadcast_in_dim3A_3 {strides = array<i32>} : memref<128x128xf32, #tpu.memory_space<vmem>>, vector<16xf32>,
      %scan3A_206 = arith.constant 0 : i32
      scf.yield %scan3A_206 : i32
    }
    %scan3A_9 = arith.constant 128 : i32
    %scan3A_10 = arith.constant 0 : i32
    %scan3A_11 = arith.constant 0 : i32
    %scan3A_12 = arith.constant 64 : i32
    %scan3A_13 = arith.addi %scan3A_11, %scan3A_12 : i32
    %scan3A_14 = arith.constant 1 : i32
    %scan3A_15 = scf.for %scan3A_181 = %scan3A_11 to %scan3A_13 step %scan3A_14 iter_args(%scan3A_182 = %scan3A_10) -> (i32)  : i32 {
      %jit3A = arith.constant 8 : i32
      %div3A = vector.broadcast %jit3A : i32 to vector<16xi32>
      %div3A_183 = arith.divsi %iota3A, %div3A : vector<16xi32>
      %sign3A = arith.constant 0 : i32
      %sign3A_184 = vector.broadcast %sign3A : i32 to vector<16xi32>
      %sign3A_185 = arith.cmpi sgt, %iota3A, %sign3A_184 : vector<16xi32>
      %sign3A_186 = arith.extui %sign3A_185 : vector<16xi1> to vector<16xi32>
      %sign3A_187 = arith.constant 0 : i32
      %sign3A_188 = vector.broadcast %sign3A_187 : i32 to vector<16xi32>
      %sign3A_189 = arith.cmpi slt, %iota3A, %sign3A_188 : vector<16xi32>
      %sign3A_190 = arith.extui %sign3A_189 : vector<16xi1> to vector<16xi32>
      %sign3A_191 = arith.subi %sign3A_186, %sign3A_190 : vector<16xi32>
      %sign3A_192 = arith.constant 0 : i32
      %sign3A_193 = arith.cmpi sgt, %jit3A, %sign3A_192 : i32
      %sign3A_194 = arith.extui %sign3A_193 : i1 to i32
      %sign3A_195 = arith.constant 0 : i32
      %sign3A_196 = arith.cmpi slt, %jit3A, %sign3A_195 : i32
      %sign3A_197 = arith.extui %sign3A_196 : i1 to i32
      %sign3A_198 = arith.subi %sign3A_194, %sign3A_197 : i32
      %ne3A = vector.broadcast %sign3A_198 : i32 to vector<16xi32>
      %ne3A_199 = arith.cmpi ne, %sign3A_191, %ne3A : vector<16xi32>
      %rem3A = vector.broadcast %jit3A : i32 to vector<16xi32>
      %rem3A_200 = arith.remsi %iota3A, %rem3A : vector<16xi32>
      %ne3A_201 = arith.constant 0 : i32
      %ne3A_202 = vector.broadcast %ne3A_201 : i32 to vector<16xi32>
      %ne3A_203 = arith.cmpi ne, %rem3A_200, %ne3A_202 : vector<16xi32>
      %and3A = arith.andi %ne3A_199, %ne3A_203 : vector<16xi1>
      %sub3A = arith.constant 1 : i32
      %sub3A_204 = vector.broadcast %sub3A : i32 to vector<16xi32>
      %sub3A_205 = arith.subi %div3A_183, %sub3A_204 : vector<16xi32>
      %select_n3A = arith.select %and3A, %sub3A_205, %div3A_183 : vector<16xi1>, vector<16xi32>
      %mul3A_206 = arith.constant 2 : i32
      %mul3A_207 = arith.muli %mul3A_206, %scan3A_181 : i32
      %add3A_208 = vector.broadcast %mul3A_207 : i32 to vector<16xi32>
      %add3A_209 = arith.addi %select_n3A, %add3A_208 : vector<16xi32>
      %and3A_210 = arith.constant 7 : i32
      %and3A_211 = vector.broadcast %and3A_210 : i32 to vector<16xi32>
      %and3A_212 = arith.andi %iota3A, %and3A_211 : vector<16xi32>
      %broadcast_in_dim3A_213 = arith.constant 0.000000e+00 : f32
      %broadcast_in_dim3A_214 = vector.broadcast %broadcast_in_dim3A_213 : f32 to vector<16xf32>
      tpu.vector_store_idx %arg20[%add3A_209, %and3A_212], %broadcast_in_dim3A_214 : memref<128x8xf32, #tpu.memory_space<vmem>>[vector<16xi32>, vector<16xi32>], vector<16xf32>,
      %scan3A_215 = arith.constant 0 : i32
      scf.yield %scan3A_215 : i32
    }
    %scan3A_16 = arith.constant 64 : i32
    %add3A_17 = arith.constant 0 : i32
    %add3A_18 = arith.addi %mul3A_2, %add3A_17 : i32
    "tpu.region"() ({
      %run_scoped3A = tpu.sem_alloc : memref<!tpu.dma_semaphore, #tpu.memory_space<semaphore_mem>>
      %dma_start3A = arith.constant 0 : i32
      %dma_start3A_181 = arith.constant 0 : i32
      %dma_start3A_182 = tpu.memref_slice %arg21[%dma_start3A, %dma_start3A_181] : memref<128x128xf32, #tpu.memory_space<vmem>> -> memref<128x128xf32, #tpu.memory_space<vmem>>
      %dma_start3A_183 = arith.constant 0 : i32
      %dma_start3A_184 = tpu.memref_slice %arg24[%add3A_18, %dma_start3A_183] : memref<10240x128xf32, #tpu.memory_space<vmem_shared>> -> memref<128x128xf32, #tpu.memory_space<vmem_shared>>
      %dma_start3A_185 = arith.constant 0 : i32
      %dma_start3A_186 = tpu.memref_slice %arg24[%add3A_18, %dma_start3A_185] : memref<10240x128xf32, #tpu.memory_space<vmem_shared>> -> memref<128x128xf32, #tpu.memory_space<vmem_shared>>
      %dma_start3A_187 = arith.constant 0 : i32
      %dma_start3A_188 = arith.constant 0 : i32
      %dma_start3A_189 = tpu.memref_slice %arg21[%dma_start3A_187, %dma_start3A_188] : memref<128x128xf32, #tpu.memory_space<vmem>> -> memref<128x128xf32, #tpu.memory_space<vmem>>
      tpu.enqueue_dma source(%dma_start3A_189 : memref<128x128xf32, #tpu.memory_space<vmem>>) target(%dma_start3A_186 : memref<128x128xf32, #tpu.memory_space<vmem_shared>>) target_semaphore(%run_scoped3A : memref<!tpu.dma_semaphore, #tpu.memory_space<semaphore_mem>>)
      %dma_wait3A = arith.constant 0 : i32
      %dma_wait3A_190 = arith.constant 0 : i32
      %dma_wait3A_191 = tpu.memref_slice %arg21[%dma_wait3A, %dma_wait3A_190] : memref<128x128xf32, #tpu.memory_space<vmem>> -> memref<128x128xf32, #tpu.memory_space<vmem>>
      %dma_wait3A_192 = arith.constant 0 : i32
      %dma_wait3A_193 = tpu.memref_slice %arg24[%add3A_18, %dma_wait3A_192] : memref<10240x128xf32, #tpu.memory_space<vmem_shared>> -> memref<128x128xf32, #tpu.memory_space<vmem_shared>>
      %dma_wait3A_194 = arith.constant 0 : i32
      %dma_wait3A_195 = tpu.memref_slice %arg24[%add3A_18, %dma_wait3A_194] : memref<10240x128xf32, #tpu.memory_space<vmem_shared>> -> memref<128x128xf32, #tpu.memory_space<vmem_shared>>
      %dma_wait3A_196 = arith.constant 0 : i32
      %dma_wait3A_197 = arith.constant 0 : i32
      %dma_wait3A_198 = tpu.memref_slice %arg21[%dma_wait3A_196, %dma_wait3A_197] : memref<128x128xf32, #tpu.memory_space<vmem>> -> memref<128x128xf32, #tpu.memory_space<vmem>>
      tpu.wait_dma2 semaphore(%run_scoped3A : memref<!tpu.dma_semaphore, #tpu.memory_space<semaphore_mem>>) src(%dma_wait3A_198 : memref<128x128xf32, #tpu.memory_space<vmem>>) dst(%dma_wait3A_195 : memref<128x128xf32, #tpu.memory_space<vmem_shared>>)
      tpu.yield
    }) : () -> ()
    %add3A_19 = arith.constant 128 : i32
    %add3A_20 = arith.addi %mul3A_2, %add3A_19 : i32
    "tpu.region"() ({
      %run_scoped3A = tpu.sem_alloc : memref<!tpu.dma_semaphore, #tpu.memory_space<semaphore_mem>>
      %dma_start3A = arith.constant 0 : i32
      %dma_start3A_181 = arith.constant 0 : i32
      %dma_start3A_182 = tpu.memref_slice %arg21[%dma_start3A, %dma_start3A_181] : memref<128x128xf32, #tpu.memory_space<vmem>> -> memref<128x128xf32, #tpu.memory_space<vmem>>
      %dma_start3A_183 = arith.constant 0 : i32
      %dma_start3A_184 = tpu.memref_slice %arg24[%add3A_20, %dma_start3A_183] : memref<10240x128xf32, #tpu.memory_space<vmem_shared>> -> memref<128x128xf32, #tpu.memory_space<vmem_shared>>
      %dma_start3A_185 = arith.constant 0 : i32
      %dma_start3A_186 = tpu.memref_slice %arg24[%add3A_20, %dma_start3A_185] : memref<10240x128xf32, #tpu.memory_space<vmem_shared>> -> memref<128x128xf32, #tpu.memory_space<vmem_shared>>
      %dma_start3A_187 = arith.constant 0 : i32
      %dma_start3A_188 = arith.constant 0 : i32
      %dma_start3A_189 = tpu.memref_slice %arg21[%dma_start3A_187, %dma_start3A_188] : memref<128x128xf32, #tpu.memory_space<vmem>> -> memref<128x128xf32, #tpu.memory_space<vmem>>
      tpu.enqueue_dma source(%dma_start3A_189 : memref<128x128xf32, #tpu.memory_space<vmem>>) target(%dma_start3A_186 : memref<128x128xf32, #tpu.memory_space<vmem_shared>>) target_semaphore(%run_scoped3A : memref<!tpu.dma_semaphore, #tpu.memory_space<semaphore_mem>>)
      %dma_wait3A = arith.constant 0 : i32
      %dma_wait3A_190 = arith.constant 0 : i32
      %dma_wait3A_191 = tpu.memref_slice %arg21[%dma_wait3A, %dma_wait3A_190] : memref<128x128xf32, #tpu.memory_space<vmem>> -> memref<128x128xf32, #tpu.memory_space<vmem>>
      %dma_wait3A_192 = arith.constant 0 : i32
      %dma_wait3A_193 = tpu.memref_slice %arg24[%add3A_20, %dma_wait3A_192] : memref<10240x128xf32, #tpu.memory_space<vmem_shared>> -> memref<128x128xf32, #tpu.memory_space<vmem_shared>>
      %dma_wait3A_194 = arith.constant 0 : i32
      %dma_wait3A_195 = tpu.memref_slice %arg24[%add3A_20, %dma_wait3A_194] : memref<10240x128xf32, #tpu.memory_space<vmem_shared>> -> memref<128x128xf32, #tpu.memory_space<vmem_shared>>
      %dma_wait3A_196 = arith.constant 0 : i32
      %dma_wait3A_197 = arith.constant 0 : i32
      %dma_wait3A_198 = tpu.memref_slice %arg21[%dma_wait3A_196, %dma_wait3A_197] : memref<128x128xf32, #tpu.memory_space<vmem>> -> memref<128x128xf32, #tpu.memory_space<vmem>>
      tpu.wait_dma2 semaphore(%run_scoped3A : memref<!tpu.dma_semaphore, #tpu.memory_space<semaphore_mem>>) src(%dma_wait3A_198 : memref<128x128xf32, #tpu.memory_space<vmem>>) dst(%dma_wait3A_195 : memref<128x128xf32, #tpu.memory_space<vmem_shared>>)
      tpu.yield
    }) : () -> ()
    %add3A_21 = arith.constant 256 : i32
    %add3A_22 = arith.addi %mul3A_2, %add3A_21 : i32
    "tpu.region"() ({
      %run_scoped3A = tpu.sem_alloc : memref<!tpu.dma_semaphore, #tpu.memory_space<semaphore_mem>>
      %dma_start3A = arith.constant 0 : i32
      %dma_start3A_181 = arith.constant 0 : i32
      %dma_start3A_182 = tpu.memref_slice %arg21[%dma_start3A, %dma_start3A_181] : memref<128x128xf32, #tpu.memory_space<vmem>> -> memref<128x128xf32, #tpu.memory_space<vmem>>
      %dma_start3A_183 = arith.constant 0 : i32
      %dma_start3A_184 = tpu.memref_slice %arg24[%add3A_22, %dma_start3A_183] : memref<10240x128xf32, #tpu.memory_space<vmem_shared>> -> memref<128x128xf32, #tpu.memory_space<vmem_shared>>
      %dma_start3A_185 = arith.constant 0 : i32
      %dma_start3A_186 = tpu.memref_slice %arg24[%add3A_22, %dma_start3A_185] : memref<10240x128xf32, #tpu.memory_space<vmem_shared>> -> memref<128x128xf32, #tpu.memory_space<vmem_shared>>
      %dma_start3A_187 = arith.constant 0 : i32
      %dma_start3A_188 = arith.constant 0 : i32
      %dma_start3A_189 = tpu.memref_slice %arg21[%dma_start3A_187, %dma_start3A_188] : memref<128x128xf32, #tpu.memory_space<vmem>> -> memref<128x128xf32, #tpu.memory_space<vmem>>
      tpu.enqueue_dma source(%dma_start3A_189 : memref<128x128xf32, #tpu.memory_space<vmem>>) target(%dma_start3A_186 : memref<128x128xf32, #tpu.memory_space<vmem_shared>>) target_semaphore(%run_scoped3A : memref<!tpu.dma_semaphore, #tpu.memory_space<semaphore_mem>>)
      %dma_wait3A = arith.constant 0 : i32
      %dma_wait3A_190 = arith.constant 0 : i32
      %dma_wait3A_191 = tpu.memref_slice %arg21[%dma_wait3A, %dma_wait3A_190] : memref<128x128xf32, #tpu.memory_space<vmem>> -> memref<128x128xf32, #tpu.memory_space<vmem>>
      %dma_wait3A_192 = arith.constant 0 : i32
      %dma_wait3A_193 = tpu.memref_slice %arg24[%add3A_22, %dma_wait3A_192] : memref<10240x128xf32, #tpu.memory_space<vmem_shared>> -> memref<128x128xf32, #tpu.memory_space<vmem_shared>>
      %dma_wait3A_194 = arith.constant 0 : i32
      %dma_wait3A_195 = tpu.memref_slice %arg24[%add3A_22, %dma_wait3A_194] : memref<10240x128xf32, #tpu.memory_space<vmem_shared>> -> memref<128x128xf32, #tpu.memory_space<vmem_shared>>
      %dma_wait3A_196 = arith.constant 0 : i32
      %dma_wait3A_197 = arith.constant 0 : i32
      %dma_wait3A_198 = tpu.memref_slice %arg21[%dma_wait3A_196, %dma_wait3A_197] : memref<128x128xf32, #tpu.memory_space<vmem>> -> memref<128x128xf32, #tpu.memory_space<vmem>>
      tpu.wait_dma2 semaphore(%run_scoped3A : memref<!tpu.dma_semaphore, #tpu.memory_space<semaphore_mem>>) src(%dma_wait3A_198 : memref<128x128xf32, #tpu.memory_space<vmem>>) dst(%dma_wait3A_195 : memref<128x128xf32, #tpu.memory_space<vmem_shared>>)
      tpu.yield
    }) : () -> ()
    %add3A_23 = arith.constant 384 : i32
    %add3A_24 = arith.addi %mul3A_2, %add3A_23 : i32
    "tpu.region"() ({
      %run_scoped3A = tpu.sem_alloc : memref<!tpu.dma_semaphore, #tpu.memory_space<semaphore_mem>>
      %dma_start3A = arith.constant 0 : i32
      %dma_start3A_181 = arith.constant 0 : i32
      %dma_start3A_182 = tpu.memref_slice %arg21[%dma_start3A, %dma_start3A_181] : memref<128x128xf32, #tpu.memory_space<vmem>> -> memref<128x128xf32, #tpu.memory_space<vmem>>
      %dma_start3A_183 = arith.constant 0 : i32
      %dma_start3A_184 = tpu.memref_slice %arg24[%add3A_24, %dma_start3A_183] : memref<10240x128xf32, #tpu.memory_space<vmem_shared>> -> memref<128x128xf32, #tpu.memory_space<vmem_shared>>
      %dma_start3A_185 = arith.constant 0 : i32
      %dma_start3A_186 = tpu.memref_slice %arg24[%add3A_24, %dma_start3A_185] : memref<10240x128xf32, #tpu.memory_space<vmem_shared>> -> memref<128x128xf32, #tpu.memory_space<vmem_shared>>
      %dma_start3A_187 = arith.constant 0 : i32
      %dma_start3A_188 = arith.constant 0 : i32
      %dma_start3A_189 = tpu.memref_slice %arg21[%dma_start3A_187, %dma_start3A_188] : memref<128x128xf32, #tpu.memory_space<vmem>> -> memref<128x128xf32, #tpu.memory_space<vmem>>
      tpu.enqueue_dma source(%dma_start3A_189 : memref<128x128xf32, #tpu.memory_space<vmem>>) target(%dma_start3A_186 : memref<128x128xf32, #tpu.memory_space<vmem_shared>>) target_semaphore(%run_scoped3A : memref<!tpu.dma_semaphore, #tpu.memory_space<semaphore_mem>>)
      %dma_wait3A = arith.constant 0 : i32
      %dma_wait3A_190 = arith.constant 0 : i32
      %dma_wait3A_191 = tpu.memref_slice %arg21[%dma_wait3A, %dma_wait3A_190] : memref<128x128xf32, #tpu.memory_space<vmem>> -> memref<128x128xf32, #tpu.memory_space<vmem>>
      %dma_wait3A_192 = arith.constant 0 : i32
      %dma_wait3A_193 = tpu.memref_slice %arg24[%add3A_24, %dma_wait3A_192] : memref<10240x128xf32, #tpu.memory_space<vmem_shared>> -> memref<128x128xf32, #tpu.memory_space<vmem_shared>>
      %dma_wait3A_194 = arith.constant 0 : i32
      %dma_wait3A_195 = tpu.memref_slice %arg24[%add3A_24, %dma_wait3A_194] : memref<10240x128xf32, #tpu.memory_space<vmem_shared>> -> memref<128x128xf32, #tpu.memory_space<vmem_shared>>
      %dma_wait3A_196 = arith.constant 0 : i32
      %dma_wait3A_197 = arith.constant 0 : i32
      %dma_wait3A_198 = tpu.memref_slice %arg21[%dma_wait3A_196, %dma_wait3A_197] : memref<128x128xf32, #tpu.memory_space<vmem>> -> memref<128x128xf32, #tpu.memory_space<vmem>>
      tpu.wait_dma2 semaphore(%run_scoped3A : memref<!tpu.dma_semaphore, #tpu.memory_space<semaphore_mem>>) src(%dma_wait3A_198 : memref<128x128xf32, #tpu.memory_space<vmem>>) dst(%dma_wait3A_195 : memref<128x128xf32, #tpu.memory_space<vmem_shared>>)
      tpu.yield
    }) : () -> ()
    %add3A_25 = arith.constant 512 : i32
    %add3A_26 = arith.addi %mul3A_2, %add3A_25 : i32
    "tpu.region"() ({
      %run_scoped3A = tpu.sem_alloc : memref<!tpu.dma_semaphore, #tpu.memory_space<semaphore_mem>>
      %dma_start3A = arith.constant 0 : i32
      %dma_start3A_181 = arith.constant 0 : i32
      %dma_start3A_182 = tpu.memref_slice %arg21[%dma_start3A, %dma_start3A_181] : memref<128x128xf32, #tpu.memory_space<vmem>> -> memref<128x128xf32, #tpu.memory_space<vmem>>
      %dma_start3A_183 = arith.constant 0 : i32
      %dma_start3A_184 = tpu.memref_slice %arg24[%add3A_26, %dma_start3A_183] : memref<10240x128xf32, #tpu.memory_space<vmem_shared>> -> memref<128x128xf32, #tpu.memory_space<vmem_shared>>
      %dma_start3A_185 = arith.constant 0 : i32
      %dma_start3A_186 = tpu.memref_slice %arg24[%add3A_26, %dma_start3A_185] : memref<10240x128xf32, #tpu.memory_space<vmem_shared>> -> memref<128x128xf32, #tpu.memory_space<vmem_shared>>
      %dma_start3A_187 = arith.constant 0 : i32
      %dma_start3A_188 = arith.constant 0 : i32
      %dma_start3A_189 = tpu.memref_slice %arg21[%dma_start3A_187, %dma_start3A_188] : memref<128x128xf32, #tpu.memory_space<vmem>> -> memref<128x128xf32, #tpu.memory_space<vmem>>
      tpu.enqueue_dma source(%dma_start3A_189 : memref<128x128xf32, #tpu.memory_space<vmem>>) target(%dma_start3A_186 : memref<128x128xf32, #tpu.memory_space<vmem_shared>>) target_semaphore(%run_scoped3A : memref<!tpu.dma_semaphore, #tpu.memory_space<semaphore_mem>>)
      %dma_wait3A = arith.constant 0 : i32
      %dma_wait3A_190 = arith.constant 0 : i32
      %dma_wait3A_191 = tpu.memref_slice %arg21[%dma_wait3A, %dma_wait3A_190] : memref<128x128xf32, #tpu.memory_space<vmem>> -> memref<128x128xf32, #tpu.memory_space<vmem>>
      %dma_wait3A_192 = arith.constant 0 : i32
      %dma_wait3A_193 = tpu.memref_slice %arg24[%add3A_26, %dma_wait3A_192] : memref<10240x128xf32, #tpu.memory_space<vmem_shared>> -> memref<128x128xf32, #tpu.memory_space<vmem_shared>>
      %dma_wait3A_194 = arith.constant 0 : i32
      %dma_wait3A_195 = tpu.memref_slice %arg24[%add3A_26, %dma_wait3A_194] : memref<10240x128xf32, #tpu.memory_space<vmem_shared>> -> memref<128x128xf32, #tpu.memory_space<vmem_shared>>
      %dma_wait3A_196 = arith.constant 0 : i32
      %dma_wait3A_197 = arith.constant 0 : i32
      %dma_wait3A_198 = tpu.memref_slice %arg21[%dma_wait3A_196, %dma_wait3A_197] : memref<128x128xf32, #tpu.memory_space<vmem>> -> memref<128x128xf32, #tpu.memory_space<vmem>>
      tpu.wait_dma2 semaphore(%run_scoped3A : memref<!tpu.dma_semaphore, #tpu.memory_space<semaphore_mem>>) src(%dma_wait3A_198 : memref<128x128xf32, #tpu.memory_space<vmem>>) dst(%dma_wait3A_195 : memref<128x128xf32, #tpu.memory_space<vmem_shared>>)
      tpu.yield
    }) : () -> ()
    %add3A_27 = arith.constant 0 : i32
    %add3A_28 = arith.addi %mul3A_2, %add3A_27 : i32
    "tpu.region"() ({
      %run_scoped3A = tpu.sem_alloc : memref<!tpu.dma_semaphore, #tpu.memory_space<semaphore_mem>>
      %dma_start3A = arith.constant 0 : i32
      %dma_start3A_181 = arith.constant 0 : i32
      %dma_start3A_182 = tpu.memref_slice %arg20[%dma_start3A, %dma_start3A_181] : memref<128x8xf32, #tpu.memory_space<vmem>> -> memref<128x8xf32, #tpu.memory_space<vmem>>
      %dma_start3A_183 = arith.constant 0 : i32
      %dma_start3A_184 = tpu.memref_slice %arg23[%add3A_28, %dma_start3A_183] : memref<10240x8xf32, #tpu.memory_space<vmem_shared>> -> memref<128x8xf32, #tpu.memory_space<vmem_shared>>
      %dma_start3A_185 = arith.constant 0 : i32
      %dma_start3A_186 = tpu.memref_slice %arg23[%add3A_28, %dma_start3A_185] : memref<10240x8xf32, #tpu.memory_space<vmem_shared>> -> memref<128x8xf32, #tpu.memory_space<vmem_shared>>
      %dma_start3A_187 = arith.constant 0 : i32
      %dma_start3A_188 = arith.constant 0 : i32
      %dma_start3A_189 = tpu.memref_slice %arg20[%dma_start3A_187, %dma_start3A_188] : memref<128x8xf32, #tpu.memory_space<vmem>> -> memref<128x8xf32, #tpu.memory_space<vmem>>
      tpu.enqueue_dma source(%dma_start3A_189 : memref<128x8xf32, #tpu.memory_space<vmem>>) target(%dma_start3A_186 : memref<128x8xf32, #tpu.memory_space<vmem_shared>>) target_semaphore(%run_scoped3A : memref<!tpu.dma_semaphore, #tpu.memory_space<semaphore_mem>>)
      %dma_wait3A = arith.constant 0 : i32
      %dma_wait3A_190 = arith.constant 0 : i32
      %dma_wait3A_191 = tpu.memref_slice %arg20[%dma_wait3A, %dma_wait3A_190] : memref<128x8xf32, #tpu.memory_space<vmem>> -> memref<128x8xf32, #tpu.memory_space<vmem>>
      %dma_wait3A_192 = arith.constant 0 : i32
      %dma_wait3A_193 = tpu.memref_slice %arg23[%add3A_28, %dma_wait3A_192] : memref<10240x8xf32, #tpu.memory_space<vmem_shared>> -> memref<128x8xf32, #tpu.memory_space<vmem_shared>>
      %dma_wait3A_194 = arith.constant 0 : i32
      %dma_wait3A_195 = tpu.memref_slice %arg23[%add3A_28, %dma_wait3A_194] : memref<10240x8xf32, #tpu.memory_space<vmem_shared>> -> memref<128x8xf32, #tpu.memory_space<vmem_shared>>
      %dma_wait3A_196 = arith.constant 0 : i32
      %dma_wait3A_197 = arith.constant 0 : i32
      %dma_wait3A_198 = tpu.memref_slice %arg20[%dma_wait3A_196, %dma_wait3A_197] : memref<128x8xf32, #tpu.memory_space<vmem>> -> memref<128x8xf32, #tpu.memory_space<vmem>>
      tpu.wait_dma2 semaphore(%run_scoped3A : memref<!tpu.dma_semaphore, #tpu.memory_space<semaphore_mem>>) src(%dma_wait3A_198 : memref<128x8xf32, #tpu.memory_space<vmem>>) dst(%dma_wait3A_195 : memref<128x8xf32, #tpu.memory_space<vmem_shared>>)
      tpu.yield
    }) : () -> ()
    %add3A_29 = arith.constant 128 : i32
    %add3A_30 = arith.addi %mul3A_2, %add3A_29 : i32
    "tpu.region"() ({
      %run_scoped3A = tpu.sem_alloc : memref<!tpu.dma_semaphore, #tpu.memory_space<semaphore_mem>>
      %dma_start3A = arith.constant 0 : i32
      %dma_start3A_181 = arith.constant 0 : i32
      %dma_start3A_182 = tpu.memref_slice %arg20[%dma_start3A, %dma_start3A_181] : memref<128x8xf32, #tpu.memory_space<vmem>> -> memref<128x8xf32, #tpu.memory_space<vmem>>
      %dma_start3A_183 = arith.constant 0 : i32
      %dma_start3A_184 = tpu.memref_slice %arg23[%add3A_30, %dma_start3A_183] : memref<10240x8xf32, #tpu.memory_space<vmem_shared>> -> memref<128x8xf32, #tpu.memory_space<vmem_shared>>
      %dma_start3A_185 = arith.constant 0 : i32
      %dma_start3A_186 = tpu.memref_slice %arg23[%add3A_30, %dma_start3A_185] : memref<10240x8xf32, #tpu.memory_space<vmem_shared>> -> memref<128x8xf32, #tpu.memory_space<vmem_shared>>
      %dma_start3A_187 = arith.constant 0 : i32
      %dma_start3A_188 = arith.constant 0 : i32
      %dma_start3A_189 = tpu.memref_slice %arg20[%dma_start3A_187, %dma_start3A_188] : memref<128x8xf32, #tpu.memory_space<vmem>> -> memref<128x8xf32, #tpu.memory_space<vmem>>
      tpu.enqueue_dma source(%dma_start3A_189 : memref<128x8xf32, #tpu.memory_space<vmem>>) target(%dma_start3A_186 : memref<128x8xf32, #tpu.memory_space<vmem_shared>>) target_semaphore(%run_scoped3A : memref<!tpu.dma_semaphore, #tpu.memory_space<semaphore_mem>>)
      %dma_wait3A = arith.constant 0 : i32
      %dma_wait3A_190 = arith.constant 0 : i32
      %dma_wait3A_191 = tpu.memref_slice %arg20[%dma_wait3A, %dma_wait3A_190] : memref<128x8xf32, #tpu.memory_space<vmem>> -> memref<128x8xf32, #tpu.memory_space<vmem>>
      %dma_wait3A_192 = arith.constant 0 : i32
      %dma_wait3A_193 = tpu.memref_slice %arg23[%add3A_30, %dma_wait3A_192] : memref<10240x8xf32, #tpu.memory_space<vmem_shared>> -> memref<128x8xf32, #tpu.memory_space<vmem_shared>>
      %dma_wait3A_194 = arith.constant 0 : i32
      %dma_wait3A_195 = tpu.memref_slice %arg23[%add3A_30, %dma_wait3A_194] : memref<10240x8xf32, #tpu.memory_space<vmem_shared>> -> memref<128x8xf32, #tpu.memory_space<vmem_shared>>
      %dma_wait3A_196 = arith.constant 0 : i32
      %dma_wait3A_197 = arith.constant 0 : i32
      %dma_wait3A_198 = tpu.memref_slice %arg20[%dma_wait3A_196, %dma_wait3A_197] : memref<128x8xf32, #tpu.memory_space<vmem>> -> memref<128x8xf32, #tpu.memory_space<vmem>>
      tpu.wait_dma2 semaphore(%run_scoped3A : memref<!tpu.dma_semaphore, #tpu.memory_space<semaphore_mem>>) src(%dma_wait3A_198 : memref<128x8xf32, #tpu.memory_space<vmem>>) dst(%dma_wait3A_195 : memref<128x8xf32, #tpu.memory_space<vmem_shared>>)
      tpu.yield
    }) : () -> ()
    %add3A_31 = arith.constant 256 : i32
    %add3A_32 = arith.addi %mul3A_2, %add3A_31 : i32
    "tpu.region"() ({
      %run_scoped3A = tpu.sem_alloc : memref<!tpu.dma_semaphore, #tpu.memory_space<semaphore_mem>>
      %dma_start3A = arith.constant 0 : i32
      %dma_start3A_181 = arith.constant 0 : i32
      %dma_start3A_182 = tpu.memref_slice %arg20[%dma_start3A, %dma_start3A_181] : memref<128x8xf32, #tpu.memory_space<vmem>> -> memref<128x8xf32, #tpu.memory_space<vmem>>
      %dma_start3A_183 = arith.constant 0 : i32
      %dma_start3A_184 = tpu.memref_slice %arg23[%add3A_32, %dma_start3A_183] : memref<10240x8xf32, #tpu.memory_space<vmem_shared>> -> memref<128x8xf32, #tpu.memory_space<vmem_shared>>
      %dma_start3A_185 = arith.constant 0 : i32
      %dma_start3A_186 = tpu.memref_slice %arg23[%add3A_32, %dma_start3A_185] : memref<10240x8xf32, #tpu.memory_space<vmem_shared>> -> memref<128x8xf32, #tpu.memory_space<vmem_shared>>
      %dma_start3A_187 = arith.constant 0 : i32
      %dma_start3A_188 = arith.constant 0 : i32
      %dma_start3A_189 = tpu.memref_slice %arg20[%dma_start3A_187, %dma_start3A_188] : memref<128x8xf32, #tpu.memory_space<vmem>> -> memref<128x8xf32, #tpu.memory_space<vmem>>
      tpu.enqueue_dma source(%dma_start3A_189 : memref<128x8xf32, #tpu.memory_space<vmem>>) target(%dma_start3A_186 : memref<128x8xf32, #tpu.memory_space<vmem_shared>>) target_semaphore(%run_scoped3A : memref<!tpu.dma_semaphore, #tpu.memory_space<semaphore_mem>>)
      %dma_wait3A = arith.constant 0 : i32
      %dma_wait3A_190 = arith.constant 0 : i32
      %dma_wait3A_191 = tpu.memref_slice %arg20[%dma_wait3A, %dma_wait3A_190] : memref<128x8xf32, #tpu.memory_space<vmem>> -> memref<128x8xf32, #tpu.memory_space<vmem>>
      %dma_wait3A_192 = arith.constant 0 : i32
      %dma_wait3A_193 = tpu.memref_slice %arg23[%add3A_32, %dma_wait3A_192] : memref<10240x8xf32, #tpu.memory_space<vmem_shared>> -> memref<128x8xf32, #tpu.memory_space<vmem_shared>>
      %dma_wait3A_194 = arith.constant 0 : i32
      %dma_wait3A_195 = tpu.memref_slice %arg23[%add3A_32, %dma_wait3A_194] : memref<10240x8xf32, #tpu.memory_space<vmem_shared>> -> memref<128x8xf32, #tpu.memory_space<vmem_shared>>
      %dma_wait3A_196 = arith.constant 0 : i32
      %dma_wait3A_197 = arith.constant 0 : i32
      %dma_wait3A_198 = tpu.memref_slice %arg20[%dma_wait3A_196, %dma_wait3A_197] : memref<128x8xf32, #tpu.memory_space<vmem>> -> memref<128x8xf32, #tpu.memory_space<vmem>>
      tpu.wait_dma2 semaphore(%run_scoped3A : memref<!tpu.dma_semaphore, #tpu.memory_space<semaphore_mem>>) src(%dma_wait3A_198 : memref<128x8xf32, #tpu.memory_space<vmem>>) dst(%dma_wait3A_195 : memref<128x8xf32, #tpu.memory_space<vmem_shared>>)
      tpu.yield
    }) : () -> ()
    %add3A_33 = arith.constant 384 : i32
    %add3A_34 = arith.addi %mul3A_2, %add3A_33 : i32
    "tpu.region"() ({
      %run_scoped3A = tpu.sem_alloc : memref<!tpu.dma_semaphore, #tpu.memory_space<semaphore_mem>>
      %dma_start3A = arith.constant 0 : i32
      %dma_start3A_181 = arith.constant 0 : i32
      %dma_start3A_182 = tpu.memref_slice %arg20[%dma_start3A, %dma_start3A_181] : memref<128x8xf32, #tpu.memory_space<vmem>> -> memref<128x8xf32, #tpu.memory_space<vmem>>
      %dma_start3A_183 = arith.constant 0 : i32
      %dma_start3A_184 = tpu.memref_slice %arg23[%add3A_34, %dma_start3A_183] : memref<10240x8xf32, #tpu.memory_space<vmem_shared>> -> memref<128x8xf32, #tpu.memory_space<vmem_shared>>
      %dma_start3A_185 = arith.constant 0 : i32
      %dma_start3A_186 = tpu.memref_slice %arg23[%add3A_34, %dma_start3A_185] : memref<10240x8xf32, #tpu.memory_space<vmem_shared>> -> memref<128x8xf32, #tpu.memory_space<vmem_shared>>
      %dma_start3A_187 = arith.constant 0 : i32
      %dma_start3A_188 = arith.constant 0 : i32
      %dma_start3A_189 = tpu.memref_slice %arg20[%dma_start3A_187, %dma_start3A_188] : memref<128x8xf32, #tpu.memory_space<vmem>> -> memref<128x8xf32, #tpu.memory_space<vmem>>
      tpu.enqueue_dma source(%dma_start3A_189 : memref<128x8xf32, #tpu.memory_space<vmem>>) target(%dma_start3A_186 : memref<128x8xf32, #tpu.memory_space<vmem_shared>>) target_semaphore(%run_scoped3A : memref<!tpu.dma_semaphore, #tpu.memory_space<semaphore_mem>>)
      %dma_wait3A = arith.constant 0 : i32
      %dma_wait3A_190 = arith.constant 0 : i32
      %dma_wait3A_191 = tpu.memref_slice %arg20[%dma_wait3A, %dma_wait3A_190] : memref<128x8xf32, #tpu.memory_space<vmem>> -> memref<128x8xf32, #tpu.memory_space<vmem>>
      %dma_wait3A_192 = arith.constant 0 : i32
      %dma_wait3A_193 = tpu.memref_slice %arg23[%add3A_34, %dma_wait3A_192] : memref<10240x8xf32, #tpu.memory_space<vmem_shared>> -> memref<128x8xf32, #tpu.memory_space<vmem_shared>>
      %dma_wait3A_194 = arith.constant 0 : i32
      %dma_wait3A_195 = tpu.memref_slice %arg23[%add3A_34, %dma_wait3A_194] : memref<10240x8xf32, #tpu.memory_space<vmem_shared>> -> memref<128x8xf32, #tpu.memory_space<vmem_shared>>
      %dma_wait3A_196 = arith.constant 0 : i32
      %dma_wait3A_197 = arith.constant 0 : i32
      %dma_wait3A_198 = tpu.memref_slice %arg20[%dma_wait3A_196, %dma_wait3A_197] : memref<128x8xf32, #tpu.memory_space<vmem>> -> memref<128x8xf32, #tpu.memory_space<vmem>>
      tpu.wait_dma2 semaphore(%run_scoped3A : memref<!tpu.dma_semaphore, #tpu.memory_space<semaphore_mem>>) src(%dma_wait3A_198 : memref<128x8xf32, #tpu.memory_space<vmem>>) dst(%dma_wait3A_195 : memref<128x8xf32, #tpu.memory_space<vmem_shared>>)
      tpu.yield
    }) : () -> ()
    %add3A_35 = arith.constant 512 : i32
    %add3A_36 = arith.addi %mul3A_2, %add3A_35 : i32
    "tpu.region"() ({
      %run_scoped3A = tpu.sem_alloc : memref<!tpu.dma_semaphore, #tpu.memory_space<semaphore_mem>>
      %dma_start3A = arith.constant 0 : i32
      %dma_start3A_181 = arith.constant 0 : i32
      %dma_start3A_182 = tpu.memref_slice %arg20[%dma_start3A, %dma_start3A_181] : memref<128x8xf32, #tpu.memory_space<vmem>> -> memref<128x8xf32, #tpu.memory_space<vmem>>
      %dma_start3A_183 = arith.constant 0 : i32
      %dma_start3A_184 = tpu.memref_slice %arg23[%add3A_36, %dma_start3A_183] : memref<10240x8xf32, #tpu.memory_space<vmem_shared>> -> memref<128x8xf32, #tpu.memory_space<vmem_shared>>
      %dma_start3A_185 = arith.constant 0 : i32
      %dma_start3A_186 = tpu.memref_slice %arg23[%add3A_36, %dma_start3A_185] : memref<10240x8xf32, #tpu.memory_space<vmem_shared>> -> memref<128x8xf32, #tpu.memory_space<vmem_shared>>
      %dma_start3A_187 = arith.constant 0 : i32
      %dma_start3A_188 = arith.constant 0 : i32
      %dma_start3A_189 = tpu.memref_slice %arg20[%dma_start3A_187, %dma_start3A_188] : memref<128x8xf32, #tpu.memory_space<vmem>> -> memref<128x8xf32, #tpu.memory_space<vmem>>
      tpu.enqueue_dma source(%dma_start3A_189 : memref<128x8xf32, #tpu.memory_space<vmem>>) target(%dma_start3A_186 : memref<128x8xf32, #tpu.memory_space<vmem_shared>>) target_semaphore(%run_scoped3A : memref<!tpu.dma_semaphore, #tpu.memory_space<semaphore_mem>>)
      %dma_wait3A = arith.constant 0 : i32
      %dma_wait3A_190 = arith.constant 0 : i32
      %dma_wait3A_191 = tpu.memref_slice %arg20[%dma_wait3A, %dma_wait3A_190] : memref<128x8xf32, #tpu.memory_space<vmem>> -> memref<128x8xf32, #tpu.memory_space<vmem>>
      %dma_wait3A_192 = arith.constant 0 : i32
      %dma_wait3A_193 = tpu.memref_slice %arg23[%add3A_36, %dma_wait3A_192] : memref<10240x8xf32, #tpu.memory_space<vmem_shared>> -> memref<128x8xf32, #tpu.memory_space<vmem_shared>>
      %dma_wait3A_194 = arith.constant 0 : i32
      %dma_wait3A_195 = tpu.memref_slice %arg23[%add3A_36, %dma_wait3A_194] : memref<10240x8xf32, #tpu.memory_space<vmem_shared>> -> memref<128x8xf32, #tpu.memory_space<vmem_shared>>
      %dma_wait3A_196 = arith.constant 0 : i32
      %dma_wait3A_197 = arith.constant 0 : i32
      %dma_wait3A_198 = tpu.memref_slice %arg20[%dma_wait3A_196, %dma_wait3A_197] : memref<128x8xf32, #tpu.memory_space<vmem>> -> memref<128x8xf32, #tpu.memory_space<vmem>>
      tpu.wait_dma2 semaphore(%run_scoped3A : memref<!tpu.dma_semaphore, #tpu.memory_space<semaphore_mem>>) src(%dma_wait3A_198 : memref<128x8xf32, #tpu.memory_space<vmem>>) dst(%dma_wait3A_195 : memref<128x8xf32, #tpu.memory_space<vmem_shared>>)
      tpu.yield
    }) : () -> ()
    %barrier3A = arith.constant 0 : index
    tpu.barrier barrier_id(%barrier3A)
    %scan3A_37 = arith.constant 0 : i32
    %scan3A_38 = arith.constant 0 : i32
    %scan3A_39 = arith.constant 40 : i32
    %scan3A_40 = arith.addi %scan3A_38, %scan3A_39 : i32
    %scan3A_41 = arith.constant 1 : i32
    %scan3A_42 = scf.for %scan3A_181 = %scan3A_38 to %scan3A_40 step %scan3A_41 iter_args(%scan3A_182 = %scan3A_37) -> (i32)  : i32 {
      %mul3A_183 = arith.constant 32 : i32
      %mul3A_184 = arith.muli %scan3A_181, %mul3A_183 : i32
      %add3A_185 = arith.addi %add3A, %mul3A_184 : i32
      %lt3A = arith.constant 1250 : i32
      %lt3A_186 = arith.cmpi slt, %add3A_185, %lt3A : i32
      %convert_element_type3A = arith.extui %lt3A_186 : i1 to i32
      %cond3A = arith.constant 0 : i32
      %cond3A_187 = arith.cmpi ne, %convert_element_type3A, %cond3A : i32
      scf.if %cond3A_187 {
        %mul3A_189 = arith.constant 128 : i32
        %mul3A_190 = arith.muli %add3A_185, %mul3A_189 : i32
        "tpu.region"() ({
          %run_scoped3A = tpu.sem_alloc : memref<!tpu.dma_semaphore, #tpu.memory_space<semaphore_mem>>
          %dma_start3A = tpu.memref_slice %arg8[%mul3A_190] : memref<160000xi32, #tpu.memory_space<hbm>> -> memref<128xi32, #tpu.memory_space<hbm>>
          %dma_start3A_891 = tpu.memref_slice %arg8[%mul3A_190] : memref<160000xi32, #tpu.memory_space<hbm>> -> memref<128xi32, #tpu.memory_space<hbm>>
          tpu.enqueue_dma source(%dma_start3A_891 : memref<128xi32, #tpu.memory_space<hbm>>) target(%arg14 : memref<128xi32, #tpu.memory_space<vmem>>) target_semaphore(%run_scoped3A : memref<!tpu.dma_semaphore, #tpu.memory_space<semaphore_mem>>)
          %dma_wait3A = tpu.memref_slice %arg8[%mul3A_190] : memref<160000xi32, #tpu.memory_space<hbm>> -> memref<128xi32, #tpu.memory_space<hbm>>
          %dma_wait3A_892 = tpu.memref_slice %arg8[%mul3A_190] : memref<160000xi32, #tpu.memory_space<hbm>> -> memref<128xi32, #tpu.memory_space<hbm>>
          tpu.wait_dma2 semaphore(%run_scoped3A : memref<!tpu.dma_semaphore, #tpu.memory_space<semaphore_mem>>) src(%dma_wait3A_892 : memref<128xi32, #tpu.memory_space<hbm>>) dst(%arg14 : memref<128xi32, #tpu.memory_space<vmem>>)
          tpu.yield
        }) : () -> ()
        "tpu.region"() ({
          %run_scoped3A = tpu.sem_alloc : memref<!tpu.dma_semaphore, #tpu.memory_space<semaphore_mem>>
          %dma_start3A = tpu.memref_slice %arg9[%mul3A_190] : memref<160000xi32, #tpu.memory_space<hbm>> -> memref<128xi32, #tpu.memory_space<hbm>>
          %dma_start3A_891 = tpu.memref_slice %arg9[%mul3A_190] : memref<160000xi32, #tpu.memory_space<hbm>> -> memref<128xi32, #tpu.memory_space<hbm>>
          tpu.enqueue_dma source(%dma_start3A_891 : memref<128xi32, #tpu.memory_space<hbm>>) target(%arg15 : memref<128xi32, #tpu.memory_space<vmem>>) target_semaphore(%run_scoped3A : memref<!tpu.dma_semaphore, #tpu.memory_space<semaphore_mem>>)
          %dma_wait3A = tpu.memref_slice %arg9[%mul3A_190] : memref<160000xi32, #tpu.memory_space<hbm>> -> memref<128xi32, #tpu.memory_space<hbm>>
          %dma_wait3A_892 = tpu.memref_slice %arg9[%mul3A_190] : memref<160000xi32, #tpu.memory_space<hbm>> -> memref<128xi32, #tpu.memory_space<hbm>>
          tpu.wait_dma2 semaphore(%run_scoped3A : memref<!tpu.dma_semaphore, #tpu.memory_space<semaphore_mem>>) src(%dma_wait3A_892 : memref<128xi32, #tpu.memory_space<hbm>>) dst(%arg15 : memref<128xi32, #tpu.memory_space<vmem>>)
          tpu.yield
        }) : () -> ()
        "tpu.region"() ({
          %run_scoped3A = tpu.sem_alloc : memref<!tpu.dma_semaphore, #tpu.memory_space<semaphore_mem>>
          %dma_start3A = arith.constant 0 : i32
          %dma_start3A_891 = tpu.memref_slice %arg6[%mul3A_190, %dma_start3A] : memref<160000x8xf32, #tpu.memory_space<hbm>> -> memref<128x8xf32, #tpu.memory_space<hbm>>
          %dma_start3A_892 = arith.constant 0 : i32
          %dma_start3A_893 = tpu.memref_slice %arg6[%mul3A_190, %dma_start3A_892] : memref<160000x8xf32, #tpu.memory_space<hbm>> -> memref<128x8xf32, #tpu.memory_space<hbm>>
          tpu.enqueue_dma source(%dma_start3A_893 : memref<128x8xf32, #tpu.memory_space<hbm>>) target(%arg16 : memref<128x8xf32, #tpu.memory_space<vmem>>) target_semaphore(%run_scoped3A : memref<!tpu.dma_semaphore, #tpu.memory_space<semaphore_mem>>)
          %dma_wait3A = arith.constant 0 : i32
          %dma_wait3A_894 = tpu.memref_slice %arg6[%mul3A_190, %dma_wait3A] : memref<160000x8xf32, #tpu.memory_space<hbm>> -> memref<128x8xf32, #tpu.memory_space<hbm>>
          %dma_wait3A_895 = arith.constant 0 : i32
          %dma_wait3A_896 = tpu.memref_slice %arg6[%mul3A_190, %dma_wait3A_895] : memref<160000x8xf32, #tpu.memory_space<hbm>> -> memref<128x8xf32, #tpu.memory_space<hbm>>
          tpu.wait_dma2 semaphore(%run_scoped3A : memref<!tpu.dma_semaphore, #tpu.memory_space<semaphore_mem>>) src(%dma_wait3A_896 : memref<128x8xf32, #tpu.memory_space<hbm>>) dst(%arg16 : memref<128x8xf32, #tpu.memory_space<vmem>>)
          tpu.yield
        }) : () -> ()
        "tpu.region"() ({
          %run_scoped3A = tpu.sem_alloc : memref<!tpu.dma_semaphore, #tpu.memory_space<semaphore_mem>>
          %dma_start3A = arith.constant 0 : i32
          %dma_start3A_891 = arith.constant 0 : i32
          %dma_start3A_892 = tpu.memref_slice %arg5[%dma_start3A, %dma_start3A_891] : memref<10000x8xf32, #tpu.memory_space<hbm>> -> memref<10000x8xf32, #tpu.memory_space<hbm>>
          tpu.enqueue_indirect_dma source(%dma_start3A_892 : memref<10000x8xf32, #tpu.memory_space<hbm>>) target(%arg17 : memref<128x8xf32, #tpu.memory_space<vmem>>) offsets(%arg14 : memref<128xi32, #tpu.memory_space<vmem>>) semaphore(%run_scoped3A : memref<!tpu.dma_semaphore, #tpu.memory_space<semaphore_mem>>)
          %dma_wait3A = arith.constant 0 : i32
          %dma_wait3A_893 = arith.constant 0 : i32
          %dma_wait3A_894 = tpu.memref_slice %arg5[%dma_wait3A, %dma_wait3A_893] : memref<10000x8xf32, #tpu.memory_space<hbm>> -> memref<10000x8xf32, #tpu.memory_space<hbm>>
          tpu.wait_indirect_dma semaphore(%run_scoped3A : memref<!tpu.dma_semaphore, #tpu.memory_space<semaphore_mem>>) src(%dma_wait3A_894 : memref<10000x8xf32, #tpu.memory_space<hbm>>) dst(%arg17 : memref<128x8xf32, #tpu.memory_space<vmem>>)
          tpu.yield
        }) : () -> ()
        "tpu.region"() ({
          %run_scoped3A = tpu.sem_alloc : memref<!tpu.dma_semaphore, #tpu.memory_space<semaphore_mem>>
          %dma_start3A = arith.constant 0 : i32
          %dma_start3A_891 = arith.constant 0 : i32
          %dma_start3A_892 = tpu.memref_slice %arg5[%dma_start3A, %dma_start3A_891] : memref<10000x8xf32, #tpu.memory_space<hbm>> -> memref<10000x8xf32, #tpu.memory_space<hbm>>
          tpu.enqueue_indirect_dma source(%dma_start3A_892 : memref<10000x8xf32, #tpu.memory_space<hbm>>) target(%arg18 : memref<128x8xf32, #tpu.memory_space<vmem>>) offsets(%arg15 : memref<128xi32, #tpu.memory_space<vmem>>) semaphore(%run_scoped3A : memref<!tpu.dma_semaphore, #tpu.memory_space<semaphore_mem>>)
          %dma_wait3A = arith.constant 0 : i32
          %dma_wait3A_893 = arith.constant 0 : i32
          %dma_wait3A_894 = tpu.memref_slice %arg5[%dma_wait3A, %dma_wait3A_893] : memref<10000x8xf32, #tpu.memory_space<hbm>> -> memref<10000x8xf32, #tpu.memory_space<hbm>>
          tpu.wait_indirect_dma semaphore(%run_scoped3A : memref<!tpu.dma_semaphore, #tpu.memory_space<semaphore_mem>>) src(%dma_wait3A_894 : memref<10000x8xf32, #tpu.memory_space<hbm>>) dst(%arg18 : memref<128x8xf32, #tpu.memory_space<vmem>>)
          tpu.yield
        }) : () -> ()
        "tpu.region"() ({
          %run_scoped3A = tpu.sem_alloc : memref<!tpu.dma_semaphore, #tpu.memory_space<semaphore_mem>>
          %dma_start3A = arith.constant 0 : i32
          %dma_start3A_891 = arith.constant 0 : i32
          %dma_start3A_892 = tpu.memref_slice %arg2[%dma_start3A, %dma_start3A_891] : memref<10000x128xf32, #tpu.memory_space<hbm>> -> memref<10000x128xf32, #tpu.memory_space<hbm>>
          tpu.enqueue_indirect_dma source(%dma_start3A_892 : memref<10000x128xf32, #tpu.memory_space<hbm>>) target(%arg21 : memref<128x128xf32, #tpu.memory_space<vmem>>) offsets(%arg14 : memref<128xi32, #tpu.memory_space<vmem>>) semaphore(%run_scoped3A : memref<!tpu.dma_semaphore, #tpu.memory_space<semaphore_mem>>)
          %dma_wait3A = arith.constant 0 : i32
          %dma_wait3A_893 = arith.constant 0 : i32
          %dma_wait3A_894 = tpu.memref_slice %arg2[%dma_wait3A, %dma_wait3A_893] : memref<10000x128xf32, #tpu.memory_space<hbm>> -> memref<10000x128xf32, #tpu.memory_space<hbm>>
          tpu.wait_indirect_dma semaphore(%run_scoped3A : memref<!tpu.dma_semaphore, #tpu.memory_space<semaphore_mem>>) src(%dma_wait3A_894 : memref<10000x128xf32, #tpu.memory_space<hbm>>) dst(%arg21 : memref<128x128xf32, #tpu.memory_space<vmem>>)
          tpu.yield
        }) : () -> ()
        %add3A_191 = arith.constant 0 : i32
        %add3A_192 = vector.broadcast %add3A_191 : i32 to vector<16xi32>
        %add3A_193 = arith.addi %iota3A, %add3A_192 : vector<16xi32>
        %broadcast_in_dim3A_194 = arith.constant 0 : i32
        %broadcast_in_dim3A_195 = vector.broadcast %broadcast_in_dim3A_194 : i32 to vector<16xi32>
        %gather3A = tpu.vector_load_idx %arg17[%add3A_193, %broadcast_in_dim3A_195] : memref<128x8xf32, #tpu.memory_space<vmem>>[vector<16xi32>, vector<16xi32>], vector<16xf32>,
        %add3A_196 = arith.constant 4 : i32
        %add3A_197 = vector.broadcast %add3A_196 : i32 to vector<16xi32>
        %add3A_198 = arith.addi %broadcast_in_dim3A_195, %add3A_197 : vector<16xi32>
        %gather3A_199 = tpu.vector_load_idx %arg18[%add3A_193, %add3A_198] : memref<128x8xf32, #tpu.memory_space<vmem>>[vector<16xi32>, vector<16xi32>], vector<16xf32>,
        %gather3A_200 = tpu.vector_load_idx %arg16[%add3A_193, %broadcast_in_dim3A_195] : memref<128x8xf32, #tpu.memory_space<vmem>>[vector<16xi32>, vector<16xi32>], vector<16xf32>,
        %add3A_201 = arith.addf %gather3A, %gather3A_199 : vector<16xf32>
        %add3A_202 = arith.addf %add3A_201, %gather3A_200 : vector<16xf32>
        %mul3A_203 = arith.constant 2.000000e-01 : f32
        %mul3A_204 = vector.broadcast %mul3A_203 : f32 to vector<16xf32>
        %mul3A_205 = arith.mulf %add3A_202, %mul3A_204 : vector<16xf32>
        %max3A = arith.maximumf %add3A_202, %mul3A_205 : vector<16xf32>
        %exp3A = math.exp %max3A : vector<16xf32>
        %mul3A_206 = arith.constant 4 : i32
        %mul3A_207 = vector.broadcast %mul3A_206 : i32 to vector<16xi32>
        %mul3A_208 = arith.muli %add3A_193, %mul3A_207 : vector<16xi32>
        %add3A_209 = arith.constant 0 : i32
        %add3A_210 = vector.broadcast %add3A_209 : i32 to vector<16xi32>
        %add3A_211 = arith.addi %mul3A_208, %add3A_210 : vector<16xi32>
        tpu.vector_store_idx %arg19[%add3A_211], %exp3A : memref<512xf32, #tpu.memory_space<vmem>>[vector<16xi32>], vector<16xf32>,
        tpu.vector_store_idx %arg20[%add3A_193, %broadcast_in_dim3A_195], %exp3A : memref<128x8xf32, #tpu.memory_space<vmem>>[vector<16xi32>, vector<16xi32>], vector<16xf32>,
        %broadcast_in_dim3A_212 = arith.constant 1 : i32
        %broadcast_in_dim3A_213 = vector.broadcast %broadcast_in_dim3A_212 : i32 to vector<16xi32>
        %gather3A_214 = tpu.vector_load_idx %arg17[%add3A_193, %broadcast_in_dim3A_213] : memref<128x8xf32, #tpu.memory_space<vmem>>[vector<16xi32>, vector<16xi32>], vector<16xf32>,
        %add3A_215 = arith.constant 4 : i32
        %add3A_216 = vector.broadcast %add3A_215 : i32 to vector<16xi32>
        %add3A_217 = arith.addi %broadcast_in_dim3A_213, %add3A_216 : vector<16xi32>
        %gather3A_218 = tpu.vector_load_idx %arg18[%add3A_193, %add3A_217] : memref<128x8xf32, #tpu.memory_space<vmem>>[vector<16xi32>, vector<16xi32>], vector<16xf32>,
        %gather3A_219 = tpu.vector_load_idx %arg16[%add3A_193, %broadcast_in_dim3A_213] : memref<128x8xf32, #tpu.memory_space<vmem>>[vector<16xi32>, vector<16xi32>], vector<16xf32>,
        %add3A_220 = arith.addf %gather3A_214, %gather3A_218 : vector<16xf32>
        %add3A_221 = arith.addf %add3A_220, %gather3A_219 : vector<16xf32>
        %mul3A_222 = arith.constant 2.000000e-01 : f32
        %mul3A_223 = vector.broadcast %mul3A_222 : f32 to vector<16xf32>
        %mul3A_224 = arith.mulf %add3A_221, %mul3A_223 : vector<16xf32>
        %max3A_225 = arith.maximumf %add3A_221, %mul3A_224 : vector<16xf32>
        %exp3A_226 = math.exp %max3A_225 : vector<16xf32>
        %mul3A_227 = arith.constant 4 : i32
        %mul3A_228 = vector.broadcast %mul3A_227 : i32 to vector<16xi32>
        %mul3A_229 = arith.muli %add3A_193, %mul3A_228 : vector<16xi32>
        %add3A_230 = arith.constant 1 : i32
        %add3A_231 = vector.broadcast %add3A_230 : i32 to vector<16xi32>
        %add3A_232 = arith.addi %mul3A_229, %add3A_231 : vector<16xi32>
        tpu.vector_store_idx %arg19[%add3A_232], %exp3A_226 : memref<512xf32, #tpu.memory_space<vmem>>[vector<16xi32>], vector<16xf32>,
        tpu.vector_store_idx %arg20[%add3A_193, %broadcast_in_dim3A_213], %exp3A_226 : memref<128x8xf32, #tpu.memory_space<vmem>>[vector<16xi32>, vector<16xi32>], vector<16xf32>,
        %broadcast_in_dim3A_233 = arith.constant 2 : i32
        %broadcast_in_dim3A_234 = vector.broadcast %broadcast_in_dim3A_233 : i32 to vector<16xi32>
        %gather3A_235 = tpu.vector_load_idx %arg17[%add3A_193, %broadcast_in_dim3A_234] : memref<128x8xf32, #tpu.memory_space<vmem>>[vector<16xi32>, vector<16xi32>], vector<16xf32>,
        %add3A_236 = arith.constant 4 : i32
        %add3A_237 = vector.broadcast %add3A_236 : i32 to vector<16xi32>
        %add3A_238 = arith.addi %broadcast_in_dim3A_234, %add3A_237 : vector<16xi32>
        %gather3A_239 = tpu.vector_load_idx %arg18[%add3A_193, %add3A_238] : memref<128x8xf32, #tpu.memory_space<vmem>>[vector<16xi32>, vector<16xi32>], vector<16xf32>,
        %gather3A_240 = tpu.vector_load_idx %arg16[%add3A_193, %broadcast_in_dim3A_234] : memref<128x8xf32, #tpu.memory_space<vmem>>[vector<16xi32>, vector<16xi32>], vector<16xf32>,
        %add3A_241 = arith.addf %gather3A_235, %gather3A_239 : vector<16xf32>
        %add3A_242 = arith.addf %add3A_241, %gather3A_240 : vector<16xf32>
        %mul3A_243 = arith.constant 2.000000e-01 : f32
        %mul3A_244 = vector.broadcast %mul3A_243 : f32 to vector<16xf32>
        %mul3A_245 = arith.mulf %add3A_242, %mul3A_244 : vector<16xf32>
        %max3A_246 = arith.maximumf %add3A_242, %mul3A_245 : vector<16xf32>
        %exp3A_247 = math.exp %max3A_246 : vector<16xf32>
        %mul3A_248 = arith.constant 4 : i32
        %mul3A_249 = vector.broadcast %mul3A_248 : i32 to vector<16xi32>
        %mul3A_250 = arith.muli %add3A_193, %mul3A_249 : vector<16xi32>
        %add3A_251 = arith.constant 2 : i32
        %add3A_252 = vector.broadcast %add3A_251 : i32 to vector<16xi32>
        %add3A_253 = arith.addi %mul3A_250, %add3A_252 : vector<16xi32>
        tpu.vector_store_idx %arg19[%add3A_253], %exp3A_247 : memref<512xf32, #tpu.memory_space<vmem>>[vector<16xi32>], vector<16xf32>,
        tpu.vector_store_idx %arg20[%add3A_193, %broadcast_in_dim3A_234], %exp3A_247 : memref<128x8xf32, #tpu.memory_space<vmem>>[vector<16xi32>, vector<16xi32>], vector<16xf32>,
        %broadcast_in_dim3A_254 = arith.constant 3 : i32
        %broadcast_in_dim3A_255 = vector.broadcast %broadcast_in_dim3A_254 : i32 to vector<16xi32>
        %gather3A_256 = tpu.vector_load_idx %arg17[%add3A_193, %broadcast_in_dim3A_255] : memref<128x8xf32, #tpu.memory_space<vmem>>[vector<16xi32>, vector<16xi32>], vector<16xf32>,
        %add3A_257 = arith.constant 4 : i32
        %add3A_258 = vector.broadcast %add3A_257 : i32 to vector<16xi32>
        %add3A_259 = arith.addi %broadcast_in_dim3A_255, %add3A_258 : vector<16xi32>
        %gather3A_260 = tpu.vector_load_idx %arg18[%add3A_193, %add3A_259] : memref<128x8xf32, #tpu.memory_space<vmem>>[vector<16xi32>, vector<16xi32>], vector<16xf32>,
        %gather3A_261 = tpu.vector_load_idx %arg16[%add3A_193, %broadcast_in_dim3A_255] : memref<128x8xf32, #tpu.memory_space<vmem>>[vector<16xi32>, vector<16xi32>], vector<16xf32>,
        %add3A_262 = arith.addf %gather3A_256, %gather3A_260 : vector<16xf32>
        %add3A_263 = arith.addf %add3A_262, %gather3A_261 : vector<16xf32>
        %mul3A_264 = arith.constant 2.000000e-01 : f32
        %mul3A_265 = vector.broadcast %mul3A_264 : f32 to vector<16xf32>
        %mul3A_266 = arith.mulf %add3A_263, %mul3A_265 : vector<16xf32>
        %max3A_267 = arith.maximumf %add3A_263, %mul3A_266 : vector<16xf32>
        %exp3A_268 = math.exp %max3A_267 : vector<16xf32>
        %mul3A_269 = arith.constant 4 : i32
        %mul3A_270 = vector.broadcast %mul3A_269 : i32 to vector<16xi32>
        %mul3A_271 = arith.muli %add3A_193, %mul3A_270 : vector<16xi32>
        %add3A_272 = arith.constant 3 : i32
        %add3A_273 = vector.broadcast %add3A_272 : i32 to vector<16xi32>
        %add3A_274 = arith.addi %mul3A_271, %add3A_273 : vector<16xi32>
        tpu.vector_store_idx %arg19[%add3A_274], %exp3A_268 : memref<512xf32, #tpu.memory_space<vmem>>[vector<16xi32>], vector<16xf32>,
        tpu.vector_store_idx %arg20[%add3A_193, %broadcast_in_dim3A_255], %exp3A_268 : memref<128x8xf32, #tpu.memory_space<vmem>>[vector<16xi32>, vector<16xi32>], vector<16xf32>,
        %add3A_275 = arith.constant 16 : i32
        %add3A_276 = vector.broadcast %add3A_275 : i32 to vector<16xi32>
        %add3A_277 = arith.addi %iota3A, %add3A_276 : vector<16xi32>
        %broadcast_in_dim3A_278 = arith.constant 0 : i32
        %broadcast_in_dim3A_279 = vector.broadcast %broadcast_in_dim3A_278 : i32 to vector<16xi32>
        %gather3A_280 = tpu.vector_load_idx %arg17[%add3A_277, %broadcast_in_dim3A_279] : memref<128x8xf32, #tpu.memory_space<vmem>>[vector<16xi32>, vector<16xi32>], vector<16xf32>,
        %add3A_281 = arith.constant 4 : i32
        %add3A_282 = vector.broadcast %add3A_281 : i32 to vector<16xi32>
        %add3A_283 = arith.addi %broadcast_in_dim3A_279, %add3A_282 : vector<16xi32>
        %gather3A_284 = tpu.vector_load_idx %arg18[%add3A_277, %add3A_283] : memref<128x8xf32, #tpu.memory_space<vmem>>[vector<16xi32>, vector<16xi32>], vector<16xf32>,
        %gather3A_285 = tpu.vector_load_idx %arg16[%add3A_277, %broadcast_in_dim3A_279] : memref<128x8xf32, #tpu.memory_space<vmem>>[vector<16xi32>, vector<16xi32>], vector<16xf32>,
        %add3A_286 = arith.addf %gather3A_280, %gather3A_284 : vector<16xf32>
        %add3A_287 = arith.addf %add3A_286, %gather3A_285 : vector<16xf32>
        %mul3A_288 = arith.constant 2.000000e-01 : f32
        %mul3A_289 = vector.broadcast %mul3A_288 : f32 to vector<16xf32>
        %mul3A_290 = arith.mulf %add3A_287, %mul3A_289 : vector<16xf32>
        %max3A_291 = arith.maximumf %add3A_287, %mul3A_290 : vector<16xf32>
        %exp3A_292 = math.exp %max3A_291 : vector<16xf32>
        %mul3A_293 = arith.constant 4 : i32
        %mul3A_294 = vector.broadcast %mul3A_293 : i32 to vector<16xi32>
        %mul3A_295 = arith.muli %add3A_277, %mul3A_294 : vector<16xi32>
        %add3A_296 = arith.constant 0 : i32
        %add3A_297 = vector.broadcast %add3A_296 : i32 to vector<16xi32>
        %add3A_298 = arith.addi %mul3A_295, %add3A_297 : vector<16xi32>
        tpu.vector_store_idx %arg19[%add3A_298], %exp3A_292 : memref<512xf32, #tpu.memory_space<vmem>>[vector<16xi32>], vector<16xf32>,
        tpu.vector_store_idx %arg20[%add3A_277, %broadcast_in_dim3A_279], %exp3A_292 : memref<128x8xf32, #tpu.memory_space<vmem>>[vector<16xi32>, vector<16xi32>], vector<16xf32>,
        %broadcast_in_dim3A_299 = arith.constant 1 : i32
        %broadcast_in_dim3A_300 = vector.broadcast %broadcast_in_dim3A_299 : i32 to vector<16xi32>
        %gather3A_301 = tpu.vector_load_idx %arg17[%add3A_277, %broadcast_in_dim3A_300] : memref<128x8xf32, #tpu.memory_space<vmem>>[vector<16xi32>, vector<16xi32>], vector<16xf32>,
        %add3A_302 = arith.constant 4 : i32
        %add3A_303 = vector.broadcast %add3A_302 : i32 to vector<16xi32>
        %add3A_304 = arith.addi %broadcast_in_dim3A_300, %add3A_303 : vector<16xi32>
        %gather3A_305 = tpu.vector_load_idx %arg18[%add3A_277, %add3A_304] : memref<128x8xf32, #tpu.memory_space<vmem>>[vector<16xi32>, vector<16xi32>], vector<16xf32>,
        %gather3A_306 = tpu.vector_load_idx %arg16[%add3A_277, %broadcast_in_dim3A_300] : memref<128x8xf32, #tpu.memory_space<vmem>>[vector<16xi32>, vector<16xi32>], vector<16xf32>,
        %add3A_307 = arith.addf %gather3A_301, %gather3A_305 : vector<16xf32>
        %add3A_308 = arith.addf %add3A_307, %gather3A_306 : vector<16xf32>
        %mul3A_309 = arith.constant 2.000000e-01 : f32
        %mul3A_310 = vector.broadcast %mul3A_309 : f32 to vector<16xf32>
        %mul3A_311 = arith.mulf %add3A_308, %mul3A_310 : vector<16xf32>
        %max3A_312 = arith.maximumf %add3A_308, %mul3A_311 : vector<16xf32>
        %exp3A_313 = math.exp %max3A_312 : vector<16xf32>
        %mul3A_314 = arith.constant 4 : i32
        %mul3A_315 = vector.broadcast %mul3A_314 : i32 to vector<16xi32>
        %mul3A_316 = arith.muli %add3A_277, %mul3A_315 : vector<16xi32>
        %add3A_317 = arith.constant 1 : i32
        %add3A_318 = vector.broadcast %add3A_317 : i32 to vector<16xi32>
        %add3A_319 = arith.addi %mul3A_316, %add3A_318 : vector<16xi32>
        tpu.vector_store_idx %arg19[%add3A_319], %exp3A_313 : memref<512xf32, #tpu.memory_space<vmem>>[vector<16xi32>], vector<16xf32>,
        tpu.vector_store_idx %arg20[%add3A_277, %broadcast_in_dim3A_300], %exp3A_313 : memref<128x8xf32, #tpu.memory_space<vmem>>[vector<16xi32>, vector<16xi32>], vector<16xf32>,
        %broadcast_in_dim3A_320 = arith.constant 2 : i32
        %broadcast_in_dim3A_321 = vector.broadcast %broadcast_in_dim3A_320 : i32 to vector<16xi32>
        %gather3A_322 = tpu.vector_load_idx %arg17[%add3A_277, %broadcast_in_dim3A_321] : memref<128x8xf32, #tpu.memory_space<vmem>>[vector<16xi32>, vector<16xi32>], vector<16xf32>,
        %add3A_323 = arith.constant 4 : i32
        %add3A_324 = vector.broadcast %add3A_323 : i32 to vector<16xi32>
        %add3A_325 = arith.addi %broadcast_in_dim3A_321, %add3A_324 : vector<16xi32>
        %gather3A_326 = tpu.vector_load_idx %arg18[%add3A_277, %add3A_325] : memref<128x8xf32, #tpu.memory_space<vmem>>[vector<16xi32>, vector<16xi32>], vector<16xf32>,
        %gather3A_327 = tpu.vector_load_idx %arg16[%add3A_277, %broadcast_in_dim3A_321] : memref<128x8xf32, #tpu.memory_space<vmem>>[vector<16xi32>, vector<16xi32>], vector<16xf32>,
        %add3A_328 = arith.addf %gather3A_322, %gather3A_326 : vector<16xf32>
        %add3A_329 = arith.addf %add3A_328, %gather3A_327 : vector<16xf32>
        %mul3A_330 = arith.constant 2.000000e-01 : f32
        %mul3A_331 = vector.broadcast %mul3A_330 : f32 to vector<16xf32>
        %mul3A_332 = arith.mulf %add3A_329, %mul3A_331 : vector<16xf32>
        %max3A_333 = arith.maximumf %add3A_329, %mul3A_332 : vector<16xf32>
        %exp3A_334 = math.exp %max3A_333 : vector<16xf32>
        %mul3A_335 = arith.constant 4 : i32
        %mul3A_336 = vector.broadcast %mul3A_335 : i32 to vector<16xi32>
        %mul3A_337 = arith.muli %add3A_277, %mul3A_336 : vector<16xi32>
        %add3A_338 = arith.constant 2 : i32
        %add3A_339 = vector.broadcast %add3A_338 : i32 to vector<16xi32>
        %add3A_340 = arith.addi %mul3A_337, %add3A_339 : vector<16xi32>
        tpu.vector_store_idx %arg19[%add3A_340], %exp3A_334 : memref<512xf32, #tpu.memory_space<vmem>>[vector<16xi32>], vector<16xf32>,
        tpu.vector_store_idx %arg20[%add3A_277, %broadcast_in_dim3A_321], %exp3A_334 : memref<128x8xf32, #tpu.memory_space<vmem>>[vector<16xi32>, vector<16xi32>], vector<16xf32>,
        %broadcast_in_dim3A_341 = arith.constant 3 : i32
        %broadcast_in_dim3A_342 = vector.broadcast %broadcast_in_dim3A_341 : i32 to vector<16xi32>
        %gather3A_343 = tpu.vector_load_idx %arg17[%add3A_277, %broadcast_in_dim3A_342] : memref<128x8xf32, #tpu.memory_space<vmem>>[vector<16xi32>, vector<16xi32>], vector<16xf32>,
        %add3A_344 = arith.constant 4 : i32
        %add3A_345 = vector.broadcast %add3A_344 : i32 to vector<16xi32>
        %add3A_346 = arith.addi %broadcast_in_dim3A_342, %add3A_345 : vector<16xi32>
        %gather3A_347 = tpu.vector_load_idx %arg18[%add3A_277, %add3A_346] : memref<128x8xf32, #tpu.memory_space<vmem>>[vector<16xi32>, vector<16xi32>], vector<16xf32>,
        %gather3A_348 = tpu.vector_load_idx %arg16[%add3A_277, %broadcast_in_dim3A_342] : memref<128x8xf32, #tpu.memory_space<vmem>>[vector<16xi32>, vector<16xi32>], vector<16xf32>,
        %add3A_349 = arith.addf %gather3A_343, %gather3A_347 : vector<16xf32>
        %add3A_350 = arith.addf %add3A_349, %gather3A_348 : vector<16xf32>
        %mul3A_351 = arith.constant 2.000000e-01 : f32
        %mul3A_352 = vector.broadcast %mul3A_351 : f32 to vector<16xf32>
        %mul3A_353 = arith.mulf %add3A_350, %mul3A_352 : vector<16xf32>
        %max3A_354 = arith.maximumf %add3A_350, %mul3A_353 : vector<16xf32>
        %exp3A_355 = math.exp %max3A_354 : vector<16xf32>
        %mul3A_356 = arith.constant 4 : i32
        %mul3A_357 = vector.broadcast %mul3A_356 : i32 to vector<16xi32>
        %mul3A_358 = arith.muli %add3A_277, %mul3A_357 : vector<16xi32>
        %add3A_359 = arith.constant 3 : i32
        %add3A_360 = vector.broadcast %add3A_359 : i32 to vector<16xi32>
        %add3A_361 = arith.addi %mul3A_358, %add3A_360 : vector<16xi32>
        tpu.vector_store_idx %arg19[%add3A_361], %exp3A_355 : memref<512xf32, #tpu.memory_space<vmem>>[vector<16xi32>], vector<16xf32>,
        tpu.vector_store_idx %arg20[%add3A_277, %broadcast_in_dim3A_342], %exp3A_355 : memref<128x8xf32, #tpu.memory_space<vmem>>[vector<16xi32>, vector<16xi32>], vector<16xf32>,
        %add3A_362 = arith.constant 32 : i32
        %add3A_363 = vector.broadcast %add3A_362 : i32 to vector<16xi32>
        %add3A_364 = arith.addi %iota3A, %add3A_363 : vector<16xi32>
        %broadcast_in_dim3A_365 = arith.constant 0 : i32
        %broadcast_in_dim3A_366 = vector.broadcast %broadcast_in_dim3A_365 : i32 to vector<16xi32>
        %gather3A_367 = tpu.vector_load_idx %arg17[%add3A_364, %broadcast_in_dim3A_366] : memref<128x8xf32, #tpu.memory_space<vmem>>[vector<16xi32>, vector<16xi32>], vector<16xf32>,
        %add3A_368 = arith.constant 4 : i32
        %add3A_369 = vector.broadcast %add3A_368 : i32 to vector<16xi32>
        %add3A_370 = arith.addi %broadcast_in_dim3A_366, %add3A_369 : vector<16xi32>
        %gather3A_371 = tpu.vector_load_idx %arg18[%add3A_364, %add3A_370] : memref<128x8xf32, #tpu.memory_space<vmem>>[vector<16xi32>, vector<16xi32>], vector<16xf32>,
        %gather3A_372 = tpu.vector_load_idx %arg16[%add3A_364, %broadcast_in_dim3A_366] : memref<128x8xf32, #tpu.memory_space<vmem>>[vector<16xi32>, vector<16xi32>], vector<16xf32>,
        %add3A_373 = arith.addf %gather3A_367, %gather3A_371 : vector<16xf32>
        %add3A_374 = arith.addf %add3A_373, %gather3A_372 : vector<16xf32>
        %mul3A_375 = arith.constant 2.000000e-01 : f32
        %mul3A_376 = vector.broadcast %mul3A_375 : f32 to vector<16xf32>
        %mul3A_377 = arith.mulf %add3A_374, %mul3A_376 : vector<16xf32>
        %max3A_378 = arith.maximumf %add3A_374, %mul3A_377 : vector<16xf32>
        %exp3A_379 = math.exp %max3A_378 : vector<16xf32>
        %mul3A_380 = arith.constant 4 : i32
        %mul3A_381 = vector.broadcast %mul3A_380 : i32 to vector<16xi32>
        %mul3A_382 = arith.muli %add3A_364, %mul3A_381 : vector<16xi32>
        %add3A_383 = arith.constant 0 : i32
        %add3A_384 = vector.broadcast %add3A_383 : i32 to vector<16xi32>
        %add3A_385 = arith.addi %mul3A_382, %add3A_384 : vector<16xi32>
        tpu.vector_store_idx %arg19[%add3A_385], %exp3A_379 : memref<512xf32, #tpu.memory_space<vmem>>[vector<16xi32>], vector<16xf32>,
        tpu.vector_store_idx %arg20[%add3A_364, %broadcast_in_dim3A_366], %exp3A_379 : memref<128x8xf32, #tpu.memory_space<vmem>>[vector<16xi32>, vector<16xi32>], vector<16xf32>,
        %broadcast_in_dim3A_386 = arith.constant 1 : i32
        %broadcast_in_dim3A_387 = vector.broadcast %broadcast_in_dim3A_386 : i32 to vector<16xi32>
        %gather3A_388 = tpu.vector_load_idx %arg17[%add3A_364, %broadcast_in_dim3A_387] : memref<128x8xf32, #tpu.memory_space<vmem>>[vector<16xi32>, vector<16xi32>], vector<16xf32>,
        %add3A_389 = arith.constant 4 : i32
        %add3A_390 = vector.broadcast %add3A_389 : i32 to vector<16xi32>
        %add3A_391 = arith.addi %broadcast_in_dim3A_387, %add3A_390 : vector<16xi32>
        %gather3A_392 = tpu.vector_load_idx %arg18[%add3A_364, %add3A_391] : memref<128x8xf32, #tpu.memory_space<vmem>>[vector<16xi32>, vector<16xi32>], vector<16xf32>,
        %gather3A_393 = tpu.vector_load_idx %arg16[%add3A_364, %broadcast_in_dim3A_387] : memref<128x8xf32, #tpu.memory_space<vmem>>[vector<16xi32>, vector<16xi32>], vector<16xf32>,
        %add3A_394 = arith.addf %gather3A_388, %gather3A_392 : vector<16xf32>
        %add3A_395 = arith.addf %add3A_394, %gather3A_393 : vector<16xf32>
        %mul3A_396 = arith.constant 2.000000e-01 : f32
        %mul3A_397 = vector.broadcast %mul3A_396 : f32 to vector<16xf32>
        %mul3A_398 = arith.mulf %add3A_395, %mul3A_397 : vector<16xf32>
        %max3A_399 = arith.maximumf %add3A_395, %mul3A_398 : vector<16xf32>
        %exp3A_400 = math.exp %max3A_399 : vector<16xf32>
        %mul3A_401 = arith.constant 4 : i32
        %mul3A_402 = vector.broadcast %mul3A_401 : i32 to vector<16xi32>
        %mul3A_403 = arith.muli %add3A_364, %mul3A_402 : vector<16xi32>
        %add3A_404 = arith.constant 1 : i32
        %add3A_405 = vector.broadcast %add3A_404 : i32 to vector<16xi32>
        %add3A_406 = arith.addi %mul3A_403, %add3A_405 : vector<16xi32>
        tpu.vector_store_idx %arg19[%add3A_406], %exp3A_400 : memref<512xf32, #tpu.memory_space<vmem>>[vector<16xi32>], vector<16xf32>,
        tpu.vector_store_idx %arg20[%add3A_364, %broadcast_in_dim3A_387], %exp3A_400 : memref<128x8xf32, #tpu.memory_space<vmem>>[vector<16xi32>, vector<16xi32>], vector<16xf32>,
        %broadcast_in_dim3A_407 = arith.constant 2 : i32
        %broadcast_in_dim3A_408 = vector.broadcast %broadcast_in_dim3A_407 : i32 to vector<16xi32>
        %gather3A_409 = tpu.vector_load_idx %arg17[%add3A_364, %broadcast_in_dim3A_408] : memref<128x8xf32, #tpu.memory_space<vmem>>[vector<16xi32>, vector<16xi32>], vector<16xf32>,
        %add3A_410 = arith.constant 4 : i32
        %add3A_411 = vector.broadcast %add3A_410 : i32 to vector<16xi32>
        %add3A_412 = arith.addi %broadcast_in_dim3A_408, %add3A_411 : vector<16xi32>
        %gather3A_413 = tpu.vector_load_idx %arg18[%add3A_364, %add3A_412] : memref<128x8xf32, #tpu.memory_space<vmem>>[vector<16xi32>, vector<16xi32>], vector<16xf32>,
        %gather3A_414 = tpu.vector_load_idx %arg16[%add3A_364, %broadcast_in_dim3A_408] : memref<128x8xf32, #tpu.memory_space<vmem>>[vector<16xi32>, vector<16xi32>], vector<16xf32>,
        %add3A_415 = arith.addf %gather3A_409, %gather3A_413 : vector<16xf32>
        %add3A_416 = arith.addf %add3A_415, %gather3A_414 : vector<16xf32>
        %mul3A_417 = arith.constant 2.000000e-01 : f32
        %mul3A_418 = vector.broadcast %mul3A_417 : f32 to vector<16xf32>
        %mul3A_419 = arith.mulf %add3A_416, %mul3A_418 : vector<16xf32>
        %max3A_420 = arith.maximumf %add3A_416, %mul3A_419 : vector<16xf32>
        %exp3A_421 = math.exp %max3A_420 : vector<16xf32>
        %mul3A_422 = arith.constant 4 : i32
        %mul3A_423 = vector.broadcast %mul3A_422 : i32 to vector<16xi32>
        %mul3A_424 = arith.muli %add3A_364, %mul3A_423 : vector<16xi32>
        %add3A_425 = arith.constant 2 : i32
        %add3A_426 = vector.broadcast %add3A_425 : i32 to vector<16xi32>
        %add3A_427 = arith.addi %mul3A_424, %add3A_426 : vector<16xi32>
        tpu.vector_store_idx %arg19[%add3A_427], %exp3A_421 : memref<512xf32, #tpu.memory_space<vmem>>[vector<16xi32>], vector<16xf32>,
        tpu.vector_store_idx %arg20[%add3A_364, %broadcast_in_dim3A_408], %exp3A_421 : memref<128x8xf32, #tpu.memory_space<vmem>>[vector<16xi32>, vector<16xi32>], vector<16xf32>,
        %broadcast_in_dim3A_428 = arith.constant 3 : i32
        %broadcast_in_dim3A_429 = vector.broadcast %broadcast_in_dim3A_428 : i32 to vector<16xi32>
        %gather3A_430 = tpu.vector_load_idx %arg17[%add3A_364, %broadcast_in_dim3A_429] : memref<128x8xf32, #tpu.memory_space<vmem>>[vector<16xi32>, vector<16xi32>], vector<16xf32>,
        %add3A_431 = arith.constant 4 : i32
        %add3A_432 = vector.broadcast %add3A_431 : i32 to vector<16xi32>
        %add3A_433 = arith.addi %broadcast_in_dim3A_429, %add3A_432 : vector<16xi32>
        %gather3A_434 = tpu.vector_load_idx %arg18[%add3A_364, %add3A_433] : memref<128x8xf32, #tpu.memory_space<vmem>>[vector<16xi32>, vector<16xi32>], vector<16xf32>,
        %gather3A_435 = tpu.vector_load_idx %arg16[%add3A_364, %broadcast_in_dim3A_429] : memref<128x8xf32, #tpu.memory_space<vmem>>[vector<16xi32>, vector<16xi32>], vector<16xf32>,
        %add3A_436 = arith.addf %gather3A_430, %gather3A_434 : vector<16xf32>
        %add3A_437 = arith.addf %add3A_436, %gather3A_435 : vector<16xf32>
        %mul3A_438 = arith.constant 2.000000e-01 : f32
        %mul3A_439 = vector.broadcast %mul3A_438 : f32 to vector<16xf32>
        %mul3A_440 = arith.mulf %add3A_437, %mul3A_439 : vector<16xf32>
        %max3A_441 = arith.maximumf %add3A_437, %mul3A_440 : vector<16xf32>
        %exp3A_442 = math.exp %max3A_441 : vector<16xf32>
        %mul3A_443 = arith.constant 4 : i32
        %mul3A_444 = vector.broadcast %mul3A_443 : i32 to vector<16xi32>
        %mul3A_445 = arith.muli %add3A_364, %mul3A_444 : vector<16xi32>
        %add3A_446 = arith.constant 3 : i32
        %add3A_447 = vector.broadcast %add3A_446 : i32 to vector<16xi32>
        %add3A_448 = arith.addi %mul3A_445, %add3A_447 : vector<16xi32>
        tpu.vector_store_idx %arg19[%add3A_448], %exp3A_442 : memref<512xf32, #tpu.memory_space<vmem>>[vector<16xi32>], vector<16xf32>,
        tpu.vector_store_idx %arg20[%add3A_364, %broadcast_in_dim3A_429], %exp3A_442 : memref<128x8xf32, #tpu.memory_space<vmem>>[vector<16xi32>, vector<16xi32>], vector<16xf32>,
        %add3A_449 = arith.constant 48 : i32
        %add3A_450 = vector.broadcast %add3A_449 : i32 to vector<16xi32>
        %add3A_451 = arith.addi %iota3A, %add3A_450 : vector<16xi32>
        %broadcast_in_dim3A_452 = arith.constant 0 : i32
        %broadcast_in_dim3A_453 = vector.broadcast %broadcast_in_dim3A_452 : i32 to vector<16xi32>
        %gather3A_454 = tpu.vector_load_idx %arg17[%add3A_451, %broadcast_in_dim3A_453] : memref<128x8xf32, #tpu.memory_space<vmem>>[vector<16xi32>, vector<16xi32>], vector<16xf32>,
        %add3A_455 = arith.constant 4 : i32
        %add3A_456 = vector.broadcast %add3A_455 : i32 to vector<16xi32>
        %add3A_457 = arith.addi %broadcast_in_dim3A_453, %add3A_456 : vector<16xi32>
        %gather3A_458 = tpu.vector_load_idx %arg18[%add3A_451, %add3A_457] : memref<128x8xf32, #tpu.memory_space<vmem>>[vector<16xi32>, vector<16xi32>], vector<16xf32>,
        %gather3A_459 = tpu.vector_load_idx %arg16[%add3A_451, %broadcast_in_dim3A_453] : memref<128x8xf32, #tpu.memory_space<vmem>>[vector<16xi32>, vector<16xi32>], vector<16xf32>,
        %add3A_460 = arith.addf %gather3A_454, %gather3A_458 : vector<16xf32>
        %add3A_461 = arith.addf %add3A_460, %gather3A_459 : vector<16xf32>
        %mul3A_462 = arith.constant 2.000000e-01 : f32
        %mul3A_463 = vector.broadcast %mul3A_462 : f32 to vector<16xf32>
        %mul3A_464 = arith.mulf %add3A_461, %mul3A_463 : vector<16xf32>
        %max3A_465 = arith.maximumf %add3A_461, %mul3A_464 : vector<16xf32>
        %exp3A_466 = math.exp %max3A_465 : vector<16xf32>
        %mul3A_467 = arith.constant 4 : i32
        %mul3A_468 = vector.broadcast %mul3A_467 : i32 to vector<16xi32>
        %mul3A_469 = arith.muli %add3A_451, %mul3A_468 : vector<16xi32>
        %add3A_470 = arith.constant 0 : i32
        %add3A_471 = vector.broadcast %add3A_470 : i32 to vector<16xi32>
        %add3A_472 = arith.addi %mul3A_469, %add3A_471 : vector<16xi32>
        tpu.vector_store_idx %arg19[%add3A_472], %exp3A_466 : memref<512xf32, #tpu.memory_space<vmem>>[vector<16xi32>], vector<16xf32>,
        tpu.vector_store_idx %arg20[%add3A_451, %broadcast_in_dim3A_453], %exp3A_466 : memref<128x8xf32, #tpu.memory_space<vmem>>[vector<16xi32>, vector<16xi32>], vector<16xf32>,
        %broadcast_in_dim3A_473 = arith.constant 1 : i32
        %broadcast_in_dim3A_474 = vector.broadcast %broadcast_in_dim3A_473 : i32 to vector<16xi32>
        %gather3A_475 = tpu.vector_load_idx %arg17[%add3A_451, %broadcast_in_dim3A_474] : memref<128x8xf32, #tpu.memory_space<vmem>>[vector<16xi32>, vector<16xi32>], vector<16xf32>,
        %add3A_476 = arith.constant 4 : i32
        %add3A_477 = vector.broadcast %add3A_476 : i32 to vector<16xi32>
        %add3A_478 = arith.addi %broadcast_in_dim3A_474, %add3A_477 : vector<16xi32>
        %gather3A_479 = tpu.vector_load_idx %arg18[%add3A_451, %add3A_478] : memref<128x8xf32, #tpu.memory_space<vmem>>[vector<16xi32>, vector<16xi32>], vector<16xf32>,
        %gather3A_480 = tpu.vector_load_idx %arg16[%add3A_451, %broadcast_in_dim3A_474] : memref<128x8xf32, #tpu.memory_space<vmem>>[vector<16xi32>, vector<16xi32>], vector<16xf32>,
        %add3A_481 = arith.addf %gather3A_475, %gather3A_479 : vector<16xf32>
        %add3A_482 = arith.addf %add3A_481, %gather3A_480 : vector<16xf32>
        %mul3A_483 = arith.constant 2.000000e-01 : f32
        %mul3A_484 = vector.broadcast %mul3A_483 : f32 to vector<16xf32>
        %mul3A_485 = arith.mulf %add3A_482, %mul3A_484 : vector<16xf32>
        %max3A_486 = arith.maximumf %add3A_482, %mul3A_485 : vector<16xf32>
        %exp3A_487 = math.exp %max3A_486 : vector<16xf32>
        %mul3A_488 = arith.constant 4 : i32
        %mul3A_489 = vector.broadcast %mul3A_488 : i32 to vector<16xi32>
        %mul3A_490 = arith.muli %add3A_451, %mul3A_489 : vector<16xi32>
        %add3A_491 = arith.constant 1 : i32
        %add3A_492 = vector.broadcast %add3A_491 : i32 to vector<16xi32>
        %add3A_493 = arith.addi %mul3A_490, %add3A_492 : vector<16xi32>
        tpu.vector_store_idx %arg19[%add3A_493], %exp3A_487 : memref<512xf32, #tpu.memory_space<vmem>>[vector<16xi32>], vector<16xf32>,
        tpu.vector_store_idx %arg20[%add3A_451, %broadcast_in_dim3A_474], %exp3A_487 : memref<128x8xf32, #tpu.memory_space<vmem>>[vector<16xi32>, vector<16xi32>], vector<16xf32>,
        %broadcast_in_dim3A_494 = arith.constant 2 : i32
        %broadcast_in_dim3A_495 = vector.broadcast %broadcast_in_dim3A_494 : i32 to vector<16xi32>
        %gather3A_496 = tpu.vector_load_idx %arg17[%add3A_451, %broadcast_in_dim3A_495] : memref<128x8xf32, #tpu.memory_space<vmem>>[vector<16xi32>, vector<16xi32>], vector<16xf32>,
        %add3A_497 = arith.constant 4 : i32
        %add3A_498 = vector.broadcast %add3A_497 : i32 to vector<16xi32>
        %add3A_499 = arith.addi %broadcast_in_dim3A_495, %add3A_498 : vector<16xi32>
        %gather3A_500 = tpu.vector_load_idx %arg18[%add3A_451, %add3A_499] : memref<128x8xf32, #tpu.memory_space<vmem>>[vector<16xi32>, vector<16xi32>], vector<16xf32>,
        %gather3A_501 = tpu.vector_load_idx %arg16[%add3A_451, %broadcast_in_dim3A_495] : memref<128x8xf32, #tpu.memory_space<vmem>>[vector<16xi32>, vector<16xi32>], vector<16xf32>,
        %add3A_502 = arith.addf %gather3A_496, %gather3A_500 : vector<16xf32>
        %add3A_503 = arith.addf %add3A_502, %gather3A_501 : vector<16xf32>
        %mul3A_504 = arith.constant 2.000000e-01 : f32
        %mul3A_505 = vector.broadcast %mul3A_504 : f32 to vector<16xf32>
        %mul3A_506 = arith.mulf %add3A_503, %mul3A_505 : vector<16xf32>
        %max3A_507 = arith.maximumf %add3A_503, %mul3A_506 : vector<16xf32>
        %exp3A_508 = math.exp %max3A_507 : vector<16xf32>
        %mul3A_509 = arith.constant 4 : i32
        %mul3A_510 = vector.broadcast %mul3A_509 : i32 to vector<16xi32>
        %mul3A_511 = arith.muli %add3A_451, %mul3A_510 : vector<16xi32>
        %add3A_512 = arith.constant 2 : i32
        %add3A_513 = vector.broadcast %add3A_512 : i32 to vector<16xi32>
        %add3A_514 = arith.addi %mul3A_511, %add3A_513 : vector<16xi32>
        tpu.vector_store_idx %arg19[%add3A_514], %exp3A_508 : memref<512xf32, #tpu.memory_space<vmem>>[vector<16xi32>], vector<16xf32>,
        tpu.vector_store_idx %arg20[%add3A_451, %broadcast_in_dim3A_495], %exp3A_508 : memref<128x8xf32, #tpu.memory_space<vmem>>[vector<16xi32>, vector<16xi32>], vector<16xf32>,
        %broadcast_in_dim3A_515 = arith.constant 3 : i32
        %broadcast_in_dim3A_516 = vector.broadcast %broadcast_in_dim3A_515 : i32 to vector<16xi32>
        %gather3A_517 = tpu.vector_load_idx %arg17[%add3A_451, %broadcast_in_dim3A_516] : memref<128x8xf32, #tpu.memory_space<vmem>>[vector<16xi32>, vector<16xi32>], vector<16xf32>,
        %add3A_518 = arith.constant 4 : i32
        %add3A_519 = vector.broadcast %add3A_518 : i32 to vector<16xi32>
        %add3A_520 = arith.addi %broadcast_in_dim3A_516, %add3A_519 : vector<16xi32>
        %gather3A_521 = tpu.vector_load_idx %arg18[%add3A_451, %add3A_520] : memref<128x8xf32, #tpu.memory_space<vmem>>[vector<16xi32>, vector<16xi32>], vector<16xf32>,
        %gather3A_522 = tpu.vector_load_idx %arg16[%add3A_451, %broadcast_in_dim3A_516] : memref<128x8xf32, #tpu.memory_space<vmem>>[vector<16xi32>, vector<16xi32>], vector<16xf32>,
        %add3A_523 = arith.addf %gather3A_517, %gather3A_521 : vector<16xf32>
        %add3A_524 = arith.addf %add3A_523, %gather3A_522 : vector<16xf32>
        %mul3A_525 = arith.constant 2.000000e-01 : f32
        %mul3A_526 = vector.broadcast %mul3A_525 : f32 to vector<16xf32>
        %mul3A_527 = arith.mulf %add3A_524, %mul3A_526 : vector<16xf32>
        %max3A_528 = arith.maximumf %add3A_524, %mul3A_527 : vector<16xf32>
        %exp3A_529 = math.exp %max3A_528 : vector<16xf32>
        %mul3A_530 = arith.constant 4 : i32
        %mul3A_531 = vector.broadcast %mul3A_530 : i32 to vector<16xi32>
        %mul3A_532 = arith.muli %add3A_451, %mul3A_531 : vector<16xi32>
        %add3A_533 = arith.constant 3 : i32
        %add3A_534 = vector.broadcast %add3A_533 : i32 to vector<16xi32>
        %add3A_535 = arith.addi %mul3A_532, %add3A_534 : vector<16xi32>
        tpu.vector_store_idx %arg19[%add3A_535], %exp3A_529 : memref<512xf32, #tpu.memory_space<vmem>>[vector<16xi32>], vector<16xf32>,
        tpu.vector_store_idx %arg20[%add3A_451, %broadcast_in_dim3A_516], %exp3A_529 : memref<128x8xf32, #tpu.memory_space<vmem>>[vector<16xi32>, vector<16xi32>], vector<16xf32>,
        %add3A_536 = arith.constant 64 : i32
        %add3A_537 = vector.broadcast %add3A_536 : i32 to vector<16xi32>
        %add3A_538 = arith.addi %iota3A, %add3A_537 : vector<16xi32>
        %broadcast_in_dim3A_539 = arith.constant 0 : i32
        %broadcast_in_dim3A_540 = vector.broadcast %broadcast_in_dim3A_539 : i32 to vector<16xi32>
        %gather3A_541 = tpu.vector_load_idx %arg17[%add3A_538, %broadcast_in_dim3A_540] : memref<128x8xf32, #tpu.memory_space<vmem>>[vector<16xi32>, vector<16xi32>], vector<16xf32>,
        %add3A_542 = arith.constant 4 : i32
        %add3A_543 = vector.broadcast %add3A_542 : i32 to vector<16xi32>
        %add3A_544 = arith.addi %broadcast_in_dim3A_540, %add3A_543 : vector<16xi32>
        %gather3A_545 = tpu.vector_load_idx %arg18[%add3A_538, %add3A_544] : memref<128x8xf32, #tpu.memory_space<vmem>>[vector<16xi32>, vector<16xi32>], vector<16xf32>,
        %gather3A_546 = tpu.vector_load_idx %arg16[%add3A_538, %broadcast_in_dim3A_540] : memref<128x8xf32, #tpu.memory_space<vmem>>[vector<16xi32>, vector<16xi32>], vector<16xf32>,
        %add3A_547 = arith.addf %gather3A_541, %gather3A_545 : vector<16xf32>
        %add3A_548 = arith.addf %add3A_547, %gather3A_546 : vector<16xf32>
        %mul3A_549 = arith.constant 2.000000e-01 : f32
        %mul3A_550 = vector.broadcast %mul3A_549 : f32 to vector<16xf32>
        %mul3A_551 = arith.mulf %add3A_548, %mul3A_550 : vector<16xf32>
        %max3A_552 = arith.maximumf %add3A_548, %mul3A_551 : vector<16xf32>
        %exp3A_553 = math.exp %max3A_552 : vector<16xf32>
        %mul3A_554 = arith.constant 4 : i32
        %mul3A_555 = vector.broadcast %mul3A_554 : i32 to vector<16xi32>
        %mul3A_556 = arith.muli %add3A_538, %mul3A_555 : vector<16xi32>
        %add3A_557 = arith.constant 0 : i32
        %add3A_558 = vector.broadcast %add3A_557 : i32 to vector<16xi32>
        %add3A_559 = arith.addi %mul3A_556, %add3A_558 : vector<16xi32>
        tpu.vector_store_idx %arg19[%add3A_559], %exp3A_553 : memref<512xf32, #tpu.memory_space<vmem>>[vector<16xi32>], vector<16xf32>,
        tpu.vector_store_idx %arg20[%add3A_538, %broadcast_in_dim3A_540], %exp3A_553 : memref<128x8xf32, #tpu.memory_space<vmem>>[vector<16xi32>, vector<16xi32>], vector<16xf32>,
        %broadcast_in_dim3A_560 = arith.constant 1 : i32
        %broadcast_in_dim3A_561 = vector.broadcast %broadcast_in_dim3A_560 : i32 to vector<16xi32>
        %gather3A_562 = tpu.vector_load_idx %arg17[%add3A_538, %broadcast_in_dim3A_561] : memref<128x8xf32, #tpu.memory_space<vmem>>[vector<16xi32>, vector<16xi32>], vector<16xf32>,
        %add3A_563 = arith.constant 4 : i32
        %add3A_564 = vector.broadcast %add3A_563 : i32 to vector<16xi32>
        %add3A_565 = arith.addi %broadcast_in_dim3A_561, %add3A_564 : vector<16xi32>
        %gather3A_566 = tpu.vector_load_idx %arg18[%add3A_538, %add3A_565] : memref<128x8xf32, #tpu.memory_space<vmem>>[vector<16xi32>, vector<16xi32>], vector<16xf32>,
        %gather3A_567 = tpu.vector_load_idx %arg16[%add3A_538, %broadcast_in_dim3A_561] : memref<128x8xf32, #tpu.memory_space<vmem>>[vector<16xi32>, vector<16xi32>], vector<16xf32>,
        %add3A_568 = arith.addf %gather3A_562, %gather3A_566 : vector<16xf32>
        %add3A_569 = arith.addf %add3A_568, %gather3A_567 : vector<16xf32>
        %mul3A_570 = arith.constant 2.000000e-01 : f32
        %mul3A_571 = vector.broadcast %mul3A_570 : f32 to vector<16xf32>
        %mul3A_572 = arith.mulf %add3A_569, %mul3A_571 : vector<16xf32>
        %max3A_573 = arith.maximumf %add3A_569, %mul3A_572 : vector<16xf32>
        %exp3A_574 = math.exp %max3A_573 : vector<16xf32>
        %mul3A_575 = arith.constant 4 : i32
        %mul3A_576 = vector.broadcast %mul3A_575 : i32 to vector<16xi32>
        %mul3A_577 = arith.muli %add3A_538, %mul3A_576 : vector<16xi32>
        %add3A_578 = arith.constant 1 : i32
        %add3A_579 = vector.broadcast %add3A_578 : i32 to vector<16xi32>
        %add3A_580 = arith.addi %mul3A_577, %add3A_579 : vector<16xi32>
        tpu.vector_store_idx %arg19[%add3A_580], %exp3A_574 : memref<512xf32, #tpu.memory_space<vmem>>[vector<16xi32>], vector<16xf32>,
        tpu.vector_store_idx %arg20[%add3A_538, %broadcast_in_dim3A_561], %exp3A_574 : memref<128x8xf32, #tpu.memory_space<vmem>>[vector<16xi32>, vector<16xi32>], vector<16xf32>,
        %broadcast_in_dim3A_581 = arith.constant 2 : i32
        %broadcast_in_dim3A_582 = vector.broadcast %broadcast_in_dim3A_581 : i32 to vector<16xi32>
        %gather3A_583 = tpu.vector_load_idx %arg17[%add3A_538, %broadcast_in_dim3A_582] : memref<128x8xf32, #tpu.memory_space<vmem>>[vector<16xi32>, vector<16xi32>], vector<16xf32>,
        %add3A_584 = arith.constant 4 : i32
        %add3A_585 = vector.broadcast %add3A_584 : i32 to vector<16xi32>
        %add3A_586 = arith.addi %broadcast_in_dim3A_582, %add3A_585 : vector<16xi32>
        %gather3A_587 = tpu.vector_load_idx %arg18[%add3A_538, %add3A_586] : memref<128x8xf32, #tpu.memory_space<vmem>>[vector<16xi32>, vector<16xi32>], vector<16xf32>,
        %gather3A_588 = tpu.vector_load_idx %arg16[%add3A_538, %broadcast_in_dim3A_582] : memref<128x8xf32, #tpu.memory_space<vmem>>[vector<16xi32>, vector<16xi32>], vector<16xf32>,
        %add3A_589 = arith.addf %gather3A_583, %gather3A_587 : vector<16xf32>
        %add3A_590 = arith.addf %add3A_589, %gather3A_588 : vector<16xf32>
        %mul3A_591 = arith.constant 2.000000e-01 : f32
        %mul3A_592 = vector.broadcast %mul3A_591 : f32 to vector<16xf32>
        %mul3A_593 = arith.mulf %add3A_590, %mul3A_592 : vector<16xf32>
        %max3A_594 = arith.maximumf %add3A_590, %mul3A_593 : vector<16xf32>
        %exp3A_595 = math.exp %max3A_594 : vector<16xf32>
        %mul3A_596 = arith.constant 4 : i32
        %mul3A_597 = vector.broadcast %mul3A_596 : i32 to vector<16xi32>
        %mul3A_598 = arith.muli %add3A_538, %mul3A_597 : vector<16xi32>
        %add3A_599 = arith.constant 2 : i32
        %add3A_600 = vector.broadcast %add3A_599 : i32 to vector<16xi32>
        %add3A_601 = arith.addi %mul3A_598, %add3A_600 : vector<16xi32>
        tpu.vector_store_idx %arg19[%add3A_601], %exp3A_595 : memref<512xf32, #tpu.memory_space<vmem>>[vector<16xi32>], vector<16xf32>,
        tpu.vector_store_idx %arg20[%add3A_538, %broadcast_in_dim3A_582], %exp3A_595 : memref<128x8xf32, #tpu.memory_space<vmem>>[vector<16xi32>, vector<16xi32>], vector<16xf32>,
        %broadcast_in_dim3A_602 = arith.constant 3 : i32
        %broadcast_in_dim3A_603 = vector.broadcast %broadcast_in_dim3A_602 : i32 to vector<16xi32>
        %gather3A_604 = tpu.vector_load_idx %arg17[%add3A_538, %broadcast_in_dim3A_603] : memref<128x8xf32, #tpu.memory_space<vmem>>[vector<16xi32>, vector<16xi32>], vector<16xf32>,
        %add3A_605 = arith.constant 4 : i32
        %add3A_606 = vector.broadcast %add3A_605 : i32 to vector<16xi32>
        %add3A_607 = arith.addi %broadcast_in_dim3A_603, %add3A_606 : vector<16xi32>
        %gather3A_608 = tpu.vector_load_idx %arg18[%add3A_538, %add3A_607] : memref<128x8xf32, #tpu.memory_space<vmem>>[vector<16xi32>, vector<16xi32>], vector<16xf32>,
        %gather3A_609 = tpu.vector_load_idx %arg16[%add3A_538, %broadcast_in_dim3A_603] : memref<128x8xf32, #tpu.memory_space<vmem>>[vector<16xi32>, vector<16xi32>], vector<16xf32>,
        %add3A_610 = arith.addf %gather3A_604, %gather3A_608 : vector<16xf32>
        %add3A_611 = arith.addf %add3A_610, %gather3A_609 : vector<16xf32>
        %mul3A_612 = arith.constant 2.000000e-01 : f32
        %mul3A_613 = vector.broadcast %mul3A_612 : f32 to vector<16xf32>
        %mul3A_614 = arith.mulf %add3A_611, %mul3A_613 : vector<16xf32>
        %max3A_615 = arith.maximumf %add3A_611, %mul3A_614 : vector<16xf32>
        %exp3A_616 = math.exp %max3A_615 : vector<16xf32>
        %mul3A_617 = arith.constant 4 : i32
        %mul3A_618 = vector.broadcast %mul3A_617 : i32 to vector<16xi32>
        %mul3A_619 = arith.muli %add3A_538, %mul3A_618 : vector<16xi32>
        %add3A_620 = arith.constant 3 : i32
        %add3A_621 = vector.broadcast %add3A_620 : i32 to vector<16xi32>
        %add3A_622 = arith.addi %mul3A_619, %add3A_621 : vector<16xi32>
        tpu.vector_store_idx %arg19[%add3A_622], %exp3A_616 : memref<512xf32, #tpu.memory_space<vmem>>[vector<16xi32>], vector<16xf32>,
        tpu.vector_store_idx %arg20[%add3A_538, %broadcast_in_dim3A_603], %exp3A_616 : memref<128x8xf32, #tpu.memory_space<vmem>>[vector<16xi32>, vector<16xi32>], vector<16xf32>,
        %add3A_623 = arith.constant 80 : i32
        %add3A_624 = vector.broadcast %add3A_623 : i32 to vector<16xi32>
        %add3A_625 = arith.addi %iota3A, %add3A_624 : vector<16xi32>
        %broadcast_in_dim3A_626 = arith.constant 0 : i32
        %broadcast_in_dim3A_627 = vector.broadcast %broadcast_in_dim3A_626 : i32 to vector<16xi32>
        %gather3A_628 = tpu.vector_load_idx %arg17[%add3A_625, %broadcast_in_dim3A_627] : memref<128x8xf32, #tpu.memory_space<vmem>>[vector<16xi32>, vector<16xi32>], vector<16xf32>,
        %add3A_629 = arith.constant 4 : i32
        %add3A_630 = vector.broadcast %add3A_629 : i32 to vector<16xi32>
        %add3A_631 = arith.addi %broadcast_in_dim3A_627, %add3A_630 : vector<16xi32>
        %gather3A_632 = tpu.vector_load_idx %arg18[%add3A_625, %add3A_631] : memref<128x8xf32, #tpu.memory_space<vmem>>[vector<16xi32>, vector<16xi32>], vector<16xf32>,
        %gather3A_633 = tpu.vector_load_idx %arg16[%add3A_625, %broadcast_in_dim3A_627] : memref<128x8xf32, #tpu.memory_space<vmem>>[vector<16xi32>, vector<16xi32>], vector<16xf32>,
        %add3A_634 = arith.addf %gather3A_628, %gather3A_632 : vector<16xf32>
        %add3A_635 = arith.addf %add3A_634, %gather3A_633 : vector<16xf32>
        %mul3A_636 = arith.constant 2.000000e-01 : f32
        %mul3A_637 = vector.broadcast %mul3A_636 : f32 to vector<16xf32>
        %mul3A_638 = arith.mulf %add3A_635, %mul3A_637 : vector<16xf32>
        %max3A_639 = arith.maximumf %add3A_635, %mul3A_638 : vector<16xf32>
        %exp3A_640 = math.exp %max3A_639 : vector<16xf32>
        %mul3A_641 = arith.constant 4 : i32
        %mul3A_642 = vector.broadcast %mul3A_641 : i32 to vector<16xi32>
        %mul3A_643 = arith.muli %add3A_625, %mul3A_642 : vector<16xi32>
        %add3A_644 = arith.constant 0 : i32
        %add3A_645 = vector.broadcast %add3A_644 : i32 to vector<16xi32>
        %add3A_646 = arith.addi %mul3A_643, %add3A_645 : vector<16xi32>
        tpu.vector_store_idx %arg19[%add3A_646], %exp3A_640 : memref<512xf32, #tpu.memory_space<vmem>>[vector<16xi32>], vector<16xf32>,
        tpu.vector_store_idx %arg20[%add3A_625, %broadcast_in_dim3A_627], %exp3A_640 : memref<128x8xf32, #tpu.memory_space<vmem>>[vector<16xi32>, vector<16xi32>], vector<16xf32>,
        %broadcast_in_dim3A_647 = arith.constant 1 : i32
        %broadcast_in_dim3A_648 = vector.broadcast %broadcast_in_dim3A_647 : i32 to vector<16xi32>
        %gather3A_649 = tpu.vector_load_idx %arg17[%add3A_625, %broadcast_in_dim3A_648] : memref<128x8xf32, #tpu.memory_space<vmem>>[vector<16xi32>, vector<16xi32>], vector<16xf32>,
        %add3A_650 = arith.constant 4 : i32
        %add3A_651 = vector.broadcast %add3A_650 : i32 to vector<16xi32>
        %add3A_652 = arith.addi %broadcast_in_dim3A_648, %add3A_651 : vector<16xi32>
        %gather3A_653 = tpu.vector_load_idx %arg18[%add3A_625, %add3A_652] : memref<128x8xf32, #tpu.memory_space<vmem>>[vector<16xi32>, vector<16xi32>], vector<16xf32>,
        %gather3A_654 = tpu.vector_load_idx %arg16[%add3A_625, %broadcast_in_dim3A_648] : memref<128x8xf32, #tpu.memory_space<vmem>>[vector<16xi32>, vector<16xi32>], vector<16xf32>,
        %add3A_655 = arith.addf %gather3A_649, %gather3A_653 : vector<16xf32>
        %add3A_656 = arith.addf %add3A_655, %gather3A_654 : vector<16xf32>
        %mul3A_657 = arith.constant 2.000000e-01 : f32
        %mul3A_658 = vector.broadcast %mul3A_657 : f32 to vector<16xf32>
        %mul3A_659 = arith.mulf %add3A_656, %mul3A_658 : vector<16xf32>
        %max3A_660 = arith.maximumf %add3A_656, %mul3A_659 : vector<16xf32>
        %exp3A_661 = math.exp %max3A_660 : vector<16xf32>
        %mul3A_662 = arith.constant 4 : i32
        %mul3A_663 = vector.broadcast %mul3A_662 : i32 to vector<16xi32>
        %mul3A_664 = arith.muli %add3A_625, %mul3A_663 : vector<16xi32>
        %add3A_665 = arith.constant 1 : i32
        %add3A_666 = vector.broadcast %add3A_665 : i32 to vector<16xi32>
        %add3A_667 = arith.addi %mul3A_664, %add3A_666 : vector<16xi32>
        tpu.vector_store_idx %arg19[%add3A_667], %exp3A_661 : memref<512xf32, #tpu.memory_space<vmem>>[vector<16xi32>], vector<16xf32>,
        tpu.vector_store_idx %arg20[%add3A_625, %broadcast_in_dim3A_648], %exp3A_661 : memref<128x8xf32, #tpu.memory_space<vmem>>[vector<16xi32>, vector<16xi32>], vector<16xf32>,
        %broadcast_in_dim3A_668 = arith.constant 2 : i32
        %broadcast_in_dim3A_669 = vector.broadcast %broadcast_in_dim3A_668 : i32 to vector<16xi32>
        %gather3A_670 = tpu.vector_load_idx %arg17[%add3A_625, %broadcast_in_dim3A_669] : memref<128x8xf32, #tpu.memory_space<vmem>>[vector<16xi32>, vector<16xi32>], vector<16xf32>,
        %add3A_671 = arith.constant 4 : i32
        %add3A_672 = vector.broadcast %add3A_671 : i32 to vector<16xi32>
        %add3A_673 = arith.addi %broadcast_in_dim3A_669, %add3A_672 : vector<16xi32>
        %gather3A_674 = tpu.vector_load_idx %arg18[%add3A_625, %add3A_673] : memref<128x8xf32, #tpu.memory_space<vmem>>[vector<16xi32>, vector<16xi32>], vector<16xf32>,
        %gather3A_675 = tpu.vector_load_idx %arg16[%add3A_625, %broadcast_in_dim3A_669] : memref<128x8xf32, #tpu.memory_space<vmem>>[vector<16xi32>, vector<16xi32>], vector<16xf32>,
        %add3A_676 = arith.addf %gather3A_670, %gather3A_674 : vector<16xf32>
        %add3A_677 = arith.addf %add3A_676, %gather3A_675 : vector<16xf32>
        %mul3A_678 = arith.constant 2.000000e-01 : f32
        %mul3A_679 = vector.broadcast %mul3A_678 : f32 to vector<16xf32>
        %mul3A_680 = arith.mulf %add3A_677, %mul3A_679 : vector<16xf32>
        %max3A_681 = arith.maximumf %add3A_677, %mul3A_680 : vector<16xf32>
        %exp3A_682 = math.exp %max3A_681 : vector<16xf32>
        %mul3A_683 = arith.constant 4 : i32
        %mul3A_684 = vector.broadcast %mul3A_683 : i32 to vector<16xi32>
        %mul3A_685 = arith.muli %add3A_625, %mul3A_684 : vector<16xi32>
        %add3A_686 = arith.constant 2 : i32
        %add3A_687 = vector.broadcast %add3A_686 : i32 to vector<16xi32>
        %add3A_688 = arith.addi %mul3A_685, %add3A_687 : vector<16xi32>
        tpu.vector_store_idx %arg19[%add3A_688], %exp3A_682 : memref<512xf32, #tpu.memory_space<vmem>>[vector<16xi32>], vector<16xf32>,
        tpu.vector_store_idx %arg20[%add3A_625, %broadcast_in_dim3A_669], %exp3A_682 : memref<128x8xf32, #tpu.memory_space<vmem>>[vector<16xi32>, vector<16xi32>], vector<16xf32>,
        %broadcast_in_dim3A_689 = arith.constant 3 : i32
        %broadcast_in_dim3A_690 = vector.broadcast %broadcast_in_dim3A_689 : i32 to vector<16xi32>
        %gather3A_691 = tpu.vector_load_idx %arg17[%add3A_625, %broadcast_in_dim3A_690] : memref<128x8xf32, #tpu.memory_space<vmem>>[vector<16xi32>, vector<16xi32>], vector<16xf32>,
        %add3A_692 = arith.constant 4 : i32
        %add3A_693 = vector.broadcast %add3A_692 : i32 to vector<16xi32>
        %add3A_694 = arith.addi %broadcast_in_dim3A_690, %add3A_693 : vector<16xi32>
        %gather3A_695 = tpu.vector_load_idx %arg18[%add3A_625, %add3A_694] : memref<128x8xf32, #tpu.memory_space<vmem>>[vector<16xi32>, vector<16xi32>], vector<16xf32>,
        %gather3A_696 = tpu.vector_load_idx %arg16[%add3A_625, %broadcast_in_dim3A_690] : memref<128x8xf32, #tpu.memory_space<vmem>>[vector<16xi32>, vector<16xi32>], vector<16xf32>,
        %add3A_697 = arith.addf %gather3A_691, %gather3A_695 : vector<16xf32>
        %add3A_698 = arith.addf %add3A_697, %gather3A_696 : vector<16xf32>
        %mul3A_699 = arith.constant 2.000000e-01 : f32
        %mul3A_700 = vector.broadcast %mul3A_699 : f32 to vector<16xf32>
        %mul3A_701 = arith.mulf %add3A_698, %mul3A_700 : vector<16xf32>
        %max3A_702 = arith.maximumf %add3A_698, %mul3A_701 : vector<16xf32>
        %exp3A_703 = math.exp %max3A_702 : vector<16xf32>
        %mul3A_704 = arith.constant 4 : i32
        %mul3A_705 = vector.broadcast %mul3A_704 : i32 to vector<16xi32>
        %mul3A_706 = arith.muli %add3A_625, %mul3A_705 : vector<16xi32>
        %add3A_707 = arith.constant 3 : i32
        %add3A_708 = vector.broadcast %add3A_707 : i32 to vector<16xi32>
        %add3A_709 = arith.addi %mul3A_706, %add3A_708 : vector<16xi32>
        tpu.vector_store_idx %arg19[%add3A_709], %exp3A_703 : memref<512xf32, #tpu.memory_space<vmem>>[vector<16xi32>], vector<16xf32>,
        tpu.vector_store_idx %arg20[%add3A_625, %broadcast_in_dim3A_690], %exp3A_703 : memref<128x8xf32, #tpu.memory_space<vmem>>[vector<16xi32>, vector<16xi32>], vector<16xf32>,
        %add3A_710 = arith.constant 96 : i32
        %add3A_711 = vector.broadcast %add3A_710 : i32 to vector<16xi32>
        %add3A_712 = arith.addi %iota3A, %add3A_711 : vector<16xi32>
        %broadcast_in_dim3A_713 = arith.constant 0 : i32
        %broadcast_in_dim3A_714 = vector.broadcast %broadcast_in_dim3A_713 : i32 to vector<16xi32>
        %gather3A_715 = tpu.vector_load_idx %arg17[%add3A_712, %broadcast_in_dim3A_714] : memref<128x8xf32, #tpu.memory_space<vmem>>[vector<16xi32>, vector<16xi32>], vector<16xf32>,
        %add3A_716 = arith.constant 4 : i32
        %add3A_717 = vector.broadcast %add3A_716 : i32 to vector<16xi32>
        %add3A_718 = arith.addi %broadcast_in_dim3A_714, %add3A_717 : vector<16xi32>
        %gather3A_719 = tpu.vector_load_idx %arg18[%add3A_712, %add3A_718] : memref<128x8xf32, #tpu.memory_space<vmem>>[vector<16xi32>, vector<16xi32>], vector<16xf32>,
        %gather3A_720 = tpu.vector_load_idx %arg16[%add3A_712, %broadcast_in_dim3A_714] : memref<128x8xf32, #tpu.memory_space<vmem>>[vector<16xi32>, vector<16xi32>], vector<16xf32>,
        %add3A_721 = arith.addf %gather3A_715, %gather3A_719 : vector<16xf32>
        %add3A_722 = arith.addf %add3A_721, %gather3A_720 : vector<16xf32>
        %mul3A_723 = arith.constant 2.000000e-01 : f32
        %mul3A_724 = vector.broadcast %mul3A_723 : f32 to vector<16xf32>
        %mul3A_725 = arith.mulf %add3A_722, %mul3A_724 : vector<16xf32>
        %max3A_726 = arith.maximumf %add3A_722, %mul3A_725 : vector<16xf32>
        %exp3A_727 = math.exp %max3A_726 : vector<16xf32>
        %mul3A_728 = arith.constant 4 : i32
        %mul3A_729 = vector.broadcast %mul3A_728 : i32 to vector<16xi32>
        %mul3A_730 = arith.muli %add3A_712, %mul3A_729 : vector<16xi32>
        %add3A_731 = arith.constant 0 : i32
        %add3A_732 = vector.broadcast %add3A_731 : i32 to vector<16xi32>
        %add3A_733 = arith.addi %mul3A_730, %add3A_732 : vector<16xi32>
        tpu.vector_store_idx %arg19[%add3A_733], %exp3A_727 : memref<512xf32, #tpu.memory_space<vmem>>[vector<16xi32>], vector<16xf32>,
        tpu.vector_store_idx %arg20[%add3A_712, %broadcast_in_dim3A_714], %exp3A_727 : memref<128x8xf32, #tpu.memory_space<vmem>>[vector<16xi32>, vector<16xi32>], vector<16xf32>,
        %broadcast_in_dim3A_734 = arith.constant 1 : i32
        %broadcast_in_dim3A_735 = vector.broadcast %broadcast_in_dim3A_734 : i32 to vector<16xi32>
        %gather3A_736 = tpu.vector_load_idx %arg17[%add3A_712, %broadcast_in_dim3A_735] : memref<128x8xf32, #tpu.memory_space<vmem>>[vector<16xi32>, vector<16xi32>], vector<16xf32>,
        %add3A_737 = arith.constant 4 : i32
        %add3A_738 = vector.broadcast %add3A_737 : i32 to vector<16xi32>
        %add3A_739 = arith.addi %broadcast_in_dim3A_735, %add3A_738 : vector<16xi32>
        %gather3A_740 = tpu.vector_load_idx %arg18[%add3A_712, %add3A_739] : memref<128x8xf32, #tpu.memory_space<vmem>>[vector<16xi32>, vector<16xi32>], vector<16xf32>,
        %gather3A_741 = tpu.vector_load_idx %arg16[%add3A_712, %broadcast_in_dim3A_735] : memref<128x8xf32, #tpu.memory_space<vmem>>[vector<16xi32>, vector<16xi32>], vector<16xf32>,
        %add3A_742 = arith.addf %gather3A_736, %gather3A_740 : vector<16xf32>
        %add3A_743 = arith.addf %add3A_742, %gather3A_741 : vector<16xf32>
        %mul3A_744 = arith.constant 2.000000e-01 : f32
        %mul3A_745 = vector.broadcast %mul3A_744 : f32 to vector<16xf32>
        %mul3A_746 = arith.mulf %add3A_743, %mul3A_745 : vector<16xf32>
        %max3A_747 = arith.maximumf %add3A_743, %mul3A_746 : vector<16xf32>
        %exp3A_748 = math.exp %max3A_747 : vector<16xf32>
        %mul3A_749 = arith.constant 4 : i32
        %mul3A_750 = vector.broadcast %mul3A_749 : i32 to vector<16xi32>
        %mul3A_751 = arith.muli %add3A_712, %mul3A_750 : vector<16xi32>
        %add3A_752 = arith.constant 1 : i32
        %add3A_753 = vector.broadcast %add3A_752 : i32 to vector<16xi32>
        %add3A_754 = arith.addi %mul3A_751, %add3A_753 : vector<16xi32>
        tpu.vector_store_idx %arg19[%add3A_754], %exp3A_748 : memref<512xf32, #tpu.memory_space<vmem>>[vector<16xi32>], vector<16xf32>,
        tpu.vector_store_idx %arg20[%add3A_712, %broadcast_in_dim3A_735], %exp3A_748 : memref<128x8xf32, #tpu.memory_space<vmem>>[vector<16xi32>, vector<16xi32>], vector<16xf32>,
        %broadcast_in_dim3A_755 = arith.constant 2 : i32
        %broadcast_in_dim3A_756 = vector.broadcast %broadcast_in_dim3A_755 : i32 to vector<16xi32>
        %gather3A_757 = tpu.vector_load_idx %arg17[%add3A_712, %broadcast_in_dim3A_756] : memref<128x8xf32, #tpu.memory_space<vmem>>[vector<16xi32>, vector<16xi32>], vector<16xf32>,
        %add3A_758 = arith.constant 4 : i32
        %add3A_759 = vector.broadcast %add3A_758 : i32 to vector<16xi32>
        %add3A_760 = arith.addi %broadcast_in_dim3A_756, %add3A_759 : vector<16xi32>
        %gather3A_761 = tpu.vector_load_idx %arg18[%add3A_712, %add3A_760] : memref<128x8xf32, #tpu.memory_space<vmem>>[vector<16xi32>, vector<16xi32>], vector<16xf32>,
        %gather3A_762 = tpu.vector_load_idx %arg16[%add3A_712, %broadcast_in_dim3A_756] : memref<128x8xf32, #tpu.memory_space<vmem>>[vector<16xi32>, vector<16xi32>], vector<16xf32>,
        %add3A_763 = arith.addf %gather3A_757, %gather3A_761 : vector<16xf32>
        %add3A_764 = arith.addf %add3A_763, %gather3A_762 : vector<16xf32>
        %mul3A_765 = arith.constant 2.000000e-01 : f32
        %mul3A_766 = vector.broadcast %mul3A_765 : f32 to vector<16xf32>
        %mul3A_767 = arith.mulf %add3A_764, %mul3A_766 : vector<16xf32>
        %max3A_768 = arith.maximumf %add3A_764, %mul3A_767 : vector<16xf32>
        %exp3A_769 = math.exp %max3A_768 : vector<16xf32>
        %mul3A_770 = arith.constant 4 : i32
        %mul3A_771 = vector.broadcast %mul3A_770 : i32 to vector<16xi32>
        %mul3A_772 = arith.muli %add3A_712, %mul3A_771 : vector<16xi32>
        %add3A_773 = arith.constant 2 : i32
        %add3A_774 = vector.broadcast %add3A_773 : i32 to vector<16xi32>
        %add3A_775 = arith.addi %mul3A_772, %add3A_774 : vector<16xi32>
        tpu.vector_store_idx %arg19[%add3A_775], %exp3A_769 : memref<512xf32, #tpu.memory_space<vmem>>[vector<16xi32>], vector<16xf32>,
        tpu.vector_store_idx %arg20[%add3A_712, %broadcast_in_dim3A_756], %exp3A_769 : memref<128x8xf32, #tpu.memory_space<vmem>>[vector<16xi32>, vector<16xi32>], vector<16xf32>,
        %broadcast_in_dim3A_776 = arith.constant 3 : i32
        %broadcast_in_dim3A_777 = vector.broadcast %broadcast_in_dim3A_776 : i32 to vector<16xi32>
        %gather3A_778 = tpu.vector_load_idx %arg17[%add3A_712, %broadcast_in_dim3A_777] : memref<128x8xf32, #tpu.memory_space<vmem>>[vector<16xi32>, vector<16xi32>], vector<16xf32>,
        %add3A_779 = arith.constant 4 : i32
        %add3A_780 = vector.broadcast %add3A_779 : i32 to vector<16xi32>
        %add3A_781 = arith.addi %broadcast_in_dim3A_777, %add3A_780 : vector<16xi32>
        %gather3A_782 = tpu.vector_load_idx %arg18[%add3A_712, %add3A_781] : memref<128x8xf32, #tpu.memory_space<vmem>>[vector<16xi32>, vector<16xi32>], vector<16xf32>,
        %gather3A_783 = tpu.vector_load_idx %arg16[%add3A_712, %broadcast_in_dim3A_777] : memref<128x8xf32, #tpu.memory_space<vmem>>[vector<16xi32>, vector<16xi32>], vector<16xf32>,
        %add3A_784 = arith.addf %gather3A_778, %gather3A_782 : vector<16xf32>
        %add3A_785 = arith.addf %add3A_784, %gather3A_783 : vector<16xf32>
        %mul3A_786 = arith.constant 2.000000e-01 : f32
        %mul3A_787 = vector.broadcast %mul3A_786 : f32 to vector<16xf32>
        %mul3A_788 = arith.mulf %add3A_785, %mul3A_787 : vector<16xf32>
        %max3A_789 = arith.maximumf %add3A_785, %mul3A_788 : vector<16xf32>
        %exp3A_790 = math.exp %max3A_789 : vector<16xf32>
        %mul3A_791 = arith.constant 4 : i32
        %mul3A_792 = vector.broadcast %mul3A_791 : i32 to vector<16xi32>
        %mul3A_793 = arith.muli %add3A_712, %mul3A_792 : vector<16xi32>
        %add3A_794 = arith.constant 3 : i32
        %add3A_795 = vector.broadcast %add3A_794 : i32 to vector<16xi32>
        %add3A_796 = arith.addi %mul3A_793, %add3A_795 : vector<16xi32>
        tpu.vector_store_idx %arg19[%add3A_796], %exp3A_790 : memref<512xf32, #tpu.memory_space<vmem>>[vector<16xi32>], vector<16xf32>,
        tpu.vector_store_idx %arg20[%add3A_712, %broadcast_in_dim3A_777], %exp3A_790 : memref<128x8xf32, #tpu.memory_space<vmem>>[vector<16xi32>, vector<16xi32>], vector<16xf32>,
        %add3A_797 = arith.constant 112 : i32
        %add3A_798 = vector.broadcast %add3A_797 : i32 to vector<16xi32>
        %add3A_799 = arith.addi %iota3A, %add3A_798 : vector<16xi32>
        %broadcast_in_dim3A_800 = arith.constant 0 : i32
        %broadcast_in_dim3A_801 = vector.broadcast %broadcast_in_dim3A_800 : i32 to vector<16xi32>
        %gather3A_802 = tpu.vector_load_idx %arg17[%add3A_799, %broadcast_in_dim3A_801] : memref<128x8xf32, #tpu.memory_space<vmem>>[vector<16xi32>, vector<16xi32>], vector<16xf32>,
        %add3A_803 = arith.constant 4 : i32
        %add3A_804 = vector.broadcast %add3A_803 : i32 to vector<16xi32>
        %add3A_805 = arith.addi %broadcast_in_dim3A_801, %add3A_804 : vector<16xi32>
        %gather3A_806 = tpu.vector_load_idx %arg18[%add3A_799, %add3A_805] : memref<128x8xf32, #tpu.memory_space<vmem>>[vector<16xi32>, vector<16xi32>], vector<16xf32>,
        %gather3A_807 = tpu.vector_load_idx %arg16[%add3A_799, %broadcast_in_dim3A_801] : memref<128x8xf32, #tpu.memory_space<vmem>>[vector<16xi32>, vector<16xi32>], vector<16xf32>,
        %add3A_808 = arith.addf %gather3A_802, %gather3A_806 : vector<16xf32>
        %add3A_809 = arith.addf %add3A_808, %gather3A_807 : vector<16xf32>
        %mul3A_810 = arith.constant 2.000000e-01 : f32
        %mul3A_811 = vector.broadcast %mul3A_810 : f32 to vector<16xf32>
        %mul3A_812 = arith.mulf %add3A_809, %mul3A_811 : vector<16xf32>
        %max3A_813 = arith.maximumf %add3A_809, %mul3A_812 : vector<16xf32>
        %exp3A_814 = math.exp %max3A_813 : vector<16xf32>
        %mul3A_815 = arith.constant 4 : i32
        %mul3A_816 = vector.broadcast %mul3A_815 : i32 to vector<16xi32>
        %mul3A_817 = arith.muli %add3A_799, %mul3A_816 : vector<16xi32>
        %add3A_818 = arith.constant 0 : i32
        %add3A_819 = vector.broadcast %add3A_818 : i32 to vector<16xi32>
        %add3A_820 = arith.addi %mul3A_817, %add3A_819 : vector<16xi32>
        tpu.vector_store_idx %arg19[%add3A_820], %exp3A_814 : memref<512xf32, #tpu.memory_space<vmem>>[vector<16xi32>], vector<16xf32>,
        tpu.vector_store_idx %arg20[%add3A_799, %broadcast_in_dim3A_801], %exp3A_814 : memref<128x8xf32, #tpu.memory_space<vmem>>[vector<16xi32>, vector<16xi32>], vector<16xf32>,
        %broadcast_in_dim3A_821 = arith.constant 1 : i32
        %broadcast_in_dim3A_822 = vector.broadcast %broadcast_in_dim3A_821 : i32 to vector<16xi32>
        %gather3A_823 = tpu.vector_load_idx %arg17[%add3A_799, %broadcast_in_dim3A_822] : memref<128x8xf32, #tpu.memory_space<vmem>>[vector<16xi32>, vector<16xi32>], vector<16xf32>,
        %add3A_824 = arith.constant 4 : i32
        %add3A_825 = vector.broadcast %add3A_824 : i32 to vector<16xi32>
        %add3A_826 = arith.addi %broadcast_in_dim3A_822, %add3A_825 : vector<16xi32>
        %gather3A_827 = tpu.vector_load_idx %arg18[%add3A_799, %add3A_826] : memref<128x8xf32, #tpu.memory_space<vmem>>[vector<16xi32>, vector<16xi32>], vector<16xf32>,
        %gather3A_828 = tpu.vector_load_idx %arg16[%add3A_799, %broadcast_in_dim3A_822] : memref<128x8xf32, #tpu.memory_space<vmem>>[vector<16xi32>, vector<16xi32>], vector<16xf32>,
        %add3A_829 = arith.addf %gather3A_823, %gather3A_827 : vector<16xf32>
        %add3A_830 = arith.addf %add3A_829, %gather3A_828 : vector<16xf32>
        %mul3A_831 = arith.constant 2.000000e-01 : f32
        %mul3A_832 = vector.broadcast %mul3A_831 : f32 to vector<16xf32>
        %mul3A_833 = arith.mulf %add3A_830, %mul3A_832 : vector<16xf32>
        %max3A_834 = arith.maximumf %add3A_830, %mul3A_833 : vector<16xf32>
        %exp3A_835 = math.exp %max3A_834 : vector<16xf32>
        %mul3A_836 = arith.constant 4 : i32
        %mul3A_837 = vector.broadcast %mul3A_836 : i32 to vector<16xi32>
        %mul3A_838 = arith.muli %add3A_799, %mul3A_837 : vector<16xi32>
        %add3A_839 = arith.constant 1 : i32
        %add3A_840 = vector.broadcast %add3A_839 : i32 to vector<16xi32>
        %add3A_841 = arith.addi %mul3A_838, %add3A_840 : vector<16xi32>
        tpu.vector_store_idx %arg19[%add3A_841], %exp3A_835 : memref<512xf32, #tpu.memory_space<vmem>>[vector<16xi32>], vector<16xf32>,
        tpu.vector_store_idx %arg20[%add3A_799, %broadcast_in_dim3A_822], %exp3A_835 : memref<128x8xf32, #tpu.memory_space<vmem>>[vector<16xi32>, vector<16xi32>], vector<16xf32>,
        %broadcast_in_dim3A_842 = arith.constant 2 : i32
        %broadcast_in_dim3A_843 = vector.broadcast %broadcast_in_dim3A_842 : i32 to vector<16xi32>
        %gather3A_844 = tpu.vector_load_idx %arg17[%add3A_799, %broadcast_in_dim3A_843] : memref<128x8xf32, #tpu.memory_space<vmem>>[vector<16xi32>, vector<16xi32>], vector<16xf32>,
        %add3A_845 = arith.constant 4 : i32
        %add3A_846 = vector.broadcast %add3A_845 : i32 to vector<16xi32>
        %add3A_847 = arith.addi %broadcast_in_dim3A_843, %add3A_846 : vector<16xi32>
        %gather3A_848 = tpu.vector_load_idx %arg18[%add3A_799, %add3A_847] : memref<128x8xf32, #tpu.memory_space<vmem>>[vector<16xi32>, vector<16xi32>], vector<16xf32>,
        %gather3A_849 = tpu.vector_load_idx %arg16[%add3A_799, %broadcast_in_dim3A_843] : memref<128x8xf32, #tpu.memory_space<vmem>>[vector<16xi32>, vector<16xi32>], vector<16xf32>,
        %add3A_850 = arith.addf %gather3A_844, %gather3A_848 : vector<16xf32>
        %add3A_851 = arith.addf %add3A_850, %gather3A_849 : vector<16xf32>
        %mul3A_852 = arith.constant 2.000000e-01 : f32
        %mul3A_853 = vector.broadcast %mul3A_852 : f32 to vector<16xf32>
        %mul3A_854 = arith.mulf %add3A_851, %mul3A_853 : vector<16xf32>
        %max3A_855 = arith.maximumf %add3A_851, %mul3A_854 : vector<16xf32>
        %exp3A_856 = math.exp %max3A_855 : vector<16xf32>
        %mul3A_857 = arith.constant 4 : i32
        %mul3A_858 = vector.broadcast %mul3A_857 : i32 to vector<16xi32>
        %mul3A_859 = arith.muli %add3A_799, %mul3A_858 : vector<16xi32>
        %add3A_860 = arith.constant 2 : i32
        %add3A_861 = vector.broadcast %add3A_860 : i32 to vector<16xi32>
        %add3A_862 = arith.addi %mul3A_859, %add3A_861 : vector<16xi32>
        tpu.vector_store_idx %arg19[%add3A_862], %exp3A_856 : memref<512xf32, #tpu.memory_space<vmem>>[vector<16xi32>], vector<16xf32>,
        tpu.vector_store_idx %arg20[%add3A_799, %broadcast_in_dim3A_843], %exp3A_856 : memref<128x8xf32, #tpu.memory_space<vmem>>[vector<16xi32>, vector<16xi32>], vector<16xf32>,
        %broadcast_in_dim3A_863 = arith.constant 3 : i32
        %broadcast_in_dim3A_864 = vector.broadcast %broadcast_in_dim3A_863 : i32 to vector<16xi32>
        %gather3A_865 = tpu.vector_load_idx %arg17[%add3A_799, %broadcast_in_dim3A_864] : memref<128x8xf32, #tpu.memory_space<vmem>>[vector<16xi32>, vector<16xi32>], vector<16xf32>,
        %add3A_866 = arith.constant 4 : i32
        %add3A_867 = vector.broadcast %add3A_866 : i32 to vector<16xi32>
        %add3A_868 = arith.addi %broadcast_in_dim3A_864, %add3A_867 : vector<16xi32>
        %gather3A_869 = tpu.vector_load_idx %arg18[%add3A_799, %add3A_868] : memref<128x8xf32, #tpu.memory_space<vmem>>[vector<16xi32>, vector<16xi32>], vector<16xf32>,
        %gather3A_870 = tpu.vector_load_idx %arg16[%add3A_799, %broadcast_in_dim3A_864] : memref<128x8xf32, #tpu.memory_space<vmem>>[vector<16xi32>, vector<16xi32>], vector<16xf32>,
        %add3A_871 = arith.addf %gather3A_865, %gather3A_869 : vector<16xf32>
        %add3A_872 = arith.addf %add3A_871, %gather3A_870 : vector<16xf32>
        %mul3A_873 = arith.constant 2.000000e-01 : f32
        %mul3A_874 = vector.broadcast %mul3A_873 : f32 to vector<16xf32>
        %mul3A_875 = arith.mulf %add3A_872, %mul3A_874 : vector<16xf32>
        %max3A_876 = arith.maximumf %add3A_872, %mul3A_875 : vector<16xf32>
        %exp3A_877 = math.exp %max3A_876 : vector<16xf32>
        %mul3A_878 = arith.constant 4 : i32
        %mul3A_879 = vector.broadcast %mul3A_878 : i32 to vector<16xi32>
        %mul3A_880 = arith.muli %add3A_799, %mul3A_879 : vector<16xi32>
        %add3A_881 = arith.constant 3 : i32
        %add3A_882 = vector.broadcast %add3A_881 : i32 to vector<16xi32>
        %add3A_883 = arith.addi %mul3A_880, %add3A_882 : vector<16xi32>
        tpu.vector_store_idx %arg19[%add3A_883], %exp3A_877 : memref<512xf32, #tpu.memory_space<vmem>>[vector<16xi32>], vector<16xf32>,
        tpu.vector_store_idx %arg20[%add3A_799, %broadcast_in_dim3A_864], %exp3A_877 : memref<128x8xf32, #tpu.memory_space<vmem>>[vector<16xi32>, vector<16xi32>], vector<16xf32>,
        %scan3A_884 = arith.constant 0 : i32
        %scan3A_885 = arith.constant 0 : i32
        %scan3A_886 = arith.constant 128 : i32
        %scan3A_887 = arith.addi %scan3A_885, %scan3A_886 : i32
        %scan3A_888 = arith.constant 1 : i32
        %scan3A_889 = scf.for %scan3A_891 = %scan3A_885 to %scan3A_887 step %scan3A_888 iter_args(%scan3A_892 = %scan3A_884) -> (i32)  : i32 {
          %mul3A_893 = arith.constant 4 : i32
          %mul3A_894 = arith.muli %scan3A_891, %mul3A_893 : i32
          %broadcast_in_dim3A_895 = vector.broadcast %mul3A_894 : i32 to vector<16xi32>
          %add3A_896 = arith.constant 0 : i32
          %add3A_897 = vector.broadcast %add3A_896 : i32 to vector<16xi32>
          %add3A_898 = arith.addi %broadcast_in_dim3A_895, %add3A_897 : vector<16xi32>
          %gather3A_899 = tpu.vector_load_idx %arg19[%add3A_898] : memref<512xf32, #tpu.memory_space<vmem>>[vector<16xi32>], vector<16xf32>,
          %add3A_900 = arith.constant 1 : i32
          %add3A_901 = vector.broadcast %add3A_900 : i32 to vector<16xi32>
          %add3A_902 = arith.addi %broadcast_in_dim3A_895, %add3A_901 : vector<16xi32>
          %gather3A_903 = tpu.vector_load_idx %arg19[%add3A_902] : memref<512xf32, #tpu.memory_space<vmem>>[vector<16xi32>], vector<16xf32>,
          %get3A = arith.index_cast %scan3A_891 : i32 to index
          %get3A_904 = arith.constant 0 : index
          %get3A_905 = tpu.vector_load %arg21[%get3A, %get3A_904] {strides = array<i32>} : memref<128x128xf32, #tpu.memory_space<vmem>>, vector<16xf32>,
          %mul3A_906 = arith.mulf %get3A_905, %gather3A_899 : vector<16xf32>
          %swap3A = arith.index_cast %scan3A_891 : i32 to index
          %swap3A_907 = arith.constant 0 : index
          %swap3A_908 = tpu.vector_load %arg21[%swap3A, %swap3A_907] {strides = array<i32>} : memref<128x128xf32, #tpu.memory_space<vmem>>, vector<16xf32>,
          tpu.vector_store %arg21[%swap3A, %swap3A_907], %mul3A_906 {strides = array<i32>} : memref<128x128xf32, #tpu.memory_space<vmem>>, vector<16xf32>,
          %get3A_909 = arith.index_cast %scan3A_891 : i32 to index
          %get3A_910 = arith.constant 16 : index
          %get3A_911 = tpu.vector_load %arg21[%get3A_909, %get3A_910] {strides = array<i32>} : memref<128x128xf32, #tpu.memory_space<vmem>>, vector<16xf32>,
          %mul3A_912 = arith.mulf %get3A_911, %gather3A_899 : vector<16xf32>
          %swap3A_913 = arith.index_cast %scan3A_891 : i32 to index
          %swap3A_914 = arith.constant 16 : index
          %swap3A_915 = tpu.vector_load %arg21[%swap3A_913, %swap3A_914] {strides = array<i32>} : memref<128x128xf32, #tpu.memory_space<vmem>>, vector<16xf32>,
          tpu.vector_store %arg21[%swap3A_913, %swap3A_914], %mul3A_912 {strides = array<i32>} : memref<128x128xf32, #tpu.memory_space<vmem>>, vector<16xf32>,
          %get3A_916 = arith.index_cast %scan3A_891 : i32 to index
          %get3A_917 = arith.constant 32 : index
          %get3A_918 = tpu.vector_load %arg21[%get3A_916, %get3A_917] {strides = array<i32>} : memref<128x128xf32, #tpu.memory_space<vmem>>, vector<16xf32>,
          %mul3A_919 = arith.mulf %get3A_918, %gather3A_899 : vector<16xf32>
          %swap3A_920 = arith.index_cast %scan3A_891 : i32 to index
          %swap3A_921 = arith.constant 32 : index
          %swap3A_922 = tpu.vector_load %arg21[%swap3A_920, %swap3A_921] {strides = array<i32>} : memref<128x128xf32, #tpu.memory_space<vmem>>, vector<16xf32>,
          tpu.vector_store %arg21[%swap3A_920, %swap3A_921], %mul3A_919 {strides = array<i32>} : memref<128x128xf32, #tpu.memory_space<vmem>>, vector<16xf32>,
          %get3A_923 = arith.index_cast %scan3A_891 : i32 to index
          %get3A_924 = arith.constant 48 : index
          %get3A_925 = tpu.vector_load %arg21[%get3A_923, %get3A_924] {strides = array<i32>} : memref<128x128xf32, #tpu.memory_space<vmem>>, vector<16xf32>,
          %mul3A_926 = arith.mulf %get3A_925, %gather3A_899 : vector<16xf32>
          %swap3A_927 = arith.index_cast %scan3A_891 : i32 to index
          %swap3A_928 = arith.constant 48 : index
          %swap3A_929 = tpu.vector_load %arg21[%swap3A_927, %swap3A_928] {strides = array<i32>} : memref<128x128xf32, #tpu.memory_space<vmem>>, vector<16xf32>,
          tpu.vector_store %arg21[%swap3A_927, %swap3A_928], %mul3A_926 {strides = array<i32>} : memref<128x128xf32, #tpu.memory_space<vmem>>, vector<16xf32>,
          %get3A_930 = arith.index_cast %scan3A_891 : i32 to index
          %get3A_931 = arith.constant 64 : index
          %get3A_932 = tpu.vector_load %arg21[%get3A_930, %get3A_931] {strides = array<i32>} : memref<128x128xf32, #tpu.memory_space<vmem>>, vector<16xf32>,
          %mul3A_933 = arith.mulf %get3A_932, %gather3A_903 : vector<16xf32>
          %swap3A_934 = arith.index_cast %scan3A_891 : i32 to index
          %swap3A_935 = arith.constant 64 : index
          %swap3A_936 = tpu.vector_load %arg21[%swap3A_934, %swap3A_935] {strides = array<i32>} : memref<128x128xf32, #tpu.memory_space<vmem>>, vector<16xf32>,
          tpu.vector_store %arg21[%swap3A_934, %swap3A_935], %mul3A_933 {strides = array<i32>} : memref<128x128xf32, #tpu.memory_space<vmem>>, vector<16xf32>,
          %get3A_937 = arith.index_cast %scan3A_891 : i32 to index
          %get3A_938 = arith.constant 80 : index
          %get3A_939 = tpu.vector_load %arg21[%get3A_937, %get3A_938] {strides = array<i32>} : memref<128x128xf32, #tpu.memory_space<vmem>>, vector<16xf32>,
          %mul3A_940 = arith.mulf %get3A_939, %gather3A_903 : vector<16xf32>
          %swap3A_941 = arith.index_cast %scan3A_891 : i32 to index
          %swap3A_942 = arith.constant 80 : index
          %swap3A_943 = tpu.vector_load %arg21[%swap3A_941, %swap3A_942] {strides = array<i32>} : memref<128x128xf32, #tpu.memory_space<vmem>>, vector<16xf32>,
          tpu.vector_store %arg21[%swap3A_941, %swap3A_942], %mul3A_940 {strides = array<i32>} : memref<128x128xf32, #tpu.memory_space<vmem>>, vector<16xf32>,
          %get3A_944 = arith.index_cast %scan3A_891 : i32 to index
          %get3A_945 = arith.constant 96 : index
          %get3A_946 = tpu.vector_load %arg21[%get3A_944, %get3A_945] {strides = array<i32>} : memref<128x128xf32, #tpu.memory_space<vmem>>, vector<16xf32>,
          %mul3A_947 = arith.mulf %get3A_946, %gather3A_903 : vector<16xf32>
          %swap3A_948 = arith.index_cast %scan3A_891 : i32 to index
          %swap3A_949 = arith.constant 96 : index
          %swap3A_950 = tpu.vector_load %arg21[%swap3A_948, %swap3A_949] {strides = array<i32>} : memref<128x128xf32, #tpu.memory_space<vmem>>, vector<16xf32>,
          tpu.vector_store %arg21[%swap3A_948, %swap3A_949], %mul3A_947 {strides = array<i32>} : memref<128x128xf32, #tpu.memory_space<vmem>>, vector<16xf32>,
          %get3A_951 = arith.index_cast %scan3A_891 : i32 to index
          %get3A_952 = arith.constant 112 : index
          %get3A_953 = tpu.vector_load %arg21[%get3A_951, %get3A_952] {strides = array<i32>} : memref<128x128xf32, #tpu.memory_space<vmem>>, vector<16xf32>,
          %mul3A_954 = arith.mulf %get3A_953, %gather3A_903 : vector<16xf32>
          %swap3A_955 = arith.index_cast %scan3A_891 : i32 to index
          %swap3A_956 = arith.constant 112 : index
          %swap3A_957 = tpu.vector_load %arg21[%swap3A_955, %swap3A_956] {strides = array<i32>} : memref<128x128xf32, #tpu.memory_space<vmem>>, vector<16xf32>,
          tpu.vector_store %arg21[%swap3A_955, %swap3A_956], %mul3A_954 {strides = array<i32>} : memref<128x128xf32, #tpu.memory_space<vmem>>, vector<16xf32>,
          %scan3A_958 = arith.constant 0 : i32
          scf.yield %scan3A_958 : i32
        }
        %scan3A_890 = arith.constant 128 : i32
        "tpu.region"() ({
          %run_scoped3A = tpu.sem_alloc : memref<!tpu.dma_semaphore, #tpu.memory_space<semaphore_mem>>
          %dma_start3A = arith.constant 0 : i32
          %dma_start3A_891 = arith.constant 0 : i32
          %dma_start3A_892 = tpu.memref_slice %arg23[%dma_start3A, %dma_start3A_891] : memref<10240x8xf32, #tpu.memory_space<vmem_shared>> -> memref<10240x8xf32, #tpu.memory_space<vmem_shared>>
          tpu.enqueue_indirect_dma source(%arg20 : memref<128x8xf32, #tpu.memory_space<vmem>>) target(%dma_start3A_892 : memref<10240x8xf32, #tpu.memory_space<vmem_shared>>) offsets(%arg15 : memref<128xi32, #tpu.memory_space<vmem>>) semaphore(%run_scoped3A : memref<!tpu.dma_semaphore, #tpu.memory_space<semaphore_mem>>) {add = true}
          %dma_wait3A = arith.constant 0 : i32
          %dma_wait3A_893 = arith.constant 0 : i32
          %dma_wait3A_894 = tpu.memref_slice %arg23[%dma_wait3A, %dma_wait3A_893] : memref<10240x8xf32, #tpu.memory_space<vmem_shared>> -> memref<10240x8xf32, #tpu.memory_space<vmem_shared>>
          tpu.wait_indirect_dma semaphore(%run_scoped3A : memref<!tpu.dma_semaphore, #tpu.memory_space<semaphore_mem>>) src(%arg20 : memref<128x8xf32, #tpu.memory_space<vmem>>) dst(%dma_wait3A_894 : memref<10240x8xf32, #tpu.memory_space<vmem_shared>>)
          tpu.yield
        }) : () -> ()
        "tpu.region"() ({
          %run_scoped3A = tpu.sem_alloc : memref<!tpu.dma_semaphore, #tpu.memory_space<semaphore_mem>>
          %dma_start3A = arith.constant 0 : i32
          %dma_start3A_891 = arith.constant 0 : i32
          %dma_start3A_892 = tpu.memref_slice %arg24[%dma_start3A, %dma_start3A_891] : memref<10240x128xf32, #tpu.memory_space<vmem_shared>> -> memref<10240x128xf32, #tpu.memory_space<vmem_shared>>
          tpu.enqueue_indirect_dma source(%arg21 : memref<128x128xf32, #tpu.memory_space<vmem>>) target(%dma_start3A_892 : memref<10240x128xf32, #tpu.memory_space<vmem_shared>>) offsets(%arg15 : memref<128xi32, #tpu.memory_space<vmem>>) semaphore(%run_scoped3A : memref<!tpu.dma_semaphore, #tpu.memory_space<semaphore_mem>>) {add = true}
          %dma_wait3A = arith.constant 0 : i32
          %dma_wait3A_893 = arith.constant 0 : i32
          %dma_wait3A_894 = tpu.memref_slice %arg24[%dma_wait3A, %dma_wait3A_893] : memref<10240x128xf32, #tpu.memory_space<vmem_shared>> -> memref<10240x128xf32, #tpu.memory_space<vmem_shared>>
          tpu.wait_indirect_dma semaphore(%run_scoped3A : memref<!tpu.dma_semaphore, #tpu.memory_space<semaphore_mem>>) src(%arg21 : memref<128x128xf32, #tpu.memory_space<vmem>>) dst(%dma_wait3A_894 : memref<10240x128xf32, #tpu.memory_space<vmem_shared>>)
          tpu.yield
        }) : () -> ()
      } else {
      }
      %scan3A_188 = arith.constant 0 : i32
      scf.yield %scan3A_188 : i32
    }
    %scan3A_43 = arith.constant 40 : i32
    %barrier3A_44 = arith.constant 0 : index
    tpu.barrier barrier_id(%barrier3A_44)
    %add3A_45 = arith.constant 0 : i32
    %add3A_46 = arith.addi %mul3A_2, %add3A_45 : i32
    %add3A_47 = arith.constant 0 : i32
    %add3A_48 = arith.addi %mul3A_2, %add3A_47 : i32
    "tpu.region"() ({
      %run_scoped3A = tpu.sem_alloc : memref<!tpu.dma_semaphore, #tpu.memory_space<semaphore_mem>>
      %dma_start3A = arith.constant 0 : i32
      %dma_start3A_181 = tpu.memref_slice %arg10[%arg0, %add3A_48, %dma_start3A] : memref<2x10240x128xf32, #tpu.memory_space<hbm>> -> memref<1x128x128xf32, #tpu.memory_space<hbm>>
      %dma_start3A_182 = tpu.memref_squeeze %dma_start3A_181 : memref<1x128x128xf32, #tpu.memory_space<hbm>> -> memref<128x128xf32, #tpu.memory_space<hbm>>
      %dma_start3A_183 = arith.constant 0 : i32
      %dma_start3A_184 = tpu.memref_slice %arg24[%add3A_46, %dma_start3A_183] : memref<10240x128xf32, #tpu.memory_space<vmem_shared>> -> memref<128x128xf32, #tpu.memory_space<vmem_shared>>
      tpu.enqueue_dma source(%dma_start3A_184 : memref<128x128xf32, #tpu.memory_space<vmem_shared>>) target(%dma_start3A_182 : memref<128x128xf32, #tpu.memory_space<hbm>>) target_semaphore(%run_scoped3A : memref<!tpu.dma_semaphore, #tpu.memory_space<semaphore_mem>>)
      %dma_wait3A = arith.constant 0 : i32
      %dma_wait3A_185 = tpu.memref_slice %arg10[%arg0, %add3A_48, %dma_wait3A] : memref<2x10240x128xf32, #tpu.memory_space<hbm>> -> memref<1x128x128xf32, #tpu.memory_space<hbm>>
      %dma_wait3A_186 = tpu.memref_squeeze %dma_wait3A_185 : memref<1x128x128xf32, #tpu.memory_space<hbm>> -> memref<128x128xf32, #tpu.memory_space<hbm>>
      %dma_wait3A_187 = arith.constant 0 : i32
      %dma_wait3A_188 = tpu.memref_slice %arg24[%add3A_46, %dma_wait3A_187] : memref<10240x128xf32, #tpu.memory_space<vmem_shared>> -> memref<128x128xf32, #tpu.memory_space<vmem_shared>>
      tpu.wait_dma2 semaphore(%run_scoped3A : memref<!tpu.dma_semaphore, #tpu.memory_space<semaphore_mem>>) src(%dma_wait3A_188 : memref<128x128xf32, #tpu.memory_space<vmem_shared>>) dst(%dma_wait3A_186 : memref<128x128xf32, #tpu.memory_space<hbm>>)
      tpu.yield
    }) : () -> ()
    %add3A_49 = arith.constant 128 : i32
    %add3A_50 = arith.addi %mul3A_2, %add3A_49 : i32
    %add3A_51 = arith.constant 128 : i32
    %add3A_52 = arith.addi %mul3A_2, %add3A_51 : i32
    "tpu.region"() ({
      %run_scoped3A = tpu.sem_alloc : memref<!tpu.dma_semaphore, #tpu.memory_space<semaphore_mem>>
      %dma_start3A = arith.constant 0 : i32
      %dma_start3A_181 = tpu.memref_slice %arg10[%arg0, %add3A_52, %dma_start3A] : memref<2x10240x128xf32, #tpu.memory_space<hbm>> -> memref<1x128x128xf32, #tpu.memory_space<hbm>>
      %dma_start3A_182 = tpu.memref_squeeze %dma_start3A_181 : memref<1x128x128xf32, #tpu.memory_space<hbm>> -> memref<128x128xf32, #tpu.memory_space<hbm>>
      %dma_start3A_183 = arith.constant 0 : i32
      %dma_start3A_184 = tpu.memref_slice %arg24[%add3A_50, %dma_start3A_183] : memref<10240x128xf32, #tpu.memory_space<vmem_shared>> -> memref<128x128xf32, #tpu.memory_space<vmem_shared>>
      tpu.enqueue_dma source(%dma_start3A_184 : memref<128x128xf32, #tpu.memory_space<vmem_shared>>) target(%dma_start3A_182 : memref<128x128xf32, #tpu.memory_space<hbm>>) target_semaphore(%run_scoped3A : memref<!tpu.dma_semaphore, #tpu.memory_space<semaphore_mem>>)
      %dma_wait3A = arith.constant 0 : i32
      %dma_wait3A_185 = tpu.memref_slice %arg10[%arg0, %add3A_52, %dma_wait3A] : memref<2x10240x128xf32, #tpu.memory_space<hbm>> -> memref<1x128x128xf32, #tpu.memory_space<hbm>>
      %dma_wait3A_186 = tpu.memref_squeeze %dma_wait3A_185 : memref<1x128x128xf32, #tpu.memory_space<hbm>> -> memref<128x128xf32, #tpu.memory_space<hbm>>
      %dma_wait3A_187 = arith.constant 0 : i32
      %dma_wait3A_188 = tpu.memref_slice %arg24[%add3A_50, %dma_wait3A_187] : memref<10240x128xf32, #tpu.memory_space<vmem_shared>> -> memref<128x128xf32, #tpu.memory_space<vmem_shared>>
      tpu.wait_dma2 semaphore(%run_scoped3A : memref<!tpu.dma_semaphore, #tpu.memory_space<semaphore_mem>>) src(%dma_wait3A_188 : memref<128x128xf32, #tpu.memory_space<vmem_shared>>) dst(%dma_wait3A_186 : memref<128x128xf32, #tpu.memory_space<hbm>>)
      tpu.yield
    }) : () -> ()
    %add3A_53 = arith.constant 256 : i32
    %add3A_54 = arith.addi %mul3A_2, %add3A_53 : i32
    %add3A_55 = arith.constant 256 : i32
    %add3A_56 = arith.addi %mul3A_2, %add3A_55 : i32
    "tpu.region"() ({
      %run_scoped3A = tpu.sem_alloc : memref<!tpu.dma_semaphore, #tpu.memory_space<semaphore_mem>>
      %dma_start3A = arith.constant 0 : i32
      %dma_start3A_181 = tpu.memref_slice %arg10[%arg0, %add3A_56, %dma_start3A] : memref<2x10240x128xf32, #tpu.memory_space<hbm>> -> memref<1x128x128xf32, #tpu.memory_space<hbm>>
      %dma_start3A_182 = tpu.memref_squeeze %dma_start3A_181 : memref<1x128x128xf32, #tpu.memory_space<hbm>> -> memref<128x128xf32, #tpu.memory_space<hbm>>
      %dma_start3A_183 = arith.constant 0 : i32
      %dma_start3A_184 = tpu.memref_slice %arg24[%add3A_54, %dma_start3A_183] : memref<10240x128xf32, #tpu.memory_space<vmem_shared>> -> memref<128x128xf32, #tpu.memory_space<vmem_shared>>
      tpu.enqueue_dma source(%dma_start3A_184 : memref<128x128xf32, #tpu.memory_space<vmem_shared>>) target(%dma_start3A_182 : memref<128x128xf32, #tpu.memory_space<hbm>>) target_semaphore(%run_scoped3A : memref<!tpu.dma_semaphore, #tpu.memory_space<semaphore_mem>>)
      %dma_wait3A = arith.constant 0 : i32
      %dma_wait3A_185 = tpu.memref_slice %arg10[%arg0, %add3A_56, %dma_wait3A] : memref<2x10240x128xf32, #tpu.memory_space<hbm>> -> memref<1x128x128xf32, #tpu.memory_space<hbm>>
      %dma_wait3A_186 = tpu.memref_squeeze %dma_wait3A_185 : memref<1x128x128xf32, #tpu.memory_space<hbm>> -> memref<128x128xf32, #tpu.memory_space<hbm>>
      %dma_wait3A_187 = arith.constant 0 : i32
      %dma_wait3A_188 = tpu.memref_slice %arg24[%add3A_54, %dma_wait3A_187] : memref<10240x128xf32, #tpu.memory_space<vmem_shared>> -> memref<128x128xf32, #tpu.memory_space<vmem_shared>>
      tpu.wait_dma2 semaphore(%run_scoped3A : memref<!tpu.dma_semaphore, #tpu.memory_space<semaphore_mem>>) src(%dma_wait3A_188 : memref<128x128xf32, #tpu.memory_space<vmem_shared>>) dst(%dma_wait3A_186 : memref<128x128xf32, #tpu.memory_space<hbm>>)
      tpu.yield
    }) : () -> ()
    %add3A_57 = arith.constant 384 : i32
    %add3A_58 = arith.addi %mul3A_2, %add3A_57 : i32
    %add3A_59 = arith.constant 384 : i32
    %add3A_60 = arith.addi %mul3A_2, %add3A_59 : i32
    "tpu.region"() ({
      %run_scoped3A = tpu.sem_alloc : memref<!tpu.dma_semaphore, #tpu.memory_space<semaphore_mem>>
      %dma_start3A = arith.constant 0 : i32
      %dma_start3A_181 = tpu.memref_slice %arg10[%arg0, %add3A_60, %dma_start3A] : memref<2x10240x128xf32, #tpu.memory_space<hbm>> -> memref<1x128x128xf32, #tpu.memory_space<hbm>>
      %dma_start3A_182 = tpu.memref_squeeze %dma_start3A_181 : memref<1x128x128xf32, #tpu.memory_space<hbm>> -> memref<128x128xf32, #tpu.memory_space<hbm>>
      %dma_start3A_183 = arith.constant 0 : i32
      %dma_start3A_184 = tpu.memref_slice %arg24[%add3A_58, %dma_start3A_183] : memref<10240x128xf32, #tpu.memory_space<vmem_shared>> -> memref<128x128xf32, #tpu.memory_space<vmem_shared>>
      tpu.enqueue_dma source(%dma_start3A_184 : memref<128x128xf32, #tpu.memory_space<vmem_shared>>) target(%dma_start3A_182 : memref<128x128xf32, #tpu.memory_space<hbm>>) target_semaphore(%run_scoped3A : memref<!tpu.dma_semaphore, #tpu.memory_space<semaphore_mem>>)
      %dma_wait3A = arith.constant 0 : i32
      %dma_wait3A_185 = tpu.memref_slice %arg10[%arg0, %add3A_60, %dma_wait3A] : memref<2x10240x128xf32, #tpu.memory_space<hbm>> -> memref<1x128x128xf32, #tpu.memory_space<hbm>>
      %dma_wait3A_186 = tpu.memref_squeeze %dma_wait3A_185 : memref<1x128x128xf32, #tpu.memory_space<hbm>> -> memref<128x128xf32, #tpu.memory_space<hbm>>
      %dma_wait3A_187 = arith.constant 0 : i32
      %dma_wait3A_188 = tpu.memref_slice %arg24[%add3A_58, %dma_wait3A_187] : memref<10240x128xf32, #tpu.memory_space<vmem_shared>> -> memref<128x128xf32, #tpu.memory_space<vmem_shared>>
      tpu.wait_dma2 semaphore(%run_scoped3A : memref<!tpu.dma_semaphore, #tpu.memory_space<semaphore_mem>>) src(%dma_wait3A_188 : memref<128x128xf32, #tpu.memory_space<vmem_shared>>) dst(%dma_wait3A_186 : memref<128x128xf32, #tpu.memory_space<hbm>>)
      tpu.yield
    }) : () -> ()
    %add3A_61 = arith.constant 512 : i32
    %add3A_62 = arith.addi %mul3A_2, %add3A_61 : i32
    %add3A_63 = arith.constant 512 : i32
    %add3A_64 = arith.addi %mul3A_2, %add3A_63 : i32
    "tpu.region"() ({
      %run_scoped3A = tpu.sem_alloc : memref<!tpu.dma_semaphore, #tpu.memory_space<semaphore_mem>>
      %dma_start3A = arith.constant 0 : i32
      %dma_start3A_181 = tpu.memref_slice %arg10[%arg0, %add3A_64, %dma_start3A] : memref<2x10240x128xf32, #tpu.memory_space<hbm>> -> memref<1x128x128xf32, #tpu.memory_space<hbm>>
      %dma_start3A_182 = tpu.memref_squeeze %dma_start3A_181 : memref<1x128x128xf32, #tpu.memory_space<hbm>> -> memref<128x128xf32, #tpu.memory_space<hbm>>
      %dma_start3A_183 = arith.constant 0 : i32
      %dma_start3A_184 = tpu.memref_slice %arg24[%add3A_62, %dma_start3A_183] : memref<10240x128xf32, #tpu.memory_space<vmem_shared>> -> memref<128x128xf32, #tpu.memory_space<vmem_shared>>
      tpu.enqueue_dma source(%dma_start3A_184 : memref<128x128xf32, #tpu.memory_space<vmem_shared>>) target(%dma_start3A_182 : memref<128x128xf32, #tpu.memory_space<hbm>>) target_semaphore(%run_scoped3A : memref<!tpu.dma_semaphore, #tpu.memory_space<semaphore_mem>>)
      %dma_wait3A = arith.constant 0 : i32
      %dma_wait3A_185 = tpu.memref_slice %arg10[%arg0, %add3A_64, %dma_wait3A] : memref<2x10240x128xf32, #tpu.memory_space<hbm>> -> memref<1x128x128xf32, #tpu.memory_space<hbm>>
      %dma_wait3A_186 = tpu.memref_squeeze %dma_wait3A_185 : memref<1x128x128xf32, #tpu.memory_space<hbm>> -> memref<128x128xf32, #tpu.memory_space<hbm>>
      %dma_wait3A_187 = arith.constant 0 : i32
      %dma_wait3A_188 = tpu.memref_slice %arg24[%add3A_62, %dma_wait3A_187] : memref<10240x128xf32, #tpu.memory_space<vmem_shared>> -> memref<128x128xf32, #tpu.memory_space<vmem_shared>>
      tpu.wait_dma2 semaphore(%run_scoped3A : memref<!tpu.dma_semaphore, #tpu.memory_space<semaphore_mem>>) src(%dma_wait3A_188 : memref<128x128xf32, #tpu.memory_space<vmem_shared>>) dst(%dma_wait3A_186 : memref<128x128xf32, #tpu.memory_space<hbm>>)
      tpu.yield
    }) : () -> ()
    %add3A_65 = arith.constant 0 : i32
    %add3A_66 = arith.addi %mul3A_2, %add3A_65 : i32
    %add3A_67 = arith.constant 0 : i32
    %add3A_68 = arith.addi %mul3A_2, %add3A_67 : i32
    "tpu.region"() ({
      %run_scoped3A = tpu.sem_alloc : memref<!tpu.dma_semaphore, #tpu.memory_space<semaphore_mem>>
      %dma_start3A = arith.constant 0 : i32
      %dma_start3A_181 = tpu.memref_slice %arg13[%arg0, %add3A_68, %dma_start3A] : memref<2x10240x8xf32, #tpu.memory_space<hbm>> -> memref<1x128x8xf32, #tpu.memory_space<hbm>>
      %dma_start3A_182 = tpu.memref_squeeze %dma_start3A_181 : memref<1x128x8xf32, #tpu.memory_space<hbm>> -> memref<128x8xf32, #tpu.memory_space<hbm>>
      %dma_start3A_183 = arith.constant 0 : i32
      %dma_start3A_184 = tpu.memref_slice %arg23[%add3A_66, %dma_start3A_183] : memref<10240x8xf32, #tpu.memory_space<vmem_shared>> -> memref<128x8xf32, #tpu.memory_space<vmem_shared>>
      tpu.enqueue_dma source(%dma_start3A_184 : memref<128x8xf32, #tpu.memory_space<vmem_shared>>) target(%dma_start3A_182 : memref<128x8xf32, #tpu.memory_space<hbm>>) target_semaphore(%run_scoped3A : memref<!tpu.dma_semaphore, #tpu.memory_space<semaphore_mem>>)
      %dma_wait3A = arith.constant 0 : i32
      %dma_wait3A_185 = tpu.memref_slice %arg13[%arg0, %add3A_68, %dma_wait3A] : memref<2x10240x8xf32, #tpu.memory_space<hbm>> -> memref<1x128x8xf32, #tpu.memory_space<hbm>>
      %dma_wait3A_186 = tpu.memref_squeeze %dma_wait3A_185 : memref<1x128x8xf32, #tpu.memory_space<hbm>> -> memref<128x8xf32, #tpu.memory_space<hbm>>
      %dma_wait3A_187 = arith.constant 0 : i32
      %dma_wait3A_188 = tpu.memref_slice %arg23[%add3A_66, %dma_wait3A_187] : memref<10240x8xf32, #tpu.memory_space<vmem_shared>> -> memref<128x8xf32, #tpu.memory_space<vmem_shared>>
      tpu.wait_dma2 semaphore(%run_scoped3A : memref<!tpu.dma_semaphore, #tpu.memory_space<semaphore_mem>>) src(%dma_wait3A_188 : memref<128x8xf32, #tpu.memory_space<vmem_shared>>) dst(%dma_wait3A_186 : memref<128x8xf32, #tpu.memory_space<hbm>>)
      tpu.yield
    }) : () -> ()
    %add3A_69 = arith.constant 128 : i32
    %add3A_70 = arith.addi %mul3A_2, %add3A_69 : i32
    %add3A_71 = arith.constant 128 : i32
    %add3A_72 = arith.addi %mul3A_2, %add3A_71 : i32
    "tpu.region"() ({
      %run_scoped3A = tpu.sem_alloc : memref<!tpu.dma_semaphore, #tpu.memory_space<semaphore_mem>>
      %dma_start3A = arith.constant 0 : i32
      %dma_start3A_181 = tpu.memref_slice %arg13[%arg0, %add3A_72, %dma_start3A] : memref<2x10240x8xf32, #tpu.memory_space<hbm>> -> memref<1x128x8xf32, #tpu.memory_space<hbm>>
      %dma_start3A_182 = tpu.memref_squeeze %dma_start3A_181 : memref<1x128x8xf32, #tpu.memory_space<hbm>> -> memref<128x8xf32, #tpu.memory_space<hbm>>
      %dma_start3A_183 = arith.constant 0 : i32
      %dma_start3A_184 = tpu.memref_slice %arg23[%add3A_70, %dma_start3A_183] : memref<10240x8xf32, #tpu.memory_space<vmem_shared>> -> memref<128x8xf32, #tpu.memory_space<vmem_shared>>
      tpu.enqueue_dma source(%dma_start3A_184 : memref<128x8xf32, #tpu.memory_space<vmem_shared>>) target(%dma_start3A_182 : memref<128x8xf32, #tpu.memory_space<hbm>>) target_semaphore(%run_scoped3A : memref<!tpu.dma_semaphore, #tpu.memory_space<semaphore_mem>>)
      %dma_wait3A = arith.constant 0 : i32
      %dma_wait3A_185 = tpu.memref_slice %arg13[%arg0, %add3A_72, %dma_wait3A] : memref<2x10240x8xf32, #tpu.memory_space<hbm>> -> memref<1x128x8xf32, #tpu.memory_space<hbm>>
      %dma_wait3A_186 = tpu.memref_squeeze %dma_wait3A_185 : memref<1x128x8xf32, #tpu.memory_space<hbm>> -> memref<128x8xf32, #tpu.memory_space<hbm>>
      %dma_wait3A_187 = arith.constant 0 : i32
      %dma_wait3A_188 = tpu.memref_slice %arg23[%add3A_70, %dma_wait3A_187] : memref<10240x8xf32, #tpu.memory_space<vmem_shared>> -> memref<128x8xf32, #tpu.memory_space<vmem_shared>>
      tpu.wait_dma2 semaphore(%run_scoped3A : memref<!tpu.dma_semaphore, #tpu.memory_space<semaphore_mem>>) src(%dma_wait3A_188 : memref<128x8xf32, #tpu.memory_space<vmem_shared>>) dst(%dma_wait3A_186 : memref<128x8xf32, #tpu.memory_space<hbm>>)
      tpu.yield
    }) : () -> ()
    %add3A_73 = arith.constant 256 : i32
    %add3A_74 = arith.addi %mul3A_2, %add3A_73 : i32
    %add3A_75 = arith.constant 256 : i32
    %add3A_76 = arith.addi %mul3A_2, %add3A_75 : i32
    "tpu.region"() ({
      %run_scoped3A = tpu.sem_alloc : memref<!tpu.dma_semaphore, #tpu.memory_space<semaphore_mem>>
      %dma_start3A = arith.constant 0 : i32
      %dma_start3A_181 = tpu.memref_slice %arg13[%arg0, %add3A_76, %dma_start3A] : memref<2x10240x8xf32, #tpu.memory_space<hbm>> -> memref<1x128x8xf32, #tpu.memory_space<hbm>>
      %dma_start3A_182 = tpu.memref_squeeze %dma_start3A_181 : memref<1x128x8xf32, #tpu.memory_space<hbm>> -> memref<128x8xf32, #tpu.memory_space<hbm>>
      %dma_start3A_183 = arith.constant 0 : i32
      %dma_start3A_184 = tpu.memref_slice %arg23[%add3A_74, %dma_start3A_183] : memref<10240x8xf32, #tpu.memory_space<vmem_shared>> -> memref<128x8xf32, #tpu.memory_space<vmem_shared>>
      tpu.enqueue_dma source(%dma_start3A_184 : memref<128x8xf32, #tpu.memory_space<vmem_shared>>) target(%dma_start3A_182 : memref<128x8xf32, #tpu.memory_space<hbm>>) target_semaphore(%run_scoped3A : memref<!tpu.dma_semaphore, #tpu.memory_space<semaphore_mem>>)
      %dma_wait3A = arith.constant 0 : i32
      %dma_wait3A_185 = tpu.memref_slice %arg13[%arg0, %add3A_76, %dma_wait3A] : memref<2x10240x8xf32, #tpu.memory_space<hbm>> -> memref<1x128x8xf32, #tpu.memory_space<hbm>>
      %dma_wait3A_186 = tpu.memref_squeeze %dma_wait3A_185 : memref<1x128x8xf32, #tpu.memory_space<hbm>> -> memref<128x8xf32, #tpu.memory_space<hbm>>
      %dma_wait3A_187 = arith.constant 0 : i32
      %dma_wait3A_188 = tpu.memref_slice %arg23[%add3A_74, %dma_wait3A_187] : memref<10240x8xf32, #tpu.memory_space<vmem_shared>> -> memref<128x8xf32, #tpu.memory_space<vmem_shared>>
      tpu.wait_dma2 semaphore(%run_scoped3A : memref<!tpu.dma_semaphore, #tpu.memory_space<semaphore_mem>>) src(%dma_wait3A_188 : memref<128x8xf32, #tpu.memory_space<vmem_shared>>) dst(%dma_wait3A_186 : memref<128x8xf32, #tpu.memory_space<hbm>>)
      tpu.yield
    }) : () -> ()
    %add3A_77 = arith.constant 384 : i32
    %add3A_78 = arith.addi %mul3A_2, %add3A_77 : i32
    %add3A_79 = arith.constant 384 : i32
    %add3A_80 = arith.addi %mul3A_2, %add3A_79 : i32
    "tpu.region"() ({
      %run_scoped3A = tpu.sem_alloc : memref<!tpu.dma_semaphore, #tpu.memory_space<semaphore_mem>>
      %dma_start3A = arith.constant 0 : i32
      %dma_start3A_181 = tpu.memref_slice %arg13[%arg0, %add3A_80, %dma_start3A] : memref<2x10240x8xf32, #tpu.memory_space<hbm>> -> memref<1x128x8xf32, #tpu.memory_space<hbm>>
      %dma_start3A_182 = tpu.memref_squeeze %dma_start3A_181 : memref<1x128x8xf32, #tpu.memory_space<hbm>> -> memref<128x8xf32, #tpu.memory_space<hbm>>
      %dma_start3A_183 = arith.constant 0 : i32
      %dma_start3A_184 = tpu.memref_slice %arg23[%add3A_78, %dma_start3A_183] : memref<10240x8xf32, #tpu.memory_space<vmem_shared>> -> memref<128x8xf32, #tpu.memory_space<vmem_shared>>
      tpu.enqueue_dma source(%dma_start3A_184 : memref<128x8xf32, #tpu.memory_space<vmem_shared>>) target(%dma_start3A_182 : memref<128x8xf32, #tpu.memory_space<hbm>>) target_semaphore(%run_scoped3A : memref<!tpu.dma_semaphore, #tpu.memory_space<semaphore_mem>>)
      %dma_wait3A = arith.constant 0 : i32
      %dma_wait3A_185 = tpu.memref_slice %arg13[%arg0, %add3A_80, %dma_wait3A] : memref<2x10240x8xf32, #tpu.memory_space<hbm>> -> memref<1x128x8xf32, #tpu.memory_space<hbm>>
      %dma_wait3A_186 = tpu.memref_squeeze %dma_wait3A_185 : memref<1x128x8xf32, #tpu.memory_space<hbm>> -> memref<128x8xf32, #tpu.memory_space<hbm>>
      %dma_wait3A_187 = arith.constant 0 : i32
      %dma_wait3A_188 = tpu.memref_slice %arg23[%add3A_78, %dma_wait3A_187] : memref<10240x8xf32, #tpu.memory_space<vmem_shared>> -> memref<128x8xf32, #tpu.memory_space<vmem_shared>>
      tpu.wait_dma2 semaphore(%run_scoped3A : memref<!tpu.dma_semaphore, #tpu.memory_space<semaphore_mem>>) src(%dma_wait3A_188 : memref<128x8xf32, #tpu.memory_space<vmem_shared>>) dst(%dma_wait3A_186 : memref<128x8xf32, #tpu.memory_space<hbm>>)
      tpu.yield
    }) : () -> ()
    %add3A_81 = arith.constant 512 : i32
    %add3A_82 = arith.addi %mul3A_2, %add3A_81 : i32
    %add3A_83 = arith.constant 512 : i32
    %add3A_84 = arith.addi %mul3A_2, %add3A_83 : i32
    "tpu.region"() ({
      %run_scoped3A = tpu.sem_alloc : memref<!tpu.dma_semaphore, #tpu.memory_space<semaphore_mem>>
      %dma_start3A = arith.constant 0 : i32
      %dma_start3A_181 = tpu.memref_slice %arg13[%arg0, %add3A_84, %dma_start3A] : memref<2x10240x8xf32, #tpu.memory_space<hbm>> -> memref<1x128x8xf32, #tpu.memory_space<hbm>>
      %dma_start3A_182 = tpu.memref_squeeze %dma_start3A_181 : memref<1x128x8xf32, #tpu.memory_space<hbm>> -> memref<128x8xf32, #tpu.memory_space<hbm>>
      %dma_start3A_183 = arith.constant 0 : i32
      %dma_start3A_184 = tpu.memref_slice %arg23[%add3A_82, %dma_start3A_183] : memref<10240x8xf32, #tpu.memory_space<vmem_shared>> -> memref<128x8xf32, #tpu.memory_space<vmem_shared>>
      tpu.enqueue_dma source(%dma_start3A_184 : memref<128x8xf32, #tpu.memory_space<vmem_shared>>) target(%dma_start3A_182 : memref<128x8xf32, #tpu.memory_space<hbm>>) target_semaphore(%run_scoped3A : memref<!tpu.dma_semaphore, #tpu.memory_space<semaphore_mem>>)
      %dma_wait3A = arith.constant 0 : i32
      %dma_wait3A_185 = tpu.memref_slice %arg13[%arg0, %add3A_84, %dma_wait3A] : memref<2x10240x8xf32, #tpu.memory_space<hbm>> -> memref<1x128x8xf32, #tpu.memory_space<hbm>>
      %dma_wait3A_186 = tpu.memref_squeeze %dma_wait3A_185 : memref<1x128x8xf32, #tpu.memory_space<hbm>> -> memref<128x8xf32, #tpu.memory_space<hbm>>
      %dma_wait3A_187 = arith.constant 0 : i32
      %dma_wait3A_188 = tpu.memref_slice %arg23[%add3A_82, %dma_wait3A_187] : memref<10240x8xf32, #tpu.memory_space<vmem_shared>> -> memref<128x8xf32, #tpu.memory_space<vmem_shared>>
      tpu.wait_dma2 semaphore(%run_scoped3A : memref<!tpu.dma_semaphore, #tpu.memory_space<semaphore_mem>>) src(%dma_wait3A_188 : memref<128x8xf32, #tpu.memory_space<vmem_shared>>) dst(%dma_wait3A_186 : memref<128x8xf32, #tpu.memory_space<hbm>>)
      tpu.yield
    }) : () -> ()
    %broadcast_in_dim3A_85 = arith.constant 0.000000e+00 : f32
    %broadcast_in_dim3A_86 = vector.broadcast %broadcast_in_dim3A_85 : f32 to vector<16xf32>
    %scan3A_87 = arith.constant 0 : i32
    %scan3A_88 = arith.constant 0 : i32
    %scan3A_89 = arith.constant 128 : i32
    %scan3A_90 = arith.addi %scan3A_88, %scan3A_89 : i32
    %scan3A_91 = arith.constant 1 : i32
    %scan3A_92 = scf.for %scan3A_181 = %scan3A_88 to %scan3A_90 step %scan3A_91 iter_args(%scan3A_182 = %scan3A_87) -> (i32)  : i32 {
      %swap3A = arith.index_cast %scan3A_181 : i32 to index
      %swap3A_183 = arith.constant 0 : index
      %swap3A_184 = tpu.vector_load %arg21[%swap3A, %swap3A_183] {strides = array<i32>} : memref<128x128xf32, #tpu.memory_space<vmem>>, vector<16xf32>,
      tpu.vector_store %arg21[%swap3A, %swap3A_183], %broadcast_in_dim3A_86 {strides = array<i32>} : memref<128x128xf32, #tpu.memory_space<vmem>>, vector<16xf32>,
      %swap3A_185 = arith.index_cast %scan3A_181 : i32 to index
      %swap3A_186 = arith.constant 16 : index
      %swap3A_187 = tpu.vector_load %arg21[%swap3A_185, %swap3A_186] {strides = array<i32>} : memref<128x128xf32, #tpu.memory_space<vmem>>, vector<16xf32>,
      tpu.vector_store %arg21[%swap3A_185, %swap3A_186], %broadcast_in_dim3A_86 {strides = array<i32>} : memref<128x128xf32, #tpu.memory_space<vmem>>, vector<16xf32>,
      %swap3A_188 = arith.index_cast %scan3A_181 : i32 to index
      %swap3A_189 = arith.constant 32 : index
      %swap3A_190 = tpu.vector_load %arg21[%swap3A_188, %swap3A_189] {strides = array<i32>} : memref<128x128xf32, #tpu.memory_space<vmem>>, vector<16xf32>,
      tpu.vector_store %arg21[%swap3A_188, %swap3A_189], %broadcast_in_dim3A_86 {strides = array<i32>} : memref<128x128xf32, #tpu.memory_space<vmem>>, vector<16xf32>,
      %swap3A_191 = arith.index_cast %scan3A_181 : i32 to index
      %swap3A_192 = arith.constant 48 : index
      %swap3A_193 = tpu.vector_load %arg21[%swap3A_191, %swap3A_192] {strides = array<i32>} : memref<128x128xf32, #tpu.memory_space<vmem>>, vector<16xf32>,
      tpu.vector_store %arg21[%swap3A_191, %swap3A_192], %broadcast_in_dim3A_86 {strides = array<i32>} : memref<128x128xf32, #tpu.memory_space<vmem>>, vector<16xf32>,
      %swap3A_194 = arith.index_cast %scan3A_181 : i32 to index
      %swap3A_195 = arith.constant 64 : index
      %swap3A_196 = tpu.vector_load %arg21[%swap3A_194, %swap3A_195] {strides = array<i32>} : memref<128x128xf32, #tpu.memory_space<vmem>>, vector<16xf32>,
      tpu.vector_store %arg21[%swap3A_194, %swap3A_195], %broadcast_in_dim3A_86 {strides = array<i32>} : memref<128x128xf32, #tpu.memory_space<vmem>>, vector<16xf32>,
      %swap3A_197 = arith.index_cast %scan3A_181 : i32 to index
      %swap3A_198 = arith.constant 80 : index
      %swap3A_199 = tpu.vector_load %arg21[%swap3A_197, %swap3A_198] {strides = array<i32>} : memref<128x128xf32, #tpu.memory_space<vmem>>, vector<16xf32>,
      tpu.vector_store %arg21[%swap3A_197, %swap3A_198], %broadcast_in_dim3A_86 {strides = array<i32>} : memref<128x128xf32, #tpu.memory_space<vmem>>, vector<16xf32>,
      %swap3A_200 = arith.index_cast %scan3A_181 : i32 to index
      %swap3A_201 = arith.constant 96 : index
      %swap3A_202 = tpu.vector_load %arg21[%swap3A_200, %swap3A_201] {strides = array<i32>} : memref<128x128xf32, #tpu.memory_space<vmem>>, vector<16xf32>,
      tpu.vector_store %arg21[%swap3A_200, %swap3A_201], %broadcast_in_dim3A_86 {strides = array<i32>} : memref<128x128xf32, #tpu.memory_space<vmem>>, vector<16xf32>,
      %swap3A_203 = arith.index_cast %scan3A_181 : i32 to index
      %swap3A_204 = arith.constant 112 : index
      %swap3A_205 = tpu.vector_load %arg21[%swap3A_203, %swap3A_204] {strides = array<i32>} : memref<128x128xf32, #tpu.memory_space<vmem>>, vector<16xf32>,
      tpu.vector_store %arg21[%swap3A_203, %swap3A_204], %broadcast_in_dim3A_86 {strides = array<i32>} : memref<128x128xf32, #tpu.memory_space<vmem>>, vector<16xf32>,
      %scan3A_206 = arith.constant 0 : i32
      scf.yield %scan3A_206 : i32
    }
    %scan3A_93 = arith.constant 128 : i32
    %add3A_94 = arith.constant 0 : i32
    %add3A_95 = arith.addi %mul3A_2, %add3A_94 : i32
    "tpu.region"() ({
      %run_scoped3A = tpu.sem_alloc : memref<!tpu.dma_semaphore, #tpu.memory_space<semaphore_mem>>
      %dma_start3A = arith.constant 0 : i32
      %dma_start3A_181 = arith.constant 0 : i32
      %dma_start3A_182 = tpu.memref_slice %arg21[%dma_start3A, %dma_start3A_181] : memref<128x128xf32, #tpu.memory_space<vmem>> -> memref<128x128xf32, #tpu.memory_space<vmem>>
      %dma_start3A_183 = arith.constant 0 : i32
      %dma_start3A_184 = tpu.memref_slice %arg24[%add3A_95, %dma_start3A_183] : memref<10240x128xf32, #tpu.memory_space<vmem_shared>> -> memref<128x128xf32, #tpu.memory_space<vmem_shared>>
      %dma_start3A_185 = arith.constant 0 : i32
      %dma_start3A_186 = tpu.memref_slice %arg24[%add3A_95, %dma_start3A_185] : memref<10240x128xf32, #tpu.memory_space<vmem_shared>> -> memref<128x128xf32, #tpu.memory_space<vmem_shared>>
      %dma_start3A_187 = arith.constant 0 : i32
      %dma_start3A_188 = arith.constant 0 : i32
      %dma_start3A_189 = tpu.memref_slice %arg21[%dma_start3A_187, %dma_start3A_188] : memref<128x128xf32, #tpu.memory_space<vmem>> -> memref<128x128xf32, #tpu.memory_space<vmem>>
      tpu.enqueue_dma source(%dma_start3A_189 : memref<128x128xf32, #tpu.memory_space<vmem>>) target(%dma_start3A_186 : memref<128x128xf32, #tpu.memory_space<vmem_shared>>) target_semaphore(%run_scoped3A : memref<!tpu.dma_semaphore, #tpu.memory_space<semaphore_mem>>)
      %dma_wait3A = arith.constant 0 : i32
      %dma_wait3A_190 = arith.constant 0 : i32
      %dma_wait3A_191 = tpu.memref_slice %arg21[%dma_wait3A, %dma_wait3A_190] : memref<128x128xf32, #tpu.memory_space<vmem>> -> memref<128x128xf32, #tpu.memory_space<vmem>>
      %dma_wait3A_192 = arith.constant 0 : i32
      %dma_wait3A_193 = tpu.memref_slice %arg24[%add3A_95, %dma_wait3A_192] : memref<10240x128xf32, #tpu.memory_space<vmem_shared>> -> memref<128x128xf32, #tpu.memory_space<vmem_shared>>
      %dma_wait3A_194 = arith.constant 0 : i32
      %dma_wait3A_195 = tpu.memref_slice %arg24[%add3A_95, %dma_wait3A_194] : memref<10240x128xf32, #tpu.memory_space<vmem_shared>> -> memref<128x128xf32, #tpu.memory_space<vmem_shared>>
      %dma_wait3A_196 = arith.constant 0 : i32
      %dma_wait3A_197 = arith.constant 0 : i32
      %dma_wait3A_198 = tpu.memref_slice %arg21[%dma_wait3A_196, %dma_wait3A_197] : memref<128x128xf32, #tpu.memory_space<vmem>> -> memref<128x128xf32, #tpu.memory_space<vmem>>
      tpu.wait_dma2 semaphore(%run_scoped3A : memref<!tpu.dma_semaphore, #tpu.memory_space<semaphore_mem>>) src(%dma_wait3A_198 : memref<128x128xf32, #tpu.memory_space<vmem>>) dst(%dma_wait3A_195 : memref<128x128xf32, #tpu.memory_space<vmem_shared>>)
      tpu.yield
    }) : () -> ()
    %add3A_96 = arith.constant 128 : i32
    %add3A_97 = arith.addi %mul3A_2, %add3A_96 : i32
    "tpu.region"() ({
      %run_scoped3A = tpu.sem_alloc : memref<!tpu.dma_semaphore, #tpu.memory_space<semaphore_mem>>
      %dma_start3A = arith.constant 0 : i32
      %dma_start3A_181 = arith.constant 0 : i32
      %dma_start3A_182 = tpu.memref_slice %arg21[%dma_start3A, %dma_start3A_181] : memref<128x128xf32, #tpu.memory_space<vmem>> -> memref<128x128xf32, #tpu.memory_space<vmem>>
      %dma_start3A_183 = arith.constant 0 : i32
      %dma_start3A_184 = tpu.memref_slice %arg24[%add3A_97, %dma_start3A_183] : memref<10240x128xf32, #tpu.memory_space<vmem_shared>> -> memref<128x128xf32, #tpu.memory_space<vmem_shared>>
      %dma_start3A_185 = arith.constant 0 : i32
      %dma_start3A_186 = tpu.memref_slice %arg24[%add3A_97, %dma_start3A_185] : memref<10240x128xf32, #tpu.memory_space<vmem_shared>> -> memref<128x128xf32, #tpu.memory_space<vmem_shared>>
      %dma_start3A_187 = arith.constant 0 : i32
      %dma_start3A_188 = arith.constant 0 : i32
      %dma_start3A_189 = tpu.memref_slice %arg21[%dma_start3A_187, %dma_start3A_188] : memref<128x128xf32, #tpu.memory_space<vmem>> -> memref<128x128xf32, #tpu.memory_space<vmem>>
      tpu.enqueue_dma source(%dma_start3A_189 : memref<128x128xf32, #tpu.memory_space<vmem>>) target(%dma_start3A_186 : memref<128x128xf32, #tpu.memory_space<vmem_shared>>) target_semaphore(%run_scoped3A : memref<!tpu.dma_semaphore, #tpu.memory_space<semaphore_mem>>)
      %dma_wait3A = arith.constant 0 : i32
      %dma_wait3A_190 = arith.constant 0 : i32
      %dma_wait3A_191 = tpu.memref_slice %arg21[%dma_wait3A, %dma_wait3A_190] : memref<128x128xf32, #tpu.memory_space<vmem>> -> memref<128x128xf32, #tpu.memory_space<vmem>>
      %dma_wait3A_192 = arith.constant 0 : i32
      %dma_wait3A_193 = tpu.memref_slice %arg24[%add3A_97, %dma_wait3A_192] : memref<10240x128xf32, #tpu.memory_space<vmem_shared>> -> memref<128x128xf32, #tpu.memory_space<vmem_shared>>
      %dma_wait3A_194 = arith.constant 0 : i32
      %dma_wait3A_195 = tpu.memref_slice %arg24[%add3A_97, %dma_wait3A_194] : memref<10240x128xf32, #tpu.memory_space<vmem_shared>> -> memref<128x128xf32, #tpu.memory_space<vmem_shared>>
      %dma_wait3A_196 = arith.constant 0 : i32
      %dma_wait3A_197 = arith.constant 0 : i32
      %dma_wait3A_198 = tpu.memref_slice %arg21[%dma_wait3A_196, %dma_wait3A_197] : memref<128x128xf32, #tpu.memory_space<vmem>> -> memref<128x128xf32, #tpu.memory_space<vmem>>
      tpu.wait_dma2 semaphore(%run_scoped3A : memref<!tpu.dma_semaphore, #tpu.memory_space<semaphore_mem>>) src(%dma_wait3A_198 : memref<128x128xf32, #tpu.memory_space<vmem>>) dst(%dma_wait3A_195 : memref<128x128xf32, #tpu.memory_space<vmem_shared>>)
      tpu.yield
    }) : () -> ()
    %add3A_98 = arith.constant 256 : i32
    %add3A_99 = arith.addi %mul3A_2, %add3A_98 : i32
    "tpu.region"() ({
      %run_scoped3A = tpu.sem_alloc : memref<!tpu.dma_semaphore, #tpu.memory_space<semaphore_mem>>
      %dma_start3A = arith.constant 0 : i32
      %dma_start3A_181 = arith.constant 0 : i32
      %dma_start3A_182 = tpu.memref_slice %arg21[%dma_start3A, %dma_start3A_181] : memref<128x128xf32, #tpu.memory_space<vmem>> -> memref<128x128xf32, #tpu.memory_space<vmem>>
      %dma_start3A_183 = arith.constant 0 : i32
      %dma_start3A_184 = tpu.memref_slice %arg24[%add3A_99, %dma_start3A_183] : memref<10240x128xf32, #tpu.memory_space<vmem_shared>> -> memref<128x128xf32, #tpu.memory_space<vmem_shared>>
      %dma_start3A_185 = arith.constant 0 : i32
      %dma_start3A_186 = tpu.memref_slice %arg24[%add3A_99, %dma_start3A_185] : memref<10240x128xf32, #tpu.memory_space<vmem_shared>> -> memref<128x128xf32, #tpu.memory_space<vmem_shared>>
      %dma_start3A_187 = arith.constant 0 : i32
      %dma_start3A_188 = arith.constant 0 : i32
      %dma_start3A_189 = tpu.memref_slice %arg21[%dma_start3A_187, %dma_start3A_188] : memref<128x128xf32, #tpu.memory_space<vmem>> -> memref<128x128xf32, #tpu.memory_space<vmem>>
      tpu.enqueue_dma source(%dma_start3A_189 : memref<128x128xf32, #tpu.memory_space<vmem>>) target(%dma_start3A_186 : memref<128x128xf32, #tpu.memory_space<vmem_shared>>) target_semaphore(%run_scoped3A : memref<!tpu.dma_semaphore, #tpu.memory_space<semaphore_mem>>)
      %dma_wait3A = arith.constant 0 : i32
      %dma_wait3A_190 = arith.constant 0 : i32
      %dma_wait3A_191 = tpu.memref_slice %arg21[%dma_wait3A, %dma_wait3A_190] : memref<128x128xf32, #tpu.memory_space<vmem>> -> memref<128x128xf32, #tpu.memory_space<vmem>>
      %dma_wait3A_192 = arith.constant 0 : i32
      %dma_wait3A_193 = tpu.memref_slice %arg24[%add3A_99, %dma_wait3A_192] : memref<10240x128xf32, #tpu.memory_space<vmem_shared>> -> memref<128x128xf32, #tpu.memory_space<vmem_shared>>
      %dma_wait3A_194 = arith.constant 0 : i32
      %dma_wait3A_195 = tpu.memref_slice %arg24[%add3A_99, %dma_wait3A_194] : memref<10240x128xf32, #tpu.memory_space<vmem_shared>> -> memref<128x128xf32, #tpu.memory_space<vmem_shared>>
      %dma_wait3A_196 = arith.constant 0 : i32
      %dma_wait3A_197 = arith.constant 0 : i32
      %dma_wait3A_198 = tpu.memref_slice %arg21[%dma_wait3A_196, %dma_wait3A_197] : memref<128x128xf32, #tpu.memory_space<vmem>> -> memref<128x128xf32, #tpu.memory_space<vmem>>
      tpu.wait_dma2 semaphore(%run_scoped3A : memref<!tpu.dma_semaphore, #tpu.memory_space<semaphore_mem>>) src(%dma_wait3A_198 : memref<128x128xf32, #tpu.memory_space<vmem>>) dst(%dma_wait3A_195 : memref<128x128xf32, #tpu.memory_space<vmem_shared>>)
      tpu.yield
    }) : () -> ()
    %add3A_100 = arith.constant 384 : i32
    %add3A_101 = arith.addi %mul3A_2, %add3A_100 : i32
    "tpu.region"() ({
      %run_scoped3A = tpu.sem_alloc : memref<!tpu.dma_semaphore, #tpu.memory_space<semaphore_mem>>
      %dma_start3A = arith.constant 0 : i32
      %dma_start3A_181 = arith.constant 0 : i32
      %dma_start3A_182 = tpu.memref_slice %arg21[%dma_start3A, %dma_start3A_181] : memref<128x128xf32, #tpu.memory_space<vmem>> -> memref<128x128xf32, #tpu.memory_space<vmem>>
      %dma_start3A_183 = arith.constant 0 : i32
      %dma_start3A_184 = tpu.memref_slice %arg24[%add3A_101, %dma_start3A_183] : memref<10240x128xf32, #tpu.memory_space<vmem_shared>> -> memref<128x128xf32, #tpu.memory_space<vmem_shared>>
      %dma_start3A_185 = arith.constant 0 : i32
      %dma_start3A_186 = tpu.memref_slice %arg24[%add3A_101, %dma_start3A_185] : memref<10240x128xf32, #tpu.memory_space<vmem_shared>> -> memref<128x128xf32, #tpu.memory_space<vmem_shared>>
      %dma_start3A_187 = arith.constant 0 : i32
      %dma_start3A_188 = arith.constant 0 : i32
      %dma_start3A_189 = tpu.memref_slice %arg21[%dma_start3A_187, %dma_start3A_188] : memref<128x128xf32, #tpu.memory_space<vmem>> -> memref<128x128xf32, #tpu.memory_space<vmem>>
      tpu.enqueue_dma source(%dma_start3A_189 : memref<128x128xf32, #tpu.memory_space<vmem>>) target(%dma_start3A_186 : memref<128x128xf32, #tpu.memory_space<vmem_shared>>) target_semaphore(%run_scoped3A : memref<!tpu.dma_semaphore, #tpu.memory_space<semaphore_mem>>)
      %dma_wait3A = arith.constant 0 : i32
      %dma_wait3A_190 = arith.constant 0 : i32
      %dma_wait3A_191 = tpu.memref_slice %arg21[%dma_wait3A, %dma_wait3A_190] : memref<128x128xf32, #tpu.memory_space<vmem>> -> memref<128x128xf32, #tpu.memory_space<vmem>>
      %dma_wait3A_192 = arith.constant 0 : i32
      %dma_wait3A_193 = tpu.memref_slice %arg24[%add3A_101, %dma_wait3A_192] : memref<10240x128xf32, #tpu.memory_space<vmem_shared>> -> memref<128x128xf32, #tpu.memory_space<vmem_shared>>
      %dma_wait3A_194 = arith.constant 0 : i32
      %dma_wait3A_195 = tpu.memref_slice %arg24[%add3A_101, %dma_wait3A_194] : memref<10240x128xf32, #tpu.memory_space<vmem_shared>> -> memref<128x128xf32, #tpu.memory_space<vmem_shared>>
      %dma_wait3A_196 = arith.constant 0 : i32
      %dma_wait3A_197 = arith.constant 0 : i32
      %dma_wait3A_198 = tpu.memref_slice %arg21[%dma_wait3A_196, %dma_wait3A_197] : memref<128x128xf32, #tpu.memory_space<vmem>> -> memref<128x128xf32, #tpu.memory_space<vmem>>
      tpu.wait_dma2 semaphore(%run_scoped3A : memref<!tpu.dma_semaphore, #tpu.memory_space<semaphore_mem>>) src(%dma_wait3A_198 : memref<128x128xf32, #tpu.memory_space<vmem>>) dst(%dma_wait3A_195 : memref<128x128xf32, #tpu.memory_space<vmem_shared>>)
      tpu.yield
    }) : () -> ()
    %add3A_102 = arith.constant 512 : i32
    %add3A_103 = arith.addi %mul3A_2, %add3A_102 : i32
    "tpu.region"() ({
      %run_scoped3A = tpu.sem_alloc : memref<!tpu.dma_semaphore, #tpu.memory_space<semaphore_mem>>
      %dma_start3A = arith.constant 0 : i32
      %dma_start3A_181 = arith.constant 0 : i32
      %dma_start3A_182 = tpu.memref_slice %arg21[%dma_start3A, %dma_start3A_181] : memref<128x128xf32, #tpu.memory_space<vmem>> -> memref<128x128xf32, #tpu.memory_space<vmem>>
      %dma_start3A_183 = arith.constant 0 : i32
      %dma_start3A_184 = tpu.memref_slice %arg24[%add3A_103, %dma_start3A_183] : memref<10240x128xf32, #tpu.memory_space<vmem_shared>> -> memref<128x128xf32, #tpu.memory_space<vmem_shared>>
      %dma_start3A_185 = arith.constant 0 : i32
      %dma_start3A_186 = tpu.memref_slice %arg24[%add3A_103, %dma_start3A_185] : memref<10240x128xf32, #tpu.memory_space<vmem_shared>> -> memref<128x128xf32, #tpu.memory_space<vmem_shared>>
      %dma_start3A_187 = arith.constant 0 : i32
      %dma_start3A_188 = arith.constant 0 : i32
      %dma_start3A_189 = tpu.memref_slice %arg21[%dma_start3A_187, %dma_start3A_188] : memref<128x128xf32, #tpu.memory_space<vmem>> -> memref<128x128xf32, #tpu.memory_space<vmem>>
      tpu.enqueue_dma source(%dma_start3A_189 : memref<128x128xf32, #tpu.memory_space<vmem>>) target(%dma_start3A_186 : memref<128x128xf32, #tpu.memory_space<vmem_shared>>) target_semaphore(%run_scoped3A : memref<!tpu.dma_semaphore, #tpu.memory_space<semaphore_mem>>)
      %dma_wait3A = arith.constant 0 : i32
      %dma_wait3A_190 = arith.constant 0 : i32
      %dma_wait3A_191 = tpu.memref_slice %arg21[%dma_wait3A, %dma_wait3A_190] : memref<128x128xf32, #tpu.memory_space<vmem>> -> memref<128x128xf32, #tpu.memory_space<vmem>>
      %dma_wait3A_192 = arith.constant 0 : i32
      %dma_wait3A_193 = tpu.memref_slice %arg24[%add3A_103, %dma_wait3A_192] : memref<10240x128xf32, #tpu.memory_space<vmem_shared>> -> memref<128x128xf32, #tpu.memory_space<vmem_shared>>
      %dma_wait3A_194 = arith.constant 0 : i32
      %dma_wait3A_195 = tpu.memref_slice %arg24[%add3A_103, %dma_wait3A_194] : memref<10240x128xf32, #tpu.memory_space<vmem_shared>> -> memref<128x128xf32, #tpu.memory_space<vmem_shared>>
      %dma_wait3A_196 = arith.constant 0 : i32
      %dma_wait3A_197 = arith.constant 0 : i32
      %dma_wait3A_198 = tpu.memref_slice %arg21[%dma_wait3A_196, %dma_wait3A_197] : memref<128x128xf32, #tpu.memory_space<vmem>> -> memref<128x128xf32, #tpu.memory_space<vmem>>
      tpu.wait_dma2 semaphore(%run_scoped3A : memref<!tpu.dma_semaphore, #tpu.memory_space<semaphore_mem>>) src(%dma_wait3A_198 : memref<128x128xf32, #tpu.memory_space<vmem>>) dst(%dma_wait3A_195 : memref<128x128xf32, #tpu.memory_space<vmem_shared>>)
      tpu.yield
    }) : () -> ()
    %barrier3A_104 = arith.constant 0 : index
    tpu.barrier barrier_id(%barrier3A_104)
    %scan3A_105 = arith.constant 0 : i32
    %scan3A_106 = arith.constant 0 : i32
    %scan3A_107 = arith.constant 40 : i32
    %scan3A_108 = arith.addi %scan3A_106, %scan3A_107 : i32
    %scan3A_109 = arith.constant 1 : i32
    %scan3A_110 = scf.for %scan3A_181 = %scan3A_106 to %scan3A_108 step %scan3A_109 iter_args(%scan3A_182 = %scan3A_105) -> (i32)  : i32 {
      %mul3A_183 = arith.constant 32 : i32
      %mul3A_184 = arith.muli %scan3A_181, %mul3A_183 : i32
      %add3A_185 = arith.addi %add3A, %mul3A_184 : i32
      %lt3A = arith.constant 1250 : i32
      %lt3A_186 = arith.cmpi slt, %add3A_185, %lt3A : i32
      %convert_element_type3A = arith.extui %lt3A_186 : i1 to i32
      %cond3A = arith.constant 0 : i32
      %cond3A_187 = arith.cmpi ne, %convert_element_type3A, %cond3A : i32
      scf.if %cond3A_187 {
        %mul3A_189 = arith.constant 128 : i32
        %mul3A_190 = arith.muli %add3A_185, %mul3A_189 : i32
        "tpu.region"() ({
          %run_scoped3A = tpu.sem_alloc : memref<!tpu.dma_semaphore, #tpu.memory_space<semaphore_mem>>
          %dma_start3A = tpu.memref_slice %arg8[%mul3A_190] : memref<160000xi32, #tpu.memory_space<hbm>> -> memref<128xi32, #tpu.memory_space<hbm>>
          %dma_start3A_891 = tpu.memref_slice %arg8[%mul3A_190] : memref<160000xi32, #tpu.memory_space<hbm>> -> memref<128xi32, #tpu.memory_space<hbm>>
          tpu.enqueue_dma source(%dma_start3A_891 : memref<128xi32, #tpu.memory_space<hbm>>) target(%arg14 : memref<128xi32, #tpu.memory_space<vmem>>) target_semaphore(%run_scoped3A : memref<!tpu.dma_semaphore, #tpu.memory_space<semaphore_mem>>)
          %dma_wait3A = tpu.memref_slice %arg8[%mul3A_190] : memref<160000xi32, #tpu.memory_space<hbm>> -> memref<128xi32, #tpu.memory_space<hbm>>
          %dma_wait3A_892 = tpu.memref_slice %arg8[%mul3A_190] : memref<160000xi32, #tpu.memory_space<hbm>> -> memref<128xi32, #tpu.memory_space<hbm>>
          tpu.wait_dma2 semaphore(%run_scoped3A : memref<!tpu.dma_semaphore, #tpu.memory_space<semaphore_mem>>) src(%dma_wait3A_892 : memref<128xi32, #tpu.memory_space<hbm>>) dst(%arg14 : memref<128xi32, #tpu.memory_space<vmem>>)
          tpu.yield
        }) : () -> ()
        "tpu.region"() ({
          %run_scoped3A = tpu.sem_alloc : memref<!tpu.dma_semaphore, #tpu.memory_space<semaphore_mem>>
          %dma_start3A = tpu.memref_slice %arg9[%mul3A_190] : memref<160000xi32, #tpu.memory_space<hbm>> -> memref<128xi32, #tpu.memory_space<hbm>>
          %dma_start3A_891 = tpu.memref_slice %arg9[%mul3A_190] : memref<160000xi32, #tpu.memory_space<hbm>> -> memref<128xi32, #tpu.memory_space<hbm>>
          tpu.enqueue_dma source(%dma_start3A_891 : memref<128xi32, #tpu.memory_space<hbm>>) target(%arg15 : memref<128xi32, #tpu.memory_space<vmem>>) target_semaphore(%run_scoped3A : memref<!tpu.dma_semaphore, #tpu.memory_space<semaphore_mem>>)
          %dma_wait3A = tpu.memref_slice %arg9[%mul3A_190] : memref<160000xi32, #tpu.memory_space<hbm>> -> memref<128xi32, #tpu.memory_space<hbm>>
          %dma_wait3A_892 = tpu.memref_slice %arg9[%mul3A_190] : memref<160000xi32, #tpu.memory_space<hbm>> -> memref<128xi32, #tpu.memory_space<hbm>>
          tpu.wait_dma2 semaphore(%run_scoped3A : memref<!tpu.dma_semaphore, #tpu.memory_space<semaphore_mem>>) src(%dma_wait3A_892 : memref<128xi32, #tpu.memory_space<hbm>>) dst(%arg15 : memref<128xi32, #tpu.memory_space<vmem>>)
          tpu.yield
        }) : () -> ()
        "tpu.region"() ({
          %run_scoped3A = tpu.sem_alloc : memref<!tpu.dma_semaphore, #tpu.memory_space<semaphore_mem>>
          %dma_start3A = arith.constant 0 : i32
          %dma_start3A_891 = tpu.memref_slice %arg6[%mul3A_190, %dma_start3A] : memref<160000x8xf32, #tpu.memory_space<hbm>> -> memref<128x8xf32, #tpu.memory_space<hbm>>
          %dma_start3A_892 = arith.constant 0 : i32
          %dma_start3A_893 = tpu.memref_slice %arg6[%mul3A_190, %dma_start3A_892] : memref<160000x8xf32, #tpu.memory_space<hbm>> -> memref<128x8xf32, #tpu.memory_space<hbm>>
          tpu.enqueue_dma source(%dma_start3A_893 : memref<128x8xf32, #tpu.memory_space<hbm>>) target(%arg16 : memref<128x8xf32, #tpu.memory_space<vmem>>) target_semaphore(%run_scoped3A : memref<!tpu.dma_semaphore, #tpu.memory_space<semaphore_mem>>)
          %dma_wait3A = arith.constant 0 : i32
          %dma_wait3A_894 = tpu.memref_slice %arg6[%mul3A_190, %dma_wait3A] : memref<160000x8xf32, #tpu.memory_space<hbm>> -> memref<128x8xf32, #tpu.memory_space<hbm>>
          %dma_wait3A_895 = arith.constant 0 : i32
          %dma_wait3A_896 = tpu.memref_slice %arg6[%mul3A_190, %dma_wait3A_895] : memref<160000x8xf32, #tpu.memory_space<hbm>> -> memref<128x8xf32, #tpu.memory_space<hbm>>
          tpu.wait_dma2 semaphore(%run_scoped3A : memref<!tpu.dma_semaphore, #tpu.memory_space<semaphore_mem>>) src(%dma_wait3A_896 : memref<128x8xf32, #tpu.memory_space<hbm>>) dst(%arg16 : memref<128x8xf32, #tpu.memory_space<vmem>>)
          tpu.yield
        }) : () -> ()
        "tpu.region"() ({
          %run_scoped3A = tpu.sem_alloc : memref<!tpu.dma_semaphore, #tpu.memory_space<semaphore_mem>>
          %dma_start3A = arith.constant 0 : i32
          %dma_start3A_891 = arith.constant 0 : i32
          %dma_start3A_892 = tpu.memref_slice %arg5[%dma_start3A, %dma_start3A_891] : memref<10000x8xf32, #tpu.memory_space<hbm>> -> memref<10000x8xf32, #tpu.memory_space<hbm>>
          tpu.enqueue_indirect_dma source(%dma_start3A_892 : memref<10000x8xf32, #tpu.memory_space<hbm>>) target(%arg17 : memref<128x8xf32, #tpu.memory_space<vmem>>) offsets(%arg14 : memref<128xi32, #tpu.memory_space<vmem>>) semaphore(%run_scoped3A : memref<!tpu.dma_semaphore, #tpu.memory_space<semaphore_mem>>)
          %dma_wait3A = arith.constant 0 : i32
          %dma_wait3A_893 = arith.constant 0 : i32
          %dma_wait3A_894 = tpu.memref_slice %arg5[%dma_wait3A, %dma_wait3A_893] : memref<10000x8xf32, #tpu.memory_space<hbm>> -> memref<10000x8xf32, #tpu.memory_space<hbm>>
          tpu.wait_indirect_dma semaphore(%run_scoped3A : memref<!tpu.dma_semaphore, #tpu.memory_space<semaphore_mem>>) src(%dma_wait3A_894 : memref<10000x8xf32, #tpu.memory_space<hbm>>) dst(%arg17 : memref<128x8xf32, #tpu.memory_space<vmem>>)
          tpu.yield
        }) : () -> ()
        "tpu.region"() ({
          %run_scoped3A = tpu.sem_alloc : memref<!tpu.dma_semaphore, #tpu.memory_space<semaphore_mem>>
          %dma_start3A = arith.constant 0 : i32
          %dma_start3A_891 = arith.constant 0 : i32
          %dma_start3A_892 = tpu.memref_slice %arg5[%dma_start3A, %dma_start3A_891] : memref<10000x8xf32, #tpu.memory_space<hbm>> -> memref<10000x8xf32, #tpu.memory_space<hbm>>
          tpu.enqueue_indirect_dma source(%dma_start3A_892 : memref<10000x8xf32, #tpu.memory_space<hbm>>) target(%arg18 : memref<128x8xf32, #tpu.memory_space<vmem>>) offsets(%arg15 : memref<128xi32, #tpu.memory_space<vmem>>) semaphore(%run_scoped3A : memref<!tpu.dma_semaphore, #tpu.memory_space<semaphore_mem>>)
          %dma_wait3A = arith.constant 0 : i32
          %dma_wait3A_893 = arith.constant 0 : i32
          %dma_wait3A_894 = tpu.memref_slice %arg5[%dma_wait3A, %dma_wait3A_893] : memref<10000x8xf32, #tpu.memory_space<hbm>> -> memref<10000x8xf32, #tpu.memory_space<hbm>>
          tpu.wait_indirect_dma semaphore(%run_scoped3A : memref<!tpu.dma_semaphore, #tpu.memory_space<semaphore_mem>>) src(%dma_wait3A_894 : memref<10000x8xf32, #tpu.memory_space<hbm>>) dst(%arg18 : memref<128x8xf32, #tpu.memory_space<vmem>>)
          tpu.yield
        }) : () -> ()
        "tpu.region"() ({
          %run_scoped3A = tpu.sem_alloc : memref<!tpu.dma_semaphore, #tpu.memory_space<semaphore_mem>>
          %dma_start3A = arith.constant 0 : i32
          %dma_start3A_891 = arith.constant 0 : i32
          %dma_start3A_892 = tpu.memref_slice %arg3[%dma_start3A, %dma_start3A_891] : memref<10000x128xf32, #tpu.memory_space<hbm>> -> memref<10000x128xf32, #tpu.memory_space<hbm>>
          tpu.enqueue_indirect_dma source(%dma_start3A_892 : memref<10000x128xf32, #tpu.memory_space<hbm>>) target(%arg21 : memref<128x128xf32, #tpu.memory_space<vmem>>) offsets(%arg14 : memref<128xi32, #tpu.memory_space<vmem>>) semaphore(%run_scoped3A : memref<!tpu.dma_semaphore, #tpu.memory_space<semaphore_mem>>)
          %dma_wait3A = arith.constant 0 : i32
          %dma_wait3A_893 = arith.constant 0 : i32
          %dma_wait3A_894 = tpu.memref_slice %arg3[%dma_wait3A, %dma_wait3A_893] : memref<10000x128xf32, #tpu.memory_space<hbm>> -> memref<10000x128xf32, #tpu.memory_space<hbm>>
          tpu.wait_indirect_dma semaphore(%run_scoped3A : memref<!tpu.dma_semaphore, #tpu.memory_space<semaphore_mem>>) src(%dma_wait3A_894 : memref<10000x128xf32, #tpu.memory_space<hbm>>) dst(%arg21 : memref<128x128xf32, #tpu.memory_space<vmem>>)
          tpu.yield
        }) : () -> ()
        %add3A_191 = arith.constant 0 : i32
        %add3A_192 = vector.broadcast %add3A_191 : i32 to vector<16xi32>
        %add3A_193 = arith.addi %iota3A, %add3A_192 : vector<16xi32>
        %broadcast_in_dim3A_194 = arith.constant 0 : i32
        %broadcast_in_dim3A_195 = vector.broadcast %broadcast_in_dim3A_194 : i32 to vector<16xi32>
        %gather3A = tpu.vector_load_idx %arg17[%add3A_193, %broadcast_in_dim3A_195] : memref<128x8xf32, #tpu.memory_space<vmem>>[vector<16xi32>, vector<16xi32>], vector<16xf32>,
        %add3A_196 = arith.constant 4 : i32
        %add3A_197 = vector.broadcast %add3A_196 : i32 to vector<16xi32>
        %add3A_198 = arith.addi %broadcast_in_dim3A_195, %add3A_197 : vector<16xi32>
        %gather3A_199 = tpu.vector_load_idx %arg18[%add3A_193, %add3A_198] : memref<128x8xf32, #tpu.memory_space<vmem>>[vector<16xi32>, vector<16xi32>], vector<16xf32>,
        %gather3A_200 = tpu.vector_load_idx %arg16[%add3A_193, %broadcast_in_dim3A_195] : memref<128x8xf32, #tpu.memory_space<vmem>>[vector<16xi32>, vector<16xi32>], vector<16xf32>,
        %add3A_201 = arith.addf %gather3A, %gather3A_199 : vector<16xf32>
        %add3A_202 = arith.addf %add3A_201, %gather3A_200 : vector<16xf32>
        %mul3A_203 = arith.constant 2.000000e-01 : f32
        %mul3A_204 = vector.broadcast %mul3A_203 : f32 to vector<16xf32>
        %mul3A_205 = arith.mulf %add3A_202, %mul3A_204 : vector<16xf32>
        %max3A = arith.maximumf %add3A_202, %mul3A_205 : vector<16xf32>
        %exp3A = math.exp %max3A : vector<16xf32>
        %mul3A_206 = arith.constant 4 : i32
        %mul3A_207 = vector.broadcast %mul3A_206 : i32 to vector<16xi32>
        %mul3A_208 = arith.muli %add3A_193, %mul3A_207 : vector<16xi32>
        %add3A_209 = arith.constant 0 : i32
        %add3A_210 = vector.broadcast %add3A_209 : i32 to vector<16xi32>
        %add3A_211 = arith.addi %mul3A_208, %add3A_210 : vector<16xi32>
        tpu.vector_store_idx %arg19[%add3A_211], %exp3A : memref<512xf32, #tpu.memory_space<vmem>>[vector<16xi32>], vector<16xf32>,
        %broadcast_in_dim3A_212 = arith.constant 1 : i32
        %broadcast_in_dim3A_213 = vector.broadcast %broadcast_in_dim3A_212 : i32 to vector<16xi32>
        %gather3A_214 = tpu.vector_load_idx %arg17[%add3A_193, %broadcast_in_dim3A_213] : memref<128x8xf32, #tpu.memory_space<vmem>>[vector<16xi32>, vector<16xi32>], vector<16xf32>,
        %add3A_215 = arith.constant 4 : i32
        %add3A_216 = vector.broadcast %add3A_215 : i32 to vector<16xi32>
        %add3A_217 = arith.addi %broadcast_in_dim3A_213, %add3A_216 : vector<16xi32>
        %gather3A_218 = tpu.vector_load_idx %arg18[%add3A_193, %add3A_217] : memref<128x8xf32, #tpu.memory_space<vmem>>[vector<16xi32>, vector<16xi32>], vector<16xf32>,
        %gather3A_219 = tpu.vector_load_idx %arg16[%add3A_193, %broadcast_in_dim3A_213] : memref<128x8xf32, #tpu.memory_space<vmem>>[vector<16xi32>, vector<16xi32>], vector<16xf32>,
        %add3A_220 = arith.addf %gather3A_214, %gather3A_218 : vector<16xf32>
        %add3A_221 = arith.addf %add3A_220, %gather3A_219 : vector<16xf32>
        %mul3A_222 = arith.constant 2.000000e-01 : f32
        %mul3A_223 = vector.broadcast %mul3A_222 : f32 to vector<16xf32>
        %mul3A_224 = arith.mulf %add3A_221, %mul3A_223 : vector<16xf32>
        %max3A_225 = arith.maximumf %add3A_221, %mul3A_224 : vector<16xf32>
        %exp3A_226 = math.exp %max3A_225 : vector<16xf32>
        %mul3A_227 = arith.constant 4 : i32
        %mul3A_228 = vector.broadcast %mul3A_227 : i32 to vector<16xi32>
        %mul3A_229 = arith.muli %add3A_193, %mul3A_228 : vector<16xi32>
        %add3A_230 = arith.constant 1 : i32
        %add3A_231 = vector.broadcast %add3A_230 : i32 to vector<16xi32>
        %add3A_232 = arith.addi %mul3A_229, %add3A_231 : vector<16xi32>
        tpu.vector_store_idx %arg19[%add3A_232], %exp3A_226 : memref<512xf32, #tpu.memory_space<vmem>>[vector<16xi32>], vector<16xf32>,
        %broadcast_in_dim3A_233 = arith.constant 2 : i32
        %broadcast_in_dim3A_234 = vector.broadcast %broadcast_in_dim3A_233 : i32 to vector<16xi32>
        %gather3A_235 = tpu.vector_load_idx %arg17[%add3A_193, %broadcast_in_dim3A_234] : memref<128x8xf32, #tpu.memory_space<vmem>>[vector<16xi32>, vector<16xi32>], vector<16xf32>,
        %add3A_236 = arith.constant 4 : i32
        %add3A_237 = vector.broadcast %add3A_236 : i32 to vector<16xi32>
        %add3A_238 = arith.addi %broadcast_in_dim3A_234, %add3A_237 : vector<16xi32>
        %gather3A_239 = tpu.vector_load_idx %arg18[%add3A_193, %add3A_238] : memref<128x8xf32, #tpu.memory_space<vmem>>[vector<16xi32>, vector<16xi32>], vector<16xf32>,
        %gather3A_240 = tpu.vector_load_idx %arg16[%add3A_193, %broadcast_in_dim3A_234] : memref<128x8xf32, #tpu.memory_space<vmem>>[vector<16xi32>, vector<16xi32>], vector<16xf32>,
        %add3A_241 = arith.addf %gather3A_235, %gather3A_239 : vector<16xf32>
        %add3A_242 = arith.addf %add3A_241, %gather3A_240 : vector<16xf32>
        %mul3A_243 = arith.constant 2.000000e-01 : f32
        %mul3A_244 = vector.broadcast %mul3A_243 : f32 to vector<16xf32>
        %mul3A_245 = arith.mulf %add3A_242, %mul3A_244 : vector<16xf32>
        %max3A_246 = arith.maximumf %add3A_242, %mul3A_245 : vector<16xf32>
        %exp3A_247 = math.exp %max3A_246 : vector<16xf32>
        %mul3A_248 = arith.constant 4 : i32
        %mul3A_249 = vector.broadcast %mul3A_248 : i32 to vector<16xi32>
        %mul3A_250 = arith.muli %add3A_193, %mul3A_249 : vector<16xi32>
        %add3A_251 = arith.constant 2 : i32
        %add3A_252 = vector.broadcast %add3A_251 : i32 to vector<16xi32>
        %add3A_253 = arith.addi %mul3A_250, %add3A_252 : vector<16xi32>
        tpu.vector_store_idx %arg19[%add3A_253], %exp3A_247 : memref<512xf32, #tpu.memory_space<vmem>>[vector<16xi32>], vector<16xf32>,
        %broadcast_in_dim3A_254 = arith.constant 3 : i32
        %broadcast_in_dim3A_255 = vector.broadcast %broadcast_in_dim3A_254 : i32 to vector<16xi32>
        %gather3A_256 = tpu.vector_load_idx %arg17[%add3A_193, %broadcast_in_dim3A_255] : memref<128x8xf32, #tpu.memory_space<vmem>>[vector<16xi32>, vector<16xi32>], vector<16xf32>,
        %add3A_257 = arith.constant 4 : i32
        %add3A_258 = vector.broadcast %add3A_257 : i32 to vector<16xi32>
        %add3A_259 = arith.addi %broadcast_in_dim3A_255, %add3A_258 : vector<16xi32>
        %gather3A_260 = tpu.vector_load_idx %arg18[%add3A_193, %add3A_259] : memref<128x8xf32, #tpu.memory_space<vmem>>[vector<16xi32>, vector<16xi32>], vector<16xf32>,
        %gather3A_261 = tpu.vector_load_idx %arg16[%add3A_193, %broadcast_in_dim3A_255] : memref<128x8xf32, #tpu.memory_space<vmem>>[vector<16xi32>, vector<16xi32>], vector<16xf32>,
        %add3A_262 = arith.addf %gather3A_256, %gather3A_260 : vector<16xf32>
        %add3A_263 = arith.addf %add3A_262, %gather3A_261 : vector<16xf32>
        %mul3A_264 = arith.constant 2.000000e-01 : f32
        %mul3A_265 = vector.broadcast %mul3A_264 : f32 to vector<16xf32>
        %mul3A_266 = arith.mulf %add3A_263, %mul3A_265 : vector<16xf32>
        %max3A_267 = arith.maximumf %add3A_263, %mul3A_266 : vector<16xf32>
        %exp3A_268 = math.exp %max3A_267 : vector<16xf32>
        %mul3A_269 = arith.constant 4 : i32
        %mul3A_270 = vector.broadcast %mul3A_269 : i32 to vector<16xi32>
        %mul3A_271 = arith.muli %add3A_193, %mul3A_270 : vector<16xi32>
        %add3A_272 = arith.constant 3 : i32
        %add3A_273 = vector.broadcast %add3A_272 : i32 to vector<16xi32>
        %add3A_274 = arith.addi %mul3A_271, %add3A_273 : vector<16xi32>
        tpu.vector_store_idx %arg19[%add3A_274], %exp3A_268 : memref<512xf32, #tpu.memory_space<vmem>>[vector<16xi32>], vector<16xf32>,
        %add3A_275 = arith.constant 16 : i32
        %add3A_276 = vector.broadcast %add3A_275 : i32 to vector<16xi32>
        %add3A_277 = arith.addi %iota3A, %add3A_276 : vector<16xi32>
        %broadcast_in_dim3A_278 = arith.constant 0 : i32
        %broadcast_in_dim3A_279 = vector.broadcast %broadcast_in_dim3A_278 : i32 to vector<16xi32>
        %gather3A_280 = tpu.vector_load_idx %arg17[%add3A_277, %broadcast_in_dim3A_279] : memref<128x8xf32, #tpu.memory_space<vmem>>[vector<16xi32>, vector<16xi32>], vector<16xf32>,
        %add3A_281 = arith.constant 4 : i32
        %add3A_282 = vector.broadcast %add3A_281 : i32 to vector<16xi32>
        %add3A_283 = arith.addi %broadcast_in_dim3A_279, %add3A_282 : vector<16xi32>
        %gather3A_284 = tpu.vector_load_idx %arg18[%add3A_277, %add3A_283] : memref<128x8xf32, #tpu.memory_space<vmem>>[vector<16xi32>, vector<16xi32>], vector<16xf32>,
        %gather3A_285 = tpu.vector_load_idx %arg16[%add3A_277, %broadcast_in_dim3A_279] : memref<128x8xf32, #tpu.memory_space<vmem>>[vector<16xi32>, vector<16xi32>], vector<16xf32>,
        %add3A_286 = arith.addf %gather3A_280, %gather3A_284 : vector<16xf32>
        %add3A_287 = arith.addf %add3A_286, %gather3A_285 : vector<16xf32>
        %mul3A_288 = arith.constant 2.000000e-01 : f32
        %mul3A_289 = vector.broadcast %mul3A_288 : f32 to vector<16xf32>
        %mul3A_290 = arith.mulf %add3A_287, %mul3A_289 : vector<16xf32>
        %max3A_291 = arith.maximumf %add3A_287, %mul3A_290 : vector<16xf32>
        %exp3A_292 = math.exp %max3A_291 : vector<16xf32>
        %mul3A_293 = arith.constant 4 : i32
        %mul3A_294 = vector.broadcast %mul3A_293 : i32 to vector<16xi32>
        %mul3A_295 = arith.muli %add3A_277, %mul3A_294 : vector<16xi32>
        %add3A_296 = arith.constant 0 : i32
        %add3A_297 = vector.broadcast %add3A_296 : i32 to vector<16xi32>
        %add3A_298 = arith.addi %mul3A_295, %add3A_297 : vector<16xi32>
        tpu.vector_store_idx %arg19[%add3A_298], %exp3A_292 : memref<512xf32, #tpu.memory_space<vmem>>[vector<16xi32>], vector<16xf32>,
        %broadcast_in_dim3A_299 = arith.constant 1 : i32
        %broadcast_in_dim3A_300 = vector.broadcast %broadcast_in_dim3A_299 : i32 to vector<16xi32>
        %gather3A_301 = tpu.vector_load_idx %arg17[%add3A_277, %broadcast_in_dim3A_300] : memref<128x8xf32, #tpu.memory_space<vmem>>[vector<16xi32>, vector<16xi32>], vector<16xf32>,
        %add3A_302 = arith.constant 4 : i32
        %add3A_303 = vector.broadcast %add3A_302 : i32 to vector<16xi32>
        %add3A_304 = arith.addi %broadcast_in_dim3A_300, %add3A_303 : vector<16xi32>
        %gather3A_305 = tpu.vector_load_idx %arg18[%add3A_277, %add3A_304] : memref<128x8xf32, #tpu.memory_space<vmem>>[vector<16xi32>, vector<16xi32>], vector<16xf32>,
        %gather3A_306 = tpu.vector_load_idx %arg16[%add3A_277, %broadcast_in_dim3A_300] : memref<128x8xf32, #tpu.memory_space<vmem>>[vector<16xi32>, vector<16xi32>], vector<16xf32>,
        %add3A_307 = arith.addf %gather3A_301, %gather3A_305 : vector<16xf32>
        %add3A_308 = arith.addf %add3A_307, %gather3A_306 : vector<16xf32>
        %mul3A_309 = arith.constant 2.000000e-01 : f32
        %mul3A_310 = vector.broadcast %mul3A_309 : f32 to vector<16xf32>
        %mul3A_311 = arith.mulf %add3A_308, %mul3A_310 : vector<16xf32>
        %max3A_312 = arith.maximumf %add3A_308, %mul3A_311 : vector<16xf32>
        %exp3A_313 = math.exp %max3A_312 : vector<16xf32>
        %mul3A_314 = arith.constant 4 : i32
        %mul3A_315 = vector.broadcast %mul3A_314 : i32 to vector<16xi32>
        %mul3A_316 = arith.muli %add3A_277, %mul3A_315 : vector<16xi32>
        %add3A_317 = arith.constant 1 : i32
        %add3A_318 = vector.broadcast %add3A_317 : i32 to vector<16xi32>
        %add3A_319 = arith.addi %mul3A_316, %add3A_318 : vector<16xi32>
        tpu.vector_store_idx %arg19[%add3A_319], %exp3A_313 : memref<512xf32, #tpu.memory_space<vmem>>[vector<16xi32>], vector<16xf32>,
        %broadcast_in_dim3A_320 = arith.constant 2 : i32
        %broadcast_in_dim3A_321 = vector.broadcast %broadcast_in_dim3A_320 : i32 to vector<16xi32>
        %gather3A_322 = tpu.vector_load_idx %arg17[%add3A_277, %broadcast_in_dim3A_321] : memref<128x8xf32, #tpu.memory_space<vmem>>[vector<16xi32>, vector<16xi32>], vector<16xf32>,
        %add3A_323 = arith.constant 4 : i32
        %add3A_324 = vector.broadcast %add3A_323 : i32 to vector<16xi32>
        %add3A_325 = arith.addi %broadcast_in_dim3A_321, %add3A_324 : vector<16xi32>
        %gather3A_326 = tpu.vector_load_idx %arg18[%add3A_277, %add3A_325] : memref<128x8xf32, #tpu.memory_space<vmem>>[vector<16xi32>, vector<16xi32>], vector<16xf32>,
        %gather3A_327 = tpu.vector_load_idx %arg16[%add3A_277, %broadcast_in_dim3A_321] : memref<128x8xf32, #tpu.memory_space<vmem>>[vector<16xi32>, vector<16xi32>], vector<16xf32>,
        %add3A_328 = arith.addf %gather3A_322, %gather3A_326 : vector<16xf32>
        %add3A_329 = arith.addf %add3A_328, %gather3A_327 : vector<16xf32>
        %mul3A_330 = arith.constant 2.000000e-01 : f32
        %mul3A_331 = vector.broadcast %mul3A_330 : f32 to vector<16xf32>
        %mul3A_332 = arith.mulf %add3A_329, %mul3A_331 : vector<16xf32>
        %max3A_333 = arith.maximumf %add3A_329, %mul3A_332 : vector<16xf32>
        %exp3A_334 = math.exp %max3A_333 : vector<16xf32>
        %mul3A_335 = arith.constant 4 : i32
        %mul3A_336 = vector.broadcast %mul3A_335 : i32 to vector<16xi32>
        %mul3A_337 = arith.muli %add3A_277, %mul3A_336 : vector<16xi32>
        %add3A_338 = arith.constant 2 : i32
        %add3A_339 = vector.broadcast %add3A_338 : i32 to vector<16xi32>
        %add3A_340 = arith.addi %mul3A_337, %add3A_339 : vector<16xi32>
        tpu.vector_store_idx %arg19[%add3A_340], %exp3A_334 : memref<512xf32, #tpu.memory_space<vmem>>[vector<16xi32>], vector<16xf32>,
        %broadcast_in_dim3A_341 = arith.constant 3 : i32
        %broadcast_in_dim3A_342 = vector.broadcast %broadcast_in_dim3A_341 : i32 to vector<16xi32>
        %gather3A_343 = tpu.vector_load_idx %arg17[%add3A_277, %broadcast_in_dim3A_342] : memref<128x8xf32, #tpu.memory_space<vmem>>[vector<16xi32>, vector<16xi32>], vector<16xf32>,
        %add3A_344 = arith.constant 4 : i32
        %add3A_345 = vector.broadcast %add3A_344 : i32 to vector<16xi32>
        %add3A_346 = arith.addi %broadcast_in_dim3A_342, %add3A_345 : vector<16xi32>
        %gather3A_347 = tpu.vector_load_idx %arg18[%add3A_277, %add3A_346] : memref<128x8xf32, #tpu.memory_space<vmem>>[vector<16xi32>, vector<16xi32>], vector<16xf32>,
        %gather3A_348 = tpu.vector_load_idx %arg16[%add3A_277, %broadcast_in_dim3A_342] : memref<128x8xf32, #tpu.memory_space<vmem>>[vector<16xi32>, vector<16xi32>], vector<16xf32>,
        %add3A_349 = arith.addf %gather3A_343, %gather3A_347 : vector<16xf32>
        %add3A_350 = arith.addf %add3A_349, %gather3A_348 : vector<16xf32>
        %mul3A_351 = arith.constant 2.000000e-01 : f32
        %mul3A_352 = vector.broadcast %mul3A_351 : f32 to vector<16xf32>
        %mul3A_353 = arith.mulf %add3A_350, %mul3A_352 : vector<16xf32>
        %max3A_354 = arith.maximumf %add3A_350, %mul3A_353 : vector<16xf32>
        %exp3A_355 = math.exp %max3A_354 : vector<16xf32>
        %mul3A_356 = arith.constant 4 : i32
        %mul3A_357 = vector.broadcast %mul3A_356 : i32 to vector<16xi32>
        %mul3A_358 = arith.muli %add3A_277, %mul3A_357 : vector<16xi32>
        %add3A_359 = arith.constant 3 : i32
        %add3A_360 = vector.broadcast %add3A_359 : i32 to vector<16xi32>
        %add3A_361 = arith.addi %mul3A_358, %add3A_360 : vector<16xi32>
        tpu.vector_store_idx %arg19[%add3A_361], %exp3A_355 : memref<512xf32, #tpu.memory_space<vmem>>[vector<16xi32>], vector<16xf32>,
        %add3A_362 = arith.constant 32 : i32
        %add3A_363 = vector.broadcast %add3A_362 : i32 to vector<16xi32>
        %add3A_364 = arith.addi %iota3A, %add3A_363 : vector<16xi32>
        %broadcast_in_dim3A_365 = arith.constant 0 : i32
        %broadcast_in_dim3A_366 = vector.broadcast %broadcast_in_dim3A_365 : i32 to vector<16xi32>
        %gather3A_367 = tpu.vector_load_idx %arg17[%add3A_364, %broadcast_in_dim3A_366] : memref<128x8xf32, #tpu.memory_space<vmem>>[vector<16xi32>, vector<16xi32>], vector<16xf32>,
        %add3A_368 = arith.constant 4 : i32
        %add3A_369 = vector.broadcast %add3A_368 : i32 to vector<16xi32>
        %add3A_370 = arith.addi %broadcast_in_dim3A_366, %add3A_369 : vector<16xi32>
        %gather3A_371 = tpu.vector_load_idx %arg18[%add3A_364, %add3A_370] : memref<128x8xf32, #tpu.memory_space<vmem>>[vector<16xi32>, vector<16xi32>], vector<16xf32>,
        %gather3A_372 = tpu.vector_load_idx %arg16[%add3A_364, %broadcast_in_dim3A_366] : memref<128x8xf32, #tpu.memory_space<vmem>>[vector<16xi32>, vector<16xi32>], vector<16xf32>,
        %add3A_373 = arith.addf %gather3A_367, %gather3A_371 : vector<16xf32>
        %add3A_374 = arith.addf %add3A_373, %gather3A_372 : vector<16xf32>
        %mul3A_375 = arith.constant 2.000000e-01 : f32
        %mul3A_376 = vector.broadcast %mul3A_375 : f32 to vector<16xf32>
        %mul3A_377 = arith.mulf %add3A_374, %mul3A_376 : vector<16xf32>
        %max3A_378 = arith.maximumf %add3A_374, %mul3A_377 : vector<16xf32>
        %exp3A_379 = math.exp %max3A_378 : vector<16xf32>
        %mul3A_380 = arith.constant 4 : i32
        %mul3A_381 = vector.broadcast %mul3A_380 : i32 to vector<16xi32>
        %mul3A_382 = arith.muli %add3A_364, %mul3A_381 : vector<16xi32>
        %add3A_383 = arith.constant 0 : i32
        %add3A_384 = vector.broadcast %add3A_383 : i32 to vector<16xi32>
        %add3A_385 = arith.addi %mul3A_382, %add3A_384 : vector<16xi32>
        tpu.vector_store_idx %arg19[%add3A_385], %exp3A_379 : memref<512xf32, #tpu.memory_space<vmem>>[vector<16xi32>], vector<16xf32>,
        %broadcast_in_dim3A_386 = arith.constant 1 : i32
        %broadcast_in_dim3A_387 = vector.broadcast %broadcast_in_dim3A_386 : i32 to vector<16xi32>
        %gather3A_388 = tpu.vector_load_idx %arg17[%add3A_364, %broadcast_in_dim3A_387] : memref<128x8xf32, #tpu.memory_space<vmem>>[vector<16xi32>, vector<16xi32>], vector<16xf32>,
        %add3A_389 = arith.constant 4 : i32
        %add3A_390 = vector.broadcast %add3A_389 : i32 to vector<16xi32>
        %add3A_391 = arith.addi %broadcast_in_dim3A_387, %add3A_390 : vector<16xi32>
        %gather3A_392 = tpu.vector_load_idx %arg18[%add3A_364, %add3A_391] : memref<128x8xf32, #tpu.memory_space<vmem>>[vector<16xi32>, vector<16xi32>], vector<16xf32>,
        %gather3A_393 = tpu.vector_load_idx %arg16[%add3A_364, %broadcast_in_dim3A_387] : memref<128x8xf32, #tpu.memory_space<vmem>>[vector<16xi32>, vector<16xi32>], vector<16xf32>,
        %add3A_394 = arith.addf %gather3A_388, %gather3A_392 : vector<16xf32>
        %add3A_395 = arith.addf %add3A_394, %gather3A_393 : vector<16xf32>
        %mul3A_396 = arith.constant 2.000000e-01 : f32
        %mul3A_397 = vector.broadcast %mul3A_396 : f32 to vector<16xf32>
        %mul3A_398 = arith.mulf %add3A_395, %mul3A_397 : vector<16xf32>
        %max3A_399 = arith.maximumf %add3A_395, %mul3A_398 : vector<16xf32>
        %exp3A_400 = math.exp %max3A_399 : vector<16xf32>
        %mul3A_401 = arith.constant 4 : i32
        %mul3A_402 = vector.broadcast %mul3A_401 : i32 to vector<16xi32>
        %mul3A_403 = arith.muli %add3A_364, %mul3A_402 : vector<16xi32>
        %add3A_404 = arith.constant 1 : i32
        %add3A_405 = vector.broadcast %add3A_404 : i32 to vector<16xi32>
        %add3A_406 = arith.addi %mul3A_403, %add3A_405 : vector<16xi32>
        tpu.vector_store_idx %arg19[%add3A_406], %exp3A_400 : memref<512xf32, #tpu.memory_space<vmem>>[vector<16xi32>], vector<16xf32>,
        %broadcast_in_dim3A_407 = arith.constant 2 : i32
        %broadcast_in_dim3A_408 = vector.broadcast %broadcast_in_dim3A_407 : i32 to vector<16xi32>
        %gather3A_409 = tpu.vector_load_idx %arg17[%add3A_364, %broadcast_in_dim3A_408] : memref<128x8xf32, #tpu.memory_space<vmem>>[vector<16xi32>, vector<16xi32>], vector<16xf32>,
        %add3A_410 = arith.constant 4 : i32
        %add3A_411 = vector.broadcast %add3A_410 : i32 to vector<16xi32>
        %add3A_412 = arith.addi %broadcast_in_dim3A_408, %add3A_411 : vector<16xi32>
        %gather3A_413 = tpu.vector_load_idx %arg18[%add3A_364, %add3A_412] : memref<128x8xf32, #tpu.memory_space<vmem>>[vector<16xi32>, vector<16xi32>], vector<16xf32>,
        %gather3A_414 = tpu.vector_load_idx %arg16[%add3A_364, %broadcast_in_dim3A_408] : memref<128x8xf32, #tpu.memory_space<vmem>>[vector<16xi32>, vector<16xi32>], vector<16xf32>,
        %add3A_415 = arith.addf %gather3A_409, %gather3A_413 : vector<16xf32>
        %add3A_416 = arith.addf %add3A_415, %gather3A_414 : vector<16xf32>
        %mul3A_417 = arith.constant 2.000000e-01 : f32
        %mul3A_418 = vector.broadcast %mul3A_417 : f32 to vector<16xf32>
        %mul3A_419 = arith.mulf %add3A_416, %mul3A_418 : vector<16xf32>
        %max3A_420 = arith.maximumf %add3A_416, %mul3A_419 : vector<16xf32>
        %exp3A_421 = math.exp %max3A_420 : vector<16xf32>
        %mul3A_422 = arith.constant 4 : i32
        %mul3A_423 = vector.broadcast %mul3A_422 : i32 to vector<16xi32>
        %mul3A_424 = arith.muli %add3A_364, %mul3A_423 : vector<16xi32>
        %add3A_425 = arith.constant 2 : i32
        %add3A_426 = vector.broadcast %add3A_425 : i32 to vector<16xi32>
        %add3A_427 = arith.addi %mul3A_424, %add3A_426 : vector<16xi32>
        tpu.vector_store_idx %arg19[%add3A_427], %exp3A_421 : memref<512xf32, #tpu.memory_space<vmem>>[vector<16xi32>], vector<16xf32>,
        %broadcast_in_dim3A_428 = arith.constant 3 : i32
        %broadcast_in_dim3A_429 = vector.broadcast %broadcast_in_dim3A_428 : i32 to vector<16xi32>
        %gather3A_430 = tpu.vector_load_idx %arg17[%add3A_364, %broadcast_in_dim3A_429] : memref<128x8xf32, #tpu.memory_space<vmem>>[vector<16xi32>, vector<16xi32>], vector<16xf32>,
        %add3A_431 = arith.constant 4 : i32
        %add3A_432 = vector.broadcast %add3A_431 : i32 to vector<16xi32>
        %add3A_433 = arith.addi %broadcast_in_dim3A_429, %add3A_432 : vector<16xi32>
        %gather3A_434 = tpu.vector_load_idx %arg18[%add3A_364, %add3A_433] : memref<128x8xf32, #tpu.memory_space<vmem>>[vector<16xi32>, vector<16xi32>], vector<16xf32>,
        %gather3A_435 = tpu.vector_load_idx %arg16[%add3A_364, %broadcast_in_dim3A_429] : memref<128x8xf32, #tpu.memory_space<vmem>>[vector<16xi32>, vector<16xi32>], vector<16xf32>,
        %add3A_436 = arith.addf %gather3A_430, %gather3A_434 : vector<16xf32>
        %add3A_437 = arith.addf %add3A_436, %gather3A_435 : vector<16xf32>
        %mul3A_438 = arith.constant 2.000000e-01 : f32
        %mul3A_439 = vector.broadcast %mul3A_438 : f32 to vector<16xf32>
        %mul3A_440 = arith.mulf %add3A_437, %mul3A_439 : vector<16xf32>
        %max3A_441 = arith.maximumf %add3A_437, %mul3A_440 : vector<16xf32>
        %exp3A_442 = math.exp %max3A_441 : vector<16xf32>
        %mul3A_443 = arith.constant 4 : i32
        %mul3A_444 = vector.broadcast %mul3A_443 : i32 to vector<16xi32>
        %mul3A_445 = arith.muli %add3A_364, %mul3A_444 : vector<16xi32>
        %add3A_446 = arith.constant 3 : i32
        %add3A_447 = vector.broadcast %add3A_446 : i32 to vector<16xi32>
        %add3A_448 = arith.addi %mul3A_445, %add3A_447 : vector<16xi32>
        tpu.vector_store_idx %arg19[%add3A_448], %exp3A_442 : memref<512xf32, #tpu.memory_space<vmem>>[vector<16xi32>], vector<16xf32>,
        %add3A_449 = arith.constant 48 : i32
        %add3A_450 = vector.broadcast %add3A_449 : i32 to vector<16xi32>
        %add3A_451 = arith.addi %iota3A, %add3A_450 : vector<16xi32>
        %broadcast_in_dim3A_452 = arith.constant 0 : i32
        %broadcast_in_dim3A_453 = vector.broadcast %broadcast_in_dim3A_452 : i32 to vector<16xi32>
        %gather3A_454 = tpu.vector_load_idx %arg17[%add3A_451, %broadcast_in_dim3A_453] : memref<128x8xf32, #tpu.memory_space<vmem>>[vector<16xi32>, vector<16xi32>], vector<16xf32>,
        %add3A_455 = arith.constant 4 : i32
        %add3A_456 = vector.broadcast %add3A_455 : i32 to vector<16xi32>
        %add3A_457 = arith.addi %broadcast_in_dim3A_453, %add3A_456 : vector<16xi32>
        %gather3A_458 = tpu.vector_load_idx %arg18[%add3A_451, %add3A_457] : memref<128x8xf32, #tpu.memory_space<vmem>>[vector<16xi32>, vector<16xi32>], vector<16xf32>,
        %gather3A_459 = tpu.vector_load_idx %arg16[%add3A_451, %broadcast_in_dim3A_453] : memref<128x8xf32, #tpu.memory_space<vmem>>[vector<16xi32>, vector<16xi32>], vector<16xf32>,
        %add3A_460 = arith.addf %gather3A_454, %gather3A_458 : vector<16xf32>
        %add3A_461 = arith.addf %add3A_460, %gather3A_459 : vector<16xf32>
        %mul3A_462 = arith.constant 2.000000e-01 : f32
        %mul3A_463 = vector.broadcast %mul3A_462 : f32 to vector<16xf32>
        %mul3A_464 = arith.mulf %add3A_461, %mul3A_463 : vector<16xf32>
        %max3A_465 = arith.maximumf %add3A_461, %mul3A_464 : vector<16xf32>
        %exp3A_466 = math.exp %max3A_465 : vector<16xf32>
        %mul3A_467 = arith.constant 4 : i32
        %mul3A_468 = vector.broadcast %mul3A_467 : i32 to vector<16xi32>
        %mul3A_469 = arith.muli %add3A_451, %mul3A_468 : vector<16xi32>
        %add3A_470 = arith.constant 0 : i32
        %add3A_471 = vector.broadcast %add3A_470 : i32 to vector<16xi32>
        %add3A_472 = arith.addi %mul3A_469, %add3A_471 : vector<16xi32>
        tpu.vector_store_idx %arg19[%add3A_472], %exp3A_466 : memref<512xf32, #tpu.memory_space<vmem>>[vector<16xi32>], vector<16xf32>,
        %broadcast_in_dim3A_473 = arith.constant 1 : i32
        %broadcast_in_dim3A_474 = vector.broadcast %broadcast_in_dim3A_473 : i32 to vector<16xi32>
        %gather3A_475 = tpu.vector_load_idx %arg17[%add3A_451, %broadcast_in_dim3A_474] : memref<128x8xf32, #tpu.memory_space<vmem>>[vector<16xi32>, vector<16xi32>], vector<16xf32>,
        %add3A_476 = arith.constant 4 : i32
        %add3A_477 = vector.broadcast %add3A_476 : i32 to vector<16xi32>
        %add3A_478 = arith.addi %broadcast_in_dim3A_474, %add3A_477 : vector<16xi32>
        %gather3A_479 = tpu.vector_load_idx %arg18[%add3A_451, %add3A_478] : memref<128x8xf32, #tpu.memory_space<vmem>>[vector<16xi32>, vector<16xi32>], vector<16xf32>,
        %gather3A_480 = tpu.vector_load_idx %arg16[%add3A_451, %broadcast_in_dim3A_474] : memref<128x8xf32, #tpu.memory_space<vmem>>[vector<16xi32>, vector<16xi32>], vector<16xf32>,
        %add3A_481 = arith.addf %gather3A_475, %gather3A_479 : vector<16xf32>
        %add3A_482 = arith.addf %add3A_481, %gather3A_480 : vector<16xf32>
        %mul3A_483 = arith.constant 2.000000e-01 : f32
        %mul3A_484 = vector.broadcast %mul3A_483 : f32 to vector<16xf32>
        %mul3A_485 = arith.mulf %add3A_482, %mul3A_484 : vector<16xf32>
        %max3A_486 = arith.maximumf %add3A_482, %mul3A_485 : vector<16xf32>
        %exp3A_487 = math.exp %max3A_486 : vector<16xf32>
        %mul3A_488 = arith.constant 4 : i32
        %mul3A_489 = vector.broadcast %mul3A_488 : i32 to vector<16xi32>
        %mul3A_490 = arith.muli %add3A_451, %mul3A_489 : vector<16xi32>
        %add3A_491 = arith.constant 1 : i32
        %add3A_492 = vector.broadcast %add3A_491 : i32 to vector<16xi32>
        %add3A_493 = arith.addi %mul3A_490, %add3A_492 : vector<16xi32>
        tpu.vector_store_idx %arg19[%add3A_493], %exp3A_487 : memref<512xf32, #tpu.memory_space<vmem>>[vector<16xi32>], vector<16xf32>,
        %broadcast_in_dim3A_494 = arith.constant 2 : i32
        %broadcast_in_dim3A_495 = vector.broadcast %broadcast_in_dim3A_494 : i32 to vector<16xi32>
        %gather3A_496 = tpu.vector_load_idx %arg17[%add3A_451, %broadcast_in_dim3A_495] : memref<128x8xf32, #tpu.memory_space<vmem>>[vector<16xi32>, vector<16xi32>], vector<16xf32>,
        %add3A_497 = arith.constant 4 : i32
        %add3A_498 = vector.broadcast %add3A_497 : i32 to vector<16xi32>
        %add3A_499 = arith.addi %broadcast_in_dim3A_495, %add3A_498 : vector<16xi32>
        %gather3A_500 = tpu.vector_load_idx %arg18[%add3A_451, %add3A_499] : memref<128x8xf32, #tpu.memory_space<vmem>>[vector<16xi32>, vector<16xi32>], vector<16xf32>,
        %gather3A_501 = tpu.vector_load_idx %arg16[%add3A_451, %broadcast_in_dim3A_495] : memref<128x8xf32, #tpu.memory_space<vmem>>[vector<16xi32>, vector<16xi32>], vector<16xf32>,
        %add3A_502 = arith.addf %gather3A_496, %gather3A_500 : vector<16xf32>
        %add3A_503 = arith.addf %add3A_502, %gather3A_501 : vector<16xf32>
        %mul3A_504 = arith.constant 2.000000e-01 : f32
        %mul3A_505 = vector.broadcast %mul3A_504 : f32 to vector<16xf32>
        %mul3A_506 = arith.mulf %add3A_503, %mul3A_505 : vector<16xf32>
        %max3A_507 = arith.maximumf %add3A_503, %mul3A_506 : vector<16xf32>
        %exp3A_508 = math.exp %max3A_507 : vector<16xf32>
        %mul3A_509 = arith.constant 4 : i32
        %mul3A_510 = vector.broadcast %mul3A_509 : i32 to vector<16xi32>
        %mul3A_511 = arith.muli %add3A_451, %mul3A_510 : vector<16xi32>
        %add3A_512 = arith.constant 2 : i32
        %add3A_513 = vector.broadcast %add3A_512 : i32 to vector<16xi32>
        %add3A_514 = arith.addi %mul3A_511, %add3A_513 : vector<16xi32>
        tpu.vector_store_idx %arg19[%add3A_514], %exp3A_508 : memref<512xf32, #tpu.memory_space<vmem>>[vector<16xi32>], vector<16xf32>,
        %broadcast_in_dim3A_515 = arith.constant 3 : i32
        %broadcast_in_dim3A_516 = vector.broadcast %broadcast_in_dim3A_515 : i32 to vector<16xi32>
        %gather3A_517 = tpu.vector_load_idx %arg17[%add3A_451, %broadcast_in_dim3A_516] : memref<128x8xf32, #tpu.memory_space<vmem>>[vector<16xi32>, vector<16xi32>], vector<16xf32>,
        %add3A_518 = arith.constant 4 : i32
        %add3A_519 = vector.broadcast %add3A_518 : i32 to vector<16xi32>
        %add3A_520 = arith.addi %broadcast_in_dim3A_516, %add3A_519 : vector<16xi32>
        %gather3A_521 = tpu.vector_load_idx %arg18[%add3A_451, %add3A_520] : memref<128x8xf32, #tpu.memory_space<vmem>>[vector<16xi32>, vector<16xi32>], vector<16xf32>,
        %gather3A_522 = tpu.vector_load_idx %arg16[%add3A_451, %broadcast_in_dim3A_516] : memref<128x8xf32, #tpu.memory_space<vmem>>[vector<16xi32>, vector<16xi32>], vector<16xf32>,
        %add3A_523 = arith.addf %gather3A_517, %gather3A_521 : vector<16xf32>
        %add3A_524 = arith.addf %add3A_523, %gather3A_522 : vector<16xf32>
        %mul3A_525 = arith.constant 2.000000e-01 : f32
        %mul3A_526 = vector.broadcast %mul3A_525 : f32 to vector<16xf32>
        %mul3A_527 = arith.mulf %add3A_524, %mul3A_526 : vector<16xf32>
        %max3A_528 = arith.maximumf %add3A_524, %mul3A_527 : vector<16xf32>
        %exp3A_529 = math.exp %max3A_528 : vector<16xf32>
        %mul3A_530 = arith.constant 4 : i32
        %mul3A_531 = vector.broadcast %mul3A_530 : i32 to vector<16xi32>
        %mul3A_532 = arith.muli %add3A_451, %mul3A_531 : vector<16xi32>
        %add3A_533 = arith.constant 3 : i32
        %add3A_534 = vector.broadcast %add3A_533 : i32 to vector<16xi32>
        %add3A_535 = arith.addi %mul3A_532, %add3A_534 : vector<16xi32>
        tpu.vector_store_idx %arg19[%add3A_535], %exp3A_529 : memref<512xf32, #tpu.memory_space<vmem>>[vector<16xi32>], vector<16xf32>,
        %add3A_536 = arith.constant 64 : i32
        %add3A_537 = vector.broadcast %add3A_536 : i32 to vector<16xi32>
        %add3A_538 = arith.addi %iota3A, %add3A_537 : vector<16xi32>
        %broadcast_in_dim3A_539 = arith.constant 0 : i32
        %broadcast_in_dim3A_540 = vector.broadcast %broadcast_in_dim3A_539 : i32 to vector<16xi32>
        %gather3A_541 = tpu.vector_load_idx %arg17[%add3A_538, %broadcast_in_dim3A_540] : memref<128x8xf32, #tpu.memory_space<vmem>>[vector<16xi32>, vector<16xi32>], vector<16xf32>,
        %add3A_542 = arith.constant 4 : i32
        %add3A_543 = vector.broadcast %add3A_542 : i32 to vector<16xi32>
        %add3A_544 = arith.addi %broadcast_in_dim3A_540, %add3A_543 : vector<16xi32>
        %gather3A_545 = tpu.vector_load_idx %arg18[%add3A_538, %add3A_544] : memref<128x8xf32, #tpu.memory_space<vmem>>[vector<16xi32>, vector<16xi32>], vector<16xf32>,
        %gather3A_546 = tpu.vector_load_idx %arg16[%add3A_538, %broadcast_in_dim3A_540] : memref<128x8xf32, #tpu.memory_space<vmem>>[vector<16xi32>, vector<16xi32>], vector<16xf32>,
        %add3A_547 = arith.addf %gather3A_541, %gather3A_545 : vector<16xf32>
        %add3A_548 = arith.addf %add3A_547, %gather3A_546 : vector<16xf32>
        %mul3A_549 = arith.constant 2.000000e-01 : f32
        %mul3A_550 = vector.broadcast %mul3A_549 : f32 to vector<16xf32>
        %mul3A_551 = arith.mulf %add3A_548, %mul3A_550 : vector<16xf32>
        %max3A_552 = arith.maximumf %add3A_548, %mul3A_551 : vector<16xf32>
        %exp3A_553 = math.exp %max3A_552 : vector<16xf32>
        %mul3A_554 = arith.constant 4 : i32
        %mul3A_555 = vector.broadcast %mul3A_554 : i32 to vector<16xi32>
        %mul3A_556 = arith.muli %add3A_538, %mul3A_555 : vector<16xi32>
        %add3A_557 = arith.constant 0 : i32
        %add3A_558 = vector.broadcast %add3A_557 : i32 to vector<16xi32>
        %add3A_559 = arith.addi %mul3A_556, %add3A_558 : vector<16xi32>
        tpu.vector_store_idx %arg19[%add3A_559], %exp3A_553 : memref<512xf32, #tpu.memory_space<vmem>>[vector<16xi32>], vector<16xf32>,
        %broadcast_in_dim3A_560 = arith.constant 1 : i32
        %broadcast_in_dim3A_561 = vector.broadcast %broadcast_in_dim3A_560 : i32 to vector<16xi32>
        %gather3A_562 = tpu.vector_load_idx %arg17[%add3A_538, %broadcast_in_dim3A_561] : memref<128x8xf32, #tpu.memory_space<vmem>>[vector<16xi32>, vector<16xi32>], vector<16xf32>,
        %add3A_563 = arith.constant 4 : i32
        %add3A_564 = vector.broadcast %add3A_563 : i32 to vector<16xi32>
        %add3A_565 = arith.addi %broadcast_in_dim3A_561, %add3A_564 : vector<16xi32>
        %gather3A_566 = tpu.vector_load_idx %arg18[%add3A_538, %add3A_565] : memref<128x8xf32, #tpu.memory_space<vmem>>[vector<16xi32>, vector<16xi32>], vector<16xf32>,
        %gather3A_567 = tpu.vector_load_idx %arg16[%add3A_538, %broadcast_in_dim3A_561] : memref<128x8xf32, #tpu.memory_space<vmem>>[vector<16xi32>, vector<16xi32>], vector<16xf32>,
        %add3A_568 = arith.addf %gather3A_562, %gather3A_566 : vector<16xf32>
        %add3A_569 = arith.addf %add3A_568, %gather3A_567 : vector<16xf32>
        %mul3A_570 = arith.constant 2.000000e-01 : f32
        %mul3A_571 = vector.broadcast %mul3A_570 : f32 to vector<16xf32>
        %mul3A_572 = arith.mulf %add3A_569, %mul3A_571 : vector<16xf32>
        %max3A_573 = arith.maximumf %add3A_569, %mul3A_572 : vector<16xf32>
        %exp3A_574 = math.exp %max3A_573 : vector<16xf32>
        %mul3A_575 = arith.constant 4 : i32
        %mul3A_576 = vector.broadcast %mul3A_575 : i32 to vector<16xi32>
        %mul3A_577 = arith.muli %add3A_538, %mul3A_576 : vector<16xi32>
        %add3A_578 = arith.constant 1 : i32
        %add3A_579 = vector.broadcast %add3A_578 : i32 to vector<16xi32>
        %add3A_580 = arith.addi %mul3A_577, %add3A_579 : vector<16xi32>
        tpu.vector_store_idx %arg19[%add3A_580], %exp3A_574 : memref<512xf32, #tpu.memory_space<vmem>>[vector<16xi32>], vector<16xf32>,
        %broadcast_in_dim3A_581 = arith.constant 2 : i32
        %broadcast_in_dim3A_582 = vector.broadcast %broadcast_in_dim3A_581 : i32 to vector<16xi32>
        %gather3A_583 = tpu.vector_load_idx %arg17[%add3A_538, %broadcast_in_dim3A_582] : memref<128x8xf32, #tpu.memory_space<vmem>>[vector<16xi32>, vector<16xi32>], vector<16xf32>,
        %add3A_584 = arith.constant 4 : i32
        %add3A_585 = vector.broadcast %add3A_584 : i32 to vector<16xi32>
        %add3A_586 = arith.addi %broadcast_in_dim3A_582, %add3A_585 : vector<16xi32>
        %gather3A_587 = tpu.vector_load_idx %arg18[%add3A_538, %add3A_586] : memref<128x8xf32, #tpu.memory_space<vmem>>[vector<16xi32>, vector<16xi32>], vector<16xf32>,
        %gather3A_588 = tpu.vector_load_idx %arg16[%add3A_538, %broadcast_in_dim3A_582] : memref<128x8xf32, #tpu.memory_space<vmem>>[vector<16xi32>, vector<16xi32>], vector<16xf32>,
        %add3A_589 = arith.addf %gather3A_583, %gather3A_587 : vector<16xf32>
        %add3A_590 = arith.addf %add3A_589, %gather3A_588 : vector<16xf32>
        %mul3A_591 = arith.constant 2.000000e-01 : f32
        %mul3A_592 = vector.broadcast %mul3A_591 : f32 to vector<16xf32>
        %mul3A_593 = arith.mulf %add3A_590, %mul3A_592 : vector<16xf32>
        %max3A_594 = arith.maximumf %add3A_590, %mul3A_593 : vector<16xf32>
        %exp3A_595 = math.exp %max3A_594 : vector<16xf32>
        %mul3A_596 = arith.constant 4 : i32
        %mul3A_597 = vector.broadcast %mul3A_596 : i32 to vector<16xi32>
        %mul3A_598 = arith.muli %add3A_538, %mul3A_597 : vector<16xi32>
        %add3A_599 = arith.constant 2 : i32
        %add3A_600 = vector.broadcast %add3A_599 : i32 to vector<16xi32>
        %add3A_601 = arith.addi %mul3A_598, %add3A_600 : vector<16xi32>
        tpu.vector_store_idx %arg19[%add3A_601], %exp3A_595 : memref<512xf32, #tpu.memory_space<vmem>>[vector<16xi32>], vector<16xf32>,
        %broadcast_in_dim3A_602 = arith.constant 3 : i32
        %broadcast_in_dim3A_603 = vector.broadcast %broadcast_in_dim3A_602 : i32 to vector<16xi32>
        %gather3A_604 = tpu.vector_load_idx %arg17[%add3A_538, %broadcast_in_dim3A_603] : memref<128x8xf32, #tpu.memory_space<vmem>>[vector<16xi32>, vector<16xi32>], vector<16xf32>,
        %add3A_605 = arith.constant 4 : i32
        %add3A_606 = vector.broadcast %add3A_605 : i32 to vector<16xi32>
        %add3A_607 = arith.addi %broadcast_in_dim3A_603, %add3A_606 : vector<16xi32>
        %gather3A_608 = tpu.vector_load_idx %arg18[%add3A_538, %add3A_607] : memref<128x8xf32, #tpu.memory_space<vmem>>[vector<16xi32>, vector<16xi32>], vector<16xf32>,
        %gather3A_609 = tpu.vector_load_idx %arg16[%add3A_538, %broadcast_in_dim3A_603] : memref<128x8xf32, #tpu.memory_space<vmem>>[vector<16xi32>, vector<16xi32>], vector<16xf32>,
        %add3A_610 = arith.addf %gather3A_604, %gather3A_608 : vector<16xf32>
        %add3A_611 = arith.addf %add3A_610, %gather3A_609 : vector<16xf32>
        %mul3A_612 = arith.constant 2.000000e-01 : f32
        %mul3A_613 = vector.broadcast %mul3A_612 : f32 to vector<16xf32>
        %mul3A_614 = arith.mulf %add3A_611, %mul3A_613 : vector<16xf32>
        %max3A_615 = arith.maximumf %add3A_611, %mul3A_614 : vector<16xf32>
        %exp3A_616 = math.exp %max3A_615 : vector<16xf32>
        %mul3A_617 = arith.constant 4 : i32
        %mul3A_618 = vector.broadcast %mul3A_617 : i32 to vector<16xi32>
        %mul3A_619 = arith.muli %add3A_538, %mul3A_618 : vector<16xi32>
        %add3A_620 = arith.constant 3 : i32
        %add3A_621 = vector.broadcast %add3A_620 : i32 to vector<16xi32>
        %add3A_622 = arith.addi %mul3A_619, %add3A_621 : vector<16xi32>
        tpu.vector_store_idx %arg19[%add3A_622], %exp3A_616 : memref<512xf32, #tpu.memory_space<vmem>>[vector<16xi32>], vector<16xf32>,
        %add3A_623 = arith.constant 80 : i32
        %add3A_624 = vector.broadcast %add3A_623 : i32 to vector<16xi32>
        %add3A_625 = arith.addi %iota3A, %add3A_624 : vector<16xi32>
        %broadcast_in_dim3A_626 = arith.constant 0 : i32
        %broadcast_in_dim3A_627 = vector.broadcast %broadcast_in_dim3A_626 : i32 to vector<16xi32>
        %gather3A_628 = tpu.vector_load_idx %arg17[%add3A_625, %broadcast_in_dim3A_627] : memref<128x8xf32, #tpu.memory_space<vmem>>[vector<16xi32>, vector<16xi32>], vector<16xf32>,
        %add3A_629 = arith.constant 4 : i32
        %add3A_630 = vector.broadcast %add3A_629 : i32 to vector<16xi32>
        %add3A_631 = arith.addi %broadcast_in_dim3A_627, %add3A_630 : vector<16xi32>
        %gather3A_632 = tpu.vector_load_idx %arg18[%add3A_625, %add3A_631] : memref<128x8xf32, #tpu.memory_space<vmem>>[vector<16xi32>, vector<16xi32>], vector<16xf32>,
        %gather3A_633 = tpu.vector_load_idx %arg16[%add3A_625, %broadcast_in_dim3A_627] : memref<128x8xf32, #tpu.memory_space<vmem>>[vector<16xi32>, vector<16xi32>], vector<16xf32>,
        %add3A_634 = arith.addf %gather3A_628, %gather3A_632 : vector<16xf32>
        %add3A_635 = arith.addf %add3A_634, %gather3A_633 : vector<16xf32>
        %mul3A_636 = arith.constant 2.000000e-01 : f32
        %mul3A_637 = vector.broadcast %mul3A_636 : f32 to vector<16xf32>
        %mul3A_638 = arith.mulf %add3A_635, %mul3A_637 : vector<16xf32>
        %max3A_639 = arith.maximumf %add3A_635, %mul3A_638 : vector<16xf32>
        %exp3A_640 = math.exp %max3A_639 : vector<16xf32>
        %mul3A_641 = arith.constant 4 : i32
        %mul3A_642 = vector.broadcast %mul3A_641 : i32 to vector<16xi32>
        %mul3A_643 = arith.muli %add3A_625, %mul3A_642 : vector<16xi32>
        %add3A_644 = arith.constant 0 : i32
        %add3A_645 = vector.broadcast %add3A_644 : i32 to vector<16xi32>
        %add3A_646 = arith.addi %mul3A_643, %add3A_645 : vector<16xi32>
        tpu.vector_store_idx %arg19[%add3A_646], %exp3A_640 : memref<512xf32, #tpu.memory_space<vmem>>[vector<16xi32>], vector<16xf32>,
        %broadcast_in_dim3A_647 = arith.constant 1 : i32
        %broadcast_in_dim3A_648 = vector.broadcast %broadcast_in_dim3A_647 : i32 to vector<16xi32>
        %gather3A_649 = tpu.vector_load_idx %arg17[%add3A_625, %broadcast_in_dim3A_648] : memref<128x8xf32, #tpu.memory_space<vmem>>[vector<16xi32>, vector<16xi32>], vector<16xf32>,
        %add3A_650 = arith.constant 4 : i32
        %add3A_651 = vector.broadcast %add3A_650 : i32 to vector<16xi32>
        %add3A_652 = arith.addi %broadcast_in_dim3A_648, %add3A_651 : vector<16xi32>
        %gather3A_653 = tpu.vector_load_idx %arg18[%add3A_625, %add3A_652] : memref<128x8xf32, #tpu.memory_space<vmem>>[vector<16xi32>, vector<16xi32>], vector<16xf32>,
        %gather3A_654 = tpu.vector_load_idx %arg16[%add3A_625, %broadcast_in_dim3A_648] : memref<128x8xf32, #tpu.memory_space<vmem>>[vector<16xi32>, vector<16xi32>], vector<16xf32>,
        %add3A_655 = arith.addf %gather3A_649, %gather3A_653 : vector<16xf32>
        %add3A_656 = arith.addf %add3A_655, %gather3A_654 : vector<16xf32>
        %mul3A_657 = arith.constant 2.000000e-01 : f32
        %mul3A_658 = vector.broadcast %mul3A_657 : f32 to vector<16xf32>
        %mul3A_659 = arith.mulf %add3A_656, %mul3A_658 : vector<16xf32>
        %max3A_660 = arith.maximumf %add3A_656, %mul3A_659 : vector<16xf32>
        %exp3A_661 = math.exp %max3A_660 : vector<16xf32>
        %mul3A_662 = arith.constant 4 : i32
        %mul3A_663 = vector.broadcast %mul3A_662 : i32 to vector<16xi32>
        %mul3A_664 = arith.muli %add3A_625, %mul3A_663 : vector<16xi32>
        %add3A_665 = arith.constant 1 : i32
        %add3A_666 = vector.broadcast %add3A_665 : i32 to vector<16xi32>
        %add3A_667 = arith.addi %mul3A_664, %add3A_666 : vector<16xi32>
        tpu.vector_store_idx %arg19[%add3A_667], %exp3A_661 : memref<512xf32, #tpu.memory_space<vmem>>[vector<16xi32>], vector<16xf32>,
        %broadcast_in_dim3A_668 = arith.constant 2 : i32
        %broadcast_in_dim3A_669 = vector.broadcast %broadcast_in_dim3A_668 : i32 to vector<16xi32>
        %gather3A_670 = tpu.vector_load_idx %arg17[%add3A_625, %broadcast_in_dim3A_669] : memref<128x8xf32, #tpu.memory_space<vmem>>[vector<16xi32>, vector<16xi32>], vector<16xf32>,
        %add3A_671 = arith.constant 4 : i32
        %add3A_672 = vector.broadcast %add3A_671 : i32 to vector<16xi32>
        %add3A_673 = arith.addi %broadcast_in_dim3A_669, %add3A_672 : vector<16xi32>
        %gather3A_674 = tpu.vector_load_idx %arg18[%add3A_625, %add3A_673] : memref<128x8xf32, #tpu.memory_space<vmem>>[vector<16xi32>, vector<16xi32>], vector<16xf32>,
        %gather3A_675 = tpu.vector_load_idx %arg16[%add3A_625, %broadcast_in_dim3A_669] : memref<128x8xf32, #tpu.memory_space<vmem>>[vector<16xi32>, vector<16xi32>], vector<16xf32>,
        %add3A_676 = arith.addf %gather3A_670, %gather3A_674 : vector<16xf32>
        %add3A_677 = arith.addf %add3A_676, %gather3A_675 : vector<16xf32>
        %mul3A_678 = arith.constant 2.000000e-01 : f32
        %mul3A_679 = vector.broadcast %mul3A_678 : f32 to vector<16xf32>
        %mul3A_680 = arith.mulf %add3A_677, %mul3A_679 : vector<16xf32>
        %max3A_681 = arith.maximumf %add3A_677, %mul3A_680 : vector<16xf32>
        %exp3A_682 = math.exp %max3A_681 : vector<16xf32>
        %mul3A_683 = arith.constant 4 : i32
        %mul3A_684 = vector.broadcast %mul3A_683 : i32 to vector<16xi32>
        %mul3A_685 = arith.muli %add3A_625, %mul3A_684 : vector<16xi32>
        %add3A_686 = arith.constant 2 : i32
        %add3A_687 = vector.broadcast %add3A_686 : i32 to vector<16xi32>
        %add3A_688 = arith.addi %mul3A_685, %add3A_687 : vector<16xi32>
        tpu.vector_store_idx %arg19[%add3A_688], %exp3A_682 : memref<512xf32, #tpu.memory_space<vmem>>[vector<16xi32>], vector<16xf32>,
        %broadcast_in_dim3A_689 = arith.constant 3 : i32
        %broadcast_in_dim3A_690 = vector.broadcast %broadcast_in_dim3A_689 : i32 to vector<16xi32>
        %gather3A_691 = tpu.vector_load_idx %arg17[%add3A_625, %broadcast_in_dim3A_690] : memref<128x8xf32, #tpu.memory_space<vmem>>[vector<16xi32>, vector<16xi32>], vector<16xf32>,
        %add3A_692 = arith.constant 4 : i32
        %add3A_693 = vector.broadcast %add3A_692 : i32 to vector<16xi32>
        %add3A_694 = arith.addi %broadcast_in_dim3A_690, %add3A_693 : vector<16xi32>
        %gather3A_695 = tpu.vector_load_idx %arg18[%add3A_625, %add3A_694] : memref<128x8xf32, #tpu.memory_space<vmem>>[vector<16xi32>, vector<16xi32>], vector<16xf32>,
        %gather3A_696 = tpu.vector_load_idx %arg16[%add3A_625, %broadcast_in_dim3A_690] : memref<128x8xf32, #tpu.memory_space<vmem>>[vector<16xi32>, vector<16xi32>], vector<16xf32>,
        %add3A_697 = arith.addf %gather3A_691, %gather3A_695 : vector<16xf32>
        %add3A_698 = arith.addf %add3A_697, %gather3A_696 : vector<16xf32>
        %mul3A_699 = arith.constant 2.000000e-01 : f32
        %mul3A_700 = vector.broadcast %mul3A_699 : f32 to vector<16xf32>
        %mul3A_701 = arith.mulf %add3A_698, %mul3A_700 : vector<16xf32>
        %max3A_702 = arith.maximumf %add3A_698, %mul3A_701 : vector<16xf32>
        %exp3A_703 = math.exp %max3A_702 : vector<16xf32>
        %mul3A_704 = arith.constant 4 : i32
        %mul3A_705 = vector.broadcast %mul3A_704 : i32 to vector<16xi32>
        %mul3A_706 = arith.muli %add3A_625, %mul3A_705 : vector<16xi32>
        %add3A_707 = arith.constant 3 : i32
        %add3A_708 = vector.broadcast %add3A_707 : i32 to vector<16xi32>
        %add3A_709 = arith.addi %mul3A_706, %add3A_708 : vector<16xi32>
        tpu.vector_store_idx %arg19[%add3A_709], %exp3A_703 : memref<512xf32, #tpu.memory_space<vmem>>[vector<16xi32>], vector<16xf32>,
        %add3A_710 = arith.constant 96 : i32
        %add3A_711 = vector.broadcast %add3A_710 : i32 to vector<16xi32>
        %add3A_712 = arith.addi %iota3A, %add3A_711 : vector<16xi32>
        %broadcast_in_dim3A_713 = arith.constant 0 : i32
        %broadcast_in_dim3A_714 = vector.broadcast %broadcast_in_dim3A_713 : i32 to vector<16xi32>
        %gather3A_715 = tpu.vector_load_idx %arg17[%add3A_712, %broadcast_in_dim3A_714] : memref<128x8xf32, #tpu.memory_space<vmem>>[vector<16xi32>, vector<16xi32>], vector<16xf32>,
        %add3A_716 = arith.constant 4 : i32
        %add3A_717 = vector.broadcast %add3A_716 : i32 to vector<16xi32>
        %add3A_718 = arith.addi %broadcast_in_dim3A_714, %add3A_717 : vector<16xi32>
        %gather3A_719 = tpu.vector_load_idx %arg18[%add3A_712, %add3A_718] : memref<128x8xf32, #tpu.memory_space<vmem>>[vector<16xi32>, vector<16xi32>], vector<16xf32>,
        %gather3A_720 = tpu.vector_load_idx %arg16[%add3A_712, %broadcast_in_dim3A_714] : memref<128x8xf32, #tpu.memory_space<vmem>>[vector<16xi32>, vector<16xi32>], vector<16xf32>,
        %add3A_721 = arith.addf %gather3A_715, %gather3A_719 : vector<16xf32>
        %add3A_722 = arith.addf %add3A_721, %gather3A_720 : vector<16xf32>
        %mul3A_723 = arith.constant 2.000000e-01 : f32
        %mul3A_724 = vector.broadcast %mul3A_723 : f32 to vector<16xf32>
        %mul3A_725 = arith.mulf %add3A_722, %mul3A_724 : vector<16xf32>
        %max3A_726 = arith.maximumf %add3A_722, %mul3A_725 : vector<16xf32>
        %exp3A_727 = math.exp %max3A_726 : vector<16xf32>
        %mul3A_728 = arith.constant 4 : i32
        %mul3A_729 = vector.broadcast %mul3A_728 : i32 to vector<16xi32>
        %mul3A_730 = arith.muli %add3A_712, %mul3A_729 : vector<16xi32>
        %add3A_731 = arith.constant 0 : i32
        %add3A_732 = vector.broadcast %add3A_731 : i32 to vector<16xi32>
        %add3A_733 = arith.addi %mul3A_730, %add3A_732 : vector<16xi32>
        tpu.vector_store_idx %arg19[%add3A_733], %exp3A_727 : memref<512xf32, #tpu.memory_space<vmem>>[vector<16xi32>], vector<16xf32>,
        %broadcast_in_dim3A_734 = arith.constant 1 : i32
        %broadcast_in_dim3A_735 = vector.broadcast %broadcast_in_dim3A_734 : i32 to vector<16xi32>
        %gather3A_736 = tpu.vector_load_idx %arg17[%add3A_712, %broadcast_in_dim3A_735] : memref<128x8xf32, #tpu.memory_space<vmem>>[vector<16xi32>, vector<16xi32>], vector<16xf32>,
        %add3A_737 = arith.constant 4 : i32
        %add3A_738 = vector.broadcast %add3A_737 : i32 to vector<16xi32>
        %add3A_739 = arith.addi %broadcast_in_dim3A_735, %add3A_738 : vector<16xi32>
        %gather3A_740 = tpu.vector_load_idx %arg18[%add3A_712, %add3A_739] : memref<128x8xf32, #tpu.memory_space<vmem>>[vector<16xi32>, vector<16xi32>], vector<16xf32>,
        %gather3A_741 = tpu.vector_load_idx %arg16[%add3A_712, %broadcast_in_dim3A_735] : memref<128x8xf32, #tpu.memory_space<vmem>>[vector<16xi32>, vector<16xi32>], vector<16xf32>,
        %add3A_742 = arith.addf %gather3A_736, %gather3A_740 : vector<16xf32>
        %add3A_743 = arith.addf %add3A_742, %gather3A_741 : vector<16xf32>
        %mul3A_744 = arith.constant 2.000000e-01 : f32
        %mul3A_745 = vector.broadcast %mul3A_744 : f32 to vector<16xf32>
        %mul3A_746 = arith.mulf %add3A_743, %mul3A_745 : vector<16xf32>
        %max3A_747 = arith.maximumf %add3A_743, %mul3A_746 : vector<16xf32>
        %exp3A_748 = math.exp %max3A_747 : vector<16xf32>
        %mul3A_749 = arith.constant 4 : i32
        %mul3A_750 = vector.broadcast %mul3A_749 : i32 to vector<16xi32>
        %mul3A_751 = arith.muli %add3A_712, %mul3A_750 : vector<16xi32>
        %add3A_752 = arith.constant 1 : i32
        %add3A_753 = vector.broadcast %add3A_752 : i32 to vector<16xi32>
        %add3A_754 = arith.addi %mul3A_751, %add3A_753 : vector<16xi32>
        tpu.vector_store_idx %arg19[%add3A_754], %exp3A_748 : memref<512xf32, #tpu.memory_space<vmem>>[vector<16xi32>], vector<16xf32>,
        %broadcast_in_dim3A_755 = arith.constant 2 : i32
        %broadcast_in_dim3A_756 = vector.broadcast %broadcast_in_dim3A_755 : i32 to vector<16xi32>
        %gather3A_757 = tpu.vector_load_idx %arg17[%add3A_712, %broadcast_in_dim3A_756] : memref<128x8xf32, #tpu.memory_space<vmem>>[vector<16xi32>, vector<16xi32>], vector<16xf32>,
        %add3A_758 = arith.constant 4 : i32
        %add3A_759 = vector.broadcast %add3A_758 : i32 to vector<16xi32>
        %add3A_760 = arith.addi %broadcast_in_dim3A_756, %add3A_759 : vector<16xi32>
        %gather3A_761 = tpu.vector_load_idx %arg18[%add3A_712, %add3A_760] : memref<128x8xf32, #tpu.memory_space<vmem>>[vector<16xi32>, vector<16xi32>], vector<16xf32>,
        %gather3A_762 = tpu.vector_load_idx %arg16[%add3A_712, %broadcast_in_dim3A_756] : memref<128x8xf32, #tpu.memory_space<vmem>>[vector<16xi32>, vector<16xi32>], vector<16xf32>,
        %add3A_763 = arith.addf %gather3A_757, %gather3A_761 : vector<16xf32>
        %add3A_764 = arith.addf %add3A_763, %gather3A_762 : vector<16xf32>
        %mul3A_765 = arith.constant 2.000000e-01 : f32
        %mul3A_766 = vector.broadcast %mul3A_765 : f32 to vector<16xf32>
        %mul3A_767 = arith.mulf %add3A_764, %mul3A_766 : vector<16xf32>
        %max3A_768 = arith.maximumf %add3A_764, %mul3A_767 : vector<16xf32>
        %exp3A_769 = math.exp %max3A_768 : vector<16xf32>
        %mul3A_770 = arith.constant 4 : i32
        %mul3A_771 = vector.broadcast %mul3A_770 : i32 to vector<16xi32>
        %mul3A_772 = arith.muli %add3A_712, %mul3A_771 : vector<16xi32>
        %add3A_773 = arith.constant 2 : i32
        %add3A_774 = vector.broadcast %add3A_773 : i32 to vector<16xi32>
        %add3A_775 = arith.addi %mul3A_772, %add3A_774 : vector<16xi32>
        tpu.vector_store_idx %arg19[%add3A_775], %exp3A_769 : memref<512xf32, #tpu.memory_space<vmem>>[vector<16xi32>], vector<16xf32>,
        %broadcast_in_dim3A_776 = arith.constant 3 : i32
        %broadcast_in_dim3A_777 = vector.broadcast %broadcast_in_dim3A_776 : i32 to vector<16xi32>
        %gather3A_778 = tpu.vector_load_idx %arg17[%add3A_712, %broadcast_in_dim3A_777] : memref<128x8xf32, #tpu.memory_space<vmem>>[vector<16xi32>, vector<16xi32>], vector<16xf32>,
        %add3A_779 = arith.constant 4 : i32
        %add3A_780 = vector.broadcast %add3A_779 : i32 to vector<16xi32>
        %add3A_781 = arith.addi %broadcast_in_dim3A_777, %add3A_780 : vector<16xi32>
        %gather3A_782 = tpu.vector_load_idx %arg18[%add3A_712, %add3A_781] : memref<128x8xf32, #tpu.memory_space<vmem>>[vector<16xi32>, vector<16xi32>], vector<16xf32>,
        %gather3A_783 = tpu.vector_load_idx %arg16[%add3A_712, %broadcast_in_dim3A_777] : memref<128x8xf32, #tpu.memory_space<vmem>>[vector<16xi32>, vector<16xi32>], vector<16xf32>,
        %add3A_784 = arith.addf %gather3A_778, %gather3A_782 : vector<16xf32>
        %add3A_785 = arith.addf %add3A_784, %gather3A_783 : vector<16xf32>
        %mul3A_786 = arith.constant 2.000000e-01 : f32
        %mul3A_787 = vector.broadcast %mul3A_786 : f32 to vector<16xf32>
        %mul3A_788 = arith.mulf %add3A_785, %mul3A_787 : vector<16xf32>
        %max3A_789 = arith.maximumf %add3A_785, %mul3A_788 : vector<16xf32>
        %exp3A_790 = math.exp %max3A_789 : vector<16xf32>
        %mul3A_791 = arith.constant 4 : i32
        %mul3A_792 = vector.broadcast %mul3A_791 : i32 to vector<16xi32>
        %mul3A_793 = arith.muli %add3A_712, %mul3A_792 : vector<16xi32>
        %add3A_794 = arith.constant 3 : i32
        %add3A_795 = vector.broadcast %add3A_794 : i32 to vector<16xi32>
        %add3A_796 = arith.addi %mul3A_793, %add3A_795 : vector<16xi32>
        tpu.vector_store_idx %arg19[%add3A_796], %exp3A_790 : memref<512xf32, #tpu.memory_space<vmem>>[vector<16xi32>], vector<16xf32>,
        %add3A_797 = arith.constant 112 : i32
        %add3A_798 = vector.broadcast %add3A_797 : i32 to vector<16xi32>
        %add3A_799 = arith.addi %iota3A, %add3A_798 : vector<16xi32>
        %broadcast_in_dim3A_800 = arith.constant 0 : i32
        %broadcast_in_dim3A_801 = vector.broadcast %broadcast_in_dim3A_800 : i32 to vector<16xi32>
        %gather3A_802 = tpu.vector_load_idx %arg17[%add3A_799, %broadcast_in_dim3A_801] : memref<128x8xf32, #tpu.memory_space<vmem>>[vector<16xi32>, vector<16xi32>], vector<16xf32>,
        %add3A_803 = arith.constant 4 : i32
        %add3A_804 = vector.broadcast %add3A_803 : i32 to vector<16xi32>
        %add3A_805 = arith.addi %broadcast_in_dim3A_801, %add3A_804 : vector<16xi32>
        %gather3A_806 = tpu.vector_load_idx %arg18[%add3A_799, %add3A_805] : memref<128x8xf32, #tpu.memory_space<vmem>>[vector<16xi32>, vector<16xi32>], vector<16xf32>,
        %gather3A_807 = tpu.vector_load_idx %arg16[%add3A_799, %broadcast_in_dim3A_801] : memref<128x8xf32, #tpu.memory_space<vmem>>[vector<16xi32>, vector<16xi32>], vector<16xf32>,
        %add3A_808 = arith.addf %gather3A_802, %gather3A_806 : vector<16xf32>
        %add3A_809 = arith.addf %add3A_808, %gather3A_807 : vector<16xf32>
        %mul3A_810 = arith.constant 2.000000e-01 : f32
        %mul3A_811 = vector.broadcast %mul3A_810 : f32 to vector<16xf32>
        %mul3A_812 = arith.mulf %add3A_809, %mul3A_811 : vector<16xf32>
        %max3A_813 = arith.maximumf %add3A_809, %mul3A_812 : vector<16xf32>
        %exp3A_814 = math.exp %max3A_813 : vector<16xf32>
        %mul3A_815 = arith.constant 4 : i32
        %mul3A_816 = vector.broadcast %mul3A_815 : i32 to vector<16xi32>
        %mul3A_817 = arith.muli %add3A_799, %mul3A_816 : vector<16xi32>
        %add3A_818 = arith.constant 0 : i32
        %add3A_819 = vector.broadcast %add3A_818 : i32 to vector<16xi32>
        %add3A_820 = arith.addi %mul3A_817, %add3A_819 : vector<16xi32>
        tpu.vector_store_idx %arg19[%add3A_820], %exp3A_814 : memref<512xf32, #tpu.memory_space<vmem>>[vector<16xi32>], vector<16xf32>,
        %broadcast_in_dim3A_821 = arith.constant 1 : i32
        %broadcast_in_dim3A_822 = vector.broadcast %broadcast_in_dim3A_821 : i32 to vector<16xi32>
        %gather3A_823 = tpu.vector_load_idx %arg17[%add3A_799, %broadcast_in_dim3A_822] : memref<128x8xf32, #tpu.memory_space<vmem>>[vector<16xi32>, vector<16xi32>], vector<16xf32>,
        %add3A_824 = arith.constant 4 : i32
        %add3A_825 = vector.broadcast %add3A_824 : i32 to vector<16xi32>
        %add3A_826 = arith.addi %broadcast_in_dim3A_822, %add3A_825 : vector<16xi32>
        %gather3A_827 = tpu.vector_load_idx %arg18[%add3A_799, %add3A_826] : memref<128x8xf32, #tpu.memory_space<vmem>>[vector<16xi32>, vector<16xi32>], vector<16xf32>,
        %gather3A_828 = tpu.vector_load_idx %arg16[%add3A_799, %broadcast_in_dim3A_822] : memref<128x8xf32, #tpu.memory_space<vmem>>[vector<16xi32>, vector<16xi32>], vector<16xf32>,
        %add3A_829 = arith.addf %gather3A_823, %gather3A_827 : vector<16xf32>
        %add3A_830 = arith.addf %add3A_829, %gather3A_828 : vector<16xf32>
        %mul3A_831 = arith.constant 2.000000e-01 : f32
        %mul3A_832 = vector.broadcast %mul3A_831 : f32 to vector<16xf32>
        %mul3A_833 = arith.mulf %add3A_830, %mul3A_832 : vector<16xf32>
        %max3A_834 = arith.maximumf %add3A_830, %mul3A_833 : vector<16xf32>
        %exp3A_835 = math.exp %max3A_834 : vector<16xf32>
        %mul3A_836 = arith.constant 4 : i32
        %mul3A_837 = vector.broadcast %mul3A_836 : i32 to vector<16xi32>
        %mul3A_838 = arith.muli %add3A_799, %mul3A_837 : vector<16xi32>
        %add3A_839 = arith.constant 1 : i32
        %add3A_840 = vector.broadcast %add3A_839 : i32 to vector<16xi32>
        %add3A_841 = arith.addi %mul3A_838, %add3A_840 : vector<16xi32>
        tpu.vector_store_idx %arg19[%add3A_841], %exp3A_835 : memref<512xf32, #tpu.memory_space<vmem>>[vector<16xi32>], vector<16xf32>,
        %broadcast_in_dim3A_842 = arith.constant 2 : i32
        %broadcast_in_dim3A_843 = vector.broadcast %broadcast_in_dim3A_842 : i32 to vector<16xi32>
        %gather3A_844 = tpu.vector_load_idx %arg17[%add3A_799, %broadcast_in_dim3A_843] : memref<128x8xf32, #tpu.memory_space<vmem>>[vector<16xi32>, vector<16xi32>], vector<16xf32>,
        %add3A_845 = arith.constant 4 : i32
        %add3A_846 = vector.broadcast %add3A_845 : i32 to vector<16xi32>
        %add3A_847 = arith.addi %broadcast_in_dim3A_843, %add3A_846 : vector<16xi32>
        %gather3A_848 = tpu.vector_load_idx %arg18[%add3A_799, %add3A_847] : memref<128x8xf32, #tpu.memory_space<vmem>>[vector<16xi32>, vector<16xi32>], vector<16xf32>,
        %gather3A_849 = tpu.vector_load_idx %arg16[%add3A_799, %broadcast_in_dim3A_843] : memref<128x8xf32, #tpu.memory_space<vmem>>[vector<16xi32>, vector<16xi32>], vector<16xf32>,
        %add3A_850 = arith.addf %gather3A_844, %gather3A_848 : vector<16xf32>
        %add3A_851 = arith.addf %add3A_850, %gather3A_849 : vector<16xf32>
        %mul3A_852 = arith.constant 2.000000e-01 : f32
        %mul3A_853 = vector.broadcast %mul3A_852 : f32 to vector<16xf32>
        %mul3A_854 = arith.mulf %add3A_851, %mul3A_853 : vector<16xf32>
        %max3A_855 = arith.maximumf %add3A_851, %mul3A_854 : vector<16xf32>
        %exp3A_856 = math.exp %max3A_855 : vector<16xf32>
        %mul3A_857 = arith.constant 4 : i32
        %mul3A_858 = vector.broadcast %mul3A_857 : i32 to vector<16xi32>
        %mul3A_859 = arith.muli %add3A_799, %mul3A_858 : vector<16xi32>
        %add3A_860 = arith.constant 2 : i32
        %add3A_861 = vector.broadcast %add3A_860 : i32 to vector<16xi32>
        %add3A_862 = arith.addi %mul3A_859, %add3A_861 : vector<16xi32>
        tpu.vector_store_idx %arg19[%add3A_862], %exp3A_856 : memref<512xf32, #tpu.memory_space<vmem>>[vector<16xi32>], vector<16xf32>,
        %broadcast_in_dim3A_863 = arith.constant 3 : i32
        %broadcast_in_dim3A_864 = vector.broadcast %broadcast_in_dim3A_863 : i32 to vector<16xi32>
        %gather3A_865 = tpu.vector_load_idx %arg17[%add3A_799, %broadcast_in_dim3A_864] : memref<128x8xf32, #tpu.memory_space<vmem>>[vector<16xi32>, vector<16xi32>], vector<16xf32>,
        %add3A_866 = arith.constant 4 : i32
        %add3A_867 = vector.broadcast %add3A_866 : i32 to vector<16xi32>
        %add3A_868 = arith.addi %broadcast_in_dim3A_864, %add3A_867 : vector<16xi32>
        %gather3A_869 = tpu.vector_load_idx %arg18[%add3A_799, %add3A_868] : memref<128x8xf32, #tpu.memory_space<vmem>>[vector<16xi32>, vector<16xi32>], vector<16xf32>,
        %gather3A_870 = tpu.vector_load_idx %arg16[%add3A_799, %broadcast_in_dim3A_864] : memref<128x8xf32, #tpu.memory_space<vmem>>[vector<16xi32>, vector<16xi32>], vector<16xf32>,
        %add3A_871 = arith.addf %gather3A_865, %gather3A_869 : vector<16xf32>
        %add3A_872 = arith.addf %add3A_871, %gather3A_870 : vector<16xf32>
        %mul3A_873 = arith.constant 2.000000e-01 : f32
        %mul3A_874 = vector.broadcast %mul3A_873 : f32 to vector<16xf32>
        %mul3A_875 = arith.mulf %add3A_872, %mul3A_874 : vector<16xf32>
        %max3A_876 = arith.maximumf %add3A_872, %mul3A_875 : vector<16xf32>
        %exp3A_877 = math.exp %max3A_876 : vector<16xf32>
        %mul3A_878 = arith.constant 4 : i32
        %mul3A_879 = vector.broadcast %mul3A_878 : i32 to vector<16xi32>
        %mul3A_880 = arith.muli %add3A_799, %mul3A_879 : vector<16xi32>
        %add3A_881 = arith.constant 3 : i32
        %add3A_882 = vector.broadcast %add3A_881 : i32 to vector<16xi32>
        %add3A_883 = arith.addi %mul3A_880, %add3A_882 : vector<16xi32>
        tpu.vector_store_idx %arg19[%add3A_883], %exp3A_877 : memref<512xf32, #tpu.memory_space<vmem>>[vector<16xi32>], vector<16xf32>,
        %scan3A_884 = arith.constant 0 : i32
        %scan3A_885 = arith.constant 0 : i32
        %scan3A_886 = arith.constant 128 : i32
        %scan3A_887 = arith.addi %scan3A_885, %scan3A_886 : i32
        %scan3A_888 = arith.constant 1 : i32
        %scan3A_889 = scf.for %scan3A_891 = %scan3A_885 to %scan3A_887 step %scan3A_888 iter_args(%scan3A_892 = %scan3A_884) -> (i32)  : i32 {
          %mul3A_893 = arith.constant 4 : i32
          %mul3A_894 = arith.muli %scan3A_891, %mul3A_893 : i32
          %broadcast_in_dim3A_895 = vector.broadcast %mul3A_894 : i32 to vector<16xi32>
          %add3A_896 = arith.constant 2 : i32
          %add3A_897 = vector.broadcast %add3A_896 : i32 to vector<16xi32>
          %add3A_898 = arith.addi %broadcast_in_dim3A_895, %add3A_897 : vector<16xi32>
          %gather3A_899 = tpu.vector_load_idx %arg19[%add3A_898] : memref<512xf32, #tpu.memory_space<vmem>>[vector<16xi32>], vector<16xf32>,
          %add3A_900 = arith.constant 3 : i32
          %add3A_901 = vector.broadcast %add3A_900 : i32 to vector<16xi32>
          %add3A_902 = arith.addi %broadcast_in_dim3A_895, %add3A_901 : vector<16xi32>
          %gather3A_903 = tpu.vector_load_idx %arg19[%add3A_902] : memref<512xf32, #tpu.memory_space<vmem>>[vector<16xi32>], vector<16xf32>,
          %get3A = arith.index_cast %scan3A_891 : i32 to index
          %get3A_904 = arith.constant 0 : index
          %get3A_905 = tpu.vector_load %arg21[%get3A, %get3A_904] {strides = array<i32>} : memref<128x128xf32, #tpu.memory_space<vmem>>, vector<16xf32>,
          %mul3A_906 = arith.mulf %get3A_905, %gather3A_899 : vector<16xf32>
          %swap3A = arith.index_cast %scan3A_891 : i32 to index
          %swap3A_907 = arith.constant 0 : index
          %swap3A_908 = tpu.vector_load %arg21[%swap3A, %swap3A_907] {strides = array<i32>} : memref<128x128xf32, #tpu.memory_space<vmem>>, vector<16xf32>,
          tpu.vector_store %arg21[%swap3A, %swap3A_907], %mul3A_906 {strides = array<i32>} : memref<128x128xf32, #tpu.memory_space<vmem>>, vector<16xf32>,
          %get3A_909 = arith.index_cast %scan3A_891 : i32 to index
          %get3A_910 = arith.constant 16 : index
          %get3A_911 = tpu.vector_load %arg21[%get3A_909, %get3A_910] {strides = array<i32>} : memref<128x128xf32, #tpu.memory_space<vmem>>, vector<16xf32>,
          %mul3A_912 = arith.mulf %get3A_911, %gather3A_899 : vector<16xf32>
          %swap3A_913 = arith.index_cast %scan3A_891 : i32 to index
          %swap3A_914 = arith.constant 16 : index
          %swap3A_915 = tpu.vector_load %arg21[%swap3A_913, %swap3A_914] {strides = array<i32>} : memref<128x128xf32, #tpu.memory_space<vmem>>, vector<16xf32>,
          tpu.vector_store %arg21[%swap3A_913, %swap3A_914], %mul3A_912 {strides = array<i32>} : memref<128x128xf32, #tpu.memory_space<vmem>>, vector<16xf32>,
          %get3A_916 = arith.index_cast %scan3A_891 : i32 to index
          %get3A_917 = arith.constant 32 : index
          %get3A_918 = tpu.vector_load %arg21[%get3A_916, %get3A_917] {strides = array<i32>} : memref<128x128xf32, #tpu.memory_space<vmem>>, vector<16xf32>,
          %mul3A_919 = arith.mulf %get3A_918, %gather3A_899 : vector<16xf32>
          %swap3A_920 = arith.index_cast %scan3A_891 : i32 to index
          %swap3A_921 = arith.constant 32 : index
          %swap3A_922 = tpu.vector_load %arg21[%swap3A_920, %swap3A_921] {strides = array<i32>} : memref<128x128xf32, #tpu.memory_space<vmem>>, vector<16xf32>,
          tpu.vector_store %arg21[%swap3A_920, %swap3A_921], %mul3A_919 {strides = array<i32>} : memref<128x128xf32, #tpu.memory_space<vmem>>, vector<16xf32>,
          %get3A_923 = arith.index_cast %scan3A_891 : i32 to index
          %get3A_924 = arith.constant 48 : index
          %get3A_925 = tpu.vector_load %arg21[%get3A_923, %get3A_924] {strides = array<i32>} : memref<128x128xf32, #tpu.memory_space<vmem>>, vector<16xf32>,
          %mul3A_926 = arith.mulf %get3A_925, %gather3A_899 : vector<16xf32>
          %swap3A_927 = arith.index_cast %scan3A_891 : i32 to index
          %swap3A_928 = arith.constant 48 : index
          %swap3A_929 = tpu.vector_load %arg21[%swap3A_927, %swap3A_928] {strides = array<i32>} : memref<128x128xf32, #tpu.memory_space<vmem>>, vector<16xf32>,
          tpu.vector_store %arg21[%swap3A_927, %swap3A_928], %mul3A_926 {strides = array<i32>} : memref<128x128xf32, #tpu.memory_space<vmem>>, vector<16xf32>,
          %get3A_930 = arith.index_cast %scan3A_891 : i32 to index
          %get3A_931 = arith.constant 64 : index
          %get3A_932 = tpu.vector_load %arg21[%get3A_930, %get3A_931] {strides = array<i32>} : memref<128x128xf32, #tpu.memory_space<vmem>>, vector<16xf32>,
          %mul3A_933 = arith.mulf %get3A_932, %gather3A_903 : vector<16xf32>
          %swap3A_934 = arith.index_cast %scan3A_891 : i32 to index
          %swap3A_935 = arith.constant 64 : index
          %swap3A_936 = tpu.vector_load %arg21[%swap3A_934, %swap3A_935] {strides = array<i32>} : memref<128x128xf32, #tpu.memory_space<vmem>>, vector<16xf32>,
          tpu.vector_store %arg21[%swap3A_934, %swap3A_935], %mul3A_933 {strides = array<i32>} : memref<128x128xf32, #tpu.memory_space<vmem>>, vector<16xf32>,
          %get3A_937 = arith.index_cast %scan3A_891 : i32 to index
          %get3A_938 = arith.constant 80 : index
          %get3A_939 = tpu.vector_load %arg21[%get3A_937, %get3A_938] {strides = array<i32>} : memref<128x128xf32, #tpu.memory_space<vmem>>, vector<16xf32>,
          %mul3A_940 = arith.mulf %get3A_939, %gather3A_903 : vector<16xf32>
          %swap3A_941 = arith.index_cast %scan3A_891 : i32 to index
          %swap3A_942 = arith.constant 80 : index
          %swap3A_943 = tpu.vector_load %arg21[%swap3A_941, %swap3A_942] {strides = array<i32>} : memref<128x128xf32, #tpu.memory_space<vmem>>, vector<16xf32>,
          tpu.vector_store %arg21[%swap3A_941, %swap3A_942], %mul3A_940 {strides = array<i32>} : memref<128x128xf32, #tpu.memory_space<vmem>>, vector<16xf32>,
          %get3A_944 = arith.index_cast %scan3A_891 : i32 to index
          %get3A_945 = arith.constant 96 : index
          %get3A_946 = tpu.vector_load %arg21[%get3A_944, %get3A_945] {strides = array<i32>} : memref<128x128xf32, #tpu.memory_space<vmem>>, vector<16xf32>,
          %mul3A_947 = arith.mulf %get3A_946, %gather3A_903 : vector<16xf32>
          %swap3A_948 = arith.index_cast %scan3A_891 : i32 to index
          %swap3A_949 = arith.constant 96 : index
          %swap3A_950 = tpu.vector_load %arg21[%swap3A_948, %swap3A_949] {strides = array<i32>} : memref<128x128xf32, #tpu.memory_space<vmem>>, vector<16xf32>,
          tpu.vector_store %arg21[%swap3A_948, %swap3A_949], %mul3A_947 {strides = array<i32>} : memref<128x128xf32, #tpu.memory_space<vmem>>, vector<16xf32>,
          %get3A_951 = arith.index_cast %scan3A_891 : i32 to index
          %get3A_952 = arith.constant 112 : index
          %get3A_953 = tpu.vector_load %arg21[%get3A_951, %get3A_952] {strides = array<i32>} : memref<128x128xf32, #tpu.memory_space<vmem>>, vector<16xf32>,
          %mul3A_954 = arith.mulf %get3A_953, %gather3A_903 : vector<16xf32>
          %swap3A_955 = arith.index_cast %scan3A_891 : i32 to index
          %swap3A_956 = arith.constant 112 : index
          %swap3A_957 = tpu.vector_load %arg21[%swap3A_955, %swap3A_956] {strides = array<i32>} : memref<128x128xf32, #tpu.memory_space<vmem>>, vector<16xf32>,
          tpu.vector_store %arg21[%swap3A_955, %swap3A_956], %mul3A_954 {strides = array<i32>} : memref<128x128xf32, #tpu.memory_space<vmem>>, vector<16xf32>,
          %scan3A_958 = arith.constant 0 : i32
          scf.yield %scan3A_958 : i32
        }
        %scan3A_890 = arith.constant 128 : i32
        "tpu.region"() ({
          %run_scoped3A = tpu.sem_alloc : memref<!tpu.dma_semaphore, #tpu.memory_space<semaphore_mem>>
          %dma_start3A = arith.constant 0 : i32
          %dma_start3A_891 = arith.constant 0 : i32
          %dma_start3A_892 = tpu.memref_slice %arg24[%dma_start3A, %dma_start3A_891] : memref<10240x128xf32, #tpu.memory_space<vmem_shared>> -> memref<10240x128xf32, #tpu.memory_space<vmem_shared>>
          tpu.enqueue_indirect_dma source(%arg21 : memref<128x128xf32, #tpu.memory_space<vmem>>) target(%dma_start3A_892 : memref<10240x128xf32, #tpu.memory_space<vmem_shared>>) offsets(%arg15 : memref<128xi32, #tpu.memory_space<vmem>>) semaphore(%run_scoped3A : memref<!tpu.dma_semaphore, #tpu.memory_space<semaphore_mem>>) {add = true}
          %dma_wait3A = arith.constant 0 : i32
          %dma_wait3A_893 = arith.constant 0 : i32
          %dma_wait3A_894 = tpu.memref_slice %arg24[%dma_wait3A, %dma_wait3A_893] : memref<10240x128xf32, #tpu.memory_space<vmem_shared>> -> memref<10240x128xf32, #tpu.memory_space<vmem_shared>>
          tpu.wait_indirect_dma semaphore(%run_scoped3A : memref<!tpu.dma_semaphore, #tpu.memory_space<semaphore_mem>>) src(%arg21 : memref<128x128xf32, #tpu.memory_space<vmem>>) dst(%dma_wait3A_894 : memref<10240x128xf32, #tpu.memory_space<vmem_shared>>)
          tpu.yield
        }) : () -> ()
      } else {
      }
      %scan3A_188 = arith.constant 0 : i32
      scf.yield %scan3A_188 : i32
    }
    %scan3A_111 = arith.constant 40 : i32
    %barrier3A_112 = arith.constant 0 : index
    tpu.barrier barrier_id(%barrier3A_112)
    %add3A_113 = arith.constant 0 : i32
    %add3A_114 = arith.addi %mul3A_2, %add3A_113 : i32
    %add3A_115 = arith.constant 0 : i32
    %add3A_116 = arith.addi %mul3A_2, %add3A_115 : i32
    "tpu.region"() ({
      %run_scoped3A = tpu.sem_alloc : memref<!tpu.dma_semaphore, #tpu.memory_space<semaphore_mem>>
      %dma_start3A = arith.constant 0 : i32
      %dma_start3A_181 = tpu.memref_slice %arg11[%arg0, %add3A_116, %dma_start3A] : memref<2x10240x128xf32, #tpu.memory_space<hbm>> -> memref<1x128x128xf32, #tpu.memory_space<hbm>>
      %dma_start3A_182 = tpu.memref_squeeze %dma_start3A_181 : memref<1x128x128xf32, #tpu.memory_space<hbm>> -> memref<128x128xf32, #tpu.memory_space<hbm>>
      %dma_start3A_183 = arith.constant 0 : i32
      %dma_start3A_184 = tpu.memref_slice %arg24[%add3A_114, %dma_start3A_183] : memref<10240x128xf32, #tpu.memory_space<vmem_shared>> -> memref<128x128xf32, #tpu.memory_space<vmem_shared>>
      tpu.enqueue_dma source(%dma_start3A_184 : memref<128x128xf32, #tpu.memory_space<vmem_shared>>) target(%dma_start3A_182 : memref<128x128xf32, #tpu.memory_space<hbm>>) target_semaphore(%run_scoped3A : memref<!tpu.dma_semaphore, #tpu.memory_space<semaphore_mem>>)
      %dma_wait3A = arith.constant 0 : i32
      %dma_wait3A_185 = tpu.memref_slice %arg11[%arg0, %add3A_116, %dma_wait3A] : memref<2x10240x128xf32, #tpu.memory_space<hbm>> -> memref<1x128x128xf32, #tpu.memory_space<hbm>>
      %dma_wait3A_186 = tpu.memref_squeeze %dma_wait3A_185 : memref<1x128x128xf32, #tpu.memory_space<hbm>> -> memref<128x128xf32, #tpu.memory_space<hbm>>
      %dma_wait3A_187 = arith.constant 0 : i32
      %dma_wait3A_188 = tpu.memref_slice %arg24[%add3A_114, %dma_wait3A_187] : memref<10240x128xf32, #tpu.memory_space<vmem_shared>> -> memref<128x128xf32, #tpu.memory_space<vmem_shared>>
      tpu.wait_dma2 semaphore(%run_scoped3A : memref<!tpu.dma_semaphore, #tpu.memory_space<semaphore_mem>>) src(%dma_wait3A_188 : memref<128x128xf32, #tpu.memory_space<vmem_shared>>) dst(%dma_wait3A_186 : memref<128x128xf32, #tpu.memory_space<hbm>>)
      tpu.yield
    }) : () -> ()
    %add3A_117 = arith.constant 128 : i32
    %add3A_118 = arith.addi %mul3A_2, %add3A_117 : i32
    %add3A_119 = arith.constant 128 : i32
    %add3A_120 = arith.addi %mul3A_2, %add3A_119 : i32
    "tpu.region"() ({
      %run_scoped3A = tpu.sem_alloc : memref<!tpu.dma_semaphore, #tpu.memory_space<semaphore_mem>>
      %dma_start3A = arith.constant 0 : i32
      %dma_start3A_181 = tpu.memref_slice %arg11[%arg0, %add3A_120, %dma_start3A] : memref<2x10240x128xf32, #tpu.memory_space<hbm>> -> memref<1x128x128xf32, #tpu.memory_space<hbm>>
      %dma_start3A_182 = tpu.memref_squeeze %dma_start3A_181 : memref<1x128x128xf32, #tpu.memory_space<hbm>> -> memref<128x128xf32, #tpu.memory_space<hbm>>
      %dma_start3A_183 = arith.constant 0 : i32
      %dma_start3A_184 = tpu.memref_slice %arg24[%add3A_118, %dma_start3A_183] : memref<10240x128xf32, #tpu.memory_space<vmem_shared>> -> memref<128x128xf32, #tpu.memory_space<vmem_shared>>
      tpu.enqueue_dma source(%dma_start3A_184 : memref<128x128xf32, #tpu.memory_space<vmem_shared>>) target(%dma_start3A_182 : memref<128x128xf32, #tpu.memory_space<hbm>>) target_semaphore(%run_scoped3A : memref<!tpu.dma_semaphore, #tpu.memory_space<semaphore_mem>>)
      %dma_wait3A = arith.constant 0 : i32
      %dma_wait3A_185 = tpu.memref_slice %arg11[%arg0, %add3A_120, %dma_wait3A] : memref<2x10240x128xf32, #tpu.memory_space<hbm>> -> memref<1x128x128xf32, #tpu.memory_space<hbm>>
      %dma_wait3A_186 = tpu.memref_squeeze %dma_wait3A_185 : memref<1x128x128xf32, #tpu.memory_space<hbm>> -> memref<128x128xf32, #tpu.memory_space<hbm>>
      %dma_wait3A_187 = arith.constant 0 : i32
      %dma_wait3A_188 = tpu.memref_slice %arg24[%add3A_118, %dma_wait3A_187] : memref<10240x128xf32, #tpu.memory_space<vmem_shared>> -> memref<128x128xf32, #tpu.memory_space<vmem_shared>>
      tpu.wait_dma2 semaphore(%run_scoped3A : memref<!tpu.dma_semaphore, #tpu.memory_space<semaphore_mem>>) src(%dma_wait3A_188 : memref<128x128xf32, #tpu.memory_space<vmem_shared>>) dst(%dma_wait3A_186 : memref<128x128xf32, #tpu.memory_space<hbm>>)
      tpu.yield
    }) : () -> ()
    %add3A_121 = arith.constant 256 : i32
    %add3A_122 = arith.addi %mul3A_2, %add3A_121 : i32
    %add3A_123 = arith.constant 256 : i32
    %add3A_124 = arith.addi %mul3A_2, %add3A_123 : i32
    "tpu.region"() ({
      %run_scoped3A = tpu.sem_alloc : memref<!tpu.dma_semaphore, #tpu.memory_space<semaphore_mem>>
      %dma_start3A = arith.constant 0 : i32
      %dma_start3A_181 = tpu.memref_slice %arg11[%arg0, %add3A_124, %dma_start3A] : memref<2x10240x128xf32, #tpu.memory_space<hbm>> -> memref<1x128x128xf32, #tpu.memory_space<hbm>>
      %dma_start3A_182 = tpu.memref_squeeze %dma_start3A_181 : memref<1x128x128xf32, #tpu.memory_space<hbm>> -> memref<128x128xf32, #tpu.memory_space<hbm>>
      %dma_start3A_183 = arith.constant 0 : i32
      %dma_start3A_184 = tpu.memref_slice %arg24[%add3A_122, %dma_start3A_183] : memref<10240x128xf32, #tpu.memory_space<vmem_shared>> -> memref<128x128xf32, #tpu.memory_space<vmem_shared>>
      tpu.enqueue_dma source(%dma_start3A_184 : memref<128x128xf32, #tpu.memory_space<vmem_shared>>) target(%dma_start3A_182 : memref<128x128xf32, #tpu.memory_space<hbm>>) target_semaphore(%run_scoped3A : memref<!tpu.dma_semaphore, #tpu.memory_space<semaphore_mem>>)
      %dma_wait3A = arith.constant 0 : i32
      %dma_wait3A_185 = tpu.memref_slice %arg11[%arg0, %add3A_124, %dma_wait3A] : memref<2x10240x128xf32, #tpu.memory_space<hbm>> -> memref<1x128x128xf32, #tpu.memory_space<hbm>>
      %dma_wait3A_186 = tpu.memref_squeeze %dma_wait3A_185 : memref<1x128x128xf32, #tpu.memory_space<hbm>> -> memref<128x128xf32, #tpu.memory_space<hbm>>
      %dma_wait3A_187 = arith.constant 0 : i32
      %dma_wait3A_188 = tpu.memref_slice %arg24[%add3A_122, %dma_wait3A_187] : memref<10240x128xf32, #tpu.memory_space<vmem_shared>> -> memref<128x128xf32, #tpu.memory_space<vmem_shared>>
      tpu.wait_dma2 semaphore(%run_scoped3A : memref<!tpu.dma_semaphore, #tpu.memory_space<semaphore_mem>>) src(%dma_wait3A_188 : memref<128x128xf32, #tpu.memory_space<vmem_shared>>) dst(%dma_wait3A_186 : memref<128x128xf32, #tpu.memory_space<hbm>>)
      tpu.yield
    }) : () -> ()
    %add3A_125 = arith.constant 384 : i32
    %add3A_126 = arith.addi %mul3A_2, %add3A_125 : i32
    %add3A_127 = arith.constant 384 : i32
    %add3A_128 = arith.addi %mul3A_2, %add3A_127 : i32
    "tpu.region"() ({
      %run_scoped3A = tpu.sem_alloc : memref<!tpu.dma_semaphore, #tpu.memory_space<semaphore_mem>>
      %dma_start3A = arith.constant 0 : i32
      %dma_start3A_181 = tpu.memref_slice %arg11[%arg0, %add3A_128, %dma_start3A] : memref<2x10240x128xf32, #tpu.memory_space<hbm>> -> memref<1x128x128xf32, #tpu.memory_space<hbm>>
      %dma_start3A_182 = tpu.memref_squeeze %dma_start3A_181 : memref<1x128x128xf32, #tpu.memory_space<hbm>> -> memref<128x128xf32, #tpu.memory_space<hbm>>
      %dma_start3A_183 = arith.constant 0 : i32
      %dma_start3A_184 = tpu.memref_slice %arg24[%add3A_126, %dma_start3A_183] : memref<10240x128xf32, #tpu.memory_space<vmem_shared>> -> memref<128x128xf32, #tpu.memory_space<vmem_shared>>
      tpu.enqueue_dma source(%dma_start3A_184 : memref<128x128xf32, #tpu.memory_space<vmem_shared>>) target(%dma_start3A_182 : memref<128x128xf32, #tpu.memory_space<hbm>>) target_semaphore(%run_scoped3A : memref<!tpu.dma_semaphore, #tpu.memory_space<semaphore_mem>>)
      %dma_wait3A = arith.constant 0 : i32
      %dma_wait3A_185 = tpu.memref_slice %arg11[%arg0, %add3A_128, %dma_wait3A] : memref<2x10240x128xf32, #tpu.memory_space<hbm>> -> memref<1x128x128xf32, #tpu.memory_space<hbm>>
      %dma_wait3A_186 = tpu.memref_squeeze %dma_wait3A_185 : memref<1x128x128xf32, #tpu.memory_space<hbm>> -> memref<128x128xf32, #tpu.memory_space<hbm>>
      %dma_wait3A_187 = arith.constant 0 : i32
      %dma_wait3A_188 = tpu.memref_slice %arg24[%add3A_126, %dma_wait3A_187] : memref<10240x128xf32, #tpu.memory_space<vmem_shared>> -> memref<128x128xf32, #tpu.memory_space<vmem_shared>>
      tpu.wait_dma2 semaphore(%run_scoped3A : memref<!tpu.dma_semaphore, #tpu.memory_space<semaphore_mem>>) src(%dma_wait3A_188 : memref<128x128xf32, #tpu.memory_space<vmem_shared>>) dst(%dma_wait3A_186 : memref<128x128xf32, #tpu.memory_space<hbm>>)
      tpu.yield
    }) : () -> ()
    %add3A_129 = arith.constant 512 : i32
    %add3A_130 = arith.addi %mul3A_2, %add3A_129 : i32
    %add3A_131 = arith.constant 512 : i32
    %add3A_132 = arith.addi %mul3A_2, %add3A_131 : i32
    "tpu.region"() ({
      %run_scoped3A = tpu.sem_alloc : memref<!tpu.dma_semaphore, #tpu.memory_space<semaphore_mem>>
      %dma_start3A = arith.constant 0 : i32
      %dma_start3A_181 = tpu.memref_slice %arg11[%arg0, %add3A_132, %dma_start3A] : memref<2x10240x128xf32, #tpu.memory_space<hbm>> -> memref<1x128x128xf32, #tpu.memory_space<hbm>>
      %dma_start3A_182 = tpu.memref_squeeze %dma_start3A_181 : memref<1x128x128xf32, #tpu.memory_space<hbm>> -> memref<128x128xf32, #tpu.memory_space<hbm>>
      %dma_start3A_183 = arith.constant 0 : i32
      %dma_start3A_184 = tpu.memref_slice %arg24[%add3A_130, %dma_start3A_183] : memref<10240x128xf32, #tpu.memory_space<vmem_shared>> -> memref<128x128xf32, #tpu.memory_space<vmem_shared>>
      tpu.enqueue_dma source(%dma_start3A_184 : memref<128x128xf32, #tpu.memory_space<vmem_shared>>) target(%dma_start3A_182 : memref<128x128xf32, #tpu.memory_space<hbm>>) target_semaphore(%run_scoped3A : memref<!tpu.dma_semaphore, #tpu.memory_space<semaphore_mem>>)
      %dma_wait3A = arith.constant 0 : i32
      %dma_wait3A_185 = tpu.memref_slice %arg11[%arg0, %add3A_132, %dma_wait3A] : memref<2x10240x128xf32, #tpu.memory_space<hbm>> -> memref<1x128x128xf32, #tpu.memory_space<hbm>>
      %dma_wait3A_186 = tpu.memref_squeeze %dma_wait3A_185 : memref<1x128x128xf32, #tpu.memory_space<hbm>> -> memref<128x128xf32, #tpu.memory_space<hbm>>
      %dma_wait3A_187 = arith.constant 0 : i32
      %dma_wait3A_188 = tpu.memref_slice %arg24[%add3A_130, %dma_wait3A_187] : memref<10240x128xf32, #tpu.memory_space<vmem_shared>> -> memref<128x128xf32, #tpu.memory_space<vmem_shared>>
      tpu.wait_dma2 semaphore(%run_scoped3A : memref<!tpu.dma_semaphore, #tpu.memory_space<semaphore_mem>>) src(%dma_wait3A_188 : memref<128x128xf32, #tpu.memory_space<vmem_shared>>) dst(%dma_wait3A_186 : memref<128x128xf32, #tpu.memory_space<hbm>>)
      tpu.yield
    }) : () -> ()
    %broadcast_in_dim3A_133 = arith.constant 0.000000e+00 : f32
    %broadcast_in_dim3A_134 = vector.broadcast %broadcast_in_dim3A_133 : f32 to vector<16xf32>
    %scan3A_135 = arith.constant 0 : i32
    %scan3A_136 = arith.constant 0 : i32
    %scan3A_137 = arith.constant 128 : i32
    %scan3A_138 = arith.addi %scan3A_136, %scan3A_137 : i32
    %scan3A_139 = arith.constant 1 : i32
    %scan3A_140 = scf.for %scan3A_181 = %scan3A_136 to %scan3A_138 step %scan3A_139 iter_args(%scan3A_182 = %scan3A_135) -> (i32)  : i32 {
      %swap3A = arith.index_cast %scan3A_181 : i32 to index
      %swap3A_183 = arith.constant 0 : index
      %swap3A_184 = tpu.vector_load %arg21[%swap3A, %swap3A_183] {strides = array<i32>} : memref<128x128xf32, #tpu.memory_space<vmem>>, vector<16xf32>,
      tpu.vector_store %arg21[%swap3A, %swap3A_183], %broadcast_in_dim3A_134 {strides = array<i32>} : memref<128x128xf32, #tpu.memory_space<vmem>>, vector<16xf32>,
      %swap3A_185 = arith.index_cast %scan3A_181 : i32 to index
      %swap3A_186 = arith.constant 16 : index
      %swap3A_187 = tpu.vector_load %arg21[%swap3A_185, %swap3A_186] {strides = array<i32>} : memref<128x128xf32, #tpu.memory_space<vmem>>, vector<16xf32>,
      tpu.vector_store %arg21[%swap3A_185, %swap3A_186], %broadcast_in_dim3A_134 {strides = array<i32>} : memref<128x128xf32, #tpu.memory_space<vmem>>, vector<16xf32>,
      %swap3A_188 = arith.index_cast %scan3A_181 : i32 to index
      %swap3A_189 = arith.constant 32 : index
      %swap3A_190 = tpu.vector_load %arg21[%swap3A_188, %swap3A_189] {strides = array<i32>} : memref<128x128xf32, #tpu.memory_space<vmem>>, vector<16xf32>,
      tpu.vector_store %arg21[%swap3A_188, %swap3A_189], %broadcast_in_dim3A_134 {strides = array<i32>} : memref<128x128xf32, #tpu.memory_space<vmem>>, vector<16xf32>,
      %swap3A_191 = arith.index_cast %scan3A_181 : i32 to index
      %swap3A_192 = arith.constant 48 : index
      %swap3A_193 = tpu.vector_load %arg21[%swap3A_191, %swap3A_192] {strides = array<i32>} : memref<128x128xf32, #tpu.memory_space<vmem>>, vector<16xf32>,
      tpu.vector_store %arg21[%swap3A_191, %swap3A_192], %broadcast_in_dim3A_134 {strides = array<i32>} : memref<128x128xf32, #tpu.memory_space<vmem>>, vector<16xf32>,
      %swap3A_194 = arith.index_cast %scan3A_181 : i32 to index
      %swap3A_195 = arith.constant 64 : index
      %swap3A_196 = tpu.vector_load %arg21[%swap3A_194, %swap3A_195] {strides = array<i32>} : memref<128x128xf32, #tpu.memory_space<vmem>>, vector<16xf32>,
      tpu.vector_store %arg21[%swap3A_194, %swap3A_195], %broadcast_in_dim3A_134 {strides = array<i32>} : memref<128x128xf32, #tpu.memory_space<vmem>>, vector<16xf32>,
      %swap3A_197 = arith.index_cast %scan3A_181 : i32 to index
      %swap3A_198 = arith.constant 80 : index
      %swap3A_199 = tpu.vector_load %arg21[%swap3A_197, %swap3A_198] {strides = array<i32>} : memref<128x128xf32, #tpu.memory_space<vmem>>, vector<16xf32>,
      tpu.vector_store %arg21[%swap3A_197, %swap3A_198], %broadcast_in_dim3A_134 {strides = array<i32>} : memref<128x128xf32, #tpu.memory_space<vmem>>, vector<16xf32>,
      %swap3A_200 = arith.index_cast %scan3A_181 : i32 to index
      %swap3A_201 = arith.constant 96 : index
      %swap3A_202 = tpu.vector_load %arg21[%swap3A_200, %swap3A_201] {strides = array<i32>} : memref<128x128xf32, #tpu.memory_space<vmem>>, vector<16xf32>,
      tpu.vector_store %arg21[%swap3A_200, %swap3A_201], %broadcast_in_dim3A_134 {strides = array<i32>} : memref<128x128xf32, #tpu.memory_space<vmem>>, vector<16xf32>,
      %swap3A_203 = arith.index_cast %scan3A_181 : i32 to index
      %swap3A_204 = arith.constant 112 : index
      %swap3A_205 = tpu.vector_load %arg21[%swap3A_203, %swap3A_204] {strides = array<i32>} : memref<128x128xf32, #tpu.memory_space<vmem>>, vector<16xf32>,
      tpu.vector_store %arg21[%swap3A_203, %swap3A_204], %broadcast_in_dim3A_134 {strides = array<i32>} : memref<128x128xf32, #tpu.memory_space<vmem>>, vector<16xf32>,
      %scan3A_206 = arith.constant 0 : i32
      scf.yield %scan3A_206 : i32
    }
    %scan3A_141 = arith.constant 128 : i32
    %add3A_142 = arith.constant 0 : i32
    %add3A_143 = arith.addi %mul3A_2, %add3A_142 : i32
    "tpu.region"() ({
      %run_scoped3A = tpu.sem_alloc : memref<!tpu.dma_semaphore, #tpu.memory_space<semaphore_mem>>
      %dma_start3A = arith.constant 0 : i32
      %dma_start3A_181 = arith.constant 0 : i32
      %dma_start3A_182 = tpu.memref_slice %arg21[%dma_start3A, %dma_start3A_181] : memref<128x128xf32, #tpu.memory_space<vmem>> -> memref<128x128xf32, #tpu.memory_space<vmem>>
      %dma_start3A_183 = arith.constant 0 : i32
      %dma_start3A_184 = tpu.memref_slice %arg24[%add3A_143, %dma_start3A_183] : memref<10240x128xf32, #tpu.memory_space<vmem_shared>> -> memref<128x128xf32, #tpu.memory_space<vmem_shared>>
      %dma_start3A_185 = arith.constant 0 : i32
      %dma_start3A_186 = tpu.memref_slice %arg24[%add3A_143, %dma_start3A_185] : memref<10240x128xf32, #tpu.memory_space<vmem_shared>> -> memref<128x128xf32, #tpu.memory_space<vmem_shared>>
      %dma_start3A_187 = arith.constant 0 : i32
      %dma_start3A_188 = arith.constant 0 : i32
      %dma_start3A_189 = tpu.memref_slice %arg21[%dma_start3A_187, %dma_start3A_188] : memref<128x128xf32, #tpu.memory_space<vmem>> -> memref<128x128xf32, #tpu.memory_space<vmem>>
      tpu.enqueue_dma source(%dma_start3A_189 : memref<128x128xf32, #tpu.memory_space<vmem>>) target(%dma_start3A_186 : memref<128x128xf32, #tpu.memory_space<vmem_shared>>) target_semaphore(%run_scoped3A : memref<!tpu.dma_semaphore, #tpu.memory_space<semaphore_mem>>)
      %dma_wait3A = arith.constant 0 : i32
      %dma_wait3A_190 = arith.constant 0 : i32
      %dma_wait3A_191 = tpu.memref_slice %arg21[%dma_wait3A, %dma_wait3A_190] : memref<128x128xf32, #tpu.memory_space<vmem>> -> memref<128x128xf32, #tpu.memory_space<vmem>>
      %dma_wait3A_192 = arith.constant 0 : i32
      %dma_wait3A_193 = tpu.memref_slice %arg24[%add3A_143, %dma_wait3A_192] : memref<10240x128xf32, #tpu.memory_space<vmem_shared>> -> memref<128x128xf32, #tpu.memory_space<vmem_shared>>
      %dma_wait3A_194 = arith.constant 0 : i32
      %dma_wait3A_195 = tpu.memref_slice %arg24[%add3A_143, %dma_wait3A_194] : memref<10240x128xf32, #tpu.memory_space<vmem_shared>> -> memref<128x128xf32, #tpu.memory_space<vmem_shared>>
      %dma_wait3A_196 = arith.constant 0 : i32
      %dma_wait3A_197 = arith.constant 0 : i32
      %dma_wait3A_198 = tpu.memref_slice %arg21[%dma_wait3A_196, %dma_wait3A_197] : memref<128x128xf32, #tpu.memory_space<vmem>> -> memref<128x128xf32, #tpu.memory_space<vmem>>
      tpu.wait_dma2 semaphore(%run_scoped3A : memref<!tpu.dma_semaphore, #tpu.memory_space<semaphore_mem>>) src(%dma_wait3A_198 : memref<128x128xf32, #tpu.memory_space<vmem>>) dst(%dma_wait3A_195 : memref<128x128xf32, #tpu.memory_space<vmem_shared>>)
      tpu.yield
    }) : () -> ()
    %add3A_144 = arith.constant 128 : i32
    %add3A_145 = arith.addi %mul3A_2, %add3A_144 : i32
    "tpu.region"() ({
      %run_scoped3A = tpu.sem_alloc : memref<!tpu.dma_semaphore, #tpu.memory_space<semaphore_mem>>
      %dma_start3A = arith.constant 0 : i32
      %dma_start3A_181 = arith.constant 0 : i32
      %dma_start3A_182 = tpu.memref_slice %arg21[%dma_start3A, %dma_start3A_181] : memref<128x128xf32, #tpu.memory_space<vmem>> -> memref<128x128xf32, #tpu.memory_space<vmem>>
      %dma_start3A_183 = arith.constant 0 : i32
      %dma_start3A_184 = tpu.memref_slice %arg24[%add3A_145, %dma_start3A_183] : memref<10240x128xf32, #tpu.memory_space<vmem_shared>> -> memref<128x128xf32, #tpu.memory_space<vmem_shared>>
      %dma_start3A_185 = arith.constant 0 : i32
      %dma_start3A_186 = tpu.memref_slice %arg24[%add3A_145, %dma_start3A_185] : memref<10240x128xf32, #tpu.memory_space<vmem_shared>> -> memref<128x128xf32, #tpu.memory_space<vmem_shared>>
      %dma_start3A_187 = arith.constant 0 : i32
      %dma_start3A_188 = arith.constant 0 : i32
      %dma_start3A_189 = tpu.memref_slice %arg21[%dma_start3A_187, %dma_start3A_188] : memref<128x128xf32, #tpu.memory_space<vmem>> -> memref<128x128xf32, #tpu.memory_space<vmem>>
      tpu.enqueue_dma source(%dma_start3A_189 : memref<128x128xf32, #tpu.memory_space<vmem>>) target(%dma_start3A_186 : memref<128x128xf32, #tpu.memory_space<vmem_shared>>) target_semaphore(%run_scoped3A : memref<!tpu.dma_semaphore, #tpu.memory_space<semaphore_mem>>)
      %dma_wait3A = arith.constant 0 : i32
      %dma_wait3A_190 = arith.constant 0 : i32
      %dma_wait3A_191 = tpu.memref_slice %arg21[%dma_wait3A, %dma_wait3A_190] : memref<128x128xf32, #tpu.memory_space<vmem>> -> memref<128x128xf32, #tpu.memory_space<vmem>>
      %dma_wait3A_192 = arith.constant 0 : i32
      %dma_wait3A_193 = tpu.memref_slice %arg24[%add3A_145, %dma_wait3A_192] : memref<10240x128xf32, #tpu.memory_space<vmem_shared>> -> memref<128x128xf32, #tpu.memory_space<vmem_shared>>
      %dma_wait3A_194 = arith.constant 0 : i32
      %dma_wait3A_195 = tpu.memref_slice %arg24[%add3A_145, %dma_wait3A_194] : memref<10240x128xf32, #tpu.memory_space<vmem_shared>> -> memref<128x128xf32, #tpu.memory_space<vmem_shared>>
      %dma_wait3A_196 = arith.constant 0 : i32
      %dma_wait3A_197 = arith.constant 0 : i32
      %dma_wait3A_198 = tpu.memref_slice %arg21[%dma_wait3A_196, %dma_wait3A_197] : memref<128x128xf32, #tpu.memory_space<vmem>> -> memref<128x128xf32, #tpu.memory_space<vmem>>
      tpu.wait_dma2 semaphore(%run_scoped3A : memref<!tpu.dma_semaphore, #tpu.memory_space<semaphore_mem>>) src(%dma_wait3A_198 : memref<128x128xf32, #tpu.memory_space<vmem>>) dst(%dma_wait3A_195 : memref<128x128xf32, #tpu.memory_space<vmem_shared>>)
      tpu.yield
    }) : () -> ()
    %add3A_146 = arith.constant 256 : i32
    %add3A_147 = arith.addi %mul3A_2, %add3A_146 : i32
    "tpu.region"() ({
      %run_scoped3A = tpu.sem_alloc : memref<!tpu.dma_semaphore, #tpu.memory_space<semaphore_mem>>
      %dma_start3A = arith.constant 0 : i32
      %dma_start3A_181 = arith.constant 0 : i32
      %dma_start3A_182 = tpu.memref_slice %arg21[%dma_start3A, %dma_start3A_181] : memref<128x128xf32, #tpu.memory_space<vmem>> -> memref<128x128xf32, #tpu.memory_space<vmem>>
      %dma_start3A_183 = arith.constant 0 : i32
      %dma_start3A_184 = tpu.memref_slice %arg24[%add3A_147, %dma_start3A_183] : memref<10240x128xf32, #tpu.memory_space<vmem_shared>> -> memref<128x128xf32, #tpu.memory_space<vmem_shared>>
      %dma_start3A_185 = arith.constant 0 : i32
      %dma_start3A_186 = tpu.memref_slice %arg24[%add3A_147, %dma_start3A_185] : memref<10240x128xf32, #tpu.memory_space<vmem_shared>> -> memref<128x128xf32, #tpu.memory_space<vmem_shared>>
      %dma_start3A_187 = arith.constant 0 : i32
      %dma_start3A_188 = arith.constant 0 : i32
      %dma_start3A_189 = tpu.memref_slice %arg21[%dma_start3A_187, %dma_start3A_188] : memref<128x128xf32, #tpu.memory_space<vmem>> -> memref<128x128xf32, #tpu.memory_space<vmem>>
      tpu.enqueue_dma source(%dma_start3A_189 : memref<128x128xf32, #tpu.memory_space<vmem>>) target(%dma_start3A_186 : memref<128x128xf32, #tpu.memory_space<vmem_shared>>) target_semaphore(%run_scoped3A : memref<!tpu.dma_semaphore, #tpu.memory_space<semaphore_mem>>)
      %dma_wait3A = arith.constant 0 : i32
      %dma_wait3A_190 = arith.constant 0 : i32
      %dma_wait3A_191 = tpu.memref_slice %arg21[%dma_wait3A, %dma_wait3A_190] : memref<128x128xf32, #tpu.memory_space<vmem>> -> memref<128x128xf32, #tpu.memory_space<vmem>>
      %dma_wait3A_192 = arith.constant 0 : i32
      %dma_wait3A_193 = tpu.memref_slice %arg24[%add3A_147, %dma_wait3A_192] : memref<10240x128xf32, #tpu.memory_space<vmem_shared>> -> memref<128x128xf32, #tpu.memory_space<vmem_shared>>
      %dma_wait3A_194 = arith.constant 0 : i32
      %dma_wait3A_195 = tpu.memref_slice %arg24[%add3A_147, %dma_wait3A_194] : memref<10240x128xf32, #tpu.memory_space<vmem_shared>> -> memref<128x128xf32, #tpu.memory_space<vmem_shared>>
      %dma_wait3A_196 = arith.constant 0 : i32
      %dma_wait3A_197 = arith.constant 0 : i32
      %dma_wait3A_198 = tpu.memref_slice %arg21[%dma_wait3A_196, %dma_wait3A_197] : memref<128x128xf32, #tpu.memory_space<vmem>> -> memref<128x128xf32, #tpu.memory_space<vmem>>
      tpu.wait_dma2 semaphore(%run_scoped3A : memref<!tpu.dma_semaphore, #tpu.memory_space<semaphore_mem>>) src(%dma_wait3A_198 : memref<128x128xf32, #tpu.memory_space<vmem>>) dst(%dma_wait3A_195 : memref<128x128xf32, #tpu.memory_space<vmem_shared>>)
      tpu.yield
    }) : () -> ()
    %add3A_148 = arith.constant 384 : i32
    %add3A_149 = arith.addi %mul3A_2, %add3A_148 : i32
    "tpu.region"() ({
      %run_scoped3A = tpu.sem_alloc : memref<!tpu.dma_semaphore, #tpu.memory_space<semaphore_mem>>
      %dma_start3A = arith.constant 0 : i32
      %dma_start3A_181 = arith.constant 0 : i32
      %dma_start3A_182 = tpu.memref_slice %arg21[%dma_start3A, %dma_start3A_181] : memref<128x128xf32, #tpu.memory_space<vmem>> -> memref<128x128xf32, #tpu.memory_space<vmem>>
      %dma_start3A_183 = arith.constant 0 : i32
      %dma_start3A_184 = tpu.memref_slice %arg24[%add3A_149, %dma_start3A_183] : memref<10240x128xf32, #tpu.memory_space<vmem_shared>> -> memref<128x128xf32, #tpu.memory_space<vmem_shared>>
      %dma_start3A_185 = arith.constant 0 : i32
      %dma_start3A_186 = tpu.memref_slice %arg24[%add3A_149, %dma_start3A_185] : memref<10240x128xf32, #tpu.memory_space<vmem_shared>> -> memref<128x128xf32, #tpu.memory_space<vmem_shared>>
      %dma_start3A_187 = arith.constant 0 : i32
      %dma_start3A_188 = arith.constant 0 : i32
      %dma_start3A_189 = tpu.memref_slice %arg21[%dma_start3A_187, %dma_start3A_188] : memref<128x128xf32, #tpu.memory_space<vmem>> -> memref<128x128xf32, #tpu.memory_space<vmem>>
      tpu.enqueue_dma source(%dma_start3A_189 : memref<128x128xf32, #tpu.memory_space<vmem>>) target(%dma_start3A_186 : memref<128x128xf32, #tpu.memory_space<vmem_shared>>) target_semaphore(%run_scoped3A : memref<!tpu.dma_semaphore, #tpu.memory_space<semaphore_mem>>)
      %dma_wait3A = arith.constant 0 : i32
      %dma_wait3A_190 = arith.constant 0 : i32
      %dma_wait3A_191 = tpu.memref_slice %arg21[%dma_wait3A, %dma_wait3A_190] : memref<128x128xf32, #tpu.memory_space<vmem>> -> memref<128x128xf32, #tpu.memory_space<vmem>>
      %dma_wait3A_192 = arith.constant 0 : i32
      %dma_wait3A_193 = tpu.memref_slice %arg24[%add3A_149, %dma_wait3A_192] : memref<10240x128xf32, #tpu.memory_space<vmem_shared>> -> memref<128x128xf32, #tpu.memory_space<vmem_shared>>
      %dma_wait3A_194 = arith.constant 0 : i32
      %dma_wait3A_195 = tpu.memref_slice %arg24[%add3A_149, %dma_wait3A_194] : memref<10240x128xf32, #tpu.memory_space<vmem_shared>> -> memref<128x128xf32, #tpu.memory_space<vmem_shared>>
      %dma_wait3A_196 = arith.constant 0 : i32
      %dma_wait3A_197 = arith.constant 0 : i32
      %dma_wait3A_198 = tpu.memref_slice %arg21[%dma_wait3A_196, %dma_wait3A_197] : memref<128x128xf32, #tpu.memory_space<vmem>> -> memref<128x128xf32, #tpu.memory_space<vmem>>
      tpu.wait_dma2 semaphore(%run_scoped3A : memref<!tpu.dma_semaphore, #tpu.memory_space<semaphore_mem>>) src(%dma_wait3A_198 : memref<128x128xf32, #tpu.memory_space<vmem>>) dst(%dma_wait3A_195 : memref<128x128xf32, #tpu.memory_space<vmem_shared>>)
      tpu.yield
    }) : () -> ()
    %add3A_150 = arith.constant 512 : i32
    %add3A_151 = arith.addi %mul3A_2, %add3A_150 : i32
    "tpu.region"() ({
      %run_scoped3A = tpu.sem_alloc : memref<!tpu.dma_semaphore, #tpu.memory_space<semaphore_mem>>
      %dma_start3A = arith.constant 0 : i32
      %dma_start3A_181 = arith.constant 0 : i32
      %dma_start3A_182 = tpu.memref_slice %arg21[%dma_start3A, %dma_start3A_181] : memref<128x128xf32, #tpu.memory_space<vmem>> -> memref<128x128xf32, #tpu.memory_space<vmem>>
      %dma_start3A_183 = arith.constant 0 : i32
      %dma_start3A_184 = tpu.memref_slice %arg24[%add3A_151, %dma_start3A_183] : memref<10240x128xf32, #tpu.memory_space<vmem_shared>> -> memref<128x128xf32, #tpu.memory_space<vmem_shared>>
      %dma_start3A_185 = arith.constant 0 : i32
      %dma_start3A_186 = tpu.memref_slice %arg24[%add3A_151, %dma_start3A_185] : memref<10240x128xf32, #tpu.memory_space<vmem_shared>> -> memref<128x128xf32, #tpu.memory_space<vmem_shared>>
      %dma_start3A_187 = arith.constant 0 : i32
      %dma_start3A_188 = arith.constant 0 : i32
      %dma_start3A_189 = tpu.memref_slice %arg21[%dma_start3A_187, %dma_start3A_188] : memref<128x128xf32, #tpu.memory_space<vmem>> -> memref<128x128xf32, #tpu.memory_space<vmem>>
      tpu.enqueue_dma source(%dma_start3A_189 : memref<128x128xf32, #tpu.memory_space<vmem>>) target(%dma_start3A_186 : memref<128x128xf32, #tpu.memory_space<vmem_shared>>) target_semaphore(%run_scoped3A : memref<!tpu.dma_semaphore, #tpu.memory_space<semaphore_mem>>)
      %dma_wait3A = arith.constant 0 : i32
      %dma_wait3A_190 = arith.constant 0 : i32
      %dma_wait3A_191 = tpu.memref_slice %arg21[%dma_wait3A, %dma_wait3A_190] : memref<128x128xf32, #tpu.memory_space<vmem>> -> memref<128x128xf32, #tpu.memory_space<vmem>>
      %dma_wait3A_192 = arith.constant 0 : i32
      %dma_wait3A_193 = tpu.memref_slice %arg24[%add3A_151, %dma_wait3A_192] : memref<10240x128xf32, #tpu.memory_space<vmem_shared>> -> memref<128x128xf32, #tpu.memory_space<vmem_shared>>
      %dma_wait3A_194 = arith.constant 0 : i32
      %dma_wait3A_195 = tpu.memref_slice %arg24[%add3A_151, %dma_wait3A_194] : memref<10240x128xf32, #tpu.memory_space<vmem_shared>> -> memref<128x128xf32, #tpu.memory_space<vmem_shared>>
      %dma_wait3A_196 = arith.constant 0 : i32
      %dma_wait3A_197 = arith.constant 0 : i32
      %dma_wait3A_198 = tpu.memref_slice %arg21[%dma_wait3A_196, %dma_wait3A_197] : memref<128x128xf32, #tpu.memory_space<vmem>> -> memref<128x128xf32, #tpu.memory_space<vmem>>
      tpu.wait_dma2 semaphore(%run_scoped3A : memref<!tpu.dma_semaphore, #tpu.memory_space<semaphore_mem>>) src(%dma_wait3A_198 : memref<128x128xf32, #tpu.memory_space<vmem>>) dst(%dma_wait3A_195 : memref<128x128xf32, #tpu.memory_space<vmem_shared>>)
      tpu.yield
    }) : () -> ()
    %barrier3A_152 = arith.constant 0 : index
    tpu.barrier barrier_id(%barrier3A_152)
    %scan3A_153 = arith.constant 0 : i32
    %scan3A_154 = arith.constant 0 : i32
    %scan3A_155 = arith.constant 40 : i32
    %scan3A_156 = arith.addi %scan3A_154, %scan3A_155 : i32
    %scan3A_157 = arith.constant 1 : i32
    %scan3A_158 = scf.for %scan3A_181 = %scan3A_154 to %scan3A_156 step %scan3A_157 iter_args(%scan3A_182 = %scan3A_153) -> (i32)  : i32 {
      %mul3A_183 = arith.constant 32 : i32
      %mul3A_184 = arith.muli %scan3A_181, %mul3A_183 : i32
      %add3A_185 = arith.addi %add3A, %mul3A_184 : i32
      %lt3A = arith.constant 1250 : i32
      %lt3A_186 = arith.cmpi slt, %add3A_185, %lt3A : i32
      %convert_element_type3A = arith.extui %lt3A_186 : i1 to i32
      %cond3A = arith.constant 0 : i32
      %cond3A_187 = arith.cmpi ne, %convert_element_type3A, %cond3A : i32
      scf.if %cond3A_187 {
        %mul3A_189 = arith.constant 128 : i32
        %mul3A_190 = arith.muli %add3A_185, %mul3A_189 : i32
        "tpu.region"() ({
          %run_scoped3A = tpu.sem_alloc : memref<!tpu.dma_semaphore, #tpu.memory_space<semaphore_mem>>
          %dma_start3A = tpu.memref_slice %arg8[%mul3A_190] : memref<160000xi32, #tpu.memory_space<hbm>> -> memref<128xi32, #tpu.memory_space<hbm>>
          %dma_start3A_198 = tpu.memref_slice %arg8[%mul3A_190] : memref<160000xi32, #tpu.memory_space<hbm>> -> memref<128xi32, #tpu.memory_space<hbm>>
          tpu.enqueue_dma source(%dma_start3A_198 : memref<128xi32, #tpu.memory_space<hbm>>) target(%arg14 : memref<128xi32, #tpu.memory_space<vmem>>) target_semaphore(%run_scoped3A : memref<!tpu.dma_semaphore, #tpu.memory_space<semaphore_mem>>)
          %dma_wait3A = tpu.memref_slice %arg8[%mul3A_190] : memref<160000xi32, #tpu.memory_space<hbm>> -> memref<128xi32, #tpu.memory_space<hbm>>
          %dma_wait3A_199 = tpu.memref_slice %arg8[%mul3A_190] : memref<160000xi32, #tpu.memory_space<hbm>> -> memref<128xi32, #tpu.memory_space<hbm>>
          tpu.wait_dma2 semaphore(%run_scoped3A : memref<!tpu.dma_semaphore, #tpu.memory_space<semaphore_mem>>) src(%dma_wait3A_199 : memref<128xi32, #tpu.memory_space<hbm>>) dst(%arg14 : memref<128xi32, #tpu.memory_space<vmem>>)
          tpu.yield
        }) : () -> ()
        "tpu.region"() ({
          %run_scoped3A = tpu.sem_alloc : memref<!tpu.dma_semaphore, #tpu.memory_space<semaphore_mem>>
          %dma_start3A = tpu.memref_slice %arg9[%mul3A_190] : memref<160000xi32, #tpu.memory_space<hbm>> -> memref<128xi32, #tpu.memory_space<hbm>>
          %dma_start3A_198 = tpu.memref_slice %arg9[%mul3A_190] : memref<160000xi32, #tpu.memory_space<hbm>> -> memref<128xi32, #tpu.memory_space<hbm>>
          tpu.enqueue_dma source(%dma_start3A_198 : memref<128xi32, #tpu.memory_space<hbm>>) target(%arg15 : memref<128xi32, #tpu.memory_space<vmem>>) target_semaphore(%run_scoped3A : memref<!tpu.dma_semaphore, #tpu.memory_space<semaphore_mem>>)
          %dma_wait3A = tpu.memref_slice %arg9[%mul3A_190] : memref<160000xi32, #tpu.memory_space<hbm>> -> memref<128xi32, #tpu.memory_space<hbm>>
          %dma_wait3A_199 = tpu.memref_slice %arg9[%mul3A_190] : memref<160000xi32, #tpu.memory_space<hbm>> -> memref<128xi32, #tpu.memory_space<hbm>>
          tpu.wait_dma2 semaphore(%run_scoped3A : memref<!tpu.dma_semaphore, #tpu.memory_space<semaphore_mem>>) src(%dma_wait3A_199 : memref<128xi32, #tpu.memory_space<hbm>>) dst(%arg15 : memref<128xi32, #tpu.memory_space<vmem>>)
          tpu.yield
        }) : () -> ()
        "tpu.region"() ({
          %run_scoped3A = tpu.sem_alloc : memref<!tpu.dma_semaphore, #tpu.memory_space<semaphore_mem>>
          %dma_start3A = arith.constant 0 : i32
          %dma_start3A_198 = tpu.memref_slice %arg7[%mul3A_190, %dma_start3A] : memref<160000x128xf32, #tpu.memory_space<hbm>> -> memref<128x128xf32, #tpu.memory_space<hbm>>
          %dma_start3A_199 = arith.constant 0 : i32
          %dma_start3A_200 = tpu.memref_slice %arg7[%mul3A_190, %dma_start3A_199] : memref<160000x128xf32, #tpu.memory_space<hbm>> -> memref<128x128xf32, #tpu.memory_space<hbm>>
          tpu.enqueue_dma source(%dma_start3A_200 : memref<128x128xf32, #tpu.memory_space<hbm>>) target(%arg22 : memref<128x128xf32, #tpu.memory_space<vmem>>) target_semaphore(%run_scoped3A : memref<!tpu.dma_semaphore, #tpu.memory_space<semaphore_mem>>)
          %dma_wait3A = arith.constant 0 : i32
          %dma_wait3A_201 = tpu.memref_slice %arg7[%mul3A_190, %dma_wait3A] : memref<160000x128xf32, #tpu.memory_space<hbm>> -> memref<128x128xf32, #tpu.memory_space<hbm>>
          %dma_wait3A_202 = arith.constant 0 : i32
          %dma_wait3A_203 = tpu.memref_slice %arg7[%mul3A_190, %dma_wait3A_202] : memref<160000x128xf32, #tpu.memory_space<hbm>> -> memref<128x128xf32, #tpu.memory_space<hbm>>
          tpu.wait_dma2 semaphore(%run_scoped3A : memref<!tpu.dma_semaphore, #tpu.memory_space<semaphore_mem>>) src(%dma_wait3A_203 : memref<128x128xf32, #tpu.memory_space<hbm>>) dst(%arg22 : memref<128x128xf32, #tpu.memory_space<vmem>>)
          tpu.yield
        }) : () -> ()
        "tpu.region"() ({
          %run_scoped3A = tpu.sem_alloc : memref<!tpu.dma_semaphore, #tpu.memory_space<semaphore_mem>>
          %dma_start3A = arith.constant 0 : i32
          %dma_start3A_198 = arith.constant 0 : i32
          %dma_start3A_199 = tpu.memref_slice %arg4[%dma_start3A, %dma_start3A_198] : memref<10000x128xf32, #tpu.memory_space<hbm>> -> memref<10000x128xf32, #tpu.memory_space<hbm>>
          tpu.enqueue_indirect_dma source(%dma_start3A_199 : memref<10000x128xf32, #tpu.memory_space<hbm>>) target(%arg21 : memref<128x128xf32, #tpu.memory_space<vmem>>) offsets(%arg14 : memref<128xi32, #tpu.memory_space<vmem>>) semaphore(%run_scoped3A : memref<!tpu.dma_semaphore, #tpu.memory_space<semaphore_mem>>)
          %dma_wait3A = arith.constant 0 : i32
          %dma_wait3A_200 = arith.constant 0 : i32
          %dma_wait3A_201 = tpu.memref_slice %arg4[%dma_wait3A, %dma_wait3A_200] : memref<10000x128xf32, #tpu.memory_space<hbm>> -> memref<10000x128xf32, #tpu.memory_space<hbm>>
          tpu.wait_indirect_dma semaphore(%run_scoped3A : memref<!tpu.dma_semaphore, #tpu.memory_space<semaphore_mem>>) src(%dma_wait3A_201 : memref<10000x128xf32, #tpu.memory_space<hbm>>) dst(%arg21 : memref<128x128xf32, #tpu.memory_space<vmem>>)
          tpu.yield
        }) : () -> ()
        %scan3A_191 = arith.constant 0 : i32
        %scan3A_192 = arith.constant 0 : i32
        %scan3A_193 = arith.constant 128 : i32
        %scan3A_194 = arith.addi %scan3A_192, %scan3A_193 : i32
        %scan3A_195 = arith.constant 1 : i32
        %scan3A_196 = scf.for %scan3A_198 = %scan3A_192 to %scan3A_194 step %scan3A_195 iter_args(%scan3A_199 = %scan3A_191) -> (i32)  : i32 {
          %get3A = arith.index_cast %scan3A_198 : i32 to index
          %get3A_200 = arith.constant 0 : index
          %get3A_201 = tpu.vector_load %arg21[%get3A, %get3A_200] {strides = array<i32>} : memref<128x128xf32, #tpu.memory_space<vmem>>, vector<16xf32>,
          %get3A_202 = arith.index_cast %scan3A_198 : i32 to index
          %get3A_203 = arith.constant 0 : index
          %get3A_204 = tpu.vector_load %arg22[%get3A_202, %get3A_203] {strides = array<i32>} : memref<128x128xf32, #tpu.memory_space<vmem>>, vector<16xf32>,
          %add3A_205 = arith.addf %get3A_201, %get3A_204 : vector<16xf32>
          %max3A = arith.constant 0.000000e+00 : f32
          %max3A_206 = vector.broadcast %max3A : f32 to vector<16xf32>
          %max3A_207 = arith.maximumf %add3A_205, %max3A_206 : vector<16xf32>
          %swap3A = arith.index_cast %scan3A_198 : i32 to index
          %swap3A_208 = arith.constant 0 : index
          %swap3A_209 = tpu.vector_load %arg21[%swap3A, %swap3A_208] {strides = array<i32>} : memref<128x128xf32, #tpu.memory_space<vmem>>, vector<16xf32>,
          tpu.vector_store %arg21[%swap3A, %swap3A_208], %max3A_207 {strides = array<i32>} : memref<128x128xf32, #tpu.memory_space<vmem>>, vector<16xf32>,
          %get3A_210 = arith.index_cast %scan3A_198 : i32 to index
          %get3A_211 = arith.constant 16 : index
          %get3A_212 = tpu.vector_load %arg21[%get3A_210, %get3A_211] {strides = array<i32>} : memref<128x128xf32, #tpu.memory_space<vmem>>, vector<16xf32>,
          %get3A_213 = arith.index_cast %scan3A_198 : i32 to index
          %get3A_214 = arith.constant 16 : index
          %get3A_215 = tpu.vector_load %arg22[%get3A_213, %get3A_214] {strides = array<i32>} : memref<128x128xf32, #tpu.memory_space<vmem>>, vector<16xf32>,
          %add3A_216 = arith.addf %get3A_212, %get3A_215 : vector<16xf32>
          %max3A_217 = arith.constant 0.000000e+00 : f32
          %max3A_218 = vector.broadcast %max3A_217 : f32 to vector<16xf32>
          %max3A_219 = arith.maximumf %add3A_216, %max3A_218 : vector<16xf32>
          %swap3A_220 = arith.index_cast %scan3A_198 : i32 to index
          %swap3A_221 = arith.constant 16 : index
          %swap3A_222 = tpu.vector_load %arg21[%swap3A_220, %swap3A_221] {strides = array<i32>} : memref<128x128xf32, #tpu.memory_space<vmem>>, vector<16xf32>,
          tpu.vector_store %arg21[%swap3A_220, %swap3A_221], %max3A_219 {strides = array<i32>} : memref<128x128xf32, #tpu.memory_space<vmem>>, vector<16xf32>,
          %get3A_223 = arith.index_cast %scan3A_198 : i32 to index
          %get3A_224 = arith.constant 32 : index
          %get3A_225 = tpu.vector_load %arg21[%get3A_223, %get3A_224] {strides = array<i32>} : memref<128x128xf32, #tpu.memory_space<vmem>>, vector<16xf32>,
          %get3A_226 = arith.index_cast %scan3A_198 : i32 to index
          %get3A_227 = arith.constant 32 : index
          %get3A_228 = tpu.vector_load %arg22[%get3A_226, %get3A_227] {strides = array<i32>} : memref<128x128xf32, #tpu.memory_space<vmem>>, vector<16xf32>,
          %add3A_229 = arith.addf %get3A_225, %get3A_228 : vector<16xf32>
          %max3A_230 = arith.constant 0.000000e+00 : f32
          %max3A_231 = vector.broadcast %max3A_230 : f32 to vector<16xf32>
          %max3A_232 = arith.maximumf %add3A_229, %max3A_231 : vector<16xf32>
          %swap3A_233 = arith.index_cast %scan3A_198 : i32 to index
          %swap3A_234 = arith.constant 32 : index
          %swap3A_235 = tpu.vector_load %arg21[%swap3A_233, %swap3A_234] {strides = array<i32>} : memref<128x128xf32, #tpu.memory_space<vmem>>, vector<16xf32>,
          tpu.vector_store %arg21[%swap3A_233, %swap3A_234], %max3A_232 {strides = array<i32>} : memref<128x128xf32, #tpu.memory_space<vmem>>, vector<16xf32>,
          %get3A_236 = arith.index_cast %scan3A_198 : i32 to index
          %get3A_237 = arith.constant 48 : index
          %get3A_238 = tpu.vector_load %arg21[%get3A_236, %get3A_237] {strides = array<i32>} : memref<128x128xf32, #tpu.memory_space<vmem>>, vector<16xf32>,
          %get3A_239 = arith.index_cast %scan3A_198 : i32 to index
          %get3A_240 = arith.constant 48 : index
          %get3A_241 = tpu.vector_load %arg22[%get3A_239, %get3A_240] {strides = array<i32>} : memref<128x128xf32, #tpu.memory_space<vmem>>, vector<16xf32>,
          %add3A_242 = arith.addf %get3A_238, %get3A_241 : vector<16xf32>
          %max3A_243 = arith.constant 0.000000e+00 : f32
          %max3A_244 = vector.broadcast %max3A_243 : f32 to vector<16xf32>
          %max3A_245 = arith.maximumf %add3A_242, %max3A_244 : vector<16xf32>
          %swap3A_246 = arith.index_cast %scan3A_198 : i32 to index
          %swap3A_247 = arith.constant 48 : index
          %swap3A_248 = tpu.vector_load %arg21[%swap3A_246, %swap3A_247] {strides = array<i32>} : memref<128x128xf32, #tpu.memory_space<vmem>>, vector<16xf32>,
          tpu.vector_store %arg21[%swap3A_246, %swap3A_247], %max3A_245 {strides = array<i32>} : memref<128x128xf32, #tpu.memory_space<vmem>>, vector<16xf32>,
          %get3A_249 = arith.index_cast %scan3A_198 : i32 to index
          %get3A_250 = arith.constant 64 : index
          %get3A_251 = tpu.vector_load %arg21[%get3A_249, %get3A_250] {strides = array<i32>} : memref<128x128xf32, #tpu.memory_space<vmem>>, vector<16xf32>,
          %get3A_252 = arith.index_cast %scan3A_198 : i32 to index
          %get3A_253 = arith.constant 64 : index
          %get3A_254 = tpu.vector_load %arg22[%get3A_252, %get3A_253] {strides = array<i32>} : memref<128x128xf32, #tpu.memory_space<vmem>>, vector<16xf32>,
          %add3A_255 = arith.addf %get3A_251, %get3A_254 : vector<16xf32>
          %max3A_256 = arith.constant 0.000000e+00 : f32
          %max3A_257 = vector.broadcast %max3A_256 : f32 to vector<16xf32>
          %max3A_258 = arith.maximumf %add3A_255, %max3A_257 : vector<16xf32>
          %swap3A_259 = arith.index_cast %scan3A_198 : i32 to index
          %swap3A_260 = arith.constant 64 : index
          %swap3A_261 = tpu.vector_load %arg21[%swap3A_259, %swap3A_260] {strides = array<i32>} : memref<128x128xf32, #tpu.memory_space<vmem>>, vector<16xf32>,
          tpu.vector_store %arg21[%swap3A_259, %swap3A_260], %max3A_258 {strides = array<i32>} : memref<128x128xf32, #tpu.memory_space<vmem>>, vector<16xf32>,
          %get3A_262 = arith.index_cast %scan3A_198 : i32 to index
          %get3A_263 = arith.constant 80 : index
          %get3A_264 = tpu.vector_load %arg21[%get3A_262, %get3A_263] {strides = array<i32>} : memref<128x128xf32, #tpu.memory_space<vmem>>, vector<16xf32>,
          %get3A_265 = arith.index_cast %scan3A_198 : i32 to index
          %get3A_266 = arith.constant 80 : index
          %get3A_267 = tpu.vector_load %arg22[%get3A_265, %get3A_266] {strides = array<i32>} : memref<128x128xf32, #tpu.memory_space<vmem>>, vector<16xf32>,
          %add3A_268 = arith.addf %get3A_264, %get3A_267 : vector<16xf32>
          %max3A_269 = arith.constant 0.000000e+00 : f32
          %max3A_270 = vector.broadcast %max3A_269 : f32 to vector<16xf32>
          %max3A_271 = arith.maximumf %add3A_268, %max3A_270 : vector<16xf32>
          %swap3A_272 = arith.index_cast %scan3A_198 : i32 to index
          %swap3A_273 = arith.constant 80 : index
          %swap3A_274 = tpu.vector_load %arg21[%swap3A_272, %swap3A_273] {strides = array<i32>} : memref<128x128xf32, #tpu.memory_space<vmem>>, vector<16xf32>,
          tpu.vector_store %arg21[%swap3A_272, %swap3A_273], %max3A_271 {strides = array<i32>} : memref<128x128xf32, #tpu.memory_space<vmem>>, vector<16xf32>,
          %get3A_275 = arith.index_cast %scan3A_198 : i32 to index
          %get3A_276 = arith.constant 96 : index
          %get3A_277 = tpu.vector_load %arg21[%get3A_275, %get3A_276] {strides = array<i32>} : memref<128x128xf32, #tpu.memory_space<vmem>>, vector<16xf32>,
          %get3A_278 = arith.index_cast %scan3A_198 : i32 to index
          %get3A_279 = arith.constant 96 : index
          %get3A_280 = tpu.vector_load %arg22[%get3A_278, %get3A_279] {strides = array<i32>} : memref<128x128xf32, #tpu.memory_space<vmem>>, vector<16xf32>,
          %add3A_281 = arith.addf %get3A_277, %get3A_280 : vector<16xf32>
          %max3A_282 = arith.constant 0.000000e+00 : f32
          %max3A_283 = vector.broadcast %max3A_282 : f32 to vector<16xf32>
          %max3A_284 = arith.maximumf %add3A_281, %max3A_283 : vector<16xf32>
          %swap3A_285 = arith.index_cast %scan3A_198 : i32 to index
          %swap3A_286 = arith.constant 96 : index
          %swap3A_287 = tpu.vector_load %arg21[%swap3A_285, %swap3A_286] {strides = array<i32>} : memref<128x128xf32, #tpu.memory_space<vmem>>, vector<16xf32>,
          tpu.vector_store %arg21[%swap3A_285, %swap3A_286], %max3A_284 {strides = array<i32>} : memref<128x128xf32, #tpu.memory_space<vmem>>, vector<16xf32>,
          %get3A_288 = arith.index_cast %scan3A_198 : i32 to index
          %get3A_289 = arith.constant 112 : index
          %get3A_290 = tpu.vector_load %arg21[%get3A_288, %get3A_289] {strides = array<i32>} : memref<128x128xf32, #tpu.memory_space<vmem>>, vector<16xf32>,
          %get3A_291 = arith.index_cast %scan3A_198 : i32 to index
          %get3A_292 = arith.constant 112 : index
          %get3A_293 = tpu.vector_load %arg22[%get3A_291, %get3A_292] {strides = array<i32>} : memref<128x128xf32, #tpu.memory_space<vmem>>, vector<16xf32>,
          %add3A_294 = arith.addf %get3A_290, %get3A_293 : vector<16xf32>
          %max3A_295 = arith.constant 0.000000e+00 : f32
          %max3A_296 = vector.broadcast %max3A_295 : f32 to vector<16xf32>
          %max3A_297 = arith.maximumf %add3A_294, %max3A_296 : vector<16xf32>
          %swap3A_298 = arith.index_cast %scan3A_198 : i32 to index
          %swap3A_299 = arith.constant 112 : index
          %swap3A_300 = tpu.vector_load %arg21[%swap3A_298, %swap3A_299] {strides = array<i32>} : memref<128x128xf32, #tpu.memory_space<vmem>>, vector<16xf32>,
          tpu.vector_store %arg21[%swap3A_298, %swap3A_299], %max3A_297 {strides = array<i32>} : memref<128x128xf32, #tpu.memory_space<vmem>>, vector<16xf32>,
          %scan3A_301 = arith.constant 0 : i32
          scf.yield %scan3A_301 : i32
        }
        %scan3A_197 = arith.constant 128 : i32
        "tpu.region"() ({
          %run_scoped3A = tpu.sem_alloc : memref<!tpu.dma_semaphore, #tpu.memory_space<semaphore_mem>>
          %dma_start3A = arith.constant 0 : i32
          %dma_start3A_198 = arith.constant 0 : i32
          %dma_start3A_199 = tpu.memref_slice %arg24[%dma_start3A, %dma_start3A_198] : memref<10240x128xf32, #tpu.memory_space<vmem_shared>> -> memref<10240x128xf32, #tpu.memory_space<vmem_shared>>
          tpu.enqueue_indirect_dma source(%arg21 : memref<128x128xf32, #tpu.memory_space<vmem>>) target(%dma_start3A_199 : memref<10240x128xf32, #tpu.memory_space<vmem_shared>>) offsets(%arg15 : memref<128xi32, #tpu.memory_space<vmem>>) semaphore(%run_scoped3A : memref<!tpu.dma_semaphore, #tpu.memory_space<semaphore_mem>>) {add = true}
          %dma_wait3A = arith.constant 0 : i32
          %dma_wait3A_200 = arith.constant 0 : i32
          %dma_wait3A_201 = tpu.memref_slice %arg24[%dma_wait3A, %dma_wait3A_200] : memref<10240x128xf32, #tpu.memory_space<vmem_shared>> -> memref<10240x128xf32, #tpu.memory_space<vmem_shared>>
          tpu.wait_indirect_dma semaphore(%run_scoped3A : memref<!tpu.dma_semaphore, #tpu.memory_space<semaphore_mem>>) src(%arg21 : memref<128x128xf32, #tpu.memory_space<vmem>>) dst(%dma_wait3A_201 : memref<10240x128xf32, #tpu.memory_space<vmem_shared>>)
          tpu.yield
        }) : () -> ()
      } else {
      }
      %scan3A_188 = arith.constant 0 : i32
      scf.yield %scan3A_188 : i32
    }
    %scan3A_159 = arith.constant 40 : i32
    %barrier3A_160 = arith.constant 0 : index
    tpu.barrier barrier_id(%barrier3A_160)
    %add3A_161 = arith.constant 0 : i32
    %add3A_162 = arith.addi %mul3A_2, %add3A_161 : i32
    %add3A_163 = arith.constant 0 : i32
    %add3A_164 = arith.addi %mul3A_2, %add3A_163 : i32
    "tpu.region"() ({
      %run_scoped3A = tpu.sem_alloc : memref<!tpu.dma_semaphore, #tpu.memory_space<semaphore_mem>>
      %dma_start3A = arith.constant 0 : i32
      %dma_start3A_181 = tpu.memref_slice %arg12[%arg0, %add3A_164, %dma_start3A] : memref<2x10240x128xf32, #tpu.memory_space<hbm>> -> memref<1x128x128xf32, #tpu.memory_space<hbm>>
      %dma_start3A_182 = tpu.memref_squeeze %dma_start3A_181 : memref<1x128x128xf32, #tpu.memory_space<hbm>> -> memref<128x128xf32, #tpu.memory_space<hbm>>
      %dma_start3A_183 = arith.constant 0 : i32
      %dma_start3A_184 = tpu.memref_slice %arg24[%add3A_162, %dma_start3A_183] : memref<10240x128xf32, #tpu.memory_space<vmem_shared>> -> memref<128x128xf32, #tpu.memory_space<vmem_shared>>
      tpu.enqueue_dma source(%dma_start3A_184 : memref<128x128xf32, #tpu.memory_space<vmem_shared>>) target(%dma_start3A_182 : memref<128x128xf32, #tpu.memory_space<hbm>>) target_semaphore(%run_scoped3A : memref<!tpu.dma_semaphore, #tpu.memory_space<semaphore_mem>>)
      %dma_wait3A = arith.constant 0 : i32
      %dma_wait3A_185 = tpu.memref_slice %arg12[%arg0, %add3A_164, %dma_wait3A] : memref<2x10240x128xf32, #tpu.memory_space<hbm>> -> memref<1x128x128xf32, #tpu.memory_space<hbm>>
      %dma_wait3A_186 = tpu.memref_squeeze %dma_wait3A_185 : memref<1x128x128xf32, #tpu.memory_space<hbm>> -> memref<128x128xf32, #tpu.memory_space<hbm>>
      %dma_wait3A_187 = arith.constant 0 : i32
      %dma_wait3A_188 = tpu.memref_slice %arg24[%add3A_162, %dma_wait3A_187] : memref<10240x128xf32, #tpu.memory_space<vmem_shared>> -> memref<128x128xf32, #tpu.memory_space<vmem_shared>>
      tpu.wait_dma2 semaphore(%run_scoped3A : memref<!tpu.dma_semaphore, #tpu.memory_space<semaphore_mem>>) src(%dma_wait3A_188 : memref<128x128xf32, #tpu.memory_space<vmem_shared>>) dst(%dma_wait3A_186 : memref<128x128xf32, #tpu.memory_space<hbm>>)
      tpu.yield
    }) : () -> ()
    %add3A_165 = arith.constant 128 : i32
    %add3A_166 = arith.addi %mul3A_2, %add3A_165 : i32
    %add3A_167 = arith.constant 128 : i32
    %add3A_168 = arith.addi %mul3A_2, %add3A_167 : i32
    "tpu.region"() ({
      %run_scoped3A = tpu.sem_alloc : memref<!tpu.dma_semaphore, #tpu.memory_space<semaphore_mem>>
      %dma_start3A = arith.constant 0 : i32
      %dma_start3A_181 = tpu.memref_slice %arg12[%arg0, %add3A_168, %dma_start3A] : memref<2x10240x128xf32, #tpu.memory_space<hbm>> -> memref<1x128x128xf32, #tpu.memory_space<hbm>>
      %dma_start3A_182 = tpu.memref_squeeze %dma_start3A_181 : memref<1x128x128xf32, #tpu.memory_space<hbm>> -> memref<128x128xf32, #tpu.memory_space<hbm>>
      %dma_start3A_183 = arith.constant 0 : i32
      %dma_start3A_184 = tpu.memref_slice %arg24[%add3A_166, %dma_start3A_183] : memref<10240x128xf32, #tpu.memory_space<vmem_shared>> -> memref<128x128xf32, #tpu.memory_space<vmem_shared>>
      tpu.enqueue_dma source(%dma_start3A_184 : memref<128x128xf32, #tpu.memory_space<vmem_shared>>) target(%dma_start3A_182 : memref<128x128xf32, #tpu.memory_space<hbm>>) target_semaphore(%run_scoped3A : memref<!tpu.dma_semaphore, #tpu.memory_space<semaphore_mem>>)
      %dma_wait3A = arith.constant 0 : i32
      %dma_wait3A_185 = tpu.memref_slice %arg12[%arg0, %add3A_168, %dma_wait3A] : memref<2x10240x128xf32, #tpu.memory_space<hbm>> -> memref<1x128x128xf32, #tpu.memory_space<hbm>>
      %dma_wait3A_186 = tpu.memref_squeeze %dma_wait3A_185 : memref<1x128x128xf32, #tpu.memory_space<hbm>> -> memref<128x128xf32, #tpu.memory_space<hbm>>
      %dma_wait3A_187 = arith.constant 0 : i32
      %dma_wait3A_188 = tpu.memref_slice %arg24[%add3A_166, %dma_wait3A_187] : memref<10240x128xf32, #tpu.memory_space<vmem_shared>> -> memref<128x128xf32, #tpu.memory_space<vmem_shared>>
      tpu.wait_dma2 semaphore(%run_scoped3A : memref<!tpu.dma_semaphore, #tpu.memory_space<semaphore_mem>>) src(%dma_wait3A_188 : memref<128x128xf32, #tpu.memory_space<vmem_shared>>) dst(%dma_wait3A_186 : memref<128x128xf32, #tpu.memory_space<hbm>>)
      tpu.yield
    }) : () -> ()
    %add3A_169 = arith.constant 256 : i32
    %add3A_170 = arith.addi %mul3A_2, %add3A_169 : i32
    %add3A_171 = arith.constant 256 : i32
    %add3A_172 = arith.addi %mul3A_2, %add3A_171 : i32
    "tpu.region"() ({
      %run_scoped3A = tpu.sem_alloc : memref<!tpu.dma_semaphore, #tpu.memory_space<semaphore_mem>>
      %dma_start3A = arith.constant 0 : i32
      %dma_start3A_181 = tpu.memref_slice %arg12[%arg0, %add3A_172, %dma_start3A] : memref<2x10240x128xf32, #tpu.memory_space<hbm>> -> memref<1x128x128xf32, #tpu.memory_space<hbm>>
      %dma_start3A_182 = tpu.memref_squeeze %dma_start3A_181 : memref<1x128x128xf32, #tpu.memory_space<hbm>> -> memref<128x128xf32, #tpu.memory_space<hbm>>
      %dma_start3A_183 = arith.constant 0 : i32
      %dma_start3A_184 = tpu.memref_slice %arg24[%add3A_170, %dma_start3A_183] : memref<10240x128xf32, #tpu.memory_space<vmem_shared>> -> memref<128x128xf32, #tpu.memory_space<vmem_shared>>
      tpu.enqueue_dma source(%dma_start3A_184 : memref<128x128xf32, #tpu.memory_space<vmem_shared>>) target(%dma_start3A_182 : memref<128x128xf32, #tpu.memory_space<hbm>>) target_semaphore(%run_scoped3A : memref<!tpu.dma_semaphore, #tpu.memory_space<semaphore_mem>>)
      %dma_wait3A = arith.constant 0 : i32
      %dma_wait3A_185 = tpu.memref_slice %arg12[%arg0, %add3A_172, %dma_wait3A] : memref<2x10240x128xf32, #tpu.memory_space<hbm>> -> memref<1x128x128xf32, #tpu.memory_space<hbm>>
      %dma_wait3A_186 = tpu.memref_squeeze %dma_wait3A_185 : memref<1x128x128xf32, #tpu.memory_space<hbm>> -> memref<128x128xf32, #tpu.memory_space<hbm>>
      %dma_wait3A_187 = arith.constant 0 : i32
      %dma_wait3A_188 = tpu.memref_slice %arg24[%add3A_170, %dma_wait3A_187] : memref<10240x128xf32, #tpu.memory_space<vmem_shared>> -> memref<128x128xf32, #tpu.memory_space<vmem_shared>>
      tpu.wait_dma2 semaphore(%run_scoped3A : memref<!tpu.dma_semaphore, #tpu.memory_space<semaphore_mem>>) src(%dma_wait3A_188 : memref<128x128xf32, #tpu.memory_space<vmem_shared>>) dst(%dma_wait3A_186 : memref<128x128xf32, #tpu.memory_space<hbm>>)
      tpu.yield
    }) : () -> ()
    %add3A_173 = arith.constant 384 : i32
    %add3A_174 = arith.addi %mul3A_2, %add3A_173 : i32
    %add3A_175 = arith.constant 384 : i32
    %add3A_176 = arith.addi %mul3A_2, %add3A_175 : i32
    "tpu.region"() ({
      %run_scoped3A = tpu.sem_alloc : memref<!tpu.dma_semaphore, #tpu.memory_space<semaphore_mem>>
      %dma_start3A = arith.constant 0 : i32
      %dma_start3A_181 = tpu.memref_slice %arg12[%arg0, %add3A_176, %dma_start3A] : memref<2x10240x128xf32, #tpu.memory_space<hbm>> -> memref<1x128x128xf32, #tpu.memory_space<hbm>>
      %dma_start3A_182 = tpu.memref_squeeze %dma_start3A_181 : memref<1x128x128xf32, #tpu.memory_space<hbm>> -> memref<128x128xf32, #tpu.memory_space<hbm>>
      %dma_start3A_183 = arith.constant 0 : i32
      %dma_start3A_184 = tpu.memref_slice %arg24[%add3A_174, %dma_start3A_183] : memref<10240x128xf32, #tpu.memory_space<vmem_shared>> -> memref<128x128xf32, #tpu.memory_space<vmem_shared>>
      tpu.enqueue_dma source(%dma_start3A_184 : memref<128x128xf32, #tpu.memory_space<vmem_shared>>) target(%dma_start3A_182 : memref<128x128xf32, #tpu.memory_space<hbm>>) target_semaphore(%run_scoped3A : memref<!tpu.dma_semaphore, #tpu.memory_space<semaphore_mem>>)
      %dma_wait3A = arith.constant 0 : i32
      %dma_wait3A_185 = tpu.memref_slice %arg12[%arg0, %add3A_176, %dma_wait3A] : memref<2x10240x128xf32, #tpu.memory_space<hbm>> -> memref<1x128x128xf32, #tpu.memory_space<hbm>>
      %dma_wait3A_186 = tpu.memref_squeeze %dma_wait3A_185 : memref<1x128x128xf32, #tpu.memory_space<hbm>> -> memref<128x128xf32, #tpu.memory_space<hbm>>
      %dma_wait3A_187 = arith.constant 0 : i32
      %dma_wait3A_188 = tpu.memref_slice %arg24[%add3A_174, %dma_wait3A_187] : memref<10240x128xf32, #tpu.memory_space<vmem_shared>> -> memref<128x128xf32, #tpu.memory_space<vmem_shared>>
      tpu.wait_dma2 semaphore(%run_scoped3A : memref<!tpu.dma_semaphore, #tpu.memory_space<semaphore_mem>>) src(%dma_wait3A_188 : memref<128x128xf32, #tpu.memory_space<vmem_shared>>) dst(%dma_wait3A_186 : memref<128x128xf32, #tpu.memory_space<hbm>>)
      tpu.yield
    }) : () -> ()
    %add3A_177 = arith.constant 512 : i32
    %add3A_178 = arith.addi %mul3A_2, %add3A_177 : i32
    %add3A_179 = arith.constant 512 : i32
    %add3A_180 = arith.addi %mul3A_2, %add3A_179 : i32
    "tpu.region"() ({
      %run_scoped3A = tpu.sem_alloc : memref<!tpu.dma_semaphore, #tpu.memory_space<semaphore_mem>>
      %dma_start3A = arith.constant 0 : i32
      %dma_start3A_181 = tpu.memref_slice %arg12[%arg0, %add3A_180, %dma_start3A] : memref<2x10240x128xf32, #tpu.memory_space<hbm>> -> memref<1x128x128xf32, #tpu.memory_space<hbm>>
      %dma_start3A_182 = tpu.memref_squeeze %dma_start3A_181 : memref<1x128x128xf32, #tpu.memory_space<hbm>> -> memref<128x128xf32, #tpu.memory_space<hbm>>
      %dma_start3A_183 = arith.constant 0 : i32
      %dma_start3A_184 = tpu.memref_slice %arg24[%add3A_178, %dma_start3A_183] : memref<10240x128xf32, #tpu.memory_space<vmem_shared>> -> memref<128x128xf32, #tpu.memory_space<vmem_shared>>
      tpu.enqueue_dma source(%dma_start3A_184 : memref<128x128xf32, #tpu.memory_space<vmem_shared>>) target(%dma_start3A_182 : memref<128x128xf32, #tpu.memory_space<hbm>>) target_semaphore(%run_scoped3A : memref<!tpu.dma_semaphore, #tpu.memory_space<semaphore_mem>>)
      %dma_wait3A = arith.constant 0 : i32
      %dma_wait3A_185 = tpu.memref_slice %arg12[%arg0, %add3A_180, %dma_wait3A] : memref<2x10240x128xf32, #tpu.memory_space<hbm>> -> memref<1x128x128xf32, #tpu.memory_space<hbm>>
      %dma_wait3A_186 = tpu.memref_squeeze %dma_wait3A_185 : memref<1x128x128xf32, #tpu.memory_space<hbm>> -> memref<128x128xf32, #tpu.memory_space<hbm>>
      %dma_wait3A_187 = arith.constant 0 : i32
      %dma_wait3A_188 = tpu.memref_slice %arg24[%add3A_178, %dma_wait3A_187] : memref<10240x128xf32, #tpu.memory_space<vmem_shared>> -> memref<128x128xf32, #tpu.memory_space<vmem_shared>>
      tpu.wait_dma2 semaphore(%run_scoped3A : memref<!tpu.dma_semaphore, #tpu.memory_space<semaphore_mem>>) src(%dma_wait3A_188 : memref<128x128xf32, #tpu.memory_space<vmem_shared>>) dst(%dma_wait3A_186 : memref<128x128xf32, #tpu.memory_space<hbm>>)
      tpu.yield
    }) : () -> ()
    return
  }
}

module attributes {stable_mosaic.version = 14 : i64} {
  func.func @_tca_body(%arg0: i32, %arg1: memref<1000x128xf32, #tpu.memory_space<vmem>>, %arg2: memref<128x256xf32, #tpu.memory_space<vmem>>, %arg3: memref<256x8xf32, #tpu.memory_space<vmem>>, %arg4: memref<1000x128xf32, #tpu.memory_space<vmem>>, %arg5: memref<1000x128xf32, #tpu.memory_space<vmem>>, %arg6: memref<1000x8xf32, #tpu.memory_space<vmem>>) attributes {dimension_semantics = [#tpu.dimension_semantics<arbitrary>], iteration_bounds = array<i64: 10>, scalar_prefetch = 0 : i64, scratch_operands = 0 : i64, tpu.core_type = #tpu.core_type<tc>, window_params = [{transform_indices = @transform_0, window_bounds = array<i64: 1000, 128>}, {pipeline_mode = #tpu.pipeline_mode<synchronous>, transform_indices = @transform_1, window_bounds = array<i64: 128, 256>}, {pipeline_mode = #tpu.pipeline_mode<synchronous>, transform_indices = @transform_2, window_bounds = array<i64: 256, 8>}, {transform_indices = @transform_3, window_bounds = array<i64: 1000, 128>}, {transform_indices = @transform_4, window_bounds = array<i64: 1000, 128>}, {transform_indices = @transform_5, window_bounds = array<i64: 1000, 8>}]} {
    %get3A = arith.constant 0 : index
    %get3A_0 = arith.constant 0 : index
    %get3A_1 = vector.load %arg1[%get3A, %get3A_0] : memref<1000x128xf32, #tpu.memory_space<vmem>>, vector<1000x128xf32>
    %get3A_2 = arith.constant 0 : index
    %get3A_3 = arith.constant 0 : index
    %get3A_4 = vector.load %arg2[%get3A_2, %get3A_3] : memref<128x256xf32, #tpu.memory_space<vmem>>, vector<128x256xf32>
    %dot_general3A = arith.constant dense<0.000000e+00> : vector<1000x256xf32>
    %dot_general3A_5 = tpu.matmul %get3A_1, %get3A_4, %dot_general3A {dimension_numbers = #tpu.dot_dimension_numbers<[1], [0], [0], [1], [0, 0, 1, 1], [], []>, transpose_lhs_hint = false} : vector<1000x128xf32>, vector<128x256xf32>, vector<1000x256xf32> -> vector<1000x256xf32>
    %slice3A = vector.extract_strided_slice %dot_general3A_5 {offsets = [0, 0], sizes = [1000, 128], strides = [1, 1]} : vector<1000x256xf32> to vector<1000x128xf32>
    %swap3A = arith.constant 0 : index
    %swap3A_6 = arith.constant 0 : index
    %swap3A_7 = vector.load %arg4[%swap3A, %swap3A_6] : memref<1000x128xf32, #tpu.memory_space<vmem>>, vector<1000x128xf32>
    tpu.vector_store %arg4[%swap3A, %swap3A_6], %slice3A {strides = array<i32>} : memref<1000x128xf32, #tpu.memory_space<vmem>>, vector<1000x128xf32>,
    %slice3A_8 = vector.extract_strided_slice %dot_general3A_5 {offsets = [0, 128], sizes = [1000, 128], strides = [1, 1]} : vector<1000x256xf32> to vector<1000x128xf32>
    %swap3A_9 = arith.constant 0 : index
    %swap3A_10 = arith.constant 0 : index
    %swap3A_11 = vector.load %arg5[%swap3A_9, %swap3A_10] : memref<1000x128xf32, #tpu.memory_space<vmem>>, vector<1000x128xf32>
    tpu.vector_store %arg5[%swap3A_9, %swap3A_10], %slice3A_8 {strides = array<i32>} : memref<1000x128xf32, #tpu.memory_space<vmem>>, vector<1000x128xf32>,
    %get3A_12 = arith.constant 0 : index
    %get3A_13 = arith.constant 0 : index
    %get3A_14 = vector.load %arg3[%get3A_12, %get3A_13] : memref<256x8xf32, #tpu.memory_space<vmem>>, vector<256x8xf32>
    %dot_general3A_15 = arith.constant dense<0.000000e+00> : vector<1000x8xf32>
    %dot_general3A_16 = tpu.matmul %dot_general3A_5, %get3A_14, %dot_general3A_15 {dimension_numbers = #tpu.dot_dimension_numbers<[1], [0], [0], [1], [0, 0, 1, 1], [], []>, transpose_lhs_hint = false} : vector<1000x256xf32>, vector<256x8xf32>, vector<1000x8xf32> -> vector<1000x8xf32>
    %swap3A_17 = arith.constant 0 : index
    %swap3A_18 = arith.constant 0 : index
    %swap3A_19 = vector.load %arg6[%swap3A_17, %swap3A_18] : memref<1000x8xf32, #tpu.memory_space<vmem>>, vector<1000x8xf32>
    tpu.vector_store %arg6[%swap3A_17, %swap3A_18], %dot_general3A_16 {strides = array<i32>} : memref<1000x8xf32, #tpu.memory_space<vmem>>, vector<1000x8xf32>,
    return
  }
  func.func @transform_0(%arg0: i32) -> (i32, i32) {
    %c0_i32 = arith.constant 0 : i32
    %c0_i32_0 = arith.constant 0 : i32
    return %arg0, %c0_i32 : i32, i32
  }
  func.func @transform_1(%arg0: i32) -> (i32, i32) {
    %c0_i32 = arith.constant 0 : i32
    %c0_i32_0 = arith.constant 0 : i32
    %c0_i32_1 = arith.constant 0 : i32
    return %c0_i32, %c0_i32_0 : i32, i32
  }
  func.func @transform_2(%arg0: i32) -> (i32, i32) {
    %c0_i32 = arith.constant 0 : i32
    %c0_i32_0 = arith.constant 0 : i32
    %c0_i32_1 = arith.constant 0 : i32
    return %c0_i32, %c0_i32_0 : i32, i32
  }
  func.func @transform_3(%arg0: i32) -> (i32, i32) {
    %c0_i32 = arith.constant 0 : i32
    %c0_i32_0 = arith.constant 0 : i32
    return %arg0, %c0_i32 : i32, i32
  }
  func.func @transform_4(%arg0: i32) -> (i32, i32) {
    %c0_i32 = arith.constant 0 : i32
    %c0_i32_0 = arith.constant 0 : i32
    return %arg0, %c0_i32 : i32, i32
  }
  func.func @transform_5(%arg0: i32) -> (i32, i32) {
    %c0_i32 = arith.constant 0 : i32
    %c0_i32_0 = arith.constant 0 : i32
    return %arg0, %c0_i32 : i32, i32
  }
}

module attributes {stable_mosaic.version = 14 : i64} {
  func.func @_tcb_body(%arg0: i32, %arg1: memref<2000x16xf32, #tpu.memory_space<vmem>>, %arg2: memref<2000x1xi32, #tpu.memory_space<vmem>>, %arg3: memref<16x128xf32, #tpu.memory_space<vmem>>, %arg4: memref<8x128xf32, #tpu.memory_space<vmem>>, %arg5: memref<16x8xf32, #tpu.memory_space<vmem>>, %arg6: memref<8x8xf32, #tpu.memory_space<vmem>>, %arg7: memref<2000x128xf32, #tpu.memory_space<vmem>>, %arg8: memref<2000x8xf32, #tpu.memory_space<vmem>>) attributes {dimension_semantics = [#tpu.dimension_semantics<arbitrary>], iteration_bounds = array<i64: 80>, scalar_prefetch = 0 : i64, scratch_operands = 0 : i64, tpu.core_type = #tpu.core_type<tc>, window_params = [{transform_indices = @transform_0, window_bounds = array<i64: 2000, 16>}, {transform_indices = @transform_1, window_bounds = array<i64: 2000, 1>}, {pipeline_mode = #tpu.pipeline_mode<synchronous>, transform_indices = @transform_2, window_bounds = array<i64: 16, 128>}, {pipeline_mode = #tpu.pipeline_mode<synchronous>, transform_indices = @transform_3, window_bounds = array<i64: 8, 128>}, {pipeline_mode = #tpu.pipeline_mode<synchronous>, transform_indices = @transform_4, window_bounds = array<i64: 16, 8>}, {pipeline_mode = #tpu.pipeline_mode<synchronous>, transform_indices = @transform_5, window_bounds = array<i64: 8, 8>}, {transform_indices = @transform_6, window_bounds = array<i64: 2000, 128>}, {transform_indices = @transform_7, window_bounds = array<i64: 2000, 8>}]} {
    %get3A = arith.constant 0 : index
    %get3A_0 = arith.constant 0 : index
    %get3A_1 = vector.load %arg1[%get3A, %get3A_0] : memref<2000x16xf32, #tpu.memory_space<vmem>>, vector<2000x16xf32>
    %get3A_2 = arith.constant 0 : index
    %get3A_3 = arith.constant 0 : index
    %get3A_4 = vector.load %arg2[%get3A_2, %get3A_3] : memref<2000x1xi32, #tpu.memory_space<vmem>>, vector<2000x1xi32>
    %iota3A = tpu.iota {dimensions = array<i32: 1>} : vector<2000x8xi32>
    %eq3A = vector.broadcast %get3A_4 : vector<2000x1xi32> to vector<2000x8xi32>
    %eq3A_5 = arith.cmpi eq, %iota3A, %eq3A : vector<2000x8xi32>
    %convert_element_type3A = arith.extui %eq3A_5 : vector<2000x8xi1> to vector<2000x8xi32>
    %convert_element_type3A_6 = arith.sitofp %convert_element_type3A : vector<2000x8xi32> to vector<2000x8xf32>
    %get3A_7 = arith.constant 0 : index
    %get3A_8 = arith.constant 0 : index
    %get3A_9 = vector.load %arg3[%get3A_7, %get3A_8] : memref<16x128xf32, #tpu.memory_space<vmem>>, vector<16x128xf32>
    %dot_general3A = arith.constant dense<0.000000e+00> : vector<2000x128xf32>
    %dot_general3A_10 = tpu.matmul %get3A_1, %get3A_9, %dot_general3A {dimension_numbers = #tpu.dot_dimension_numbers<[1], [0], [0], [1], [0, 0, 1, 1], [], []>, transpose_lhs_hint = false} : vector<2000x16xf32>, vector<16x128xf32>, vector<2000x128xf32> -> vector<2000x128xf32>
    %get3A_11 = arith.constant 0 : index
    %get3A_12 = arith.constant 0 : index
    %get3A_13 = vector.load %arg4[%get3A_11, %get3A_12] : memref<8x128xf32, #tpu.memory_space<vmem>>, vector<8x128xf32>
    %dot_general3A_14 = arith.constant dense<0.000000e+00> : vector<2000x128xf32>
    %dot_general3A_15 = tpu.matmul %convert_element_type3A_6, %get3A_13, %dot_general3A_14 {dimension_numbers = #tpu.dot_dimension_numbers<[1], [0], [0], [1], [0, 0, 1, 1], [], []>, transpose_lhs_hint = false} : vector<2000x8xf32>, vector<8x128xf32>, vector<2000x128xf32> -> vector<2000x128xf32>
    %add3A = arith.addf %dot_general3A_10, %dot_general3A_15 : vector<2000x128xf32>
    %swap3A = arith.constant 0 : index
    %swap3A_16 = arith.constant 0 : index
    %swap3A_17 = vector.load %arg7[%swap3A, %swap3A_16] : memref<2000x128xf32, #tpu.memory_space<vmem>>, vector<2000x128xf32>
    tpu.vector_store %arg7[%swap3A, %swap3A_16], %add3A {strides = array<i32>} : memref<2000x128xf32, #tpu.memory_space<vmem>>, vector<2000x128xf32>,
    %get3A_18 = arith.constant 0 : index
    %get3A_19 = arith.constant 0 : index
    %get3A_20 = vector.load %arg5[%get3A_18, %get3A_19] : memref<16x8xf32, #tpu.memory_space<vmem>>, vector<16x8xf32>
    %dot_general3A_21 = arith.constant dense<0.000000e+00> : vector<2000x8xf32>
    %dot_general3A_22 = tpu.matmul %get3A_1, %get3A_20, %dot_general3A_21 {dimension_numbers = #tpu.dot_dimension_numbers<[1], [0], [0], [1], [0, 0, 1, 1], [], []>, transpose_lhs_hint = false} : vector<2000x16xf32>, vector<16x8xf32>, vector<2000x8xf32> -> vector<2000x8xf32>
    %get3A_23 = arith.constant 0 : index
    %get3A_24 = arith.constant 0 : index
    %get3A_25 = vector.load %arg6[%get3A_23, %get3A_24] : memref<8x8xf32, #tpu.memory_space<vmem>>, vector<8x8xf32>
    %dot_general3A_26 = arith.constant dense<0.000000e+00> : vector<2000x8xf32>
    %dot_general3A_27 = tpu.matmul %convert_element_type3A_6, %get3A_25, %dot_general3A_26 {dimension_numbers = #tpu.dot_dimension_numbers<[1], [0], [0], [1], [0, 0, 1, 1], [], []>, transpose_lhs_hint = false} : vector<2000x8xf32>, vector<8x8xf32>, vector<2000x8xf32> -> vector<2000x8xf32>
    %add3A_28 = arith.addf %dot_general3A_22, %dot_general3A_27 : vector<2000x8xf32>
    %swap3A_29 = arith.constant 0 : index
    %swap3A_30 = arith.constant 0 : index
    %swap3A_31 = vector.load %arg8[%swap3A_29, %swap3A_30] : memref<2000x8xf32, #tpu.memory_space<vmem>>, vector<2000x8xf32>
    tpu.vector_store %arg8[%swap3A_29, %swap3A_30], %add3A_28 {strides = array<i32>} : memref<2000x8xf32, #tpu.memory_space<vmem>>, vector<2000x8xf32>,
    return
  }
  func.func @transform_0(%arg0: i32) -> (i32, i32) {
    %c0_i32 = arith.constant 0 : i32
    %c0_i32_0 = arith.constant 0 : i32
    return %arg0, %c0_i32 : i32, i32
  }
  func.func @transform_1(%arg0: i32) -> (i32, i32) {
    %c0_i32 = arith.constant 0 : i32
    %c0_i32_0 = arith.constant 0 : i32
    return %arg0, %c0_i32 : i32, i32
  }
  func.func @transform_2(%arg0: i32) -> (i32, i32) {
    %c0_i32 = arith.constant 0 : i32
    %c0_i32_0 = arith.constant 0 : i32
    %c0_i32_1 = arith.constant 0 : i32
    return %c0_i32, %c0_i32_0 : i32, i32
  }
  func.func @transform_3(%arg0: i32) -> (i32, i32) {
    %c0_i32 = arith.constant 0 : i32
    %c0_i32_0 = arith.constant 0 : i32
    %c0_i32_1 = arith.constant 0 : i32
    return %c0_i32, %c0_i32_0 : i32, i32
  }
  func.func @transform_4(%arg0: i32) -> (i32, i32) {
    %c0_i32 = arith.constant 0 : i32
    %c0_i32_0 = arith.constant 0 : i32
    %c0_i32_1 = arith.constant 0 : i32
    return %c0_i32, %c0_i32_0 : i32, i32
  }
  func.func @transform_5(%arg0: i32) -> (i32, i32) {
    %c0_i32 = arith.constant 0 : i32
    %c0_i32_0 = arith.constant 0 : i32
    %c0_i32_1 = arith.constant 0 : i32
    return %c0_i32, %c0_i32_0 : i32, i32
  }
  func.func @transform_6(%arg0: i32) -> (i32, i32) {
    %c0_i32 = arith.constant 0 : i32
    %c0_i32_0 = arith.constant 0 : i32
    return %arg0, %c0_i32 : i32, i32
  }
  func.func @transform_7(%arg0: i32) -> (i32, i32) {
    %c0_i32 = arith.constant 0 : i32
    %c0_i32_0 = arith.constant 0 : i32
    return %arg0, %c0_i32 : i32, i32
  }
}

module attributes {stable_mosaic.version = 14 : i64} {
  func.func @_tcc_body(%arg0: i32, %arg1: memref<1000x128xf32, #tpu.memory_space<vmem>>, %arg2: memref<2x1000x128xf32, #tpu.memory_space<vmem>>, %arg3: memref<2x1000x128xf32, #tpu.memory_space<vmem>>, %arg4: memref<2x1000x8xf32, #tpu.memory_space<vmem>>, %arg5: memref<2x1000x128xf32, #tpu.memory_space<vmem>>, %arg6: memref<2x128xf32, #tpu.memory_space<vmem>>, %arg7: memref<128x64xf32, #tpu.memory_space<vmem>>, %arg8: memref<1x64xf32, #tpu.memory_space<vmem>>, %arg9: memref<64x64xf32, #tpu.memory_space<vmem>>, %arg10: memref<1x64xf32, #tpu.memory_space<vmem>>, %arg11: memref<128x128xf32, #tpu.memory_space<vmem>>, %arg12: memref<128x128xf32, #tpu.memory_space<vmem>>, %arg13: memref<64x128xf32, #tpu.memory_space<vmem>>, %arg14: memref<1x128xf32, #tpu.memory_space<vmem>>, %arg15: memref<1x128xf32, #tpu.memory_space<vmem>>, %arg16: memref<1x128xf32, #tpu.memory_space<vmem>>, %arg17: memref<1000x128xf32, #tpu.memory_space<vmem>>) attributes {dimension_semantics = [#tpu.dimension_semantics<arbitrary>], iteration_bounds = array<i64: 10>, scalar_prefetch = 0 : i64, scratch_operands = 0 : i64, tpu.core_type = #tpu.core_type<tc>, window_params = [{transform_indices = @transform_0, window_bounds = array<i64: 1000, 128>}, {transform_indices = @transform_1, window_bounds = array<i64: 2, 1000, 128>}, {transform_indices = @transform_2, window_bounds = array<i64: 2, 1000, 128>}, {transform_indices = @transform_3, window_bounds = array<i64: 2, 1000, 8>}, {transform_indices = @transform_4, window_bounds = array<i64: 2, 1000, 128>}, {pipeline_mode = #tpu.pipeline_mode<synchronous>, transform_indices = @transform_5, window_bounds = array<i64: 2, 128>}, {pipeline_mode = #tpu.pipeline_mode<synchronous>, transform_indices = @transform_6, window_bounds = array<i64: 128, 64>}, {pipeline_mode = #tpu.pipeline_mode<synchronous>, transform_indices = @transform_7, window_bounds = array<i64: 1, 64>}, {pipeline_mode = #tpu.pipeline_mode<synchronous>, transform_indices = @transform_8, window_bounds = array<i64: 64, 64>}, {pipeline_mode = #tpu.pipeline_mode<synchronous>, transform_indices = @transform_9, window_bounds = array<i64: 1, 64>}, {pipeline_mode = #tpu.pipeline_mode<synchronous>, transform_indices = @transform_10, window_bounds = array<i64: 128, 128>}, {pipeline_mode = #tpu.pipeline_mode<synchronous>, transform_indices = @transform_11, window_bounds = array<i64: 128, 128>}, {pipeline_mode = #tpu.pipeline_mode<synchronous>, transform_indices = @transform_12, window_bounds = array<i64: 64, 128>}, {pipeline_mode = #tpu.pipeline_mode<synchronous>, transform_indices = @transform_13, window_bounds = array<i64: 1, 128>}, {pipeline_mode = #tpu.pipeline_mode<synchronous>, transform_indices = @transform_14, window_bounds = array<i64: 1, 128>}, {pipeline_mode = #tpu.pipeline_mode<synchronous>, transform_indices = @transform_15, window_bounds = array<i64: 1, 128>}, {transform_indices = @transform_16, window_bounds = array<i64: 1000, 128>}]} {
    %get3A = arith.constant 0 : index
    %get3A_0 = arith.constant 0 : index
    %get3A_1 = arith.constant 0 : index
    %get3A_2 = vector.load %arg2[%get3A, %get3A_0, %get3A_1] : memref<2x1000x128xf32, #tpu.memory_space<vmem>>, vector<1x1000x128xf32>
    %get3A_3 = vector.shape_cast %get3A_2 : vector<1x1000x128xf32> to vector<1000x128xf32>
    %get3A_4 = arith.constant 1 : index
    %get3A_5 = arith.constant 0 : index
    %get3A_6 = arith.constant 0 : index
    %get3A_7 = vector.load %arg2[%get3A_4, %get3A_5, %get3A_6] : memref<2x1000x128xf32, #tpu.memory_space<vmem>>, vector<1x1000x128xf32>
    %get3A_8 = vector.shape_cast %get3A_7 : vector<1x1000x128xf32> to vector<1000x128xf32>
    %add3A = arith.addf %get3A_3, %get3A_8 : vector<1000x128xf32>
    %get3A_9 = arith.constant 0 : index
    %get3A_10 = arith.constant 0 : index
    %get3A_11 = arith.constant 0 : index
    %get3A_12 = vector.load %arg3[%get3A_9, %get3A_10, %get3A_11] : memref<2x1000x128xf32, #tpu.memory_space<vmem>>, vector<1x1000x128xf32>
    %get3A_13 = vector.shape_cast %get3A_12 : vector<1x1000x128xf32> to vector<1000x128xf32>
    %get3A_14 = arith.constant 1 : index
    %get3A_15 = arith.constant 0 : index
    %get3A_16 = arith.constant 0 : index
    %get3A_17 = vector.load %arg3[%get3A_14, %get3A_15, %get3A_16] : memref<2x1000x128xf32, #tpu.memory_space<vmem>>, vector<1x1000x128xf32>
    %get3A_18 = vector.shape_cast %get3A_17 : vector<1x1000x128xf32> to vector<1000x128xf32>
    %add3A_19 = arith.addf %get3A_13, %get3A_18 : vector<1000x128xf32>
    %get3A_20 = arith.constant 0 : index
    %get3A_21 = arith.constant 0 : index
    %get3A_22 = arith.constant 0 : index
    %get3A_23 = vector.load %arg4[%get3A_20, %get3A_21, %get3A_22] : memref<2x1000x8xf32, #tpu.memory_space<vmem>>, vector<1x1000x4xf32>
    %get3A_24 = vector.shape_cast %get3A_23 : vector<1x1000x4xf32> to vector<1000x4xf32>
    %get3A_25 = arith.constant 1 : index
    %get3A_26 = arith.constant 0 : index
    %get3A_27 = arith.constant 0 : index
    %get3A_28 = vector.load %arg4[%get3A_25, %get3A_26, %get3A_27] : memref<2x1000x8xf32, #tpu.memory_space<vmem>>, vector<1x1000x4xf32>
    %get3A_29 = vector.shape_cast %get3A_28 : vector<1x1000x4xf32> to vector<1000x4xf32>
    %add3A_30 = arith.addf %get3A_24, %get3A_29 : vector<1000x4xf32>
    %add3A_31 = arith.constant 1.000000e-16 : f32
    %add3A_32 = vector.broadcast %add3A_31 : f32 to vector<1000x4xf32>
    %add3A_33 = arith.addf %add3A_30, %add3A_32 : vector<1000x4xf32>
    %div3A = arith.constant 1.000000e+00 : f32
    %div3A_34 = vector.broadcast %div3A : f32 to vector<1000x4xf32>
    %div3A_35 = arith.divf %div3A_34, %add3A_33 : vector<1000x4xf32>
    %get3A_36 = arith.constant 0 : index
    %get3A_37 = arith.constant 0 : index
    %get3A_38 = vector.load %arg6[%get3A_36, %get3A_37] : memref<2x128xf32, #tpu.memory_space<vmem>>, vector<2x128xf32>
    %slice3A = vector.extract_strided_slice %div3A_35 {offsets = [0, 0], sizes = [1000, 2], strides = [1, 1]} : vector<1000x4xf32> to vector<1000x2xf32>
    %dot_general3A = arith.constant dense<0.000000e+00> : vector<1000x128xf32>
    %dot_general3A_39 = tpu.matmul %slice3A, %get3A_38, %dot_general3A {dimension_numbers = #tpu.dot_dimension_numbers<[1], [0], [0], [1], [0, 0, 1, 1], [], []>, transpose_lhs_hint = false} : vector<1000x2xf32>, vector<2x128xf32>, vector<1000x128xf32> -> vector<1000x128xf32>
    %slice3A_40 = vector.extract_strided_slice %div3A_35 {offsets = [0, 2], sizes = [1000, 2], strides = [1, 1]} : vector<1000x4xf32> to vector<1000x2xf32>
    %dot_general3A_41 = arith.constant dense<0.000000e+00> : vector<1000x128xf32>
    %dot_general3A_42 = tpu.matmul %slice3A_40, %get3A_38, %dot_general3A_41 {dimension_numbers = #tpu.dot_dimension_numbers<[1], [0], [0], [1], [0, 0, 1, 1], [], []>, transpose_lhs_hint = false} : vector<1000x2xf32>, vector<2x128xf32>, vector<1000x128xf32> -> vector<1000x128xf32>
    %mul3A = arith.mulf %add3A, %dot_general3A_39 : vector<1000x128xf32>
    %get3A_43 = arith.constant 0 : index
    %get3A_44 = arith.constant 0 : index
    %get3A_45 = vector.load %arg11[%get3A_43, %get3A_44] : memref<128x128xf32, #tpu.memory_space<vmem>>, vector<128x128xf32>
    %dot_general3A_46 = arith.constant dense<0.000000e+00> : vector<1000x128xf32>
    %dot_general3A_47 = tpu.matmul %mul3A, %get3A_45, %dot_general3A_46 {dimension_numbers = #tpu.dot_dimension_numbers<[1], [0], [0], [1], [0, 0, 1, 1], [], []>, transpose_lhs_hint = false} : vector<1000x128xf32>, vector<128x128xf32>, vector<1000x128xf32> -> vector<1000x128xf32>
    %mul3A_48 = arith.mulf %add3A_19, %dot_general3A_42 : vector<1000x128xf32>
    %get3A_49 = arith.constant 0 : index
    %get3A_50 = arith.constant 0 : index
    %get3A_51 = vector.load %arg12[%get3A_49, %get3A_50] : memref<128x128xf32, #tpu.memory_space<vmem>>, vector<128x128xf32>
    %dot_general3A_52 = arith.constant dense<0.000000e+00> : vector<1000x128xf32>
    %dot_general3A_53 = tpu.matmul %mul3A_48, %get3A_51, %dot_general3A_52 {dimension_numbers = #tpu.dot_dimension_numbers<[1], [0], [0], [1], [0, 0, 1, 1], [], []>, transpose_lhs_hint = false} : vector<1000x128xf32>, vector<128x128xf32>, vector<1000x128xf32> -> vector<1000x128xf32>
    %add3A_54 = arith.addf %dot_general3A_47, %dot_general3A_53 : vector<1000x128xf32>
    %get3A_55 = arith.constant 0 : index
    %get3A_56 = arith.constant 0 : index
    %get3A_57 = vector.load %arg1[%get3A_55, %get3A_56] : memref<1000x128xf32, #tpu.memory_space<vmem>>, vector<1000x128xf32>
    %get3A_58 = arith.constant 0 : index
    %get3A_59 = arith.constant 0 : index
    %get3A_60 = arith.constant 0 : index
    %get3A_61 = vector.load %arg5[%get3A_58, %get3A_59, %get3A_60] : memref<2x1000x128xf32, #tpu.memory_space<vmem>>, vector<1x1000x128xf32>
    %get3A_62 = vector.shape_cast %get3A_61 : vector<1x1000x128xf32> to vector<1000x128xf32>
    %add3A_63 = arith.addf %get3A_57, %get3A_62 : vector<1000x128xf32>
    %get3A_64 = arith.constant 1 : index
    %get3A_65 = arith.constant 0 : index
    %get3A_66 = arith.constant 0 : index
    %get3A_67 = vector.load %arg5[%get3A_64, %get3A_65, %get3A_66] : memref<2x1000x128xf32, #tpu.memory_space<vmem>>, vector<1x1000x128xf32>
    %get3A_68 = vector.shape_cast %get3A_67 : vector<1x1000x128xf32> to vector<1000x128xf32>
    %add3A_69 = arith.addf %add3A_63, %get3A_68 : vector<1000x128xf32>
    %get3A_70 = arith.constant 0 : index
    %get3A_71 = arith.constant 0 : index
    %get3A_72 = vector.load %arg7[%get3A_70, %get3A_71] : memref<128x64xf32, #tpu.memory_space<vmem>>, vector<128x64xf32>
    %dot_general3A_73 = arith.constant dense<0.000000e+00> : vector<1000x64xf32>
    %dot_general3A_74 = tpu.matmul %add3A_69, %get3A_72, %dot_general3A_73 {dimension_numbers = #tpu.dot_dimension_numbers<[1], [0], [0], [1], [0, 0, 1, 1], [], []>, transpose_lhs_hint = false} : vector<1000x128xf32>, vector<128x64xf32>, vector<1000x64xf32> -> vector<1000x64xf32>
    %get3A_75 = arith.constant 0 : index
    %get3A_76 = arith.constant 0 : index
    %get3A_77 = vector.load %arg8[%get3A_75, %get3A_76] : memref<1x64xf32, #tpu.memory_space<vmem>>, vector<1x64xf32>
    %add3A_78 = vector.broadcast %get3A_77 : vector<1x64xf32> to vector<1000x64xf32>
    %add3A_79 = arith.addf %dot_general3A_74, %add3A_78 : vector<1000x64xf32>
    %max3A = arith.constant 0.000000e+00 : f32
    %max3A_80 = vector.broadcast %max3A : f32 to vector<1000x64xf32>
    %max3A_81 = arith.maximumf %add3A_79, %max3A_80 : vector<1000x64xf32>
    %get3A_82 = arith.constant 0 : index
    %get3A_83 = arith.constant 0 : index
    %get3A_84 = vector.load %arg9[%get3A_82, %get3A_83] : memref<64x64xf32, #tpu.memory_space<vmem>>, vector<64x64xf32>
    %dot_general3A_85 = arith.constant dense<0.000000e+00> : vector<1000x64xf32>
    %dot_general3A_86 = tpu.matmul %max3A_81, %get3A_84, %dot_general3A_85 {dimension_numbers = #tpu.dot_dimension_numbers<[1], [0], [0], [1], [0, 0, 1, 1], [], []>, transpose_lhs_hint = false} : vector<1000x64xf32>, vector<64x64xf32>, vector<1000x64xf32> -> vector<1000x64xf32>
    %get3A_87 = arith.constant 0 : index
    %get3A_88 = arith.constant 0 : index
    %get3A_89 = vector.load %arg10[%get3A_87, %get3A_88] : memref<1x64xf32, #tpu.memory_space<vmem>>, vector<1x64xf32>
    %add3A_90 = vector.broadcast %get3A_89 : vector<1x64xf32> to vector<1000x64xf32>
    %add3A_91 = arith.addf %dot_general3A_86, %add3A_90 : vector<1000x64xf32>
    %get3A_92 = arith.constant 0 : index
    %get3A_93 = arith.constant 0 : index
    %get3A_94 = vector.load %arg13[%get3A_92, %get3A_93] : memref<64x128xf32, #tpu.memory_space<vmem>>, vector<64x128xf32>
    %dot_general3A_95 = arith.constant dense<0.000000e+00> : vector<1000x128xf32>
    %dot_general3A_96 = tpu.matmul %add3A_91, %get3A_94, %dot_general3A_95 {dimension_numbers = #tpu.dot_dimension_numbers<[1], [0], [0], [1], [0, 0, 1, 1], [], []>, transpose_lhs_hint = false} : vector<1000x64xf32>, vector<64x128xf32>, vector<1000x128xf32> -> vector<1000x128xf32>
    %add3A_97 = arith.addf %add3A_54, %dot_general3A_96 : vector<1000x128xf32>
    %get3A_98 = arith.constant 0 : index
    %get3A_99 = arith.constant 0 : index
    %get3A_100 = vector.load %arg14[%get3A_98, %get3A_99] : memref<1x128xf32, #tpu.memory_space<vmem>>, vector<1x128xf32>
    %add3A_101 = vector.broadcast %get3A_100 : vector<1x128xf32> to vector<1000x128xf32>
    %add3A_102 = arith.addf %add3A_97, %add3A_101 : vector<1000x128xf32>
    %reduce_sum3A = arith.constant dense<0.000000e+00> : vector<1000xf32>
    %reduce_sum3A_103 = vector.multi_reduction <add>, %add3A_102, %reduce_sum3A [1] : vector<1000x128xf32> to vector<1000xf32>
    %broadcast_in_dim3A = vector.shape_cast %reduce_sum3A_103 : vector<1000xf32> to vector<1000x1xf32>
    %div3A_104 = arith.constant 1.280000e+02 : f32
    %div3A_105 = vector.broadcast %div3A_104 : f32 to vector<1000x1xf32>
    %div3A_106 = arith.divf %broadcast_in_dim3A, %div3A_105 : vector<1000x1xf32>
    %sub3A = vector.broadcast %div3A_106 : vector<1000x1xf32> to vector<1000x128xf32>
    %sub3A_107 = arith.subf %add3A_102, %sub3A : vector<1000x128xf32>
    %mul3A_108 = arith.mulf %sub3A_107, %sub3A_107 : vector<1000x128xf32>
    %reduce_sum3A_109 = arith.constant dense<0.000000e+00> : vector<1000xf32>
    %reduce_sum3A_110 = vector.multi_reduction <add>, %mul3A_108, %reduce_sum3A_109 [1] : vector<1000x128xf32> to vector<1000xf32>
    %broadcast_in_dim3A_111 = vector.shape_cast %reduce_sum3A_110 : vector<1000xf32> to vector<1000x1xf32>
    %div3A_112 = arith.constant 1.280000e+02 : f32
    %div3A_113 = vector.broadcast %div3A_112 : f32 to vector<1000x1xf32>
    %div3A_114 = arith.divf %broadcast_in_dim3A_111, %div3A_113 : vector<1000x1xf32>
    %add3A_115 = arith.constant 9.99999974E-6 : f32
    %add3A_116 = vector.broadcast %add3A_115 : f32 to vector<1000x1xf32>
    %add3A_117 = arith.addf %div3A_114, %add3A_116 : vector<1000x1xf32>
    %rsqrt3A = math.rsqrt %add3A_117 : vector<1000x1xf32>
    %mul3A_118 = vector.broadcast %rsqrt3A : vector<1000x1xf32> to vector<1000x128xf32>
    %mul3A_119 = arith.mulf %sub3A_107, %mul3A_118 : vector<1000x128xf32>
    %get3A_120 = arith.constant 0 : index
    %get3A_121 = arith.constant 0 : index
    %get3A_122 = vector.load %arg15[%get3A_120, %get3A_121] : memref<1x128xf32, #tpu.memory_space<vmem>>, vector<1x128xf32>
    %mul3A_123 = vector.broadcast %get3A_122 : vector<1x128xf32> to vector<1000x128xf32>
    %mul3A_124 = arith.mulf %mul3A_119, %mul3A_123 : vector<1000x128xf32>
    %get3A_125 = arith.constant 0 : index
    %get3A_126 = arith.constant 0 : index
    %get3A_127 = vector.load %arg16[%get3A_125, %get3A_126] : memref<1x128xf32, #tpu.memory_space<vmem>>, vector<1x128xf32>
    %add3A_128 = vector.broadcast %get3A_127 : vector<1x128xf32> to vector<1000x128xf32>
    %add3A_129 = arith.addf %mul3A_124, %add3A_128 : vector<1000x128xf32>
    %max3A_130 = arith.constant 0.000000e+00 : f32
    %max3A_131 = vector.broadcast %max3A_130 : f32 to vector<1000x128xf32>
    %max3A_132 = arith.maximumf %add3A_129, %max3A_131 : vector<1000x128xf32>
    %swap3A = arith.constant 0 : index
    %swap3A_133 = arith.constant 0 : index
    %swap3A_134 = vector.load %arg17[%swap3A, %swap3A_133] : memref<1000x128xf32, #tpu.memory_space<vmem>>, vector<1000x128xf32>
    tpu.vector_store %arg17[%swap3A, %swap3A_133], %max3A_132 {strides = array<i32>} : memref<1000x128xf32, #tpu.memory_space<vmem>>, vector<1000x128xf32>,
    return
  }
  func.func @transform_0(%arg0: i32) -> (i32, i32) {
    %c0_i32 = arith.constant 0 : i32
    %c0_i32_0 = arith.constant 0 : i32
    return %arg0, %c0_i32 : i32, i32
  }
  func.func @transform_1(%arg0: i32) -> (i32, i32, i32) {
    %c0_i32 = arith.constant 0 : i32
    %c0_i32_0 = arith.constant 0 : i32
    %c0_i32_1 = arith.constant 0 : i32
    return %c0_i32, %arg0, %c0_i32_0 : i32, i32, i32
  }
  func.func @transform_2(%arg0: i32) -> (i32, i32, i32) {
    %c0_i32 = arith.constant 0 : i32
    %c0_i32_0 = arith.constant 0 : i32
    %c0_i32_1 = arith.constant 0 : i32
    return %c0_i32, %arg0, %c0_i32_0 : i32, i32, i32
  }
  func.func @transform_3(%arg0: i32) -> (i32, i32, i32) {
    %c0_i32 = arith.constant 0 : i32
    %c0_i32_0 = arith.constant 0 : i32
    %c0_i32_1 = arith.constant 0 : i32
    return %c0_i32, %arg0, %c0_i32_0 : i32, i32, i32
  }
  func.func @transform_4(%arg0: i32) -> (i32, i32, i32) {
    %c0_i32 = arith.constant 0 : i32
    %c0_i32_0 = arith.constant 0 : i32
    %c0_i32_1 = arith.constant 0 : i32
    return %c0_i32, %arg0, %c0_i32_0 : i32, i32, i32
  }
  func.func @transform_5(%arg0: i32) -> (i32, i32) {
    %c0_i32 = arith.constant 0 : i32
    %c0_i32_0 = arith.constant 0 : i32
    %c0_i32_1 = arith.constant 0 : i32
    return %c0_i32, %c0_i32_0 : i32, i32
  }
  func.func @transform_6(%arg0: i32) -> (i32, i32) {
    %c0_i32 = arith.constant 0 : i32
    %c0_i32_0 = arith.constant 0 : i32
    %c0_i32_1 = arith.constant 0 : i32
    return %c0_i32, %c0_i32_0 : i32, i32
  }
  func.func @transform_7(%arg0: i32) -> (i32, i32) {
    %c0_i32 = arith.constant 0 : i32
    %c0_i32_0 = arith.constant 0 : i32
    %c0_i32_1 = arith.constant 0 : i32
    return %c0_i32, %c0_i32_0 : i32, i32
  }
  func.func @transform_8(%arg0: i32) -> (i32, i32) {
    %c0_i32 = arith.constant 0 : i32
    %c0_i32_0 = arith.constant 0 : i32
    %c0_i32_1 = arith.constant 0 : i32
    return %c0_i32, %c0_i32_0 : i32, i32
  }
  func.func @transform_9(%arg0: i32) -> (i32, i32) {
    %c0_i32 = arith.constant 0 : i32
    %c0_i32_0 = arith.constant 0 : i32
    %c0_i32_1 = arith.constant 0 : i32
    return %c0_i32, %c0_i32_0 : i32, i32
  }
  func.func @transform_10(%arg0: i32) -> (i32, i32) {
    %c0_i32 = arith.constant 0 : i32
    %c0_i32_0 = arith.constant 0 : i32
    %c0_i32_1 = arith.constant 0 : i32
    return %c0_i32, %c0_i32_0 : i32, i32
  }
  func.func @transform_11(%arg0: i32) -> (i32, i32) {
    %c0_i32 = arith.constant 0 : i32
    %c0_i32_0 = arith.constant 0 : i32
    %c0_i32_1 = arith.constant 0 : i32
    return %c0_i32, %c0_i32_0 : i32, i32
  }
  func.func @transform_12(%arg0: i32) -> (i32, i32) {
    %c0_i32 = arith.constant 0 : i32
    %c0_i32_0 = arith.constant 0 : i32
    %c0_i32_1 = arith.constant 0 : i32
    return %c0_i32, %c0_i32_0 : i32, i32
  }
  func.func @transform_13(%arg0: i32) -> (i32, i32) {
    %c0_i32 = arith.constant 0 : i32
    %c0_i32_0 = arith.constant 0 : i32
    %c0_i32_1 = arith.constant 0 : i32
    return %c0_i32, %c0_i32_0 : i32, i32
  }
  func.func @transform_14(%arg0: i32) -> (i32, i32) {
    %c0_i32 = arith.constant 0 : i32
    %c0_i32_0 = arith.constant 0 : i32
    %c0_i32_1 = arith.constant 0 : i32
    return %c0_i32, %c0_i32_0 : i32, i32
  }
  func.func @transform_15(%arg0: i32) -> (i32, i32) {
    %c0_i32 = arith.constant 0 : i32
    %c0_i32_0 = arith.constant 0 : i32
    %c0_i32_1 = arith.constant 0 : i32
    return %c0_i32, %c0_i32_0 : i32, i32
  }
  func.func @transform_16(%arg0: i32) -> (i32, i32) {
    %c0_i32 = arith.constant 0 : i32
    %c0_i32_0 = arith.constant 0 : i32
    return %arg0, %c0_i32 : i32, i32
  }
}

</mosaic_0001>

<sc_bundles>
// kernel: kernel.6.cloned.1.call-start
scs
__scs_entry_jumppad:
0x0: {  	(pc) =	sbr.rel $0x88, $3  }
0x1: {  	(tag) =	ssettag $0x0;
	lr =	simm.s32 $0x1  }
0x2: {  	[smem:$0x3F8B] =	sst lr;
	_ =	strace $0xD0000000  }
0x3: {  	_ = 	snop  }
0x4: {  	_ = 	snop  }
0x5: {  	_ = 	snop  }
0x6: {  	_ = 	snop  }
0x7: {  	_ = 	snop  }
__scs_overlays_trampoline_lowered:
0x8: {  	[smem:$0x3F9A] =	sst s0  }
0x9: {  	[smem:$0x3F9B] =	sst s1  }
0xa: {  	[smem:$0x3F9C] =	sst s2  }
0xb: {  	[smem:$0x3F9D] =	sst s3  }
0xc: {  	[smem:$0x3F9E] =	sst s4  }
0xd: {  	[smem:$0x3F9F] =	sst s5  }
0xe: {  	[smem:$0x3FA0] =	sst s6  }
0xf: {  	[smem:$0x3FA1] =	sst s7  }
0x10: {  	[smem:$0x3FA2] =	sst s8  }
0x11: {  	[smem:$0x3FA3] =	sst s9;
	s0 =	simm.s32 @!p0 $0x0  }
0x12: {  	s1 =	sld [smem:$0x3F89];
	s0 =	simm.s32 @p0 $0x1  }
0x13: {  	[smem:$0x3FA4] =	sst s0;
	s0 =	simm.s32 @!p1 $0x0  }
0x14: {  	s2 =	sld [smem:$0x3F88];
	s0 =	simm.s32 @p1 $0x1  }
0x15: {  	[smem:$0x3FA5] =	sst s0;
	s0 =	simm.s32 @!p2 $0x0  }
0x16: {  	s3 =	sld [smem:$0x3FDB];
	s0 =	simm.s32 @p2 $0x1  }
0x17: {  	s4 =	simm.s32 $0x1BF5;
	[smem:$0x3FA7] =	sst s0  }
0x18: {  	s0 =	sld [smem:$0x3F8A];
	_ =	swait.ge [sflag:s4], $0x0  }
0x19: {  	s7 =	sld [smem:$0x3F8B]  }
0x1a: {  	s8 =	sadd.s32 $0xFFFFE003, lr  }
0x1b: {  	s9 =	sadd.s32 $0xFFFFFEF7, lr;
	s5 =	simm.s32 $0xFFFFFFFF;
	p2 =	slt.u32 s8, $0xFFFFF086  }
0x1c: {  	p1 =	slt.u32 s9, $0xF7A;
	s5 =	simm.s32 @!p2 $0x0  }
0x1d: {  	s5 =	simm.s32 @p1 $0x1;
	p0 =	seq.s32 s7, s2  }
0x1e: {  	s7 =	smul.u32 @!p0 $0xF7A, s2;
	p2 =	seq.s32 @!p0 s5, $0x0  }
0x1f: {  	s9 =	smul.u32 $0xF7A, s1;
	s8 =	simm.s32 @!p0 $0x1BF5;
	p2 =	por !p2, p0  }
0x20: {  	[sflag:s8] =	ssyncset.s32 @!p0 $0xFFFFF086;
	s6 =	sadd.s32 @!p0 s3, s7;
	s7 =	simm.s32 @!p0 $0x108  }
0x21: {  	s3 =	sadd.s32 s3, s9;
	s6 =	sadd.s32 @!p0 $0x88, s6;
	s7 =	simm.s32 @p2 $0x1082  }
0x22: {  	[simem:s7], [sflag:s8] =	dma.local @!p0 [hbm:s6], $0xF7A  }
0x23: {  	s9 =	sor.u32 $0xD0000000, s2;
	s6 =	simm.s32 $0x108;
	_ =	swait.ge @!p0 [sflag:s8], $0x0  }
0x24: {  	s3 =	sadd.s32 $0x88, s3;
	s6 =	simm.s32 @!p1 $0x1082;
	[sflag:s4] =	ssyncset.s32 $0xFFFFF086  }
0x25: {  	[simem:s6], [sflag:s4] =	dma.local [hbm:s3], $0xF7A  }
0x26: {  	[smem:$0x3F8B] =	sst s1;
	(tag) =	ssettag s2;
	_ =	strace s9  }
0x27: {  	s1 =	sld [smem:$0x3F9B]  }
0x28: {  	s2 =	sld [smem:$0x3F9C]  }
0x29: {  	s4 =	sld [smem:$0x3F9E]  }
0x2a: {  	p0 =	seq.s32 s5, $0x0;
	s5 =	sld [smem:$0x3F9F]  }
0x2b: {  	s6 =	sld [smem:$0x3FA0]  }
0x2c: {  	s7 =	sld [smem:$0x3FA1]  }
0x2d: {  	s3 =	simm.s32 $0x108;
	s8 =	sld [smem:$0x3FA2]  }
0x2e: {  	s3 =	simm.s32 @!p0 $0x1082;
	s9 =	sld [smem:$0x3FA3]  }
0x2f: {  	lr =	sadd.s32 s0, s3;
	s0 =	sld [smem:$0x3F9A]  }
0x30: {  	s3 =	sld [smem:$0x3F9D]  }
0x31: {  	[smem:$0x3FA6] =	sst s10  }
0x32: {  	s10 =	sld [smem:$0x3FA4];
	_ =	sdelay $0x3  }
0x33: {  	p0 =	seq.s32 s10, $0x1;
	s10 =	sld [smem:$0x3FA6];
	_ =	sdelay $0x3  }
0x34: {  	[smem:$0x3FA6] =	sst s10  }
0x35: {  	s10 =	sld [smem:$0x3FA5];
	_ =	sdelay $0x3  }
0x36: {  	p1 =	seq.s32 s10, $0x1;
	s10 =	sld [smem:$0x3FA6];
	_ =	sdelay $0x3  }
0x37: {  	[smem:$0x3FA6] =	sst s10  }
0x38: {  	s10 =	sld [smem:$0x3FA7]  }
0x39: {  	_ = 	snop;
	(pc) =	sbr.ind lr, $3  }
0x3a: {  	_ = 	snop  }
0x3b: {  	_ = 	snop  }
0x3c: {  	p2 =	seq.s32 s10, $0x1;
	s10 =	sld [smem:$0x3FA6]  }
0x3d: {  	_ =	shalt  }
0x3e: {  	_ =	shalt  }
0x3f: {  	_ =	shalt  }
0x40: {  	_ =	shalt  }
0x41: {  	_ =	shalt  }
0x42: {  	_ =	shalt  }
0x43: {  	_ =	shalt  }
0x44: {  	_ =	shalt  }
0x45: {  	_ =	shalt  }
0x46: {  	_ =	shalt  }
0x47: {  	_ =	shalt  }
0x48: {  	_ =	shalt  }
0x49: {  	_ =	shalt  }
0x4a: {  	_ =	shalt  }
0x4b: {  	_ =	shalt  }
0x4c: {  	_ =	shalt  }
0x4d: {  	_ =	shalt  }
0x4e: {  	_ =	shalt  }
0x4f: {  	_ =	shalt  }
0x50: {  	_ =	shalt  }
0x51: {  	_ =	shalt  }
0x52: {  	_ =	shalt  }
0x53: {  	_ =	shalt  }
0x54: {  	_ =	shalt  }
0x55: {  	_ =	shalt  }
0x56: {  	_ =	shalt  }
0x57: {  	_ =	shalt  }
0x58: {  	_ =	shalt  }
0x59: {  	_ =	shalt  }
0x5a: {  	_ =	shalt  }
0x5b: {  	_ =	shalt  }
0x5c: {  	_ =	shalt  }
0x5d: {  	_ =	shalt  }
0x5e: {  	_ =	shalt  }
0x5f: {  	_ =	shalt  }
0x60: {  	_ =	shalt  }
0x61: {  	_ =	shalt  }
0x62: {  	_ =	shalt  }
0x63: {  	_ =	shalt  }
0x64: {  	_ =	shalt  }
0x65: {  	_ =	shalt  }
0x66: {  	_ =	shalt  }
0x67: {  	_ =	shalt  }
0x68: {  	_ =	shalt  }
0x69: {  	_ =	shalt  }
0x6a: {  	_ =	shalt  }
0x6b: {  	_ =	shalt  }
0x6c: {  	_ =	shalt  }
0x6d: {  	_ =	shalt  }
0x6e: {  	_ =	shalt  }
0x6f: {  	_ =	shalt  }
0x70: {  	_ =	shalt  }
0x71: {  	_ =	shalt  }
0x72: {  	_ =	shalt  }
0x73: {  	_ =	shalt  }
0x74: {  	_ =	shalt  }
0x75: {  	_ =	shalt  }
0x76: {  	_ =	shalt  }
0x77: {  	_ =	shalt  }
0x78: {  	_ =	shalt  }
0x79: {  	_ =	shalt  }
0x7a: {  	_ =	shalt  }
0x7b: {  	_ =	shalt  }
0x7c: {  	_ =	shalt  }
0x7d: {  	_ =	shalt  }
0x7e: {  	_ =	shalt  }
0x7f: {  	_ =	shalt  }
0x80: {  	_ =	shalt  }
0x81: {  	_ =	shalt  }
0x82: {  	_ =	shalt  }
0x83: {  	_ =	shalt  }
0x84: {  	_ =	shalt  }
0x85: {  	_ =	shalt  }
0x86: {  	_ =	shalt  }
0x87: {  	_ =	shalt  }
.Lfunc_end0:
.L_simem_size_0:
called_computation_lowered:
.L_overlay_start_0:
0x88: {  	s2 =	sld [smem:$0x3FD9]  }
0x89: {  	s3 =	sld [smem:$0x3FFE];
	_ =	sdelay $0x1  }
0x8a: {  	s1 =	srdreg.scid  }
0x8b: {  	s0 =	sand.u32 $0x1, s1  }
0x8c: {  	s17 =	sshll.u32 s0, $0xA;
	s2 =	sadd.s32 s3, s2  }
0x8d: {  	s2 =	sadd.s32 s2, s17  }
0x8e: {  	[smem:$0x3FB2] =	sst s2  }
0x8f: {  	_ = 	snop  }
0x90: {  	s2 =	sld [smem:$0x3FC9]  }
0x91: {  	s18 =	sld [smem:$0x3FD0];
	(tm) =	ssettm $0x1  }
0x92: {  	s4 =	sld [smem:$0x3FFB];
	_ =	sdelay $0x3  }
0x93: {  	_ =	strace s4  }
0x94: {  	s4 =	sld [smem:$0x3FFC];
	_ =	sdelay $0x3  }
0x95: {  	_ =	strace s4  }
0x96: {  	s4 =	sld [smem:$0x3FFD];
	_ =	sdelay $0x3  }
0x97: {  	_ =	strace s4  }
0x98: {  	_ =	strace $0x8FFFFFFF  }
0x99: {  	s19 =	sld [smem:$0x3FDB];
	_ =	sdelay $0x1  }
0x9a: {  	s5 =	simm.s32 $_scs_section_size  }
0x9b: {  	s6 =	simm.s32 $_size__tile_overlayer_lowered;
	s7 =	simm.s32 $_tile_overlayer_lowered  }
0x9c: {  	s22 =	simm.s32 $0x1BFF;
	s21 =	sshll.u32 s7, $0x1;
	s4 =	sadd.s32 s5, s19  }
0x9d: {  	s8 =	simm.s32 $0x0;
	s20 =	sshll.u32 s6, $0x1;
	s6 =	sadd.s32 s21, s4  }
0x9e: {  	[timem:s8], [sflag:s22] =	dma.local [hbm:s6], s20  }
0x9f: {  	_ =	swait.ge [sflag:s22], s20  }
0xa0: {  	s5 =	ssub.s32 $0x0, s20;
	[sflag:s22] =	ssyncset.done $0x0  }
0xa1: {  	[sflag:s22] =	ssyncadd.s32 s5;
	_ =	sdelay $0x1  }
0xa2: {  	s23 =	simm.s32 $0x1B8B  }
0xa3: {  	_ =	swait.ge [sflag:s23], $0x1  }
0xa4: {  	[sflag:s23] =	ssyncset.done $0x0  }
0xa5: {  	s25 =	simm.s32 $0x1B8E;
	s24 =	sld [smem:$0x3FFE];
	[sflag:s23] =	ssyncadd.s32 $0xFFFFFFFF  }
0xa6: {  	s26 =	simm.s32 $execute0_lowered;
	[smem:$0x3FD2] =	sst s25  }
0xa7: {  	s6 =	sshll.u32 s26, $0x1;
	_ =	strace $0x80000046;
	[dreg:$0x1] =	wrdreg $0xFFFFFFFF  }
0xa8: {  	s28 =	simm.s32 $_size_execute0_lowered;
	s4 =	sadd.s32 s4, s6;
	[dreg:$0x0] =	wrdreg $0x0  }
0xa9: {  	s6 =	sshll.u32 s28, $0x1;
	[dreg:$0x2] =	wrdreg s4  }
0xaa: {  	[dreg:$0x3] =	wrdreg s6  }
0xab: {  	[dreg:$0x4] =	wrdreg $0xC0  }
0xac: {  	_ =	task [dreg:s8], $0x5FFFF  }
0xad: {  	[dreg:$0x1] =	wrdreg $0xFFFFFFFF  }
0xae: {  	[dreg:$0x0] =	wrdreg $0x60  }
0xaf: {  	[dreg:$0x2] =	wrdreg s18  }
0xb0: {  	[dreg:$0x3] =	wrdreg s24  }
0xb1: {  	[dreg:$0x4] =	wrdreg s2  }
0xb2: {  	[dreg:$0x5] =	wrdreg $0xA7000  }
0xb3: {  	[dreg:$0x6] =	wrdreg $0x93000  }
0xb4: {  	[dreg:$0x7] =	wrdreg $0x9  }
0xb5: {  	_ =	task.clear_ibuf [dreg:s8], $0x8FFFF;
	_ =	strace $0x90000046  }
0xb6: {  	s29 =	simm.s32 $0x9;
	_ =	strace $0x80000048  }
0xb7: {  	_ =	swait.ge [sflag:s29], $0x1  }
0xb8: {  	[sflag:s29] =	ssyncadd.s32 $0xFFFFFFFF  }
0xb9: {  	_ =	strace $0x90000048  }
0xba: {  	_ =	sfence  }
0xbb: {  	s30 =	sld [smem:$0x0];
	_ =	sdelay $0x2  }
0xbc: {  	s31 =	sshll.u32 s1, $0xD;
	s1 =	sshrl.u32 s1, $0x2  }
0xbd: {  	s3 =	sand.u32 $0x4000, s31;
	s1 =	sadd.s32 s1, s30  }
0xbe: {  	s0 =	sor.u32 s3, s0;
	s1 =	sshll.u32 s1, $0x11  }
0xbf: {  	s0 =	sor.u32 s1, s0  }
0xc0: {  	s0 =	sadd.s32 $0x8F2B, s0  }
0xc1: {  	[sflag:s0] =	ssyncadd.remote.s32 $0x1  }
0xc2: {  	_ =	sfence.sel $0xFFFF  }
0xc3: {  	[dreg:$0x0] =	wrdreg $0xFFFFFFFF;
	(pc) =	sbr.abs _section_cstart, $3  }
0xc4: {  	[dreg:$0x1] =	wrdreg $0xFFFFFFFF  }
0xc5: {  	_ =	task.clear_ibuf [dreg:s8], $0x2FFFF;
	_ =	strace $0x9FFFFFFF  }
0xc6: {  	(tm) =	ssettm $0x7FFFFFFF  }
0xc7: {  	_ =	shalt  }
tec
execute0_lowered:
.L_overlay_start_1:
0x0: {  	(tag) =	ssettag $0x1  }
0x1: {  	s3 =	rddreg [dreg:$0x1]  }
0x2: {  	s0 =	srdreg.scid;
	s1 =	simm.s32 $0x0;
	s10 =	stileid.u32  }
0x3: {  	s2 =	simm.s32 $0x0;
	[dreg:$0x6] =	wrdreg s1;
	s14 =	smul.u32 $0x280, s10  }
0x4: {  	[smem:$0x7FF] =	sst s2;
	s9 =	smul.u32 $0x14000, s10  }
0x5: {  	s1 =	sadd.s32 $0x63200, s3;
	s0 =	sand.u32 $0x1, s0;
	s11 =	smul.u32 $0x1400, s10  }
0x6: {  	s8 =	sadd.s32 $0x5E200, s3;
	s5 =	sshll.u32 s10, $0x1;
	s17 =	smul.u32 $0x140000, s0  }
0x7: {  	s21 =	ssub.s32 $0x2, s0;
	s2 =	sor.u32 s0, s5;
	s0 =	smul.u32 $0x14000, s0  }
0x8: {  	s4 =	sshrl.u32 s21, $0x1;
	s7 =	sadd.s32 $0x80, s14;
	s6 =	sadd.s32 $0x100, s14  }
0x9: {  	s10 =	sadd.s32 $0x180, s14;
	s5 =	sadd.s32 $0x200, s14;
	s14 =	rddreg [dreg:$0x2]  }
0xa: {  	s4 =	ssub.s32 s21, s4;
	s12 =	sshll.u32 s7, $0x7;
	s13 =	sshll.u32 s6, $0x7  }
0xb: {  	s16 =	sshll.u32 s10, $0x7;
	s15 =	sshll.u32 s5, $0x7;
	s22 =	sadd.s32 s9, s17  }
0xc: {  	s19 =	sadd.s32 s11, s0;
	s0 =	sshrl.u32 s0, $0x3;
	s25 =	sadd.s32 s8, s7  }
0xd: {  	s26 =	sadd.s32 s8, s6;
	s20 =	sadd.s32 s8, s10;
	s18 =	sshrl.u32 s22, $0x3  }
0xe: {  	s23 =	sadd.s32 s17, s12;
	s24 =	sadd.s32 s17, s13;
	s19 =	sshrl.u32 s19, $0x3  }
0xf: {  	s20 =	sadd.s32 s0, s20;
	s22 =	sadd.s32 s17, s16;
	s21 =	sshrl.u32 s23, $0x3  }
0x10: {  	s19 =	sadd.s32 s8, s19;
	[dreg:$0xa] =	wrdreg s20;
	s23 =	sadd.s32 s17, s15  }
0x11: {  	s17 =	sshrl.u32 s24, $0x3;
	s24 =	sadd.s32 s1, s18;
	[dreg:$0x7] =	wrdreg s19  }
0x12: {  	s8 =	sadd.s32 s8, s5;
	s19 =	sadd.s32 s0, s25;
	[dreg:$0xc] =	wrdreg s24  }
0x13: {  	s20 =	sadd.s32 $0xB3200, s3;
	s25 =	sadd.s32 s1, s21;
	[dreg:$0x8] =	wrdreg s19  }
0x14: {  	s19 =	sadd.s32 s0, s26;
	s0 =	sadd.s32 s0, s8;
	s8 =	rddreg [dreg:$0x0]  }
0x15: {  	s24 =	sadd.s32 s20, s21;
	[dreg:$0xd] =	wrdreg s25  }
0x16: {  	[dreg:$0x12] =	wrdreg s24  }
0x17: {  	[dreg:$0x9] =	wrdreg s19  }
0x18: {  	s26 =	sadd.s32 s1, s17;
	[dreg:$0xb] =	wrdreg s0  }
0x19: {  	s25 =	sadd.s32 s20, s17;
	s0 =	sshrl.u32 s22, $0x3;
	[dreg:$0xe] =	wrdreg s26  }
0x1a: {  	s19 =	sshrl.u32 s23, $0x3;
	s23 =	sadd.s32 s20, s18;
	[dreg:$0x13] =	wrdreg s25  }
0x1b: {  	s22 =	sadd.s32 s1, s0;
	[dreg:$0x11] =	wrdreg s23  }
0x1c: {  	s1 =	sadd.s32 s1, s19;
	[dreg:$0xf] =	wrdreg s22  }
0x1d: {  	v4 =	vlaneseq.u32;
	s26 =	sadd.s32 s20, s0;
	[dreg:$0x10] =	wrdreg s1  }
0x1e: {  	v0 =	vmul.u32 $0x8, v4;
	[dreg:$0x14] =	wrdreg s26  }
0x1f: {  	v1 =	vimm.f32 $0.0e+00;
	v3 =	vshrl.u32 v4, $0x3;
	v2 =	vmul.u32 $0x4, v4;
	s23 =	sadd.s32 $0x103200, s3;
	s22 =	sadd.s32 s20, s19;
	s20 =	rddreg [dreg:$0x3]  }
0x20: {  	v4 =	vand.u32 $0x7, v4;
	v3 =	vmul.u32 $0x8, v3;
	v22 =	vor.u32 $0x4, v0;
	s18 =	sadd.s32 s23, s18;
	[dreg:$0x15] =	wrdreg s22  }
0x21: {  	v6 =	vor.u32 $0x1, v0;
	v23 =	vor.u32 $0x5, v0;
	v25 =	vor.u32 $0x1, v2;
	s24 =	sadd.s32 s23, s21;
	[dreg:$0x16] =	wrdreg s18  }
0x22: {  	v9 =	vor.u32 $0x2, v0;
	v26 =	vor.u32 $0x6, v0;
	v28 =	vor.u32 $0x2, v2;
	s17 =	sadd.s32 s23, s17;
	[dreg:$0x17] =	wrdreg s24  }
0x23: {  	s28 =	simm.s32 $0x900;
	v12 =	vor.u32 $0x3, v0;
	v29 =	vor.u32 $0x7, v0;
	v31 =	vor.u32 $0x3, v2;
	s0 =	sadd.s32 s23, s0;
	[dreg:$0x18] =	wrdreg s17  }
0x24: {  	s29 =	sadd.s32 $0x3600, s3;
	v15 =	vor.u32 $0x80, v0;
	v32 =	vor.u32 $0x84, v0;
	v34 =	vor.u32 $0x40, v2;
	s25 =	sadd.s32 s23, s19;
	[dreg:$0x19] =	wrdreg s0  }
0x25: {  	s30 =	sadd.s32 $0x2A800, s3;
	s31 =	sadd.s32 $0x2D000, s3;
	v18 =	vor.u32 $0x81, v0;
	v35 =	vor.u32 $0x85, v0;
	v5 =	vor.u32 $0x100, v2;
	[dreg:$0x1a] =	wrdreg s25  }
0x26: {  	v37 =	vor.u32 $0x41, v2;
	v21 =	vor.u32 $0x82, v0;
	v60 =	vor.u32 $0x187, v0;
	s24 =	rddreg [dreg:$0x4];
	_ =	strace $0x80000047;
	[tilespmem:$0x1FF20] =	vst v5  }
0x27: {  	v38 =	vor.u32 $0x86, v0;
	v40 =	vor.u32 $0x42, v2;
	v61 =	vor.u32 $0xC3, v2;
	s23 =	sadd.s32 $0x780000, s3;
	s1 =	sadd.s32 $0x59200, s3;
	s26 =	sadd.s32 s9, s20;
	[tilespmem:$0x1FFC0] =	vst v60  }
0x28: {  	v24 =	vor.u32 $0x83, v0;
	v41 =	vor.u32 $0x87, v0;
	v62 =	vor.u32 $0x200, v0;
	s3 =	sadd.s32 $0x54200, s3;
	s9 =	sadd.s32 s12, s20;
	[dreg:$0x1b] =	wrdreg s26;
	[tilespmem:$0x1FFD0] =	vst v61  }
0x29: {  	v43 =	vor.u32 $0x43, v2;
	v27 =	vor.u32 $0x100, v0;
	v63 =	vor.u32 $0x204, v0;
	s19 =	sshll.u32 s6, $0x3;
	s12 =	sadd.s32 s13, s20;
	[dreg:$0x1c] =	wrdreg s9;
	[tilespmem:$0x1FFE0] =	vst v62  }
0x2a: {  	v44 =	vor.u32 $0x104, v0;
	v46 =	vor.u32 $0x80, v2;
	s21 =	sshll.u32 s10, $0x3;
	s13 =	sadd.s32 s16, s20;
	[dreg:$0x1d] =	wrdreg s12;
	v5 =	vor.u32 $0x201, v0;
	[tilespmem:$0x1FFF0] =	vst v63  }
0x2b: {  	v30 =	vor.u32 $0x101, v0;
	v47 =	vor.u32 $0x105, v0;
	s10 =	simm.s32 $0x5300;
	s16 =	sadd.s32 s15, s20;
	[dreg:$0x1e] =	wrdreg s13;
	[tilespmem:$0x1FF30] =	vst v5;
	v5 =	vor.u32 $0x205, v0  }
0x2c: {  	v49 =	vor.u32 $0x81, v2;
	v33 =	vor.u32 $0x102, v0;
	s18 =	sshll.u32 s7, $0x3;
	s25 =	sshll.u32 s5, $0x3;
	[dreg:$0x1f] =	wrdreg s16;
	[tilespmem:$0x1FF40] =	vst v5;
	v5 =	vor.u32 $0x101, v2  }
0x2d: {  	v50 =	vor.u32 $0x106, v0;
	v52 =	vor.u32 $0x82, v2;
	s17 =	sadd.s32 s11, s24;
	s0 =	sadd.s32 s18, s24;
	s22 =	sadd.s32 s21, s24;
	[tilespmem:$0x1FF50] =	vst v5;
	v5 =	vor.u32 $0x202, v0  }
0x2e: {  	v36 =	vor.u32 $0x103, v0;
	v53 =	vor.u32 $0x107, v0;
	s26 =	smax.u32 s4, $0x1;
	s18 =	simm.s32 $0x1300;
	[smem:$0x7F8] =	sst s17;
	[tilespmem:$0x1FF60] =	vst v5;
	v5 =	vor.u32 $0x206, v0  }
.Ltmp0:
0x2f: {  	v55 =	vor.u32 $0x83, v2;
	v39 =	vor.u32 $0x180, v0;
	s21 =	simm.s32 $0x2;
	[smem:$0x7F9] =	sst s0;
	[tilespmem:$0x1FF70] =	vst v5;
	v5 =	vor.u32 $0x102, v2;
	(pc) =	sbr.rel .LBB2_1-.Ltmp0, $4  }
0x30: {  	v56 =	vor.u32 $0x184, v0;
	v58 =	vor.u32 $0xC0, v2;
	s16 =	simm.s32 $0xD00;
	s0 =	sadd.s32 s19, s24;
	[smem:$0x7FB] =	sst s22;
	[tilespmem:$0x1FF80] =	vst v5;
	v5 =	vor.u32 $0x203, v0  }
0x31: {  	v42 =	vor.u32 $0x181, v0;
	v59 =	vor.u32 $0x185, v0;
	[smem:$0x7FD] =	sst s26;
	s17 =	simm.s32 $0xF00;
	s19 =	simm.s32 $0x1;
	[tilespmem:$0x1FF90] =	vst v5;
	v5 =	vor.u32 $0x207, v0  }
0x32: {  	v45 =	vor.u32 $0xC1, v2;
	v48 =	vor.u32 $0x182, v0;
	s22 =	simm.s32 $0x80;
	[smem:$0x7FA] =	sst s0;
	s0 =	sadd.s32 s25, s24;
	[tilespmem:$0x1FFA0] =	vst v5;
	v5 =	vor.u32 $0x103, v2  }
0x33: {  	v51 =	vor.u32 $0x186, v0;
	v54 =	vor.u32 $0xC2, v2;
	v57 =	vor.u32 $0x183, v0;
	s26 =	simm.s32 $0x500;
	s25 =	simm.s32 $0x100;
	[smem:$0x7FC] =	sst s0;
	[tilespmem:$0x1FFB0] =	vst v5  }
.LBB2_27:
0x34: {  	[bflag:$0x0] =	sbarrier.arrive $0xFFFF  }
0x35: {  	s6 =	sld [smem:$0x7F7];
	_ =	sdelay $0x1  }
0x36: {  	s0 =	rddreg [dreg:$0x16]  }
0x37: {  	[hbm:s0], [sflag:s11] =	dma.local [spmem:s6], $0x800  }
0x38: {  	_ =	swait.ge [sflag:s19], $0x800  }
0x39: {  	[sflag:s19] =	ssyncset.done $0x0  }
0x3a: {  	s6 =	rddreg [dreg:$0x17];
	[sflag:s19] =	ssyncadd.s32 $0xFFFFF800  }
0x3b: {  	[hbm:s6], [sflag:s11] =	dma.local [spmem:s13], $0x800  }
0x3c: {  	_ =	swait.ge [sflag:s19], $0x800  }
0x3d: {  	[sflag:s19] =	ssyncset.done $0x0  }
0x3e: {  	s7 =	rddreg [dreg:$0x18];
	[sflag:s19] =	ssyncadd.s32 $0xFFFFF800  }
0x3f: {  	[hbm:s7], [sflag:s11] =	dma.local [spmem:s15], $0x800  }
0x40: {  	_ =	swait.ge [sflag:s19], $0x800  }
0x41: {  	[sflag:s19] =	ssyncset.done $0x0  }
0x42: {  	s9 =	rddreg [dreg:$0x19];
	[sflag:s19] =	ssyncadd.s32 $0xFFFFF800  }
0x43: {  	[hbm:s9], [sflag:s11] =	dma.local [spmem:s4], $0x800  }
0x44: {  	_ =	swait.ge [sflag:s19], $0x800  }
0x45: {  	[sflag:s19] =	ssyncset.done $0x0  }
0x46: {  	s12 =	rddreg [dreg:$0x1a];
	[sflag:s19] =	ssyncadd.s32 $0xFFFFF800  }
0x47: {  	[hbm:s12], [sflag:s11] =	dma.local [spmem:s5], $0x800  }
0x48: {  	_ =	swait.ge [sflag:s19], $0x800  }
0x49: {  	s15 =	sld [smem:$0x7FD]  }
0x4a: {  	s13 =	rddreg [dreg:$0x6]  }
0x4b: {  	s0 =	sadd.s32 $0x1, s13  }
0x4c: {  	p0 =	sne.s32 s0, s15  }
.Ltmp1:
0x4d: {  	_ = 	snop;
	(pc) =	sbr.rel @!p0 .LBB2_28-.Ltmp1, $3  }
0x4e: {  	_ =	sdelay $0x1  }
0x4f: {  	[sflag:s19] =	ssyncset.done $0x0  }
0x50: {  	[sflag:s19] =	ssyncadd.s32 $0xFFFFF800;
	[dreg:$0x6] =	wrdreg s0  }
.LBB2_1:
0x51: {  	s0 =	simm.s32 $0x0;
	s4 =	simm.s32 $0x200  }
.LBB2_2:
0x52: {  	p0 =	sne.s32 s4, $0xFE00;
	[tilespmem:s0+$0x1370] =	vst v1  }
0x53: {  	[tilespmem:s0+$0x1300] =	vst v1  }
0x54: {  	[tilespmem:s0+$0x1310] =	vst v1  }
.Ltmp2:
0x55: {  	[tilespmem:s0+$0x1320] =	vst v1;
	(pc) =	sbr.rel @p0 .LBB2_2-.Ltmp2, $4  }
0x56: {  	[tilespmem:s0+$0x1330] =	vst v1  }
0x57: {  	[tilespmem:s0+$0x1340] =	vst v1  }
0x58: {  	[tilespmem:s0+$0x1350] =	vst v1  }
0x59: {  	[tilespmem:s0+$0x1360] =	vst v1;
	s0 =	sshra.s32 s4, $0x2;
	s4 =	sadd.s32 $0x200, s4  }
0x5a: {  	[tilespmem:s0+$0x1370] =	vst v1  }
0x5b: {  	[tilespmem:s0+$0x1300] =	vst v1  }
0x5c: {  	[tilespmem:s0+$0x1310] =	vst v1  }
0x5d: {  	[tilespmem:s0+$0x1320] =	vst v1;
	s4 =	simm.s32 $0x0  }
0x5e: {  	[tilespmem:s0+$0x1330] =	vst v1;
	v5 =	vmov s4  }
0x5f: {  	[tilespmem:s0+$0x1340] =	vst v1;
	v5 =	vshll.u32 v5, $0x3  }
0x60: {  	[tilespmem:s0+$0x1350] =	vst v1;
	v5 =	vor.u32 v3, v5  }
0x61: {  	[tilespmem:s0+$0x1360] =	vst v1;
	s0 =	simm.s32 $0x2;
	v5 =	vor.u32 v4, v5  }
.LBB2_4:
0x62: {  	p0 =	sne.s32 s0, $0x7E  }
.Ltmp3:
0x63: {  	_ = 	snop;
	(pc) =	sbr.rel @p0 .LBB2_4-.Ltmp3, $4  }
0x64: {  	v7 =	vmov s0  }
0x65: {  	v7 =	vshll.u32 v7, $0x3  }
0x66: {  	v7 =	vor.u32 v3, v7  }
0x67: {  	s0 =	sadd.s32 $0x2, s0;
	[tilespmem:v5+s17+$0x0] =	vst.idx.msk $0xffff, v1;
	v5 =	vor.u32 v4, v7  }
0x68: {  	_ =	sdelay $0x3  }
0x69: {  	[tilespmem:v5+s17+$0x0] =	vst.idx.msk $0xffff, v1;
	s0 =	rddreg [dreg:$0x1b]  }
0x6a: {  	[spmem:s0] =	stream.linear.scatter [tilespmem:s18], [sflag:$0x1], $0x4000, $0x38;
	[tilespmem:$0x1E700] =	vst v63  }
0x6b: {  	_ =	swait.ge [sflag:s19], $0x4000  }
0x6c: {  	[sflag:s19] =	ssyncset.done $0x0  }
0x6d: {  	s4 =	rddreg [dreg:$0x1c];
	[sflag:s19] =	ssyncadd.s32 $0xFFFFC000  }
0x6e: {  	[spmem:s4] =	stream.linear.scatter [tilespmem:s18], [sflag:$0x1], $0x4000, $0x38;
	[tilespmem:$0x1E700] =	vst v63  }
0x6f: {  	_ =	swait.ge [sflag:s19], $0x4000  }
0x70: {  	[sflag:s19] =	ssyncset.done $0x0  }
0x71: {  	s5 =	rddreg [dreg:$0x1d];
	[sflag:s19] =	ssyncadd.s32 $0xFFFFC000  }
0x72: {  	[spmem:s5] =	stream.linear.scatter [tilespmem:s18], [sflag:$0x1], $0x4000, $0x38;
	[tilespmem:$0x1E700] =	vst v63  }
0x73: {  	_ =	swait.ge [sflag:s19], $0x4000  }
0x74: {  	[sflag:s19] =	ssyncset.done $0x0  }
0x75: {  	s6 =	rddreg [dreg:$0x1e];
	[sflag:s19] =	ssyncadd.s32 $0xFFFFC000  }
0x76: {  	[spmem:s6] =	stream.linear.scatter [tilespmem:s18], [sflag:$0x1], $0x4000, $0x38;
	[tilespmem:$0x1E700] =	vst v63  }
0x77: {  	_ =	swait.ge [sflag:s19], $0x4000  }
0x78: {  	[sflag:s19] =	ssyncset.done $0x0  }
0x79: {  	s7 =	rddreg [dreg:$0x1f];
	[sflag:s19] =	ssyncadd.s32 $0xFFFFC000  }
0x7a: {  	[spmem:s7] =	stream.linear.scatter [tilespmem:s18], [sflag:$0x1], $0x4000, $0x38;
	[tilespmem:$0x1E700] =	vst v63  }
0x7b: {  	_ =	swait.ge [sflag:s19], $0x4000  }
0x7c: {  	s9 =	sld [smem:$0x7F8]  }
0x7d: {  	[sflag:s19] =	ssyncset.done $0x0  }
0x7e: {  	[sflag:s19] =	ssyncadd.s32 $0xFFFFC000  }
0x7f: {  	[spmem:s9] =	stream.linear.scatter [tilespmem:s17], [sflag:$0x1], $0x400, $0x38;
	[tilespmem:$0x1E700] =	vst v63  }
0x80: {  	_ =	swait.ge [sflag:s19], $0x400  }
0x81: {  	s11 =	sld [smem:$0x7F9]  }
0x82: {  	[sflag:s19] =	ssyncset.done $0x0  }
0x83: {  	[sflag:s19] =	ssyncadd.s32 $0xFFFFFC00  }
0x84: {  	[spmem:s11] =	stream.linear.scatter [tilespmem:s17], [sflag:$0x1], $0x400, $0x38;
	[tilespmem:$0x1E700] =	vst v63  }
0x85: {  	_ =	swait.ge [sflag:s19], $0x400  }
0x86: {  	s12 =	sld [smem:$0x7FA]  }
0x87: {  	[sflag:s19] =	ssyncset.done $0x0  }
0x88: {  	[sflag:s19] =	ssyncadd.s32 $0xFFFFFC00  }
0x89: {  	[spmem:s12] =	stream.linear.scatter [tilespmem:s17], [sflag:$0x1], $0x400, $0x38;
	[tilespmem:$0x1E700] =	vst v63  }
0x8a: {  	_ =	swait.ge [sflag:s19], $0x400  }
0x8b: {  	s13 =	sld [smem:$0x7FB]  }
0x8c: {  	[sflag:s19] =	ssyncset.done $0x0  }
0x8d: {  	[sflag:s19] =	ssyncadd.s32 $0xFFFFFC00  }
0x8e: {  	[spmem:s13] =	stream.linear.scatter [tilespmem:s17], [sflag:$0x1], $0x400, $0x38;
	[tilespmem:$0x1E700] =	vst v63  }
0x8f: {  	_ =	swait.ge [sflag:s19], $0x400  }
0x90: {  	s15 =	sld [smem:$0x7FC]  }
0x91: {  	[sflag:s19] =	ssyncset.done $0x0  }
0x92: {  	[sflag:s19] =	ssyncadd.s32 $0xFFFFFC00  }
0x93: {  	[spmem:s15] =	stream.linear.scatter [tilespmem:s17], [sflag:$0x1], $0x400, $0x38;
	[tilespmem:$0x1E700] =	vst v63  }
.Ltmp4:
0x94: {  	_ =	swait.ge [sflag:s19], $0x400;
	(pc) =	sbr.rel .LBB2_6-.Ltmp4, $4  }
0x95: {  	[sflag:s19] =	ssyncset.done $0x0  }
0x96: {  	[sflag:s19] =	ssyncadd.s32 $0xFFFFFC00  }
0x97: {  	[bflag:$0x0] =	sbarrier.arrive $0xFFFF  }
0x98: {  	s4 =	simm.s32 $0x0  }
.LBB2_10:
0x99: {  	s4 =	sadd.s32 $0x1, s4  }
0x9a: {  	p0 =	sne.s32 s4, $0x28  }
.Ltmp5:
0x9b: {  	_ = 	snop;
	(pc) =	sbr.rel @!p0 .LBB2_11-.Ltmp5, $1  }
0x9c: {  	_ =	sdelay $0x3  }
.LBB2_6:
0x9d: {  	s0 =	sshll.u32 s4, $0x5  }
0x9e: {  	s0 =	sor.u32 s2, s0  }
0x9f: {  	p0 =	sgt.u32 s0, $0x4E1  }
.Ltmp6:
0xa0: {  	_ = 	snop;
	(pc) =	sbr.rel @p0 .LBB2_10-.Ltmp6, $1  }
0xa1: {  	_ =	sdelay $0x3  }
0xa2: {  	s6 =	sshll.u32 s0, $0x4  }
0xa3: {  	s5 =	simm.s32 $0x0;
	s7 =	sadd.s32 s1, s6  }
0xa4: {  	[tilespmem:s5], [sflag:$0x2] =	stream.linear.gather [hbm4b:s7+s5], $0x80, $0x38;
	[tilespmem:$0x1E700] =	vst v63  }
0xa5: {  	_ =	swait.ge [sflag:s21], $0x80  }
0xa6: {  	[sflag:s21] =	ssyncset.done $0x0  }
0xa7: {  	s6 =	sadd.s32 s3, s6;
	[sflag:s21] =	ssyncadd.s32 $0xFFFFFF80  }
0xa8: {  	[tilespmem:s22], [sflag:$0x2] =	stream.linear.gather [hbm4b:s6+s5], $0x80, $0x38;
	[tilespmem:$0x1E700] =	vst v63  }
0xa9: {  	_ =	swait.ge [sflag:s21], $0x80  }
0xaa: {  	s15 =	sshll.u32 s0, $0x7;
	[sflag:s21] =	ssyncset.done $0x0  }
0xab: {  	s0 =	sadd.s32 s31, s15;
	[sflag:s21] =	ssyncadd.s32 $0xFFFFFF80  }
0xac: {  	[tilespmem:s25], [sflag:$0x2] =	stream.linear.gather [hbm4b:s0+s5], $0x400, $0x38;
	[tilespmem:$0x1E700] =	vst v63  }
0xad: {  	_ =	swait.ge [sflag:s21], $0x400  }
0xae: {  	[sflag:s21] =	ssyncset.done $0x0  }
0xaf: {  	[sflag:s21] =	ssyncadd.s32 $0xFFFFFC00  }
0xb0: {  	[tilespmem:s26], [sflag:$0x2] =	stream.indirect.gather [hbm4b:s30+s22], $0x8, s5, s22, $0xb8;
	[tilespmem:$0x1E700] =	vst v63  }
0xb1: {  	_ =	swait.ge [sflag:s21], $0x400  }
0xb2: {  	[sflag:s21] =	ssyncset.done $0x0  }
0xb3: {  	[sflag:s21] =	ssyncadd.s32 $0xFFFFFC00  }
0xb4: {  	[tilespmem:s28], [sflag:$0x2] =	stream.indirect.gather [hbm4b:s30+s22], $0x8, s22, s22, $0xb8;
	[tilespmem:$0x1E700] =	vst v63  }
0xb5: {  	_ =	swait.ge [sflag:s21], $0x400  }
0xb6: {  	[sflag:s21] =	ssyncset.done $0x0  }
0xb7: {  	[sflag:s21] =	ssyncadd.s32 $0xFFFFFC00  }
0xb8: {  	[tilespmem:s18], [sflag:$0x2] =	stream.indirect.gather [hbm4b:s8+s22], $0x80, s5, s22, $0xb8;
	[tilespmem:$0x1E700] =	vst v63  }
0xb9: {  	_ =	swait.ge [sflag:s21], $0x4000  }
0xba: {  	[sflag:s21] =	ssyncset.done $0x0  }
0xbb: {  	[sflag:s21] =	ssyncadd.s32 $0xFFFFC000  }
0xbc: {  	v5 =	vld.idx.msk [tilespmem:v0+s26+$0x0], $0xffff  }
0xbd: {  	v7 =	vld.idx.msk [tilespmem:v22+s28+$0x0], $0xffff;
	_ =	sdelay $0x1  }
0xbe: {  	v8 =	vld.idx.msk [tilespmem:v0+s25+$0x0], $0xffff;
	_ =	sdelay $0x2  }
0xbf: {  	v5 =	vadd.f32 v7, v5;
	_ =	sdelay $0x1  }
0xc0: {  	v5 =	vadd.f32 v8, v5;
	_ =	sdelay $0x1  }
0xc1: {  	v7 =	vmul.f32 $2.000000030e-01, v5;
	_ =	sdelay $0x1  }
0xc2: {  	v5 =	vmax.f32 v5, v7  }
0xc3: {  	v5 =	vmul.f32 $1.442695020e+00, v5;
	_ =	sdelay $0x1  }
0xc4: {  	(erf) = vpow2.f32 v5;
	_ =	sdelay $0x8  }
0xc5: {  	v5 =	vpop (erf)  }
0xc6: {  	[tilespmem:v2+s16+$0x0] =	vst.idx.msk $0xffff, v5  }
0xc7: {  	[tilespmem:v0+s17+$0x0] =	vst.idx.msk $0xffff, v5  }
0xc8: {  	v5 =	vld.idx.msk [tilespmem:v6+s26+$0x0], $0xffff  }
0xc9: {  	v7 =	vld.idx.msk [tilespmem:v23+s28+$0x0], $0xffff;
	_ =	sdelay $0x1  }
0xca: {  	v8 =	vld.idx.msk [tilespmem:v6+s25+$0x0], $0xffff;
	_ =	sdelay $0x2  }
0xcb: {  	v5 =	vadd.f32 v7, v5;
	_ =	sdelay $0x1  }
0xcc: {  	v5 =	vadd.f32 v8, v5;
	_ =	sdelay $0x1  }
0xcd: {  	v7 =	vmul.f32 $2.000000030e-01, v5;
	_ =	sdelay $0x1  }
0xce: {  	v5 =	vmax.f32 v5, v7  }
0xcf: {  	v5 =	vmul.f32 $1.442695020e+00, v5;
	_ =	sdelay $0x1  }
0xd0: {  	(erf) = vpow2.f32 v5;
	_ =	sdelay $0x8  }
0xd1: {  	v5 =	vpop (erf)  }
0xd2: {  	[tilespmem:v25+s16+$0x0] =	vst.idx.msk $0xffff, v5  }
0xd3: {  	[tilespmem:v6+s17+$0x0] =	vst.idx.msk $0xffff, v5  }
0xd4: {  	v5 =	vld.idx.msk [tilespmem:v9+s26+$0x0], $0xffff  }
0xd5: {  	v7 =	vld.idx.msk [tilespmem:v26+s28+$0x0], $0xffff;
	_ =	sdelay $0x1  }
0xd6: {  	v8 =	vld.idx.msk [tilespmem:v9+s25+$0x0], $0xffff;
	_ =	sdelay $0x2  }
0xd7: {  	v5 =	vadd.f32 v7, v5;
	_ =	sdelay $0x1  }
0xd8: {  	v5 =	vadd.f32 v8, v5;
	_ =	sdelay $0x1  }
0xd9: {  	v7 =	vmul.f32 $2.000000030e-01, v5;
	_ =	sdelay $0x1  }
0xda: {  	v5 =	vmax.f32 v5, v7  }
0xdb: {  	v5 =	vmul.f32 $1.442695020e+00, v5;
	_ =	sdelay $0x1  }
0xdc: {  	(erf) = vpow2.f32 v5;
	_ =	sdelay $0x8  }
0xdd: {  	v5 =	vpop (erf)  }
0xde: {  	[tilespmem:v28+s16+$0x0] =	vst.idx.msk $0xffff, v5  }
0xdf: {  	[tilespmem:v9+s17+$0x0] =	vst.idx.msk $0xffff, v5  }
0xe0: {  	v5 =	vld.idx.msk [tilespmem:v12+s26+$0x0], $0xffff  }
0xe1: {  	v7 =	vld.idx.msk [tilespmem:v29+s28+$0x0], $0xffff;
	_ =	sdelay $0x1  }
0xe2: {  	v8 =	vld.idx.msk [tilespmem:v12+s25+$0x0], $0xffff;
	_ =	sdelay $0x2  }
0xe3: {  	v5 =	vadd.f32 v7, v5;
	_ =	sdelay $0x1  }
0xe4: {  	v5 =	vadd.f32 v8, v5;
	_ =	sdelay $0x1  }
0xe5: {  	v7 =	vmul.f32 $2.000000030e-01, v5;
	_ =	sdelay $0x1  }
0xe6: {  	v5 =	vmax.f32 v5, v7  }
0xe7: {  	v5 =	vmul.f32 $1.442695020e+00, v5;
	_ =	sdelay $0x1  }
0xe8: {  	(erf) = vpow2.f32 v5;
	_ =	sdelay $0x8  }
0xe9: {  	v5 =	vpop (erf)  }
0xea: {  	[tilespmem:v31+s16+$0x0] =	vst.idx.msk $0xffff, v5  }
0xeb: {  	[tilespmem:v12+s17+$0x0] =	vst.idx.msk $0xffff, v5  }
0xec: {  	v5 =	vld.idx.msk [tilespmem:v15+s26+$0x0], $0xffff  }
0xed: {  	v7 =	vld.idx.msk [tilespmem:v32+s28+$0x0], $0xffff;
	_ =	sdelay $0x1  }
0xee: {  	v8 =	vld.idx.msk [tilespmem:v15+s25+$0x0], $0xffff;
	_ =	sdelay $0x2  }
0xef: {  	v5 =	vadd.f32 v7, v5;
	_ =	sdelay $0x1  }
0xf0: {  	v5 =	vadd.f32 v8, v5;
	_ =	sdelay $0x1  }
0xf1: {  	v7 =	vmul.f32 $2.000000030e-01, v5;
	_ =	sdelay $0x1  }
0xf2: {  	v5 =	vmax.f32 v5, v7  }
0xf3: {  	v5 =	vmul.f32 $1.442695020e+00, v5;
	_ =	sdelay $0x1  }
0xf4: {  	(erf) = vpow2.f32 v5;
	_ =	sdelay $0x8  }
0xf5: {  	v5 =	vpop (erf)  }
0xf6: {  	[tilespmem:v34+s16+$0x0] =	vst.idx.msk $0xffff, v5  }
0xf7: {  	[tilespmem:v15+s17+$0x0] =	vst.idx.msk $0xffff, v5  }
0xf8: {  	v5 =	vld.idx.msk [tilespmem:v18+s26+$0x0], $0xffff  }
0xf9: {  	v7 =	vld.idx.msk [tilespmem:v35+s28+$0x0], $0xffff;
	_ =	sdelay $0x1  }
0xfa: {  	v8 =	vld.idx.msk [tilespmem:v18+s25+$0x0], $0xffff;
	_ =	sdelay $0x2  }
0xfb: {  	v5 =	vadd.f32 v7, v5;
	_ =	sdelay $0x1  }
0xfc: {  	v5 =	vadd.f32 v8, v5;
	_ =	sdelay $0x1  }
0xfd: {  	v7 =	vmul.f32 $2.000000030e-01, v5;
	_ =	sdelay $0x1  }
0xfe: {  	v5 =	vmax.f32 v5, v7  }
0xff: {  	v5 =	vmul.f32 $1.442695020e+00, v5;
	_ =	sdelay $0x1  }
0x100: {  	(erf) = vpow2.f32 v5;
	_ =	sdelay $0x8  }
0x101: {  	v5 =	vpop (erf)  }
0x102: {  	[tilespmem:v37+s16+$0x0] =	vst.idx.msk $0xffff, v5  }
0x103: {  	[tilespmem:v18+s17+$0x0] =	vst.idx.msk $0xffff, v5  }
0x104: {  	v5 =	vld.idx.msk [tilespmem:v21+s26+$0x0], $0xffff  }
0x105: {  	v7 =	vld.idx.msk [tilespmem:v38+s28+$0x0], $0xffff;
	_ =	sdelay $0x1  }
0x106: {  	v8 =	vld.idx.msk [tilespmem:v21+s25+$0x0], $0xffff;
	_ =	sdelay $0x2  }
0x107: {  	v5 =	vadd.f32 v7, v5;
	_ =	sdelay $0x1  }
0x108: {  	v5 =	vadd.f32 v8, v5;
	_ =	sdelay $0x1  }
0x109: {  	v7 =	vmul.f32 $2.000000030e-01, v5;
	_ =	sdelay $0x1  }
0x10a: {  	v5 =	vmax.f32 v5, v7  }
0x10b: {  	v5 =	vmul.f32 $1.442695020e+00, v5;
	_ =	sdelay $0x1  }
0x10c: {  	(erf) = vpow2.f32 v5;
	_ =	sdelay $0x8  }
0x10d: {  	v5 =	vpop (erf)  }
0x10e: {  	[tilespmem:v40+s16+$0x0] =	vst.idx.msk $0xffff, v5  }
0x10f: {  	[tilespmem:v21+s17+$0x0] =	vst.idx.msk $0xffff, v5  }
0x110: {  	v5 =	vld.idx.msk [tilespmem:v24+s26+$0x0], $0xffff  }
0x111: {  	v7 =	vld.idx.msk [tilespmem:v41+s28+$0x0], $0xffff;
	_ =	sdelay $0x1  }
0x112: {  	v8 =	vld.idx.msk [tilespmem:v24+s25+$0x0], $0xffff;
	_ =	sdelay $0x2  }
0x113: {  	v5 =	vadd.f32 v7, v5;
	_ =	sdelay $0x1  }
0x114: {  	v5 =	vadd.f32 v8, v5;
	_ =	sdelay $0x1  }
0x115: {  	v7 =	vmul.f32 $2.000000030e-01, v5;
	_ =	sdelay $0x1  }
0x116: {  	v5 =	vmax.f32 v5, v7  }
0x117: {  	v5 =	vmul.f32 $1.442695020e+00, v5;
	_ =	sdelay $0x1  }
0x118: {  	(erf) = vpow2.f32 v5;
	_ =	sdelay $0x8  }
0x119: {  	v5 =	vpop (erf)  }
0x11a: {  	[tilespmem:v43+s16+$0x0] =	vst.idx.msk $0xffff, v5  }
0x11b: {  	[tilespmem:v24+s17+$0x0] =	vst.idx.msk $0xffff, v5  }
0x11c: {  	v5 =	vld.idx.msk [tilespmem:v27+s26+$0x0], $0xffff  }
0x11d: {  	v7 =	vld.idx.msk [tilespmem:v44+s28+$0x0], $0xffff;
	_ =	sdelay $0x1  }
0x11e: {  	v8 =	vld.idx.msk [tilespmem:v27+s25+$0x0], $0xffff;
	_ =	sdelay $0x2  }
0x11f: {  	v5 =	vadd.f32 v7, v5;
	_ =	sdelay $0x1  }
0x120: {  	v5 =	vadd.f32 v8, v5;
	_ =	sdelay $0x1  }
0x121: {  	v7 =	vmul.f32 $2.000000030e-01, v5;
	_ =	sdelay $0x1  }
0x122: {  	v5 =	vmax.f32 v5, v7  }
0x123: {  	v5 =	vmul.f32 $1.442695020e+00, v5;
	_ =	sdelay $0x1  }
0x124: {  	(erf) = vpow2.f32 v5;
	_ =	sdelay $0x8  }
0x125: {  	v5 =	vpop (erf)  }
0x126: {  	[tilespmem:v46+s16+$0x0] =	vst.idx.msk $0xffff, v5  }
0x127: {  	[tilespmem:v27+s17+$0x0] =	vst.idx.msk $0xffff, v5  }
0x128: {  	v5 =	vld.idx.msk [tilespmem:v30+s26+$0x0], $0xffff  }
0x129: {  	v7 =	vld.idx.msk [tilespmem:v47+s28+$0x0], $0xffff;
	_ =	sdelay $0x1  }
0x12a: {  	v8 =	vld.idx.msk [tilespmem:v30+s25+$0x0], $0xffff;
	_ =	sdelay $0x2  }
0x12b: {  	v5 =	vadd.f32 v7, v5;
	_ =	sdelay $0x1  }
0x12c: {  	v5 =	vadd.f32 v8, v5;
	_ =	sdelay $0x1  }
0x12d: {  	v7 =	vmul.f32 $2.000000030e-01, v5;
	_ =	sdelay $0x1  }
0x12e: {  	v5 =	vmax.f32 v5, v7  }
0x12f: {  	v5 =	vmul.f32 $1.442695020e+00, v5;
	_ =	sdelay $0x1  }
0x130: {  	(erf) = vpow2.f32 v5;
	_ =	sdelay $0x8  }
0x131: {  	v5 =	vpop (erf)  }
0x132: {  	[tilespmem:v49+s16+$0x0] =	vst.idx.msk $0xffff, v5  }
0x133: {  	[tilespmem:v30+s17+$0x0] =	vst.idx.msk $0xffff, v5  }
0x134: {  	v5 =	vld.idx.msk [tilespmem:v33+s26+$0x0], $0xffff  }
0x135: {  	v7 =	vld.idx.msk [tilespmem:v50+s28+$0x0], $0xffff;
	_ =	sdelay $0x1  }
0x136: {  	v8 =	vld.idx.msk [tilespmem:v33+s25+$0x0], $0xffff;
	_ =	sdelay $0x2  }
0x137: {  	v5 =	vadd.f32 v7, v5;
	_ =	sdelay $0x1  }
0x138: {  	v5 =	vadd.f32 v8, v5;
	_ =	sdelay $0x1  }
0x139: {  	v7 =	vmul.f32 $2.000000030e-01, v5;
	_ =	sdelay $0x1  }
0x13a: {  	v5 =	vmax.f32 v5, v7  }
0x13b: {  	v5 =	vmul.f32 $1.442695020e+00, v5;
	_ =	sdelay $0x1  }
0x13c: {  	(erf) = vpow2.f32 v5;
	_ =	sdelay $0x8  }
0x13d: {  	v5 =	vpop (erf)  }
0x13e: {  	[tilespmem:v52+s16+$0x0] =	vst.idx.msk $0xffff, v5  }
0x13f: {  	[tilespmem:v33+s17+$0x0] =	vst.idx.msk $0xffff, v5  }
0x140: {  	v5 =	vld.idx.msk [tilespmem:v36+s26+$0x0], $0xffff  }
0x141: {  	v7 =	vld.idx.msk [tilespmem:v53+s28+$0x0], $0xffff;
	_ =	sdelay $0x1  }
0x142: {  	v8 =	vld.idx.msk [tilespmem:v36+s25+$0x0], $0xffff;
	_ =	sdelay $0x2  }
0x143: {  	v5 =	vadd.f32 v7, v5;
	_ =	sdelay $0x1  }
0x144: {  	v5 =	vadd.f32 v8, v5;
	_ =	sdelay $0x1  }
0x145: {  	v7 =	vmul.f32 $2.000000030e-01, v5;
	_ =	sdelay $0x1  }
0x146: {  	v5 =	vmax.f32 v5, v7  }
0x147: {  	v5 =	vmul.f32 $1.442695020e+00, v5;
	_ =	sdelay $0x1  }
0x148: {  	(erf) = vpow2.f32 v5;
	_ =	sdelay $0x8  }
0x149: {  	v5 =	vpop (erf)  }
0x14a: {  	[tilespmem:v55+s16+$0x0] =	vst.idx.msk $0xffff, v5  }
0x14b: {  	[tilespmem:v36+s17+$0x0] =	vst.idx.msk $0xffff, v5  }
0x14c: {  	v5 =	vld.idx.msk [tilespmem:v39+s26+$0x0], $0xffff  }
0x14d: {  	v7 =	vld.idx.msk [tilespmem:v56+s28+$0x0], $0xffff;
	_ =	sdelay $0x1  }
0x14e: {  	v8 =	vld.idx.msk [tilespmem:v39+s25+$0x0], $0xffff;
	_ =	sdelay $0x2  }
0x14f: {  	v5 =	vadd.f32 v7, v5;
	_ =	sdelay $0x1  }
0x150: {  	v5 =	vadd.f32 v8, v5;
	_ =	sdelay $0x1  }
0x151: {  	v7 =	vmul.f32 $2.000000030e-01, v5;
	_ =	sdelay $0x1  }
0x152: {  	v5 =	vmax.f32 v5, v7  }
0x153: {  	v5 =	vmul.f32 $1.442695020e+00, v5;
	_ =	sdelay $0x1  }
0x154: {  	(erf) = vpow2.f32 v5;
	_ =	sdelay $0x8  }
0x155: {  	v5 =	vpop (erf)  }
0x156: {  	[tilespmem:v58+s16+$0x0] =	vst.idx.msk $0xffff, v5  }
0x157: {  	[tilespmem:v39+s17+$0x0] =	vst.idx.msk $0xffff, v5  }
0x158: {  	v5 =	vld.idx.msk [tilespmem:v42+s26+$0x0], $0xffff  }
0x159: {  	v7 =	vld.idx.msk [tilespmem:v59+s28+$0x0], $0xffff;
	_ =	sdelay $0x1  }
0x15a: {  	v8 =	vld.idx.msk [tilespmem:v42+s25+$0x0], $0xffff;
	_ =	sdelay $0x2  }
0x15b: {  	v5 =	vadd.f32 v7, v5;
	_ =	sdelay $0x1  }
0x15c: {  	v5 =	vadd.f32 v8, v5;
	_ =	sdelay $0x1  }
0x15d: {  	v7 =	vmul.f32 $2.000000030e-01, v5;
	_ =	sdelay $0x1  }
0x15e: {  	v5 =	vmax.f32 v5, v7  }
0x15f: {  	v5 =	vmul.f32 $1.442695020e+00, v5;
	_ =	sdelay $0x1  }
0x160: {  	(erf) = vpow2.f32 v5;
	_ =	sdelay $0x8  }
0x161: {  	v5 =	vpop (erf)  }
0x162: {  	[tilespmem:v45+s16+$0x0] =	vst.idx.msk $0xffff, v5  }
0x163: {  	[tilespmem:v42+s17+$0x0] =	vst.idx.msk $0xffff, v5  }
0x164: {  	v5 =	vld.idx.msk [tilespmem:v48+s26+$0x0], $0xffff  }
0x165: {  	v7 =	vld.idx.msk [tilespmem:v51+s28+$0x0], $0xffff;
	_ =	sdelay $0x1  }
0x166: {  	v8 =	vld.idx.msk [tilespmem:v48+s25+$0x0], $0xffff;
	_ =	sdelay $0x2  }
0x167: {  	v5 =	vadd.f32 v7, v5;
	_ =	sdelay $0x1  }
0x168: {  	v5 =	vadd.f32 v8, v5;
	_ =	sdelay $0x1  }
0x169: {  	v7 =	vmul.f32 $2.000000030e-01, v5;
	_ =	sdelay $0x1  }
0x16a: {  	v5 =	vmax.f32 v5, v7  }
0x16b: {  	v5 =	vmul.f32 $1.442695020e+00, v5;
	_ =	sdelay $0x1  }
0x16c: {  	(erf) = vpow2.f32 v5;
	_ =	sdelay $0x8  }
0x16d: {  	v5 =	vpop (erf)  }
0x16e: {  	[tilespmem:v54+s16+$0x0] =	vst.idx.msk $0xffff, v5  }
0x16f: {  	[tilespmem:v48+s17+$0x0] =	vst.idx.msk $0xffff, v5  }
0x170: {  	v5 =	vld.idx.msk [tilespmem:v57+s26+$0x0], $0xffff  }
0x171: {  	v7 =	vld.idx.msk [tilespmem:v60+s28+$0x0], $0xffff;
	_ =	sdelay $0x1  }
0x172: {  	v8 =	vld.idx.msk [tilespmem:v57+s25+$0x0], $0xffff;
	_ =	sdelay $0x2  }
0x173: {  	v5 =	vadd.f32 v7, v5;
	_ =	sdelay $0x1  }
0x174: {  	v5 =	vadd.f32 v8, v5;
	_ =	sdelay $0x1  }
0x175: {  	v7 =	vmul.f32 $2.000000030e-01, v5;
	_ =	sdelay $0x1  }
0x176: {  	v5 =	vmax.f32 v5, v7  }
0x177: {  	v5 =	vmul.f32 $1.442695020e+00, v5;
	_ =	sdelay $0x1  }
0x178: {  	(erf) = vpow2.f32 v5;
	_ =	sdelay $0x8  }
0x179: {  	v5 =	vpop (erf)  }
0x17a: {  	[tilespmem:v61+s16+$0x0] =	vst.idx.msk $0xffff, v5  }
0x17b: {  	[tilespmem:v57+s17+$0x0] =	vst.idx.msk $0xffff, v5  }
0x17c: {  	v5 =	vld.idx.msk [tilespmem:v62+s26+$0x0], $0xffff  }
0x17d: {  	v7 =	vld.idx.msk [tilespmem:v63+s28+$0x0], $0xffff;
	_ =	sdelay $0x1  }
0x17e: {  	v8 =	vld.idx.msk [tilespmem:v62+s25+$0x0], $0xffff;
	_ =	sdelay $0x2  }
0x17f: {  	v5 =	vadd.f32 v7, v5;
	_ =	sdelay $0x1  }
0x180: {  	v5 =	vadd.f32 v8, v5;
	_ =	sdelay $0x1  }
0x181: {  	v7 =	vmul.f32 $2.000000030e-01, v5;
	_ =	sdelay $0x1  }
0x182: {  	v5 =	vmax.f32 v5, v7  }
0x183: {  	v5 =	vmul.f32 $1.442695020e+00, v5;
	_ =	sdelay $0x1  }
0x184: {  	(erf) = vpow2.f32 v5;
	_ =	sdelay $0x1  }
0x185: {  	v7 =	vld [tilespmem:$0x1FF20];
	_ =	sdelay $0x6  }
0x186: {  	v10 =	vld [tilespmem:$0x1FF30];
	v5 =	vpop (erf)  }
0x187: {  	[tilespmem:v7+s16+$0x0] =	vst.idx.msk $0xffff, v5;
	v7 =	vld [tilespmem:$0x1FF40];
	_ =	sdelay $0x5  }
0x188: {  	[tilespmem:v62+s17+$0x0] =	vst.idx.msk $0xffff, v5  }
0x189: {  	v5 =	vld.idx.msk [tilespmem:v10+s26+$0x0], $0xffff  }
0x18a: {  	v7 =	vld.idx.msk [tilespmem:v7+s28+$0x0], $0xffff;
	_ =	sdelay $0x1  }
0x18b: {  	v8 =	vld.idx.msk [tilespmem:v10+s25+$0x0], $0xffff;
	_ =	sdelay $0x2  }
0x18c: {  	v5 =	vadd.f32 v7, v5;
	_ =	sdelay $0x1  }
0x18d: {  	v5 =	vadd.f32 v8, v5;
	_ =	sdelay $0x1  }
0x18e: {  	v7 =	vmul.f32 $2.000000030e-01, v5;
	_ =	sdelay $0x1  }
0x18f: {  	v5 =	vmax.f32 v5, v7  }
0x190: {  	v5 =	vmul.f32 $1.442695020e+00, v5;
	_ =	sdelay $0x1  }
0x191: {  	(erf) = vpow2.f32 v5;
	_ =	sdelay $0x1  }
0x192: {  	v7 =	vld [tilespmem:$0x1FF50];
	_ =	sdelay $0x6  }
0x193: {  	v5 =	vpop (erf)  }
0x194: {  	[tilespmem:v7+s16+$0x0] =	vst.idx.msk $0xffff, v5;
	v7 =	vld [tilespmem:$0x1FF70]  }
0x195: {  	[tilespmem:v10+s17+$0x0] =	vst.idx.msk $0xffff, v5;
	v10 =	vld [tilespmem:$0x1FF60];
	_ =	sdelay $0x6  }
0x196: {  	v7 =	vld.idx.msk [tilespmem:v7+s28+$0x0], $0xffff  }
0x197: {  	v5 =	vld.idx.msk [tilespmem:v10+s26+$0x0], $0xffff;
	_ =	sdelay $0x1  }
0x198: {  	v8 =	vld.idx.msk [tilespmem:v10+s25+$0x0], $0xffff;
	_ =	sdelay $0x2  }
0x199: {  	v5 =	vadd.f32 v7, v5;
	_ =	sdelay $0x1  }
0x19a: {  	v5 =	vadd.f32 v8, v5;
	_ =	sdelay $0x1  }
0x19b: {  	v7 =	vmul.f32 $2.000000030e-01, v5;
	_ =	sdelay $0x1  }
0x19c: {  	v5 =	vmax.f32 v5, v7  }
0x19d: {  	v5 =	vmul.f32 $1.442695020e+00, v5;
	_ =	sdelay $0x1  }
0x19e: {  	(erf) = vpow2.f32 v5;
	_ =	sdelay $0x1  }
0x19f: {  	v7 =	vld [tilespmem:$0x1FF80];
	_ =	sdelay $0x6  }
0x1a0: {  	v5 =	vpop (erf)  }
0x1a1: {  	[tilespmem:v7+s16+$0x0] =	vst.idx.msk $0xffff, v5;
	v7 =	vld [tilespmem:$0x1FFA0]  }
0x1a2: {  	[tilespmem:v10+s17+$0x0] =	vst.idx.msk $0xffff, v5;
	v10 =	vld [tilespmem:$0x1FF90];
	_ =	sdelay $0x6  }
0x1a3: {  	v7 =	vld.idx.msk [tilespmem:v7+s28+$0x0], $0xffff  }
0x1a4: {  	v5 =	vld.idx.msk [tilespmem:v10+s26+$0x0], $0xffff;
	_ =	sdelay $0x1  }
0x1a5: {  	v8 =	vld.idx.msk [tilespmem:v10+s25+$0x0], $0xffff;
	_ =	sdelay $0x2  }
0x1a6: {  	v5 =	vadd.f32 v7, v5;
	_ =	sdelay $0x1  }
0x1a7: {  	v5 =	vadd.f32 v8, v5;
	_ =	sdelay $0x1  }
0x1a8: {  	v7 =	vmul.f32 $2.000000030e-01, v5;
	_ =	sdelay $0x1  }
0x1a9: {  	v5 =	vmax.f32 v5, v7  }
0x1aa: {  	v5 =	vmul.f32 $1.442695020e+00, v5;
	_ =	sdelay $0x1  }
0x1ab: {  	(erf) = vpow2.f32 v5;
	_ =	sdelay $0x1  }
0x1ac: {  	v11 =	vld [tilespmem:$0x1FFB0];
	_ =	sdelay $0x4  }
0x1ad: {  	v5 =	vor.u32 $0x280, v0  }
0x1ae: {  	v7 =	vor.u32 $0x284, v0  }
0x1af: {  	v8 =	vpop (erf)  }
0x1b0: {  	[tilespmem:v11+s16+$0x0] =	vst.idx.msk $0xffff, v8  }
0x1b1: {  	[tilespmem:v10+s17+$0x0] =	vst.idx.msk $0xffff, v8  }
0x1b2: {  	v8 =	vld.idx.msk [tilespmem:v5+s26+$0x0], $0xffff  }
0x1b3: {  	v7 =	vld.idx.msk [tilespmem:v7+s28+$0x0], $0xffff;
	_ =	sdelay $0x1  }
0x1b4: {  	v10 =	vld.idx.msk [tilespmem:v5+s25+$0x0], $0xffff;
	_ =	sdelay $0x2  }
0x1b5: {  	v7 =	vadd.f32 v7, v8;
	_ =	sdelay $0x1  }
0x1b6: {  	v7 =	vadd.f32 v10, v7;
	_ =	sdelay $0x1  }
0x1b7: {  	v8 =	vmul.f32 $2.000000030e-01, v7;
	_ =	sdelay $0x1  }
0x1b8: {  	v7 =	vmax.f32 v7, v8  }
0x1b9: {  	v7 =	vmul.f32 $1.442695020e+00, v7;
	_ =	sdelay $0x1  }
0x1ba: {  	(erf) = vpow2.f32 v7;
	_ =	sdelay $0x4  }
0x1bb: {  	v7 =	vor.u32 $0x140, v2;
	_ =	sdelay $0x1  }
0x1bc: {  	v8 =	vor.u32 $0x281, v0  }
0x1bd: {  	v10 =	vor.u32 $0x285, v0  }
0x1be: {  	v11 =	vpop (erf)  }
0x1bf: {  	[tilespmem:v7+s16+$0x0] =	vst.idx.msk $0xffff, v11  }
0x1c0: {  	[tilespmem:v5+s17+$0x0] =	vst.idx.msk $0xffff, v11  }
0x1c1: {  	v5 =	vld.idx.msk [tilespmem:v8+s26+$0x0], $0xffff  }
0x1c2: {  	v7 =	vld.idx.msk [tilespmem:v10+s28+$0x0], $0xffff;
	_ =	sdelay $0x1  }
0x1c3: {  	v10 =	vld.idx.msk [tilespmem:v8+s25+$0x0], $0xffff;
	_ =	sdelay $0x2  }
0x1c4: {  	v5 =	vadd.f32 v7, v5;
	_ =	sdelay $0x1  }
0x1c5: {  	v5 =	vadd.f32 v10, v5;
	_ =	sdelay $0x1  }
0x1c6: {  	v7 =	vmul.f32 $2.000000030e-01, v5;
	_ =	sdelay $0x1  }
0x1c7: {  	v5 =	vmax.f32 v5, v7  }
0x1c8: {  	v5 =	vmul.f32 $1.442695020e+00, v5;
	_ =	sdelay $0x1  }
0x1c9: {  	(erf) = vpow2.f32 v5;
	_ =	sdelay $0x4  }
0x1ca: {  	v5 =	vor.u32 $0x141, v2;
	_ =	sdelay $0x1  }
0x1cb: {  	v7 =	vor.u32 $0x282, v0  }
0x1cc: {  	v10 =	vor.u32 $0x286, v0  }
0x1cd: {  	v11 =	vpop (erf)  }
0x1ce: {  	[tilespmem:v5+s16+$0x0] =	vst.idx.msk $0xffff, v11  }
0x1cf: {  	[tilespmem:v8+s17+$0x0] =	vst.idx.msk $0xffff, v11  }
0x1d0: {  	v5 =	vld.idx.msk [tilespmem:v7+s26+$0x0], $0xffff  }
0x1d1: {  	v8 =	vld.idx.msk [tilespmem:v10+s28+$0x0], $0xffff;
	_ =	sdelay $0x1  }
0x1d2: {  	v10 =	vld.idx.msk [tilespmem:v7+s25+$0x0], $0xffff;
	_ =	sdelay $0x2  }
0x1d3: {  	v5 =	vadd.f32 v8, v5;
	_ =	sdelay $0x1  }
0x1d4: {  	v5 =	vadd.f32 v10, v5;
	_ =	sdelay $0x1  }
0x1d5: {  	v8 =	vmul.f32 $2.000000030e-01, v5;
	_ =	sdelay $0x1  }
0x1d6: {  	v5 =	vmax.f32 v5, v8  }
0x1d7: {  	v5 =	vmul.f32 $1.442695020e+00, v5;
	_ =	sdelay $0x1  }
0x1d8: {  	(erf) = vpow2.f32 v5;
	_ =	sdelay $0x4  }
0x1d9: {  	v5 =	vor.u32 $0x142, v2;
	_ =	sdelay $0x1  }
0x1da: {  	v8 =	vor.u32 $0x283, v0  }
0x1db: {  	v10 =	vor.u32 $0x287, v0  }
0x1dc: {  	v11 =	vpop (erf)  }
0x1dd: {  	[tilespmem:v5+s16+$0x0] =	vst.idx.msk $0xffff, v11  }
0x1de: {  	[tilespmem:v7+s17+$0x0] =	vst.idx.msk $0xffff, v11  }
0x1df: {  	v5 =	vld.idx.msk [tilespmem:v8+s26+$0x0], $0xffff  }
0x1e0: {  	v7 =	vld.idx.msk [tilespmem:v10+s28+$0x0], $0xffff;
	_ =	sdelay $0x1  }
0x1e1: {  	v10 =	vld.idx.msk [tilespmem:v8+s25+$0x0], $0xffff;
	_ =	sdelay $0x2  }
0x1e2: {  	v5 =	vadd.f32 v7, v5;
	_ =	sdelay $0x1  }
0x1e3: {  	v5 =	vadd.f32 v10, v5;
	_ =	sdelay $0x1  }
0x1e4: {  	v7 =	vmul.f32 $2.000000030e-01, v5;
	_ =	sdelay $0x1  }
0x1e5: {  	v5 =	vmax.f32 v5, v7  }
0x1e6: {  	v5 =	vmul.f32 $1.442695020e+00, v5;
	_ =	sdelay $0x1  }
0x1e7: {  	(erf) = vpow2.f32 v5;
	_ =	sdelay $0x4  }
0x1e8: {  	v5 =	vor.u32 $0x143, v2;
	_ =	sdelay $0x1  }
0x1e9: {  	v7 =	vor.u32 $0x300, v0  }
0x1ea: {  	v10 =	vor.u32 $0x304, v0  }
0x1eb: {  	v11 =	vpop (erf)  }
0x1ec: {  	[tilespmem:v5+s16+$0x0] =	vst.idx.msk $0xffff, v11  }
0x1ed: {  	[tilespmem:v8+s17+$0x0] =	vst.idx.msk $0xffff, v11  }
0x1ee: {  	v5 =	vld.idx.msk [tilespmem:v7+s26+$0x0], $0xffff  }
0x1ef: {  	v8 =	vld.idx.msk [tilespmem:v10+s28+$0x0], $0xffff;
	_ =	sdelay $0x1  }
0x1f0: {  	v10 =	vld.idx.msk [tilespmem:v7+s25+$0x0], $0xffff;
	_ =	sdelay $0x2  }
0x1f1: {  	v5 =	vadd.f32 v8, v5;
	_ =	sdelay $0x1  }
0x1f2: {  	v5 =	vadd.f32 v10, v5;
	_ =	sdelay $0x1  }
0x1f3: {  	v8 =	vmul.f32 $2.000000030e-01, v5;
	_ =	sdelay $0x1  }
0x1f4: {  	v5 =	vmax.f32 v5, v8  }
0x1f5: {  	v5 =	vmul.f32 $1.442695020e+00, v5;
	_ =	sdelay $0x1  }
0x1f6: {  	(erf) = vpow2.f32 v5;
	_ =	sdelay $0x4  }
0x1f7: {  	v5 =	vor.u32 $0x180, v2;
	_ =	sdelay $0x1  }
0x1f8: {  	v8 =	vor.u32 $0x301, v0  }
0x1f9: {  	v10 =	vor.u32 $0x305, v0  }
0x1fa: {  	v11 =	vpop (erf)  }
0x1fb: {  	[tilespmem:v5+s16+$0x0] =	vst.idx.msk $0xffff, v11  }
0x1fc: {  	[tilespmem:v7+s17+$0x0] =	vst.idx.msk $0xffff, v11  }
0x1fd: {  	v5 =	vld.idx.msk [tilespmem:v8+s26+$0x0], $0xffff  }
0x1fe: {  	v7 =	vld.idx.msk [tilespmem:v10+s28+$0x0], $0xffff;
	_ =	sdelay $0x1  }
0x1ff: {  	v10 =	vld.idx.msk [tilespmem:v8+s25+$0x0], $0xffff;
	_ =	sdelay $0x2  }
0x200: {  	v5 =	vadd.f32 v7, v5;
	_ =	sdelay $0x1  }
0x201: {  	v5 =	vadd.f32 v10, v5;
	_ =	sdelay $0x1  }
0x202: {  	v7 =	vmul.f32 $2.000000030e-01, v5;
	_ =	sdelay $0x1  }
0x203: {  	v5 =	vmax.f32 v5, v7  }
0x204: {  	v5 =	vmul.f32 $1.442695020e+00, v5;
	_ =	sdelay $0x1  }
0x205: {  	(erf) = vpow2.f32 v5;
	_ =	sdelay $0x4  }
0x206: {  	v5 =	vor.u32 $0x181, v2;
	_ =	sdelay $0x1  }
0x207: {  	v7 =	vor.u32 $0x302, v0  }
0x208: {  	v10 =	vor.u32 $0x306, v0  }
0x209: {  	v11 =	vpop (erf)  }
0x20a: {  	[tilespmem:v5+s16+$0x0] =	vst.idx.msk $0xffff, v11  }
0x20b: {  	[tilespmem:v8+s17+$0x0] =	vst.idx.msk $0xffff, v11  }
0x20c: {  	v5 =	vld.idx.msk [tilespmem:v7+s26+$0x0], $0xffff  }
0x20d: {  	v8 =	vld.idx.msk [tilespmem:v10+s28+$0x0], $0xffff;
	_ =	sdelay $0x1  }
0x20e: {  	v10 =	vld.idx.msk [tilespmem:v7+s25+$0x0], $0xffff;
	_ =	sdelay $0x2  }
0x20f: {  	v5 =	vadd.f32 v8, v5;
	_ =	sdelay $0x1  }
0x210: {  	v5 =	vadd.f32 v10, v5;
	_ =	sdelay $0x1  }
0x211: {  	v8 =	vmul.f32 $2.000000030e-01, v5;
	_ =	sdelay $0x1  }
0x212: {  	v5 =	vmax.f32 v5, v8  }
0x213: {  	v5 =	vmul.f32 $1.442695020e+00, v5;
	_ =	sdelay $0x1  }
0x214: {  	(erf) = vpow2.f32 v5;
	_ =	sdelay $0x4  }
0x215: {  	v5 =	vor.u32 $0x182, v2;
	_ =	sdelay $0x1  }
0x216: {  	v8 =	vor.u32 $0x303, v0  }
0x217: {  	v10 =	vor.u32 $0x307, v0  }
0x218: {  	v11 =	vpop (erf)  }
0x219: {  	[tilespmem:v5+s16+$0x0] =	vst.idx.msk $0xffff, v11  }
0x21a: {  	[tilespmem:v7+s17+$0x0] =	vst.idx.msk $0xffff, v11  }
0x21b: {  	v5 =	vld.idx.msk [tilespmem:v8+s26+$0x0], $0xffff  }
0x21c: {  	v7 =	vld.idx.msk [tilespmem:v10+s28+$0x0], $0xffff;
	_ =	sdelay $0x1  }
0x21d: {  	v10 =	vld.idx.msk [tilespmem:v8+s25+$0x0], $0xffff;
	_ =	sdelay $0x2  }
0x21e: {  	v5 =	vadd.f32 v7, v5;
	_ =	sdelay $0x1  }
0x21f: {  	v5 =	vadd.f32 v10, v5;
	_ =	sdelay $0x1  }
0x220: {  	v7 =	vmul.f32 $2.000000030e-01, v5;
	_ =	sdelay $0x1  }
0x221: {  	v5 =	vmax.f32 v5, v7  }
0x222: {  	v5 =	vmul.f32 $1.442695020e+00, v5;
	_ =	sdelay $0x1  }
0x223: {  	(erf) = vpow2.f32 v5;
	_ =	sdelay $0x4  }
0x224: {  	v5 =	vor.u32 $0x183, v2;
	_ =	sdelay $0x1  }
0x225: {  	v7 =	vor.u32 $0x380, v0  }
0x226: {  	v10 =	vor.u32 $0x384, v0  }
0x227: {  	v11 =	vpop (erf)  }
0x228: {  	[tilespmem:v5+s16+$0x0] =	vst.idx.msk $0xffff, v11  }
0x229: {  	[tilespmem:v8+s17+$0x0] =	vst.idx.msk $0xffff, v11  }
0x22a: {  	v5 =	vld.idx.msk [tilespmem:v7+s26+$0x0], $0xffff  }
0x22b: {  	v8 =	vld.idx.msk [tilespmem:v10+s28+$0x0], $0xffff;
	_ =	sdelay $0x1  }
0x22c: {  	v10 =	vld.idx.msk [tilespmem:v7+s25+$0x0], $0xffff;
	_ =	sdelay $0x2  }
0x22d: {  	v5 =	vadd.f32 v8, v5;
	_ =	sdelay $0x1  }
0x22e: {  	v5 =	vadd.f32 v10, v5;
	_ =	sdelay $0x1  }
0x22f: {  	v8 =	vmul.f32 $2.000000030e-01, v5;
	_ =	sdelay $0x1  }
0x230: {  	v5 =	vmax.f32 v5, v8  }
0x231: {  	v5 =	vmul.f32 $1.442695020e+00, v5;
	_ =	sdelay $0x1  }
0x232: {  	(erf) = vpow2.f32 v5;
	_ =	sdelay $0x4  }
0x233: {  	v5 =	vor.u32 $0x1C0, v2;
	_ =	sdelay $0x1  }
0x234: {  	v8 =	vor.u32 $0x381, v0  }
0x235: {  	v10 =	vor.u32 $0x385, v0  }
0x236: {  	v11 =	vpop (erf)  }
0x237: {  	[tilespmem:v5+s16+$0x0] =	vst.idx.msk $0xffff, v11  }
0x238: {  	[tilespmem:v7+s17+$0x0] =	vst.idx.msk $0xffff, v11  }
0x239: {  	v5 =	vld.idx.msk [tilespmem:v8+s26+$0x0], $0xffff  }
0x23a: {  	v7 =	vld.idx.msk [tilespmem:v10+s28+$0x0], $0xffff;
	_ =	sdelay $0x1  }
0x23b: {  	v10 =	vld.idx.msk [tilespmem:v8+s25+$0x0], $0xffff;
	_ =	sdelay $0x2  }
0x23c: {  	v5 =	vadd.f32 v7, v5;
	_ =	sdelay $0x1  }
0x23d: {  	v5 =	vadd.f32 v10, v5;
	_ =	sdelay $0x1  }
0x23e: {  	v7 =	vmul.f32 $2.000000030e-01, v5;
	_ =	sdelay $0x1  }
0x23f: {  	v5 =	vmax.f32 v5, v7  }
0x240: {  	v5 =	vmul.f32 $1.442695020e+00, v5;
	_ =	sdelay $0x1  }
0x241: {  	(erf) = vpow2.f32 v5;
	_ =	sdelay $0x4  }
0x242: {  	v5 =	vor.u32 $0x1C1, v2;
	_ =	sdelay $0x1  }
0x243: {  	v7 =	vor.u32 $0x382, v0  }
0x244: {  	v10 =	vor.u32 $0x386, v0  }
0x245: {  	v11 =	vpop (erf)  }
0x246: {  	[tilespmem:v5+s16+$0x0] =	vst.idx.msk $0xffff, v11  }
0x247: {  	[tilespmem:v8+s17+$0x0] =	vst.idx.msk $0xffff, v11  }
0x248: {  	v5 =	vld.idx.msk [tilespmem:v7+s26+$0x0], $0xffff  }
0x249: {  	v8 =	vld.idx.msk [tilespmem:v10+s28+$0x0], $0xffff;
	_ =	sdelay $0x1  }
0x24a: {  	v10 =	vld.idx.msk [tilespmem:v7+s25+$0x0], $0xffff;
	_ =	sdelay $0x2  }
0x24b: {  	v5 =	vadd.f32 v8, v5;
	_ =	sdelay $0x1  }
0x24c: {  	v5 =	vadd.f32 v10, v5;
	_ =	sdelay $0x1  }
0x24d: {  	v8 =	vmul.f32 $2.000000030e-01, v5;
	_ =	sdelay $0x1  }
0x24e: {  	v5 =	vmax.f32 v5, v8  }
0x24f: {  	v5 =	vmul.f32 $1.442695020e+00, v5;
	_ =	sdelay $0x1  }
0x250: {  	(erf) = vpow2.f32 v5;
	_ =	sdelay $0x4  }
0x251: {  	v5 =	vor.u32 $0x1C2, v2;
	_ =	sdelay $0x1  }
0x252: {  	v8 =	vor.u32 $0x383, v0  }
0x253: {  	v10 =	vor.u32 $0x387, v0  }
0x254: {  	v11 =	vpop (erf)  }
0x255: {  	[tilespmem:v5+s16+$0x0] =	vst.idx.msk $0xffff, v11  }
0x256: {  	[tilespmem:v7+s17+$0x0] =	vst.idx.msk $0xffff, v11  }
0x257: {  	v5 =	vld.idx.msk [tilespmem:v8+s26+$0x0], $0xffff  }
0x258: {  	v7 =	vld.idx.msk [tilespmem:v10+s28+$0x0], $0xffff;
	_ =	sdelay $0x1  }
0x259: {  	v10 =	vld.idx.msk [tilespmem:v8+s25+$0x0], $0xffff;
	_ =	sdelay $0x2  }
0x25a: {  	v5 =	vadd.f32 v7, v5;
	_ =	sdelay $0x1  }
0x25b: {  	v5 =	vadd.f32 v10, v5;
	_ =	sdelay $0x1  }
0x25c: {  	v7 =	vmul.f32 $2.000000030e-01, v5;
	_ =	sdelay $0x1  }
0x25d: {  	v5 =	vmax.f32 v5, v7  }
0x25e: {  	v5 =	vmul.f32 $1.442695020e+00, v5;
	_ =	sdelay $0x1  }
0x25f: {  	(erf) = vpow2.f32 v5;
	_ =	sdelay $0x4  }
0x260: {  	v5 =	vor.u32 $0x1C3, v2;
	_ =	sdelay $0x3  }
0x261: {  	v7 =	vpop (erf)  }
0x262: {  	[tilespmem:v5+s16+$0x0] =	vst.idx.msk $0xffff, v7;
	v5 =	vmov s5  }
0x263: {  	s6 =	simm.s32 $0x1340;
	[tilespmem:v8+s17+$0x0] =	vst.idx.msk $0xffff, v7  }
0x264: {  	v7 =	vld [tilespmem:s6+$0xFFFFFFF0]  }
0x265: {  	v8 =	vor.u32 $0x1, v5;
	v10 =	vld [tilespmem:s6+$0xFFFFFFC0]  }
0x266: {  	v13 =	vld [tilespmem:s6+$0xFFFFFFE0]  }
0x267: {  	v14 =	vld.idx.msk [tilespmem:v5+s16+$0x0], $0xffff  }
0x268: {  	v11 =	vld [tilespmem:s6+$0xFFFFFFD0]  }
0x269: {  	v17 =	vld [tilespmem:s6+$0x20]  }
0x26a: {  	v5 =	vld.idx.msk [tilespmem:v8+s16+$0x0], $0xffff  }
0x26b: {  	v8 =	vld [tilespmem:s6+$0x0]  }
0x26c: {  	v10 =	vmul.f32 v10, v14;
	v16 =	vmul.f32 v7, v14;
	v7 =	vld [tilespmem:s6+$0x30]  }
0x26d: {  	v11 =	vmul.f32 v11, v14;
	v13 =	vmul.f32 v13, v14;
	v14 =	vld [tilespmem:s6+$0x10];
	_ =	sdelay $0x2  }
0x26e: {  	s0 =	simm.s32 $0x1340;
	s5 =	simm.s32 $0x4;
	[tilespmem:s6+$0xFFFFFFC0] =	vst v10;
	v10 =	vmul.f32 v8, v5;
	v8 =	vmul.f32 v17, v5  }
.LBB2_8:
0x26f: {  	p0 =	sne.s32 s5, $0x1FC  }
0x270: {  	[tilespmem:s6+$0xFFFFFFF0] =	vst v16;
	v14 =	vmul.f32 v14, v5;
	v5 =	vmul.f32 v7, v5;
	s0 =	sadd.s32 $0x80, s0;
	s7 =	smov.u32 s5;
	s5 =	sadd.s32 $0x4, s5  }
0x271: {  	[tilespmem:s6+$0xFFFFFFD0] =	vst v11  }
0x272: {  	v11 =	vmov s7;
	v16 =	vld [tilespmem:s0+$0xFFFFFFF0];
	[tilespmem:s6+$0xFFFFFFE0] =	vst v13  }
0x273: {  	v13 =	vor.u32 $0x1, v11;
	v17 =	vld [tilespmem:s0+$0xFFFFFFC0];
	[tilespmem:s6+$0x0] =	vst v10  }
0x274: {  	v19 =	vld [tilespmem:s0+$0xFFFFFFE0];
	[tilespmem:s6+$0x30] =	vst v5  }
0x275: {  	v7 =	vld [tilespmem:s0+$0x30];
	[tilespmem:s6+$0x10] =	vst v14  }
0x276: {  	v10 =	vld [tilespmem:s0+$0xFFFFFFD0];
	[tilespmem:s6+$0x20] =	vst v8;
	s6 =	smov.u32 s0  }
0x277: {  	v8 =	vld.idx.msk [tilespmem:v11+s16+$0x0], $0xffff  }
0x278: {  	v5 =	vld.idx.msk [tilespmem:v13+s16+$0x0], $0xffff  }
0x279: {  	v13 =	vld [tilespmem:s0+$0x0]  }
0x27a: {  	v20 =	vld [tilespmem:s0+$0x20]  }
.Ltmp7:
0x27b: {  	v14 =	vld [tilespmem:s0+$0x10];
	(pc) =	sbr.rel @p0 .LBB2_8-.Ltmp7, $4  }
0x27c: {  	_ = 	snop  }
0x27d: {  	v17 =	vmul.f32 v17, v8;
	v11 =	vmul.f32 v10, v8  }
0x27e: {  	v16 =	vmul.f32 v16, v8;
	v10 =	vmul.f32 v13, v5  }
0x27f: {  	v13 =	vmul.f32 v19, v8;
	[tilespmem:s0+$0xFFFFFFC0] =	vst v17;
	v8 =	vmul.f32 v20, v5  }
0x280: {  	[tilespmem:s6+$0xFFFFFFF0] =	vst v16  }
0x281: {  	[tilespmem:s6+$0xFFFFFFD0] =	vst v11  }
0x282: {  	[tilespmem:s6+$0x0] =	vst v10  }
0x283: {  	v7 =	vmul.f32 v7, v5;
	[tilespmem:s6+$0xFFFFFFE0] =	vst v13  }
0x284: {  	v5 =	vmul.f32 v14, v5;
	[tilespmem:s6+$0x20] =	vst v8  }
0x285: {  	[tilespmem:s6+$0x30] =	vst v7  }
0x286: {  	[tilespmem:s6+$0x10] =	vst v5  }
0x287: {  	[spmem:s24] =	stream.indirect.scatter.add.f32 [tilespmem:s17], [sflag:$0x2], $0x8, s22, s22, $0xb8;
	[tilespmem:$0x1E700] =	vst v63  }
0x288: {  	_ =	swait.ge [sflag:s21], $0x400  }
0x289: {  	[sflag:s21] =	ssyncset.done $0x0  }
.Ltmp8:
0x28a: {  	[sflag:s21] =	ssyncadd.s32 $0xFFFFFC00;
	(pc) =	sbr.rel .LBB2_10-.Ltmp8, $4  }
0x28b: {  	[spmem:s20] =	stream.indirect.scatter.add.f32 [tilespmem:s18], [sflag:$0x1], $0x80, s22, s22, $0xb8;
	[tilespmem:$0x1E700] =	vst v63  }
0x28c: {  	_ =	swait.ge [sflag:s19], $0x4000  }
0x28d: {  	[sflag:s19] =	ssyncset.done $0x0  }
0x28e: {  	[sflag:s19] =	ssyncadd.s32 $0xFFFFC000  }
.LBB2_11:
0x28f: {  	[bflag:$0x0] =	sbarrier.arrive $0xFFFF  }
0x290: {  	s0 =	stileid.u32;
	s6 =	rddreg [dreg:$0x1b]  }
0x291: {  	s0 =	sshll.u32 s0, $0x6;
	s7 =	rddreg [dreg:$0xc];
	s4 =	sshrl.u32 s6, $0x3  }
0x292: {  	s11 =	sor.u32 $0x1C01, s0;
	[smem:$0x7F7] =	sst s4  }
0x293: {  	[hbm:s7], [sflag:s11] =	dma.local [spmem:s4], $0x800  }
0x294: {  	_ =	swait.ge [sflag:s19], $0x800  }
0x295: {  	[sflag:s19] =	ssyncset.done $0x0;
	s9 =	rddreg [dreg:$0x1c]  }
0x296: {  	s12 =	rddreg [dreg:$0xd];
	[sflag:s19] =	ssyncadd.s32 $0xFFFFF800;
	s13 =	sshrl.u32 s9, $0x3  }
0x297: {  	[hbm:s12], [sflag:s11] =	dma.local [spmem:s13], $0x800  }
0x298: {  	_ =	swait.ge [sflag:s19], $0x800  }
0x299: {  	[sflag:s19] =	ssyncset.done $0x0;
	s15 =	rddreg [dreg:$0x1d]  }
0x29a: {  	s4 =	rddreg [dreg:$0xe];
	[sflag:s19] =	ssyncadd.s32 $0xFFFFF800;
	s15 =	sshrl.u32 s15, $0x3  }
0x29b: {  	[hbm:s4], [sflag:s11] =	dma.local [spmem:s15], $0x800  }
0x29c: {  	_ =	swait.ge [sflag:s19], $0x800  }
0x29d: {  	[sflag:s19] =	ssyncset.done $0x0;
	s5 =	rddreg [dreg:$0x1e]  }
0x29e: {  	s6 =	rddreg [dreg:$0xf];
	[sflag:s19] =	ssyncadd.s32 $0xFFFFF800;
	s4 =	sshrl.u32 s5, $0x3  }
0x29f: {  	[hbm:s6], [sflag:s11] =	dma.local [spmem:s4], $0x800  }
0x2a0: {  	_ =	swait.ge [sflag:s19], $0x800  }
0x2a1: {  	[sflag:s19] =	ssyncset.done $0x0;
	s7 =	rddreg [dreg:$0x1f]  }
0x2a2: {  	s9 =	rddreg [dreg:$0x10];
	[sflag:s19] =	ssyncadd.s32 $0xFFFFF800;
	s5 =	sshrl.u32 s7, $0x3  }
0x2a3: {  	[hbm:s9], [sflag:s11] =	dma.local [spmem:s5], $0x800  }
0x2a4: {  	_ =	swait.ge [sflag:s19], $0x800  }
0x2a5: {  	s12 =	sld [smem:$0x7F8];
	_ =	sdelay $0x1  }
0x2a6: {  	[sflag:s19] =	ssyncset.done $0x0  }
0x2a7: {  	s6 =	rddreg [dreg:$0x7];
	[sflag:s19] =	ssyncadd.s32 $0xFFFFF800;
	s0 =	sshrl.u32 s12, $0x3  }
0x2a8: {  	[hbm:s6], [sflag:s11] =	dma.local [spmem:s0], $0x80  }
0x2a9: {  	_ =	swait.ge [sflag:s19], $0x80  }
0x2aa: {  	s6 =	sld [smem:$0x7F9];
	_ =	sdelay $0x1  }
0x2ab: {  	[sflag:s19] =	ssyncset.done $0x0  }
0x2ac: {  	s7 =	rddreg [dreg:$0x8];
	[sflag:s19] =	ssyncadd.s32 $0xFFFFFF80;
	s0 =	sshrl.u32 s6, $0x3  }
0x2ad: {  	[hbm:s7], [sflag:s11] =	dma.local [spmem:s0], $0x80  }
0x2ae: {  	_ =	swait.ge [sflag:s19], $0x80  }
0x2af: {  	s9 =	sld [smem:$0x7FA];
	_ =	sdelay $0x1  }
0x2b0: {  	[sflag:s19] =	ssyncset.done $0x0  }
0x2b1: {  	s12 =	rddreg [dreg:$0x9];
	[sflag:s19] =	ssyncadd.s32 $0xFFFFFF80;
	s0 =	sshrl.u32 s9, $0x3  }
0x2b2: {  	[hbm:s12], [sflag:s11] =	dma.local [spmem:s0], $0x80  }
0x2b3: {  	_ =	swait.ge [sflag:s19], $0x80  }
0x2b4: {  	s6 =	sld [smem:$0x7FB];
	_ =	sdelay $0x1  }
0x2b5: {  	[sflag:s19] =	ssyncset.done $0x0  }
0x2b6: {  	s7 =	rddreg [dreg:$0xa];
	[sflag:s19] =	ssyncadd.s32 $0xFFFFFF80;
	s0 =	sshrl.u32 s6, $0x3  }
0x2b7: {  	[hbm:s7], [sflag:s11] =	dma.local [spmem:s0], $0x80  }
0x2b8: {  	_ =	swait.ge [sflag:s19], $0x80  }
0x2b9: {  	s9 =	sld [smem:$0x7FC];
	_ =	sdelay $0x1  }
0x2ba: {  	[sflag:s19] =	ssyncset.done $0x0  }
0x2bb: {  	s12 =	rddreg [dreg:$0xb];
	[sflag:s19] =	ssyncadd.s32 $0xFFFFFF80;
	s0 =	sshrl.u32 s9, $0x3  }
0x2bc: {  	[hbm:s12], [sflag:s11] =	dma.local [spmem:s0], $0x80  }
0x2bd: {  	_ =	swait.ge [sflag:s19], $0x80  }
0x2be: {  	[sflag:s19] =	ssyncset.done $0x0  }
0x2bf: {  	s6 =	simm.s32 $0x200;
	s0 =	simm.s32 $0x0;
	[sflag:s19] =	ssyncadd.s32 $0xFFFFFF80  }
.LBB2_12:
0x2c0: {  	p0 =	sne.s32 s6, $0xFE00;
	[tilespmem:s0+$0x1370] =	vst v1  }
0x2c1: {  	[tilespmem:s0+$0x1300] =	vst v1  }
0x2c2: {  	[tilespmem:s0+$0x1310] =	vst v1  }
.Ltmp9:
0x2c3: {  	[tilespmem:s0+$0x1320] =	vst v1;
	(pc) =	sbr.rel @p0 .LBB2_12-.Ltmp9, $4  }
0x2c4: {  	[tilespmem:s0+$0x1330] =	vst v1  }
0x2c5: {  	[tilespmem:s0+$0x1340] =	vst v1  }
0x2c6: {  	[tilespmem:s0+$0x1350] =	vst v1  }
0x2c7: {  	[tilespmem:s0+$0x1360] =	vst v1;
	s0 =	sshra.s32 s6, $0x2;
	s6 =	sadd.s32 $0x200, s6  }
0x2c8: {  	[tilespmem:s0+$0x1370] =	vst v1  }
0x2c9: {  	[tilespmem:s0+$0x1300] =	vst v1  }
0x2ca: {  	[tilespmem:s0+$0x1310] =	vst v1  }
0x2cb: {  	[tilespmem:s0+$0x1320] =	vst v1  }
0x2cc: {  	[tilespmem:s0+$0x1330] =	vst v1  }
0x2cd: {  	[tilespmem:s0+$0x1340] =	vst v1  }
0x2ce: {  	[tilespmem:s0+$0x1350] =	vst v1  }
0x2cf: {  	[tilespmem:s0+$0x1360] =	vst v1;
	s12 =	rddreg [dreg:$0x1b]  }
0x2d0: {  	[spmem:s12] =	stream.linear.scatter [tilespmem:s18], [sflag:$0x1], $0x4000, $0x38;
	[tilespmem:$0x1E700] =	vst v63  }
0x2d1: {  	_ =	swait.ge [sflag:s19], $0x4000  }
0x2d2: {  	[sflag:s19] =	ssyncset.done $0x0  }
0x2d3: {  	s6 =	rddreg [dreg:$0x1c];
	[sflag:s19] =	ssyncadd.s32 $0xFFFFC000  }
0x2d4: {  	[spmem:s6] =	stream.linear.scatter [tilespmem:s18], [sflag:$0x1], $0x4000, $0x38;
	[tilespmem:$0x1E700] =	vst v63  }
0x2d5: {  	_ =	swait.ge [sflag:s19], $0x4000  }
0x2d6: {  	[sflag:s19] =	ssyncset.done $0x0  }
0x2d7: {  	s7 =	rddreg [dreg:$0x1d];
	[sflag:s19] =	ssyncadd.s32 $0xFFFFC000  }
0x2d8: {  	[spmem:s7] =	stream.linear.scatter [tilespmem:s18], [sflag:$0x1], $0x4000, $0x38;
	[tilespmem:$0x1E700] =	vst v63  }
0x2d9: {  	_ =	swait.ge [sflag:s19], $0x4000  }
0x2da: {  	[sflag:s19] =	ssyncset.done $0x0  }
0x2db: {  	s9 =	rddreg [dreg:$0x1e];
	[sflag:s19] =	ssyncadd.s32 $0xFFFFC000  }
0x2dc: {  	[spmem:s9] =	stream.linear.scatter [tilespmem:s18], [sflag:$0x1], $0x4000, $0x38;
	[tilespmem:$0x1E700] =	vst v63  }
0x2dd: {  	_ =	swait.ge [sflag:s19], $0x4000  }
0x2de: {  	[sflag:s19] =	ssyncset.done $0x0  }
0x2df: {  	s12 =	rddreg [dreg:$0x1f];
	[sflag:s19] =	ssyncadd.s32 $0xFFFFC000  }
0x2e0: {  	[spmem:s12] =	stream.linear.scatter [tilespmem:s18], [sflag:$0x1], $0x4000, $0x38;
	[tilespmem:$0x1E700] =	vst v63  }
.Ltmp10:
0x2e1: {  	_ =	swait.ge [sflag:s19], $0x4000;
	(pc) =	sbr.rel .LBB2_14-.Ltmp10, $4  }
0x2e2: {  	[sflag:s19] =	ssyncset.done $0x0  }
0x2e3: {  	[sflag:s19] =	ssyncadd.s32 $0xFFFFC000  }
0x2e4: {  	[bflag:$0x0] =	sbarrier.arrive $0xFFFF  }
0x2e5: {  	s6 =	simm.s32 $0x0  }
.LBB2_18:
0x2e6: {  	s6 =	sadd.s32 $0x1, s6  }
0x2e7: {  	p0 =	sne.s32 s6, $0x28  }
.Ltmp11:
0x2e8: {  	_ = 	snop;
	(pc) =	sbr.rel @!p0 .LBB2_19-.Ltmp11, $1  }
0x2e9: {  	_ =	sdelay $0x3  }
.LBB2_14:
0x2ea: {  	s0 =	sshll.u32 s6, $0x5  }
0x2eb: {  	s0 =	sor.u32 s2, s0  }
0x2ec: {  	p0 =	sgt.u32 s0, $0x4E1  }
.Ltmp12:
0x2ed: {  	_ = 	snop;
	(pc) =	sbr.rel @p0 .LBB2_18-.Ltmp12, $1  }
0x2ee: {  	_ =	sdelay $0x3  }
0x2ef: {  	s9 =	sshll.u32 s0, $0x4  }
0x2f0: {  	s7 =	simm.s32 $0x0;
	s12 =	sadd.s32 s1, s9  }
0x2f1: {  	[tilespmem:s7], [sflag:$0x2] =	stream.linear.gather [hbm4b:s12+s7], $0x80, $0x38;
	[tilespmem:$0x1E700] =	vst v63  }
0x2f2: {  	_ =	swait.ge [sflag:s21], $0x80  }
0x2f3: {  	[sflag:s21] =	ssyncset.done $0x0  }
0x2f4: {  	s9 =	sadd.s32 s3, s9;
	[sflag:s21] =	ssyncadd.s32 $0xFFFFFF80  }
0x2f5: {  	[tilespmem:s22], [sflag:$0x2] =	stream.linear.gather [hbm4b:s9+s7], $0x80, $0x38;
	[tilespmem:$0x1E700] =	vst v63  }
0x2f6: {  	_ =	swait.ge [sflag:s21], $0x80  }
0x2f7: {  	s12 =	sshll.u32 s0, $0x7;
	[sflag:s21] =	ssyncset.done $0x0  }
0x2f8: {  	s0 =	sadd.s32 s31, s12;
	[sflag:s21] =	ssyncadd.s32 $0xFFFFFF80  }
0x2f9: {  	[tilespmem:s25], [sflag:$0x2] =	stream.linear.gather [hbm4b:s0+s7], $0x400, $0x38;
	[tilespmem:$0x1E700] =	vst v63  }
0x2fa: {  	_ =	swait.ge [sflag:s21], $0x400  }
0x2fb: {  	[sflag:s21] =	ssyncset.done $0x0  }
0x2fc: {  	[sflag:s21] =	ssyncadd.s32 $0xFFFFFC00  }
0x2fd: {  	[tilespmem:s26], [sflag:$0x2] =	stream.indirect.gather [hbm4b:s30+s22], $0x8, s7, s22, $0xb8;
	[tilespmem:$0x1E700] =	vst v63  }
0x2fe: {  	_ =	swait.ge [sflag:s21], $0x400  }
0x2ff: {  	[sflag:s21] =	ssyncset.done $0x0  }
0x300: {  	[sflag:s21] =	ssyncadd.s32 $0xFFFFFC00  }
0x301: {  	[tilespmem:s28], [sflag:$0x2] =	stream.indirect.gather [hbm4b:s30+s22], $0x8, s22, s22, $0xb8;
	[tilespmem:$0x1E700] =	vst v63  }
0x302: {  	_ =	swait.ge [sflag:s21], $0x400  }
0x303: {  	[sflag:s21] =	ssyncset.done $0x0  }
0x304: {  	[sflag:s21] =	ssyncadd.s32 $0xFFFFFC00  }
0x305: {  	[tilespmem:s18], [sflag:$0x2] =	stream.indirect.gather [hbm4b:s29+s22], $0x80, s7, s22, $0xb8;
	[tilespmem:$0x1E700] =	vst v63  }
0x306: {  	_ =	swait.ge [sflag:s21], $0x4000  }
0x307: {  	[sflag:s21] =	ssyncset.done $0x0  }
0x308: {  	[sflag:s21] =	ssyncadd.s32 $0xFFFFC000  }
0x309: {  	v5 =	vld.idx.msk [tilespmem:v0+s26+$0x0], $0xffff  }
0x30a: {  	v7 =	vld.idx.msk [tilespmem:v22+s28+$0x0], $0xffff;
	_ =	sdelay $0x1  }
0x30b: {  	v8 =	vld.idx.msk [tilespmem:v0+s25+$0x0], $0xffff;
	_ =	sdelay $0x2  }
0x30c: {  	v5 =	vadd.f32 v7, v5;
	_ =	sdelay $0x1  }
0x30d: {  	v5 =	vadd.f32 v8, v5;
	_ =	sdelay $0x1  }
0x30e: {  	v7 =	vmul.f32 $2.000000030e-01, v5;
	_ =	sdelay $0x1  }
0x30f: {  	v5 =	vmax.f32 v5, v7  }
0x310: {  	v5 =	vmul.f32 $1.442695020e+00, v5;
	_ =	sdelay $0x1  }
0x311: {  	(erf) = vpow2.f32 v5;
	_ =	sdelay $0x8  }
0x312: {  	v5 =	vpop (erf)  }
0x313: {  	[tilespmem:v2+s16+$0x0] =	vst.idx.msk $0xffff, v5  }
0x314: {  	v5 =	vld.idx.msk [tilespmem:v6+s26+$0x0], $0xffff  }
0x315: {  	v7 =	vld.idx.msk [tilespmem:v23+s28+$0x0], $0xffff;
	_ =	sdelay $0x1  }
0x316: {  	v8 =	vld.idx.msk [tilespmem:v6+s25+$0x0], $0xffff;
	_ =	sdelay $0x2  }
0x317: {  	v5 =	vadd.f32 v7, v5;
	_ =	sdelay $0x1  }
0x318: {  	v5 =	vadd.f32 v8, v5;
	_ =	sdelay $0x1  }
0x319: {  	v7 =	vmul.f32 $2.000000030e-01, v5;
	_ =	sdelay $0x1  }
0x31a: {  	v5 =	vmax.f32 v5, v7  }
0x31b: {  	v5 =	vmul.f32 $1.442695020e+00, v5;
	_ =	sdelay $0x1  }
0x31c: {  	(erf) = vpow2.f32 v5;
	_ =	sdelay $0x8  }
0x31d: {  	v5 =	vpop (erf)  }
0x31e: {  	[tilespmem:v25+s16+$0x0] =	vst.idx.msk $0xffff, v5  }
0x31f: {  	v5 =	vld.idx.msk [tilespmem:v9+s26+$0x0], $0xffff  }
0x320: {  	v7 =	vld.idx.msk [tilespmem:v26+s28+$0x0], $0xffff;
	_ =	sdelay $0x1  }
0x321: {  	v8 =	vld.idx.msk [tilespmem:v9+s25+$0x0], $0xffff;
	_ =	sdelay $0x2  }
0x322: {  	v5 =	vadd.f32 v7, v5;
	_ =	sdelay $0x1  }
0x323: {  	v5 =	vadd.f32 v8, v5;
	_ =	sdelay $0x1  }
0x324: {  	v7 =	vmul.f32 $2.000000030e-01, v5;
	_ =	sdelay $0x1  }
0x325: {  	v5 =	vmax.f32 v5, v7  }
0x326: {  	v5 =	vmul.f32 $1.442695020e+00, v5;
	_ =	sdelay $0x1  }
0x327: {  	(erf) = vpow2.f32 v5;
	_ =	sdelay $0x8  }
0x328: {  	v5 =	vpop (erf)  }
0x329: {  	[tilespmem:v28+s16+$0x0] =	vst.idx.msk $0xffff, v5  }
0x32a: {  	v5 =	vld.idx.msk [tilespmem:v12+s26+$0x0], $0xffff  }
0x32b: {  	v7 =	vld.idx.msk [tilespmem:v29+s28+$0x0], $0xffff;
	_ =	sdelay $0x1  }
0x32c: {  	v8 =	vld.idx.msk [tilespmem:v12+s25+$0x0], $0xffff;
	_ =	sdelay $0x2  }
0x32d: {  	v5 =	vadd.f32 v7, v5;
	_ =	sdelay $0x1  }
0x32e: {  	v5 =	vadd.f32 v8, v5;
	_ =	sdelay $0x1  }
0x32f: {  	v7 =	vmul.f32 $2.000000030e-01, v5;
	_ =	sdelay $0x1  }
0x330: {  	v5 =	vmax.f32 v5, v7  }
0x331: {  	v5 =	vmul.f32 $1.442695020e+00, v5;
	_ =	sdelay $0x1  }
0x332: {  	(erf) = vpow2.f32 v5;
	_ =	sdelay $0x8  }
0x333: {  	v5 =	vpop (erf)  }
0x334: {  	[tilespmem:v31+s16+$0x0] =	vst.idx.msk $0xffff, v5  }
0x335: {  	v5 =	vld.idx.msk [tilespmem:v15+s26+$0x0], $0xffff  }
0x336: {  	v7 =	vld.idx.msk [tilespmem:v32+s28+$0x0], $0xffff;
	_ =	sdelay $0x1  }
0x337: {  	v8 =	vld.idx.msk [tilespmem:v15+s25+$0x0], $0xffff;
	_ =	sdelay $0x2  }
0x338: {  	v5 =	vadd.f32 v7, v5;
	_ =	sdelay $0x1  }
0x339: {  	v5 =	vadd.f32 v8, v5;
	_ =	sdelay $0x1  }
0x33a: {  	v7 =	vmul.f32 $2.000000030e-01, v5;
	_ =	sdelay $0x1  }
0x33b: {  	v5 =	vmax.f32 v5, v7  }
0x33c: {  	v5 =	vmul.f32 $1.442695020e+00, v5;
	_ =	sdelay $0x1  }
0x33d: {  	(erf) = vpow2.f32 v5;
	_ =	sdelay $0x8  }
0x33e: {  	v5 =	vpop (erf)  }
0x33f: {  	[tilespmem:v34+s16+$0x0] =	vst.idx.msk $0xffff, v5  }
0x340: {  	v5 =	vld.idx.msk [tilespmem:v18+s26+$0x0], $0xffff  }
0x341: {  	v7 =	vld.idx.msk [tilespmem:v35+s28+$0x0], $0xffff;
	_ =	sdelay $0x1  }
0x342: {  	v8 =	vld.idx.msk [tilespmem:v18+s25+$0x0], $0xffff;
	_ =	sdelay $0x2  }
0x343: {  	v5 =	vadd.f32 v7, v5;
	_ =	sdelay $0x1  }
0x344: {  	v5 =	vadd.f32 v8, v5;
	_ =	sdelay $0x1  }
0x345: {  	v7 =	vmul.f32 $2.000000030e-01, v5;
	_ =	sdelay $0x1  }
0x346: {  	v5 =	vmax.f32 v5, v7  }
0x347: {  	v5 =	vmul.f32 $1.442695020e+00, v5;
	_ =	sdelay $0x1  }
0x348: {  	(erf) = vpow2.f32 v5;
	_ =	sdelay $0x8  }
0x349: {  	v5 =	vpop (erf)  }
0x34a: {  	[tilespmem:v37+s16+$0x0] =	vst.idx.msk $0xffff, v5  }
0x34b: {  	v5 =	vld.idx.msk [tilespmem:v21+s26+$0x0], $0xffff  }
0x34c: {  	v7 =	vld.idx.msk [tilespmem:v38+s28+$0x0], $0xffff;
	_ =	sdelay $0x1  }
0x34d: {  	v8 =	vld.idx.msk [tilespmem:v21+s25+$0x0], $0xffff;
	_ =	sdelay $0x2  }
0x34e: {  	v5 =	vadd.f32 v7, v5;
	_ =	sdelay $0x1  }
0x34f: {  	v5 =	vadd.f32 v8, v5;
	_ =	sdelay $0x1  }
0x350: {  	v7 =	vmul.f32 $2.000000030e-01, v5;
	_ =	sdelay $0x1  }
0x351: {  	v5 =	vmax.f32 v5, v7  }
0x352: {  	v5 =	vmul.f32 $1.442695020e+00, v5;
	_ =	sdelay $0x1  }
0x353: {  	(erf) = vpow2.f32 v5;
	_ =	sdelay $0x8  }
0x354: {  	v5 =	vpop (erf)  }
0x355: {  	[tilespmem:v40+s16+$0x0] =	vst.idx.msk $0xffff, v5  }
0x356: {  	v5 =	vld.idx.msk [tilespmem:v24+s26+$0x0], $0xffff  }
0x357: {  	v7 =	vld.idx.msk [tilespmem:v41+s28+$0x0], $0xffff;
	_ =	sdelay $0x1  }
0x358: {  	v8 =	vld.idx.msk [tilespmem:v24+s25+$0x0], $0xffff;
	_ =	sdelay $0x2  }
0x359: {  	v5 =	vadd.f32 v7, v5;
	_ =	sdelay $0x1  }
0x35a: {  	v5 =	vadd.f32 v8, v5;
	_ =	sdelay $0x1  }
0x35b: {  	v7 =	vmul.f32 $2.000000030e-01, v5;
	_ =	sdelay $0x1  }
0x35c: {  	v5 =	vmax.f32 v5, v7  }
0x35d: {  	v5 =	vmul.f32 $1.442695020e+00, v5;
	_ =	sdelay $0x1  }
0x35e: {  	(erf) = vpow2.f32 v5;
	_ =	sdelay $0x8  }
0x35f: {  	v5 =	vpop (erf)  }
0x360: {  	[tilespmem:v43+s16+$0x0] =	vst.idx.msk $0xffff, v5  }
0x361: {  	v5 =	vld.idx.msk [tilespmem:v27+s26+$0x0], $0xffff  }
0x362: {  	v7 =	vld.idx.msk [tilespmem:v44+s28+$0x0], $0xffff;
	_ =	sdelay $0x1  }
0x363: {  	v8 =	vld.idx.msk [tilespmem:v27+s25+$0x0], $0xffff;
	_ =	sdelay $0x2  }
0x364: {  	v5 =	vadd.f32 v7, v5;
	_ =	sdelay $0x1  }
0x365: {  	v5 =	vadd.f32 v8, v5;
	_ =	sdelay $0x1  }
0x366: {  	v7 =	vmul.f32 $2.000000030e-01, v5;
	_ =	sdelay $0x1  }
0x367: {  	v5 =	vmax.f32 v5, v7  }
0x368: {  	v5 =	vmul.f32 $1.442695020e+00, v5;
	_ =	sdelay $0x1  }
0x369: {  	(erf) = vpow2.f32 v5;
	_ =	sdelay $0x8  }
0x36a: {  	v5 =	vpop (erf)  }
0x36b: {  	[tilespmem:v46+s16+$0x0] =	vst.idx.msk $0xffff, v5  }
0x36c: {  	v5 =	vld.idx.msk [tilespmem:v30+s26+$0x0], $0xffff  }
0x36d: {  	v7 =	vld.idx.msk [tilespmem:v47+s28+$0x0], $0xffff;
	_ =	sdelay $0x1  }
0x36e: {  	v8 =	vld.idx.msk [tilespmem:v30+s25+$0x0], $0xffff;
	_ =	sdelay $0x2  }
0x36f: {  	v5 =	vadd.f32 v7, v5;
	_ =	sdelay $0x1  }
0x370: {  	v5 =	vadd.f32 v8, v5;
	_ =	sdelay $0x1  }
0x371: {  	v7 =	vmul.f32 $2.000000030e-01, v5;
	_ =	sdelay $0x1  }
0x372: {  	v5 =	vmax.f32 v5, v7  }
0x373: {  	v5 =	vmul.f32 $1.442695020e+00, v5;
	_ =	sdelay $0x1  }
0x374: {  	(erf) = vpow2.f32 v5;
	_ =	sdelay $0x8  }
0x375: {  	v5 =	vpop (erf)  }
0x376: {  	[tilespmem:v49+s16+$0x0] =	vst.idx.msk $0xffff, v5  }
0x377: {  	v5 =	vld.idx.msk [tilespmem:v33+s26+$0x0], $0xffff  }
0x378: {  	v7 =	vld.idx.msk [tilespmem:v50+s28+$0x0], $0xffff;
	_ =	sdelay $0x1  }
0x379: {  	v8 =	vld.idx.msk [tilespmem:v33+s25+$0x0], $0xffff;
	_ =	sdelay $0x2  }
0x37a: {  	v5 =	vadd.f32 v7, v5;
	_ =	sdelay $0x1  }
0x37b: {  	v5 =	vadd.f32 v8, v5;
	_ =	sdelay $0x1  }
0x37c: {  	v7 =	vmul.f32 $2.000000030e-01, v5;
	_ =	sdelay $0x1  }
0x37d: {  	v5 =	vmax.f32 v5, v7  }
0x37e: {  	v5 =	vmul.f32 $1.442695020e+00, v5;
	_ =	sdelay $0x1  }
0x37f: {  	(erf) = vpow2.f32 v5;
	_ =	sdelay $0x8  }
0x380: {  	v5 =	vpop (erf)  }
0x381: {  	[tilespmem:v52+s16+$0x0] =	vst.idx.msk $0xffff, v5  }
0x382: {  	v5 =	vld.idx.msk [tilespmem:v36+s26+$0x0], $0xffff  }
0x383: {  	v7 =	vld.idx.msk [tilespmem:v53+s28+$0x0], $0xffff;
	_ =	sdelay $0x1  }
0x384: {  	v8 =	vld.idx.msk [tilespmem:v36+s25+$0x0], $0xffff;
	_ =	sdelay $0x2  }
0x385: {  	v5 =	vadd.f32 v7, v5;
	_ =	sdelay $0x1  }
0x386: {  	v5 =	vadd.f32 v8, v5;
	_ =	sdelay $0x1  }
0x387: {  	v7 =	vmul.f32 $2.000000030e-01, v5;
	_ =	sdelay $0x1  }
0x388: {  	v5 =	vmax.f32 v5, v7  }
0x389: {  	v5 =	vmul.f32 $1.442695020e+00, v5;
	_ =	sdelay $0x1  }
0x38a: {  	(erf) = vpow2.f32 v5;
	_ =	sdelay $0x8  }
0x38b: {  	v5 =	vpop (erf)  }
0x38c: {  	[tilespmem:v55+s16+$0x0] =	vst.idx.msk $0xffff, v5  }
0x38d: {  	v5 =	vld.idx.msk [tilespmem:v39+s26+$0x0], $0xffff  }
0x38e: {  	v7 =	vld.idx.msk [tilespmem:v56+s28+$0x0], $0xffff;
	_ =	sdelay $0x1  }
0x38f: {  	v8 =	vld.idx.msk [tilespmem:v39+s25+$0x0], $0xffff;
	_ =	sdelay $0x2  }
0x390: {  	v5 =	vadd.f32 v7, v5;
	_ =	sdelay $0x1  }
0x391: {  	v5 =	vadd.f32 v8, v5;
	_ =	sdelay $0x1  }
0x392: {  	v7 =	vmul.f32 $2.000000030e-01, v5;
	_ =	sdelay $0x1  }
0x393: {  	v5 =	vmax.f32 v5, v7  }
0x394: {  	v5 =	vmul.f32 $1.442695020e+00, v5;
	_ =	sdelay $0x1  }
0x395: {  	(erf) = vpow2.f32 v5;
	_ =	sdelay $0x8  }
0x396: {  	v5 =	vpop (erf)  }
0x397: {  	[tilespmem:v58+s16+$0x0] =	vst.idx.msk $0xffff, v5  }
0x398: {  	v5 =	vld.idx.msk [tilespmem:v42+s26+$0x0], $0xffff  }
0x399: {  	v7 =	vld.idx.msk [tilespmem:v59+s28+$0x0], $0xffff;
	_ =	sdelay $0x1  }
0x39a: {  	v8 =	vld.idx.msk [tilespmem:v42+s25+$0x0], $0xffff;
	_ =	sdelay $0x2  }
0x39b: {  	v5 =	vadd.f32 v7, v5;
	_ =	sdelay $0x1  }
0x39c: {  	v5 =	vadd.f32 v8, v5;
	_ =	sdelay $0x1  }
0x39d: {  	v7 =	vmul.f32 $2.000000030e-01, v5;
	_ =	sdelay $0x1  }
0x39e: {  	v5 =	vmax.f32 v5, v7  }
0x39f: {  	v5 =	vmul.f32 $1.442695020e+00, v5;
	_ =	sdelay $0x1  }
0x3a0: {  	(erf) = vpow2.f32 v5;
	_ =	sdelay $0x8  }
0x3a1: {  	v5 =	vpop (erf)  }
0x3a2: {  	[tilespmem:v45+s16+$0x0] =	vst.idx.msk $0xffff, v5  }
0x3a3: {  	v5 =	vld.idx.msk [tilespmem:v48+s26+$0x0], $0xffff  }
0x3a4: {  	v7 =	vld.idx.msk [tilespmem:v51+s28+$0x0], $0xffff;
	_ =	sdelay $0x1  }
0x3a5: {  	v8 =	vld.idx.msk [tilespmem:v48+s25+$0x0], $0xffff;
	_ =	sdelay $0x2  }
0x3a6: {  	v5 =	vadd.f32 v7, v5;
	_ =	sdelay $0x1  }
0x3a7: {  	v5 =	vadd.f32 v8, v5;
	_ =	sdelay $0x1  }
0x3a8: {  	v7 =	vmul.f32 $2.000000030e-01, v5;
	_ =	sdelay $0x1  }
0x3a9: {  	v5 =	vmax.f32 v5, v7  }
0x3aa: {  	v5 =	vmul.f32 $1.442695020e+00, v5;
	_ =	sdelay $0x1  }
0x3ab: {  	(erf) = vpow2.f32 v5;
	_ =	sdelay $0x8  }
0x3ac: {  	v5 =	vpop (erf)  }
0x3ad: {  	[tilespmem:v54+s16+$0x0] =	vst.idx.msk $0xffff, v5  }
0x3ae: {  	v5 =	vld.idx.msk [tilespmem:v57+s26+$0x0], $0xffff  }
0x3af: {  	v7 =	vld.idx.msk [tilespmem:v60+s28+$0x0], $0xffff;
	_ =	sdelay $0x1  }
0x3b0: {  	v8 =	vld.idx.msk [tilespmem:v57+s25+$0x0], $0xffff;
	_ =	sdelay $0x2  }
0x3b1: {  	v5 =	vadd.f32 v7, v5;
	_ =	sdelay $0x1  }
0x3b2: {  	v5 =	vadd.f32 v8, v5;
	_ =	sdelay $0x1  }
0x3b3: {  	v7 =	vmul.f32 $2.000000030e-01, v5;
	_ =	sdelay $0x1  }
0x3b4: {  	v5 =	vmax.f32 v5, v7  }
0x3b5: {  	v5 =	vmul.f32 $1.442695020e+00, v5;
	_ =	sdelay $0x1  }
0x3b6: {  	(erf) = vpow2.f32 v5;
	_ =	sdelay $0x8  }
0x3b7: {  	v5 =	vpop (erf)  }
0x3b8: {  	[tilespmem:v61+s16+$0x0] =	vst.idx.msk $0xffff, v5  }
0x3b9: {  	v5 =	vld.idx.msk [tilespmem:v62+s26+$0x0], $0xffff  }
0x3ba: {  	v7 =	vld.idx.msk [tilespmem:v63+s28+$0x0], $0xffff;
	_ =	sdelay $0x1  }
0x3bb: {  	v8 =	vld.idx.msk [tilespmem:v62+s25+$0x0], $0xffff;
	_ =	sdelay $0x2  }
0x3bc: {  	v5 =	vadd.f32 v7, v5;
	_ =	sdelay $0x1  }
0x3bd: {  	v5 =	vadd.f32 v8, v5;
	_ =	sdelay $0x1  }
0x3be: {  	v7 =	vmul.f32 $2.000000030e-01, v5;
	_ =	sdelay $0x1  }
0x3bf: {  	v5 =	vmax.f32 v5, v7  }
0x3c0: {  	v5 =	vmul.f32 $1.442695020e+00, v5;
	_ =	sdelay $0x1  }
0x3c1: {  	(erf) = vpow2.f32 v5;
	_ =	sdelay $0x1  }
0x3c2: {  	v7 =	vld [tilespmem:$0x1FF20];
	_ =	sdelay $0x6  }
0x3c3: {  	v8 =	vld [tilespmem:$0x1FF30];
	v5 =	vpop (erf)  }
0x3c4: {  	[tilespmem:v7+s16+$0x0] =	vst.idx.msk $0xffff, v5;
	v7 =	vld [tilespmem:$0x1FF40];
	_ =	sdelay $0x6  }
0x3c5: {  	v5 =	vld.idx.msk [tilespmem:v8+s26+$0x0], $0xffff  }
0x3c6: {  	v7 =	vld.idx.msk [tilespmem:v7+s28+$0x0], $0xffff;
	_ =	sdelay $0x1  }
0x3c7: {  	v8 =	vld.idx.msk [tilespmem:v8+s25+$0x0], $0xffff;
	_ =	sdelay $0x2  }
0x3c8: {  	v5 =	vadd.f32 v7, v5;
	_ =	sdelay $0x1  }
0x3c9: {  	v5 =	vadd.f32 v8, v5;
	_ =	sdelay $0x1  }
0x3ca: {  	v7 =	vmul.f32 $2.000000030e-01, v5;
	_ =	sdelay $0x1  }
0x3cb: {  	v5 =	vmax.f32 v5, v7  }
0x3cc: {  	v5 =	vmul.f32 $1.442695020e+00, v5;
	_ =	sdelay $0x1  }
0x3cd: {  	(erf) = vpow2.f32 v5;
	_ =	sdelay $0x1  }
0x3ce: {  	v7 =	vld [tilespmem:$0x1FF50];
	_ =	sdelay $0x6  }
0x3cf: {  	v8 =	vld [tilespmem:$0x1FF60];
	v5 =	vpop (erf)  }
0x3d0: {  	[tilespmem:v7+s16+$0x0] =	vst.idx.msk $0xffff, v5;
	v7 =	vld [tilespmem:$0x1FF70];
	_ =	sdelay $0x6  }
0x3d1: {  	v5 =	vld.idx.msk [tilespmem:v8+s26+$0x0], $0xffff  }
0x3d2: {  	v7 =	vld.idx.msk [tilespmem:v7+s28+$0x0], $0xffff;
	_ =	sdelay $0x1  }
0x3d3: {  	v8 =	vld.idx.msk [tilespmem:v8+s25+$0x0], $0xffff;
	_ =	sdelay $0x2  }
0x3d4: {  	v5 =	vadd.f32 v7, v5;
	_ =	sdelay $0x1  }
0x3d5: {  	v5 =	vadd.f32 v8, v5;
	_ =	sdelay $0x1  }
0x3d6: {  	v7 =	vmul.f32 $2.000000030e-01, v5;
	_ =	sdelay $0x1  }
0x3d7: {  	v5 =	vmax.f32 v5, v7  }
0x3d8: {  	v5 =	vmul.f32 $1.442695020e+00, v5;
	_ =	sdelay $0x1  }
0x3d9: {  	(erf) = vpow2.f32 v5;
	_ =	sdelay $0x1  }
0x3da: {  	v7 =	vld [tilespmem:$0x1FF80];
	_ =	sdelay $0x6  }
0x3db: {  	v8 =	vld [tilespmem:$0x1FF90];
	v5 =	vpop (erf)  }
0x3dc: {  	[tilespmem:v7+s16+$0x0] =	vst.idx.msk $0xffff, v5;
	v7 =	vld [tilespmem:$0x1FFA0];
	_ =	sdelay $0x6  }
0x3dd: {  	v5 =	vld.idx.msk [tilespmem:v8+s26+$0x0], $0xffff  }
0x3de: {  	v7 =	vld.idx.msk [tilespmem:v7+s28+$0x0], $0xffff;
	_ =	sdelay $0x1  }
0x3df: {  	v8 =	vld.idx.msk [tilespmem:v8+s25+$0x0], $0xffff;
	_ =	sdelay $0x2  }
0x3e0: {  	v5 =	vadd.f32 v7, v5;
	_ =	sdelay $0x1  }
0x3e1: {  	v5 =	vadd.f32 v8, v5;
	_ =	sdelay $0x1  }
0x3e2: {  	v7 =	vmul.f32 $2.000000030e-01, v5;
	_ =	sdelay $0x1  }
0x3e3: {  	v5 =	vmax.f32 v5, v7  }
0x3e4: {  	v5 =	vmul.f32 $1.442695020e+00, v5;
	_ =	sdelay $0x1  }
0x3e5: {  	(erf) = vpow2.f32 v5;
	_ =	sdelay $0x1  }
0x3e6: {  	v10 =	vld [tilespmem:$0x1FFB0];
	_ =	sdelay $0x3  }
0x3e7: {  	v5 =	vor.u32 $0x280, v0  }
0x3e8: {  	v7 =	vor.u32 $0x284, v0;
	_ =	sdelay $0x1  }
0x3e9: {  	v8 =	vpop (erf)  }
0x3ea: {  	[tilespmem:v10+s16+$0x0] =	vst.idx.msk $0xffff, v8  }
0x3eb: {  	v8 =	vld.idx.msk [tilespmem:v5+s26+$0x0], $0xffff  }
0x3ec: {  	v7 =	vld.idx.msk [tilespmem:v7+s28+$0x0], $0xffff;
	_ =	sdelay $0x1  }
0x3ed: {  	v5 =	vld.idx.msk [tilespmem:v5+s25+$0x0], $0xffff;
	_ =	sdelay $0x2  }
0x3ee: {  	v7 =	vadd.f32 v7, v8;
	_ =	sdelay $0x1  }
0x3ef: {  	v5 =	vadd.f32 v5, v7;
	_ =	sdelay $0x1  }
0x3f0: {  	v7 =	vmul.f32 $2.000000030e-01, v5;
	_ =	sdelay $0x1  }
0x3f1: {  	v5 =	vmax.f32 v5, v7  }
0x3f2: {  	v5 =	vmul.f32 $1.442695020e+00, v5;
	_ =	sdelay $0x1  }
0x3f3: {  	(erf) = vpow2.f32 v5;
	_ =	sdelay $0x4  }
0x3f4: {  	v5 =	vor.u32 $0x140, v2  }
0x3f5: {  	v7 =	vor.u32 $0x281, v0  }
0x3f6: {  	v8 =	vor.u32 $0x285, v0;
	_ =	sdelay $0x1  }
0x3f7: {  	v10 =	vpop (erf)  }
0x3f8: {  	[tilespmem:v5+s16+$0x0] =	vst.idx.msk $0xffff, v10  }
0x3f9: {  	v5 =	vld.idx.msk [tilespmem:v7+s26+$0x0], $0xffff  }
0x3fa: {  	v8 =	vld.idx.msk [tilespmem:v8+s28+$0x0], $0xffff;
	_ =	sdelay $0x1  }
0x3fb: {  	v7 =	vld.idx.msk [tilespmem:v7+s25+$0x0], $0xffff;
	_ =	sdelay $0x2  }
0x3fc: {  	v5 =	vadd.f32 v8, v5;
	_ =	sdelay $0x1  }
0x3fd: {  	v5 =	vadd.f32 v7, v5;
	_ =	sdelay $0x1  }
0x3fe: {  	v7 =	vmul.f32 $2.000000030e-01, v5;
	_ =	sdelay $0x1  }
0x3ff: {  	v5 =	vmax.f32 v5, v7  }
0x400: {  	v5 =	vmul.f32 $1.442695020e+00, v5;
	_ =	sdelay $0x1  }
0x401: {  	(erf) = vpow2.f32 v5;
	_ =	sdelay $0x4  }
0x402: {  	v5 =	vor.u32 $0x141, v2  }
0x403: {  	v7 =	vor.u32 $0x282, v0  }
0x404: {  	v8 =	vor.u32 $0x286, v0;
	_ =	sdelay $0x1  }
0x405: {  	v10 =	vpop (erf)  }
0x406: {  	[tilespmem:v5+s16+$0x0] =	vst.idx.msk $0xffff, v10  }
0x407: {  	v5 =	vld.idx.msk [tilespmem:v7+s26+$0x0], $0xffff  }
0x408: {  	v8 =	vld.idx.msk [tilespmem:v8+s28+$0x0], $0xffff;
	_ =	sdelay $0x1  }
0x409: {  	v7 =	vld.idx.msk [tilespmem:v7+s25+$0x0], $0xffff;
	_ =	sdelay $0x2  }
0x40a: {  	v5 =	vadd.f32 v8, v5;
	_ =	sdelay $0x1  }
0x40b: {  	v5 =	vadd.f32 v7, v5;
	_ =	sdelay $0x1  }
0x40c: {  	v7 =	vmul.f32 $2.000000030e-01, v5;
	_ =	sdelay $0x1  }
0x40d: {  	v5 =	vmax.f32 v5, v7  }
0x40e: {  	v5 =	vmul.f32 $1.442695020e+00, v5;
	_ =	sdelay $0x1  }
0x40f: {  	(erf) = vpow2.f32 v5;
	_ =	sdelay $0x4  }
0x410: {  	v5 =	vor.u32 $0x142, v2  }
0x411: {  	v7 =	vor.u32 $0x283, v0  }
0x412: {  	v8 =	vor.u32 $0x287, v0;
	_ =	sdelay $0x1  }
0x413: {  	v10 =	vpop (erf)  }
0x414: {  	[tilespmem:v5+s16+$0x0] =	vst.idx.msk $0xffff, v10  }
0x415: {  	v5 =	vld.idx.msk [tilespmem:v7+s26+$0x0], $0xffff  }
0x416: {  	v8 =	vld.idx.msk [tilespmem:v8+s28+$0x0], $0xffff;
	_ =	sdelay $0x1  }
0x417: {  	v7 =	vld.idx.msk [tilespmem:v7+s25+$0x0], $0xffff;
	_ =	sdelay $0x2  }
0x418: {  	v5 =	vadd.f32 v8, v5;
	_ =	sdelay $0x1  }
0x419: {  	v5 =	vadd.f32 v7, v5;
	_ =	sdelay $0x1  }
0x41a: {  	v7 =	vmul.f32 $2.000000030e-01, v5;
	_ =	sdelay $0x1  }
0x41b: {  	v5 =	vmax.f32 v5, v7  }
0x41c: {  	v5 =	vmul.f32 $1.442695020e+00, v5;
	_ =	sdelay $0x1  }
0x41d: {  	(erf) = vpow2.f32 v5;
	_ =	sdelay $0x4  }
0x41e: {  	v5 =	vor.u32 $0x143, v2  }
0x41f: {  	v7 =	vor.u32 $0x300, v0  }
0x420: {  	v8 =	vor.u32 $0x304, v0;
	_ =	sdelay $0x1  }
0x421: {  	v10 =	vpop (erf)  }
0x422: {  	[tilespmem:v5+s16+$0x0] =	vst.idx.msk $0xffff, v10  }
0x423: {  	v5 =	vld.idx.msk [tilespmem:v7+s26+$0x0], $0xffff  }
0x424: {  	v8 =	vld.idx.msk [tilespmem:v8+s28+$0x0], $0xffff;
	_ =	sdelay $0x1  }
0x425: {  	v7 =	vld.idx.msk [tilespmem:v7+s25+$0x0], $0xffff;
	_ =	sdelay $0x2  }
0x426: {  	v5 =	vadd.f32 v8, v5;
	_ =	sdelay $0x1  }
0x427: {  	v5 =	vadd.f32 v7, v5;
	_ =	sdelay $0x1  }
0x428: {  	v7 =	vmul.f32 $2.000000030e-01, v5;
	_ =	sdelay $0x1  }
0x429: {  	v5 =	vmax.f32 v5, v7  }
0x42a: {  	v5 =	vmul.f32 $1.442695020e+00, v5;
	_ =	sdelay $0x1  }
0x42b: {  	(erf) = vpow2.f32 v5;
	_ =	sdelay $0x4  }
0x42c: {  	v5 =	vor.u32 $0x180, v2  }
0x42d: {  	v7 =	vor.u32 $0x301, v0  }
0x42e: {  	v8 =	vor.u32 $0x305, v0;
	_ =	sdelay $0x1  }
0x42f: {  	v10 =	vpop (erf)  }
0x430: {  	[tilespmem:v5+s16+$0x0] =	vst.idx.msk $0xffff, v10  }
0x431: {  	v5 =	vld.idx.msk [tilespmem:v7+s26+$0x0], $0xffff  }
0x432: {  	v8 =	vld.idx.msk [tilespmem:v8+s28+$0x0], $0xffff;
	_ =	sdelay $0x1  }
0x433: {  	v7 =	vld.idx.msk [tilespmem:v7+s25+$0x0], $0xffff;
	_ =	sdelay $0x2  }
0x434: {  	v5 =	vadd.f32 v8, v5;
	_ =	sdelay $0x1  }
0x435: {  	v5 =	vadd.f32 v7, v5;
	_ =	sdelay $0x1  }
0x436: {  	v7 =	vmul.f32 $2.000000030e-01, v5;
	_ =	sdelay $0x1  }
0x437: {  	v5 =	vmax.f32 v5, v7  }
0x438: {  	v5 =	vmul.f32 $1.442695020e+00, v5;
	_ =	sdelay $0x1  }
0x439: {  	(erf) = vpow2.f32 v5;
	_ =	sdelay $0x4  }
0x43a: {  	v5 =	vor.u32 $0x181, v2  }
0x43b: {  	v7 =	vor.u32 $0x302, v0  }
0x43c: {  	v8 =	vor.u32 $0x306, v0;
	_ =	sdelay $0x1  }
0x43d: {  	v10 =	vpop (erf)  }
0x43e: {  	[tilespmem:v5+s16+$0x0] =	vst.idx.msk $0xffff, v10  }
0x43f: {  	v5 =	vld.idx.msk [tilespmem:v7+s26+$0x0], $0xffff  }
0x440: {  	v8 =	vld.idx.msk [tilespmem:v8+s28+$0x0], $0xffff;
	_ =	sdelay $0x1  }
0x441: {  	v7 =	vld.idx.msk [tilespmem:v7+s25+$0x0], $0xffff;
	_ =	sdelay $0x2  }
0x442: {  	v5 =	vadd.f32 v8, v5;
	_ =	sdelay $0x1  }
0x443: {  	v5 =	vadd.f32 v7, v5;
	_ =	sdelay $0x1  }
0x444: {  	v7 =	vmul.f32 $2.000000030e-01, v5;
	_ =	sdelay $0x1  }
0x445: {  	v5 =	vmax.f32 v5, v7  }
0x446: {  	v5 =	vmul.f32 $1.442695020e+00, v5;
	_ =	sdelay $0x1  }
0x447: {  	(erf) = vpow2.f32 v5;
	_ =	sdelay $0x4  }
0x448: {  	v5 =	vor.u32 $0x182, v2  }
0x449: {  	v7 =	vor.u32 $0x303, v0  }
0x44a: {  	v8 =	vor.u32 $0x307, v0;
	_ =	sdelay $0x1  }
0x44b: {  	v10 =	vpop (erf)  }
0x44c: {  	[tilespmem:v5+s16+$0x0] =	vst.idx.msk $0xffff, v10  }
0x44d: {  	v5 =	vld.idx.msk [tilespmem:v7+s26+$0x0], $0xffff  }
0x44e: {  	v8 =	vld.idx.msk [tilespmem:v8+s28+$0x0], $0xffff;
	_ =	sdelay $0x1  }
0x44f: {  	v7 =	vld.idx.msk [tilespmem:v7+s25+$0x0], $0xffff;
	_ =	sdelay $0x2  }
0x450: {  	v5 =	vadd.f32 v8, v5;
	_ =	sdelay $0x1  }
0x451: {  	v5 =	vadd.f32 v7, v5;
	_ =	sdelay $0x1  }
0x452: {  	v7 =	vmul.f32 $2.000000030e-01, v5;
	_ =	sdelay $0x1  }
0x453: {  	v5 =	vmax.f32 v5, v7  }
0x454: {  	v5 =	vmul.f32 $1.442695020e+00, v5;
	_ =	sdelay $0x1  }
0x455: {  	(erf) = vpow2.f32 v5;
	_ =	sdelay $0x4  }
0x456: {  	v5 =	vor.u32 $0x183, v2  }
0x457: {  	v7 =	vor.u32 $0x380, v0  }
0x458: {  	v8 =	vor.u32 $0x384, v0;
	_ =	sdelay $0x1  }
0x459: {  	v10 =	vpop (erf)  }
0x45a: {  	[tilespmem:v5+s16+$0x0] =	vst.idx.msk $0xffff, v10  }
0x45b: {  	v5 =	vld.idx.msk [tilespmem:v7+s26+$0x0], $0xffff  }
0x45c: {  	v8 =	vld.idx.msk [tilespmem:v8+s28+$0x0], $0xffff;
	_ =	sdelay $0x1  }
0x45d: {  	v7 =	vld.idx.msk [tilespmem:v7+s25+$0x0], $0xffff;
	_ =	sdelay $0x2  }
0x45e: {  	v5 =	vadd.f32 v8, v5;
	_ =	sdelay $0x1  }
0x45f: {  	v5 =	vadd.f32 v7, v5;
	_ =	sdelay $0x1  }
0x460: {  	v7 =	vmul.f32 $2.000000030e-01, v5;
	_ =	sdelay $0x1  }
0x461: {  	v5 =	vmax.f32 v5, v7  }
0x462: {  	v5 =	vmul.f32 $1.442695020e+00, v5;
	_ =	sdelay $0x1  }
0x463: {  	(erf) = vpow2.f32 v5;
	_ =	sdelay $0x4  }
0x464: {  	v5 =	vor.u32 $0x1C0, v2  }
0x465: {  	v7 =	vor.u32 $0x381, v0  }
0x466: {  	v8 =	vor.u32 $0x385, v0;
	_ =	sdelay $0x1  }
0x467: {  	v10 =	vpop (erf)  }
0x468: {  	[tilespmem:v5+s16+$0x0] =	vst.idx.msk $0xffff, v10  }
0x469: {  	v5 =	vld.idx.msk [tilespmem:v7+s26+$0x0], $0xffff  }
0x46a: {  	v8 =	vld.idx.msk [tilespmem:v8+s28+$0x0], $0xffff;
	_ =	sdelay $0x1  }
0x46b: {  	v7 =	vld.idx.msk [tilespmem:v7+s25+$0x0], $0xffff;
	_ =	sdelay $0x2  }
0x46c: {  	v5 =	vadd.f32 v8, v5;
	_ =	sdelay $0x1  }
0x46d: {  	v5 =	vadd.f32 v7, v5;
	_ =	sdelay $0x1  }
0x46e: {  	v7 =	vmul.f32 $2.000000030e-01, v5;
	_ =	sdelay $0x1  }
0x46f: {  	v5 =	vmax.f32 v5, v7  }
0x470: {  	v5 =	vmul.f32 $1.442695020e+00, v5;
	_ =	sdelay $0x1  }
0x471: {  	(erf) = vpow2.f32 v5;
	_ =	sdelay $0x4  }
0x472: {  	v5 =	vor.u32 $0x1C1, v2  }
0x473: {  	v7 =	vor.u32 $0x382, v0  }
0x474: {  	v8 =	vor.u32 $0x386, v0;
	_ =	sdelay $0x1  }
0x475: {  	v10 =	vpop (erf)  }
0x476: {  	[tilespmem:v5+s16+$0x0] =	vst.idx.msk $0xffff, v10  }
0x477: {  	v5 =	vld.idx.msk [tilespmem:v7+s26+$0x0], $0xffff  }
0x478: {  	v8 =	vld.idx.msk [tilespmem:v8+s28+$0x0], $0xffff;
	_ =	sdelay $0x1  }
0x479: {  	v7 =	vld.idx.msk [tilespmem:v7+s25+$0x0], $0xffff;
	_ =	sdelay $0x2  }
0x47a: {  	v5 =	vadd.f32 v8, v5;
	_ =	sdelay $0x1  }
0x47b: {  	v5 =	vadd.f32 v7, v5;
	_ =	sdelay $0x1  }
0x47c: {  	v7 =	vmul.f32 $2.000000030e-01, v5;
	_ =	sdelay $0x1  }
0x47d: {  	v5 =	vmax.f32 v5, v7  }
0x47e: {  	v5 =	vmul.f32 $1.442695020e+00, v5;
	_ =	sdelay $0x1  }
0x47f: {  	(erf) = vpow2.f32 v5;
	_ =	sdelay $0x4  }
0x480: {  	v5 =	vor.u32 $0x1C2, v2  }
0x481: {  	v7 =	vor.u32 $0x383, v0  }
0x482: {  	v8 =	vor.u32 $0x387, v0;
	_ =	sdelay $0x1  }
0x483: {  	v10 =	vpop (erf)  }
0x484: {  	[tilespmem:v5+s16+$0x0] =	vst.idx.msk $0xffff, v10  }
0x485: {  	v5 =	vld.idx.msk [tilespmem:v7+s26+$0x0], $0xffff  }
0x486: {  	v8 =	vld.idx.msk [tilespmem:v8+s28+$0x0], $0xffff;
	_ =	sdelay $0x1  }
0x487: {  	v7 =	vld.idx.msk [tilespmem:v7+s25+$0x0], $0xffff;
	_ =	sdelay $0x2  }
0x488: {  	v5 =	vadd.f32 v8, v5;
	_ =	sdelay $0x1  }
0x489: {  	v5 =	vadd.f32 v7, v5;
	_ =	sdelay $0x1  }
0x48a: {  	v7 =	vmul.f32 $2.000000030e-01, v5;
	_ =	sdelay $0x1  }
0x48b: {  	v5 =	vmax.f32 v5, v7  }
0x48c: {  	v5 =	vmul.f32 $1.442695020e+00, v5;
	_ =	sdelay $0x1  }
0x48d: {  	(erf) = vpow2.f32 v5;
	_ =	sdelay $0x4  }
0x48e: {  	v5 =	vor.u32 $0x1C3, v2;
	_ =	sdelay $0x2  }
0x48f: {  	v7 =	vmov s7  }
0x490: {  	v10 =	vor.u32 $0x2, v7;
	v8 =	vpop (erf)  }
0x491: {  	s7 =	simm.s32 $0x1340;
	[tilespmem:v5+s16+$0x0] =	vst.idx.msk $0xffff, v8  }
0x492: {  	v16 =	vld [tilespmem:s7+$0xFFFFFFF0]  }
0x493: {  	v5 =	vor.u32 $0x3, v7;
	v13 =	vld [tilespmem:s7+$0xFFFFFFC0]  }
0x494: {  	v14 =	vld [tilespmem:s7+$0xFFFFFFD0]  }
0x495: {  	v10 =	vld.idx.msk [tilespmem:v10+s16+$0x0], $0xffff  }
0x496: {  	v20 =	vld [tilespmem:s7+$0x0]  }
0x497: {  	v8 =	vld [tilespmem:s7+$0xFFFFFFE0]  }
0x498: {  	v7 =	vld.idx.msk [tilespmem:v5+s16+$0x0], $0xffff  }
0x499: {  	v11 =	vld [tilespmem:s7+$0x20]  }
0x49a: {  	v5 =	vld [tilespmem:s7+$0x30]  }
0x49b: {  	v19 =	vmul.f32 v13, v10;
	v13 =	vld [tilespmem:s7+$0x10]  }
0x49c: {  	v14 =	vmul.f32 v14, v10  }
0x49d: {  	s9 =	simm.s32 $0x4;
	s0 =	simm.s32 $0x1340;
	v17 =	vmul.f32 v16, v10;
	v16 =	vmul.f32 v20, v7  }
.LBB2_16:
0x49e: {  	p0 =	sne.s32 s9, $0x1FC  }
0x49f: {  	[tilespmem:s7+$0xFFFFFFC0] =	vst v19;
	v8 =	vmul.f32 v8, v10;
	v10 =	vmul.f32 v11, v7;
	s0 =	sadd.s32 $0x80, s0;
	s12 =	smov.u32 s9;
	s9 =	sadd.s32 $0x4, s9  }
0x4a0: {  	v5 =	vmul.f32 v5, v7;
	[tilespmem:s7+$0xFFFFFFF0] =	vst v17;
	v11 =	vmul.f32 v13, v7  }
0x4a1: {  	v7 =	vmov s12;
	[tilespmem:s7+$0xFFFFFFD0] =	vst v14  }
0x4a2: {  	v13 =	vor.u32 $0x2, v7;
	v7 =	vor.u32 $0x3, v7;
	v17 =	vld [tilespmem:s0+$0xFFFFFFF0];
	[tilespmem:s7+$0x0] =	vst v16  }
0x4a3: {  	v14 =	vld [tilespmem:s0+$0xFFFFFFC0];
	[tilespmem:s7+$0xFFFFFFE0] =	vst v8  }
0x4a4: {  	v8 =	vld [tilespmem:s0+$0xFFFFFFE0];
	[tilespmem:s7+$0x30] =	vst v5  }
0x4a5: {  	v5 =	vld [tilespmem:s0+$0x30];
	[tilespmem:s7+$0x10] =	vst v11  }
0x4a6: {  	v16 =	vld [tilespmem:s0+$0xFFFFFFD0];
	[tilespmem:s7+$0x20] =	vst v10;
	s7 =	smov.u32 s0  }
0x4a7: {  	v10 =	vld.idx.msk [tilespmem:v13+s16+$0x0], $0xffff  }
0x4a8: {  	v7 =	vld.idx.msk [tilespmem:v7+s16+$0x0], $0xffff  }
0x4a9: {  	v20 =	vld [tilespmem:s0+$0x0]  }
.Ltmp13:
0x4aa: {  	v11 =	vld [tilespmem:s0+$0x20];
	(pc) =	sbr.rel @p0 .LBB2_16-.Ltmp13, $3  }
0x4ab: {  	v13 =	vld [tilespmem:s0+$0x10];
	_ =	sdelay $0x1  }
0x4ac: {  	v19 =	vmul.f32 v14, v10;
	v14 =	vmul.f32 v16, v10  }
0x4ad: {  	v17 =	vmul.f32 v17, v10;
	v16 =	vmul.f32 v20, v7  }
0x4ae: {  	[tilespmem:s7+$0xFFFFFFC0] =	vst v19  }
0x4af: {  	[tilespmem:s7+$0xFFFFFFD0] =	vst v14  }
0x4b0: {  	v8 =	vmul.f32 v8, v10;
	[tilespmem:s7+$0xFFFFFFF0] =	vst v17  }
0x4b1: {  	v5 =	vmul.f32 v5, v7;
	[tilespmem:s7+$0x0] =	vst v16  }
0x4b2: {  	v10 =	vmul.f32 v13, v7;
	[tilespmem:s7+$0xFFFFFFE0] =	vst v8  }
0x4b3: {  	v7 =	vmul.f32 v11, v7;
	[tilespmem:s7+$0x30] =	vst v5  }
0x4b4: {  	[tilespmem:s7+$0x10] =	vst v10  }
.Ltmp14:
0x4b5: {  	[tilespmem:s7+$0x20] =	vst v7;
	(pc) =	sbr.rel .LBB2_18-.Ltmp14, $4  }
0x4b6: {  	[spmem:s20] =	stream.indirect.scatter.add.f32 [tilespmem:s18], [sflag:$0x1], $0x80, s22, s22, $0xb8;
	[tilespmem:$0x1E700] =	vst v63  }
0x4b7: {  	_ =	swait.ge [sflag:s19], $0x4000  }
0x4b8: {  	[sflag:s19] =	ssyncset.done $0x0  }
0x4b9: {  	[sflag:s19] =	ssyncadd.s32 $0xFFFFC000  }
.LBB2_19:
0x4ba: {  	[bflag:$0x0] =	sbarrier.arrive $0xFFFF  }
0x4bb: {  	s6 =	sld [smem:$0x7F7];
	_ =	sdelay $0x1  }
0x4bc: {  	s0 =	rddreg [dreg:$0x11]  }
0x4bd: {  	[hbm:s0], [sflag:s11] =	dma.local [spmem:s6], $0x800  }
0x4be: {  	_ =	swait.ge [sflag:s19], $0x800  }
0x4bf: {  	[sflag:s19] =	ssyncset.done $0x0  }
0x4c0: {  	s6 =	rddreg [dreg:$0x12];
	[sflag:s19] =	ssyncadd.s32 $0xFFFFF800  }
0x4c1: {  	[hbm:s6], [sflag:s11] =	dma.local [spmem:s13], $0x800  }
0x4c2: {  	_ =	swait.ge [sflag:s19], $0x800  }
0x4c3: {  	[sflag:s19] =	ssyncset.done $0x0  }
0x4c4: {  	s7 =	rddreg [dreg:$0x13];
	[sflag:s19] =	ssyncadd.s32 $0xFFFFF800  }
0x4c5: {  	[hbm:s7], [sflag:s11] =	dma.local [spmem:s15], $0x800  }
0x4c6: {  	_ =	swait.ge [sflag:s19], $0x800  }
0x4c7: {  	[sflag:s19] =	ssyncset.done $0x0  }
0x4c8: {  	s9 =	rddreg [dreg:$0x14];
	[sflag:s19] =	ssyncadd.s32 $0xFFFFF800  }
0x4c9: {  	[hbm:s9], [sflag:s11] =	dma.local [spmem:s4], $0x800  }
0x4ca: {  	_ =	swait.ge [sflag:s19], $0x800  }
0x4cb: {  	[sflag:s19] =	ssyncset.done $0x0  }
0x4cc: {  	s12 =	rddreg [dreg:$0x15];
	[sflag:s19] =	ssyncadd.s32 $0xFFFFF800  }
0x4cd: {  	[hbm:s12], [sflag:s11] =	dma.local [spmem:s5], $0x800  }
0x4ce: {  	_ =	swait.ge [sflag:s19], $0x800  }
0x4cf: {  	[sflag:s19] =	ssyncset.done $0x0  }
0x4d0: {  	s0 =	simm.s32 $0x0;
	s6 =	simm.s32 $0x200;
	[sflag:s19] =	ssyncadd.s32 $0xFFFFF800  }
.LBB2_20:
0x4d1: {  	p0 =	sne.s32 s6, $0xFE00;
	[tilespmem:s0+$0x1370] =	vst v1  }
0x4d2: {  	[tilespmem:s0+$0x1300] =	vst v1  }
0x4d3: {  	[tilespmem:s0+$0x1310] =	vst v1  }
.Ltmp15:
0x4d4: {  	[tilespmem:s0+$0x1320] =	vst v1;
	(pc) =	sbr.rel @p0 .LBB2_20-.Ltmp15, $4  }
0x4d5: {  	[tilespmem:s0+$0x1330] =	vst v1  }
0x4d6: {  	[tilespmem:s0+$0x1340] =	vst v1  }
0x4d7: {  	[tilespmem:s0+$0x1350] =	vst v1  }
0x4d8: {  	[tilespmem:s0+$0x1360] =	vst v1;
	s0 =	sshra.s32 s6, $0x2;
	s6 =	sadd.s32 $0x200, s6  }
0x4d9: {  	[tilespmem:s0+$0x1370] =	vst v1  }
0x4da: {  	[tilespmem:s0+$0x1300] =	vst v1  }
0x4db: {  	[tilespmem:s0+$0x1310] =	vst v1  }
0x4dc: {  	[tilespmem:s0+$0x1320] =	vst v1  }
0x4dd: {  	[tilespmem:s0+$0x1330] =	vst v1  }
0x4de: {  	[tilespmem:s0+$0x1340] =	vst v1  }
0x4df: {  	[tilespmem:s0+$0x1350] =	vst v1  }
0x4e0: {  	[tilespmem:s0+$0x1360] =	vst v1;
	s12 =	rddreg [dreg:$0x1b]  }
0x4e1: {  	[spmem:s12] =	stream.linear.scatter [tilespmem:s18], [sflag:$0x1], $0x4000, $0x38;
	[tilespmem:$0x1E700] =	vst v63  }
0x4e2: {  	_ =	swait.ge [sflag:s19], $0x4000  }
0x4e3: {  	[sflag:s19] =	ssyncset.done $0x0  }
0x4e4: {  	s6 =	rddreg [dreg:$0x1c];
	[sflag:s19] =	ssyncadd.s32 $0xFFFFC000  }
0x4e5: {  	[spmem:s6] =	stream.linear.scatter [tilespmem:s18], [sflag:$0x1], $0x4000, $0x38;
	[tilespmem:$0x1E700] =	vst v63  }
0x4e6: {  	_ =	swait.ge [sflag:s19], $0x4000  }
0x4e7: {  	[sflag:s19] =	ssyncset.done $0x0  }
0x4e8: {  	s7 =	rddreg [dreg:$0x1d];
	[sflag:s19] =	ssyncadd.s32 $0xFFFFC000  }
0x4e9: {  	[spmem:s7] =	stream.linear.scatter [tilespmem:s18], [sflag:$0x1], $0x4000, $0x38;
	[tilespmem:$0x1E700] =	vst v63  }
0x4ea: {  	_ =	swait.ge [sflag:s19], $0x4000  }
0x4eb: {  	[sflag:s19] =	ssyncset.done $0x0  }
0x4ec: {  	s9 =	rddreg [dreg:$0x1e];
	[sflag:s19] =	ssyncadd.s32 $0xFFFFC000  }
0x4ed: {  	[spmem:s9] =	stream.linear.scatter [tilespmem:s18], [sflag:$0x1], $0x4000, $0x38;
	[tilespmem:$0x1E700] =	vst v63  }
0x4ee: {  	_ =	swait.ge [sflag:s19], $0x4000  }
0x4ef: {  	[sflag:s19] =	ssyncset.done $0x0  }
0x4f0: {  	s12 =	rddreg [dreg:$0x1f];
	[sflag:s19] =	ssyncadd.s32 $0xFFFFC000  }
0x4f1: {  	[spmem:s12] =	stream.linear.scatter [tilespmem:s18], [sflag:$0x1], $0x4000, $0x38;
	[tilespmem:$0x1E700] =	vst v63  }
.Ltmp16:
0x4f2: {  	_ =	swait.ge [sflag:s19], $0x4000;
	(pc) =	sbr.rel .LBB2_22-.Ltmp16, $4  }
0x4f3: {  	[sflag:s19] =	ssyncset.done $0x0  }
0x4f4: {  	[sflag:s19] =	ssyncadd.s32 $0xFFFFC000  }
0x4f5: {  	[bflag:$0x0] =	sbarrier.arrive $0xFFFF  }
0x4f6: {  	s6 =	simm.s32 $0x0  }
.LBB2_26:
0x4f7: {  	s6 =	sadd.s32 $0x1, s6  }
0x4f8: {  	p0 =	sne.s32 s6, $0x28  }
.Ltmp17:
0x4f9: {  	_ = 	snop;
	(pc) =	sbr.rel @!p0 .LBB2_27-.Ltmp17, $1  }
0x4fa: {  	_ =	sdelay $0x3  }
.LBB2_22:
0x4fb: {  	s0 =	sshll.u32 s6, $0x5  }
0x4fc: {  	s0 =	sor.u32 s2, s0  }
0x4fd: {  	p0 =	sgt.u32 s0, $0x4E1  }
.Ltmp18:
0x4fe: {  	_ = 	snop;
	(pc) =	sbr.rel @p0 .LBB2_26-.Ltmp18, $1  }
0x4ff: {  	_ =	sdelay $0x3  }
0x500: {  	s7 =	sshll.u32 s0, $0x4  }
0x501: {  	s12 =	simm.s32 $0x0;
	s9 =	sadd.s32 s1, s7  }
0x502: {  	[tilespmem:s12], [sflag:$0x2] =	stream.linear.gather [hbm4b:s9+s12], $0x80, $0x38;
	[tilespmem:$0x1E700] =	vst v63  }
0x503: {  	_ =	swait.ge [sflag:s21], $0x80  }
0x504: {  	[sflag:s21] =	ssyncset.done $0x0  }
0x505: {  	s7 =	sadd.s32 s3, s7;
	[sflag:s21] =	ssyncadd.s32 $0xFFFFFF80  }
0x506: {  	[tilespmem:s22], [sflag:$0x2] =	stream.linear.gather [hbm4b:s7+s12], $0x80, $0x38;
	[tilespmem:$0x1E700] =	vst v63  }
0x507: {  	_ =	swait.ge [sflag:s21], $0x80  }
0x508: {  	s9 =	sshll.u32 s0, $0xB;
	[sflag:s21] =	ssyncset.done $0x0  }
0x509: {  	s0 =	sadd.s32 s23, s9;
	[sflag:s21] =	ssyncadd.s32 $0xFFFFFF80  }
0x50a: {  	[tilespmem:s10], [sflag:$0x2] =	stream.linear.gather [hbm4b:s0+s12], $0x4000, $0x38;
	[tilespmem:$0x1E700] =	vst v63  }
0x50b: {  	_ =	swait.ge [sflag:s21], $0x4000  }
0x50c: {  	[sflag:s21] =	ssyncset.done $0x0  }
0x50d: {  	[sflag:s21] =	ssyncadd.s32 $0xFFFFC000  }
0x50e: {  	[tilespmem:s18], [sflag:$0x2] =	stream.indirect.gather [hbm4b:s14+s22], $0x80, s12, s22, $0xb8;
	[tilespmem:$0x1E700] =	vst v63  }
0x50f: {  	_ =	swait.ge [sflag:s21], $0x4000  }
0x510: {  	[sflag:s21] =	ssyncset.done $0x0  }
0x511: {  	s7 =	simm.s32 $0x0;
	[sflag:s21] =	ssyncadd.s32 $0xFFFFC000  }
0x512: {  	v13 =	vld [tilespmem:s7+$0x5300]  }
0x513: {  	v20 =	vld [tilespmem:s7+$0x5310]  }
0x514: {  	v60 =	vmov v57;
	v11 =	vld [tilespmem:s7+$0x5320]  }
0x515: {  	v57 =	vmovc v54;
	v54 =	vmovc v51;
	v51 =	vmov v48;
	v48 =	vmov v45;
	v45 =	vmov v42;
	v10 =	vld [tilespmem:s7+$0x5330]  }
0x516: {  	v42 =	vmovc v39;
	v39 =	vmovc v36;
	v36 =	vmov v33;
	v33 =	vmov v30;
	v30 =	vmov v27;
	v8 =	vld [tilespmem:s7+$0x5340]  }
0x517: {  	v27 =	vmovc v24;
	v24 =	vmovc v21;
	v21 =	vmov v18;
	v18 =	vmov v15;
	v15 =	vmov v12;
	v7 =	vld [tilespmem:s7+$0x5350]  }
0x518: {  	v12 =	vmovc v9;
	v9 =	vmovc v6;
	v6 =	vmov v59;
	v62 =	vmov v58;
	v59 =	vmov v55;
	v5 =	vld [tilespmem:s7+$0x5360]  }
0x519: {  	v58 =	vmovc v53;
	v55 =	vmovc v50;
	v53 =	vmov v49;
	v50 =	vmov v46;
	v49 =	vmov v44;
	v63 =	vld [tilespmem:s7+$0x5370]  }
0x51a: {  	v44 =	vmovc v40;
	v40 =	vmovc v35;
	v35 =	vmov v31;
	v31 =	vmov v26;
	v26 =	vmov v22;
	v22 =	vld [tilespmem:s7+$0x1300]  }
0x51b: {  	v46 =	vmovc v41;
	v41 =	vmovc v37;
	v37 =	vmov v32;
	v32 =	vmov v28;
	v28 =	vmov v23;
	v23 =	vld [tilespmem:s7+$0x1310]  }
0x51c: {  	v19 =	vld [tilespmem:s7+$0x1320]  }
0x51d: {  	v17 =	vld [tilespmem:s7+$0x1330]  }
0x51e: {  	v16 =	vld [tilespmem:s7+$0x1340]  }
0x51f: {  	v61 =	vmovc v56;
	v56 =	vmovc v52;
	v52 =	vmov v47;
	v47 =	vmov v43;
	v14 =	vld [tilespmem:s7+$0x1350];
	v22 =	vadd.f32 v13, v22  }
0x520: {  	v43 =	vmovc v38;
	v38 =	vmovc v34;
	v34 =	vmov v29;
	v29 =	vmov v25;
	s9 =	simm.s32 $0x200;
	v20 =	vadd.f32 v20, v23;
	v13 =	vld [tilespmem:s7+$0x1360]  }
.LBB2_24:
0x521: {  	s0 =	sshra.s32 s9, $0x2;
	p0 =	sne.s32 s9, $0xFE00;
	v22 =	vmax.f32 v22, $0.0e+00;
	v11 =	vadd.f32 v11, v19;
	v19 =	vld [tilespmem:s7+$0x1370]  }
0x522: {  	v23 =	vld [tilespmem:s0+$0x5300];
	[tilespmem:s7+$0x1300] =	vst v22;
	v20 =	vmax.f32 v20, $0.0e+00;
	v10 =	vadd.f32 v10, v17  }
0x523: {  	v25 =	vld [tilespmem:s0+$0x5310];
	[tilespmem:s7+$0x1310] =	vst v20;
	v17 =	vmax.f32 v11, $0.0e+00;
	v8 =	vadd.f32 v8, v16  }
0x524: {  	v11 =	vld [tilespmem:s0+$0x5320];
	[tilespmem:s7+$0x1320] =	vst v17;
	v16 =	vmax.f32 v10, $0.0e+00;
	v7 =	vadd.f32 v7, v14  }
0x525: {  	v10 =	vld [tilespmem:s0+$0x5330];
	[tilespmem:s7+$0x1330] =	vst v16;
	v14 =	vmax.f32 v8, $0.0e+00;
	v5 =	vadd.f32 v5, v13  }
0x526: {  	v8 =	vld [tilespmem:s0+$0x5340];
	[tilespmem:s7+$0x1340] =	vst v14;
	v13 =	vmax.f32 v7, $0.0e+00;
	v14 =	vadd.f32 v63, v19  }
0x527: {  	v7 =	vld [tilespmem:s0+$0x5350];
	[tilespmem:s7+$0x1350] =	vst v13;
	v13 =	vmax.f32 v5, $0.0e+00  }
0x528: {  	v5 =	vld [tilespmem:s0+$0x5360];
	[tilespmem:s7+$0x1360] =	vst v13;
	v13 =	vmax.f32 v14, $0.0e+00  }
0x529: {  	v63 =	vld [tilespmem:s0+$0x5370];
	[tilespmem:s7+$0x1370] =	vst v13;
	s7 =	smov.u32 s0  }
0x52a: {  	v13 =	vld [tilespmem:s7+$0x1300]  }
0x52b: {  	v20 =	vld [tilespmem:s7+$0x1310]  }
.Ltmp19:
0x52c: {  	v19 =	vld [tilespmem:s7+$0x1320];
	(pc) =	sbr.rel @p0 .LBB2_24-.Ltmp19, $4  }
0x52d: {  	v17 =	vld [tilespmem:s7+$0x1330]  }
0x52e: {  	v16 =	vld [tilespmem:s7+$0x1340]  }
0x52f: {  	v22 =	vadd.f32 v23, v13;
	v14 =	vld [tilespmem:s7+$0x1350]  }
0x530: {  	s9 =	sadd.s32 $0x200, s9;
	v20 =	vadd.f32 v25, v20;
	v13 =	vld [tilespmem:s7+$0x1360]  }
0x531: {  	v22 =	vmax.f32 v22, $0.0e+00;
	v11 =	vadd.f32 v11, v19;
	v19 =	vld [tilespmem:s7+$0x1370]  }
0x532: {  	[tilespmem:s7+$0x1300] =	vst v22;
	v20 =	vmax.f32 v20, $0.0e+00;
	v10 =	vadd.f32 v10, v17  }
0x533: {  	[tilespmem:s7+$0x1310] =	vst v20;
	v11 =	vmax.f32 v11, $0.0e+00;
	v8 =	vadd.f32 v8, v16  }
0x534: {  	[tilespmem:s7+$0x1320] =	vst v11;
	v10 =	vmax.f32 v10, $0.0e+00;
	v7 =	vadd.f32 v7, v14  }
0x535: {  	v23 =	vmovc v28;
	v25 =	vmovc v29;
	v28 =	vmov v32;
	[tilespmem:s7+$0x1330] =	vst v10;
	v8 =	vmax.f32 v8, $0.0e+00;
	v5 =	vadd.f32 v5, v13  }
0x536: {  	v29 =	vmovc v34;
	v32 =	vmovc v37;
	v34 =	vmov v38;
	[tilespmem:s7+$0x1340] =	vst v8;
	v7 =	vmax.f32 v7, $0.0e+00;
	v8 =	vadd.f32 v63, v19  }
0x537: {  	v37 =	vmovc v41;
	v38 =	vmovc v43;
	v41 =	vmov v46;
	v43 =	vmov v47;
	[tilespmem:s7+$0x1350] =	vst v7;
	v5 =	vmax.f32 v5, $0.0e+00  }
0x538: {  	v46 =	vmovc v50;
	v47 =	vmovc v52;
	v50 =	vmov v55;
	v52 =	vmov v56;
	[tilespmem:s7+$0x1360] =	vst v5;
	v5 =	vmax.f32 v8, $0.0e+00  }
0x539: {  	v55 =	vmovc v59;
	v59 =	vmovc v6;
	v6 =	vmov v9;
	v9 =	vmov v12;
	v12 =	vmov v15;
	[tilespmem:s7+$0x1370] =	vst v5  }
0x53a: {  	v15 =	vmovc v18;
	v18 =	vmovc v21;
	v21 =	vmov v24;
	v24 =	vmov v27;
	v27 =	vmov v30;
	[spmem:s20] =	stream.indirect.scatter.add.f32 [tilespmem:s18], [sflag:$0x1], $0x80, s22, s22, $0xb8;
	[tilespmem:$0x1E700] =	vst v63  }
.Ltmp20:
0x53b: {  	v30 =	vmovc v33;
	v33 =	vmovc v36;
	v36 =	vmov v39;
	v39 =	vmov v42;
	v42 =	vmov v45;
	_ =	swait.ge [sflag:s19], $0x4000;
	(pc) =	sbr.rel .LBB2_26-.Ltmp20, $4  }
0x53c: {  	v45 =	vmovc v48;
	v48 =	vmovc v51;
	v51 =	vmov v54;
	v54 =	vmov v57;
	v57 =	vmov v60;
	v60 =	vld [tilespmem:$0x1FFC0]  }
0x53d: {  	v56 =	vmovc v61;
	v22 =	vmovc v26;
	v26 =	vmov v31;
	v31 =	vmov v35;
	v35 =	vmov v40;
	v61 =	vld [tilespmem:$0x1FFD0]  }
0x53e: {  	v40 =	vmovc v44;
	v44 =	vmovc v49;
	v49 =	vmov v53;
	v53 =	vmov v58;
	v58 =	vmov v62;
	[sflag:s19] =	ssyncset.done $0x0;
	v62 =	vld [tilespmem:$0x1FFE0]  }
0x53f: {  	v63 =	vld [tilespmem:$0x1FFF0];
	[sflag:s19] =	ssyncadd.s32 $0xFFFFC000  }
.LBB2_28:
0x540: {  	_ =	sfence.sel $0x180000  }
0x541: {  	[bflag:$0x0] =	sbarrier.arrive $0xFFFF  }
0x542: {  	_ =	strace $0x90000047  }
0x543: {  	s0 =	stileid.u32;
	[bflag:$0x2] =	sbarrier.arrive $0xFFFF  }
0x544: {  	p0 =	sne.s32 s0, $0x0;
	s0 =	rddreg [dreg:$0x5]  }
0x545: {  	s0 =	sadd.s32 @!p0 $0x100000, s0  }
0x546: {  	[sflag:s0] =	ssyncadd.tile.s32 @!p0 $0x1;
	_ =	shalt  }
.Lfunc_end2:
_tile_overlayer_lowered:
.L_overlay_start_2:
0x547: {  	(tag) =	ssettag $0x2  }
0x548: {  	s0 =	rddreg [dreg:$0x0];
	s2 =	stileid.u32  }
0x549: {  	s1 =	rddreg [dreg:$0x1];
	p0 =	sne.s32 s2, $0x0  }
0x54a: {  	s3 =	rddreg [dreg:$0x2];
	[bflag:$0x3] =	sbarrier.arrive $0xFFFF;
	s2 =	simm.s32 @!p0 $0x1C01  }
0x54b: {  	[timem:s3], [sflag:s2] =	dma.local @!p0 [hbm:s0], s1  }
0x54c: {  	s0 =	simm.s32 @!p0 $0x1  }
0x54d: {  	_ =	swait.ge @!p0 [sflag:s0], s1  }
0x54e: {  	s1 =	ssub.s32 @!p0 $0x0, s1;
	[sflag:s0] =	ssyncset.done @!p0 $0x0  }
0x54f: {  	[sflag:s0] =	ssyncadd.s32 @!p0 s1  }
0x550: {  	[bflag:$0x3] =	sbarrier.arrive $0xFFFF  }
0x551: {  	_ =	shalt  }

</sc_bundles>
